<compile_context>
chip_gen: v7x
topology: tpu7x:2x2x1
jax: 0.10.2.dev20260603
libtpu: 0.0.44.dev20260713+nightly
codegen_flags: <defaults>
</compile_context>

<pallas_src>
import jax
import jax.numpy as jnp
from jax import lax
from jax.experimental import pallas as pl
from jax.experimental.pallas import tpu as pltpu
from jax.experimental.pallas import tpu_sc as plsc

_N = 1024
_HD = 64
_HEADS = 4
_OC = 16
_NL = 3
_E_PAD = 36864
_EPT = 2304
_CHUNKS = _EPT // 128
_ROWS_PER_SC = _N // 2
_ZELEMS = 32 * _N
_C_ELEMS = _N * _N
_C_SP_ELEMS = (_ROWS_PER_SC + 1) * _N
_PAD_IDX = _ROWS_PER_SC * _N



def _sc_count_body(src_hbm, dst_hbm, zeros_hbm, out_hbm,
                   edge_s, edge_d, idx_buf, ones_v, c_sp, zsem, esem, ssem):
    cid = lax.axis_index("c")
    sid = lax.axis_index("s")
    base = sid * _EPT

    zh = pltpu.async_copy(zeros_hbm,
                          c_sp.at[pl.ds(sid * _ZELEMS, _ZELEMS)], zsem)
    eh1 = pltpu.async_copy(src_hbm.at[pl.ds(base, _EPT)], edge_s, esem)
    eh2 = pltpu.async_copy(dst_hbm.at[pl.ds(base, _EPT)], edge_d, esem)

    for j in range(8):
        ones_v[pl.ds(j * 16, 16)] = jnp.ones((16,), jnp.float32)

    eh1.wait()
    eh2.wait()
    row0 = cid * _ROWS_PER_SC
    for g in range(_EPT // 16):
        s16 = edge_s[pl.ds(g * 16, 16)]
        d16 = edge_d[pl.ds(g * 16, 16)]
        ld = d16 - row0
        valid = (ld >= 0) & (ld < _ROWS_PER_SC)
        idx_buf[g // 8, pl.ds((g % 8) * 16, 16)] = (
            jnp.where(valid, ld * _N + s16, _PAD_IDX))

    zh.wait()
    plsc.subcore_barrier()
    hs = [pltpu.async_copy(ones_v, c_sp.at[idx_buf.at[j]], ssem, add=True)
          for j in range(_CHUNKS)]
    for h in hs:
        h.wait()
    plsc.subcore_barrier()

    pltpu.sync_copy(c_sp.at[pl.ds(sid * _ZELEMS, _ZELEMS)],
                    out_hbm.at[pl.ds((cid * 16 + sid) * _ZELEMS, _ZELEMS)])


def _sc_count(src_p, dst_p, zeros32):
    return pl.kernel(
        _sc_count_body,
        out_type=jax.ShapeDtypeStruct((_C_ELEMS,), jnp.float32),
        mesh=plsc.VectorSubcoreMesh(core_axis_name="c", subcore_axis_name="s"),
        scratch_types=[
            pltpu.VMEM((_EPT,), jnp.int32),
            pltpu.VMEM((_EPT,), jnp.int32),
            pltpu.VMEM((_CHUNKS, 128), jnp.int32),
            pltpu.VMEM((128,), jnp.float32),
            pltpu.VMEM_SHARED((_C_SP_ELEMS,), jnp.float32),
            pltpu.SemaphoreType.DMA,
            pltpu.SemaphoreType.DMA,
            pltpu.SemaphoreType.DMA,
        ],
    )(src_p, dst_p, zeros32)



def _mm(a, b):
    return jnp.matmul(a, b, precision=lax.Precision.DEFAULT)


def _ln(x, g, b):
    m = jnp.mean(x, axis=1, keepdims=True)
    v = jnp.mean((x - m) * (x - m), axis=1, keepdims=True)
    return (x - m) / jnp.sqrt(v + 1e-5) * g + b


def _tc_body(*refs):
    (c_in, rf, enc_w, enc_b, enc_g, enc_beta,
     w0, as0, ad0, b0, g0, be0,
     w1, as1, ad1, b1, g1, be1,
     w2, as2, ad2, b2, g2, be2,
     out_w, out_b,
     pw1a, pw1b, pb1, pw2, pb2,
     vw1a, vw1b, vb1, vw2, vb2,
     probs_o, val_o) = refs

    C = c_in[...]

    x = _mm(rf[...], enc_w[...]) + enc_b[...]
    x = jnp.maximum(_ln(x, enc_g[...], enc_beta[...]), 0.0)

    layers = ((w0, as0, ad0, b0, g0, be0),
              (w1, as1, ad1, b1, g1, be1),
              (w2, as2, ad2, b2, g2, be2))
    for (w, asm_w, adm_w, b, g, be) in layers:
        h = _mm(x, w[...])
        asm = _mm(h, asm_w[...])
        adm = _mm(h, adm_w[...])
        asT = lax.dot_general(asm_w[...], h, (((0,), (1,)), ((), ())),
                              precision=lax.Precision.DEFAULT)
        maxs_row = jnp.max(asm, axis=0, keepdims=True)
        maxs_col = jnp.max(asT, axis=1, keepdims=True)
        z = adm + maxs_row
        off = jnp.maximum(z, 0.2 * z)
        PA = jnp.exp(z - off)
        PB = jnp.exp(0.2 * z - off)
        QA = jnp.exp(asT - maxs_col)
        QB = jnp.exp(0.2 * (asT - maxs_col))
        ones_col = jnp.ones((_N, 1), jnp.float32)
        heads = []
        for hd in range(_HEADS):
            mt = jnp.maximum(PA[:, hd:hd + 1] * QA[hd:hd + 1, :],
                             PB[:, hd:hd + 1] * QB[hd:hd + 1, :])
            M = C * mt
            he = jnp.concatenate([h[:, hd * _OC:(hd + 1) * _OC], ones_col], 1)
            num_ext = _mm(M, he)
            heads.append(num_ext[:, :_OC] / num_ext[:, _OC:_OC + 1])
        gat = jnp.concatenate(heads, axis=1) + b[...]
        gat = jnp.maximum(_ln(gat, g[...], be[...]), 0.0)
        x = gat + x

    emb = _mm(x, out_w[...]) + out_b[...]
    em = jnp.mean(emb, axis=0, keepdims=True)

    h1 = jnp.maximum(_mm(emb, pw1a[...]) + _mm(em, pw1b[...]) + pb1[...], 0.0)
    logits = _mm(h1, pw2[...]) + pb2[...]
    lmax = jnp.max(logits, axis=1, keepdims=True)
    el = jnp.exp(logits - lmax)
    probs_o[...] = el / jnp.sum(el, axis=1, keepdims=True)

    h2 = jnp.maximum(_mm(emb, vw1a[...]) + _mm(em, vw1b[...]) + vb1[...], 0.0)
    val_o[...] = _mm(h2, vw2[...]) + vb2[...]


def _tc_call(*args):
    return pl.pallas_call(
        _tc_body,
        out_shape=(jax.ShapeDtypeStruct((_N, 5), jnp.float32),
                   jax.ShapeDtypeStruct((_N, 1), jnp.float32)),
    )(*args)



def _head_mat(a):
    rows = jnp.arange(_HD)
    return jnp.zeros((_HD, _HEADS), jnp.float32).at[rows, rows // _OC].set(
        a.reshape(-1).astype(jnp.float32))


def kernel(robot_features, edge_index, params):
    p = params
    ei = edge_index.astype(jnp.int32)
    loop = jnp.arange(_N, dtype=jnp.int32)
    src = jnp.concatenate([ei[0], loop])
    dst = jnp.concatenate([ei[1], loop])
    pad = _E_PAD - src.shape[0]
    src_p = jnp.concatenate([src, jnp.zeros((pad,), jnp.int32)])
    dst_p = jnp.concatenate([dst, jnp.full((pad,), _N, jnp.int32)])
    zeros32 = jnp.zeros((_ZELEMS,), jnp.float32)

    c = _sc_count(src_p, dst_p, zeros32).reshape(_N, _N)

    rf = jnp.pad(robot_features.astype(jnp.float32), ((0, 0), (0, 2)))
    enc_w = jnp.pad(p['enc_W'].astype(jnp.float32), ((0, 2), (0, 0)))

    args = [c, rf, enc_w, p['enc_b'], p['enc_g'], p['enc_beta']]
    for i in range(_NL):
        args += [p[f'gat{i}_W'], _head_mat(p[f'gat{i}_asrc']),
                 _head_mat(p[f'gat{i}_adst']), p[f'gat{i}_b'],
                 p[f'ln{i}_g'], p[f'ln{i}_b']]
    args += [p['out_W'], p['out_b'],
             p['pol_W1'][:_HD], p['pol_W1'][_HD:], p['pol_b1'],
             p['pol_W2'], p['pol_b2'],
             p['val_W1'][:_HD], p['val_W1'][_HD:], p['val_b1'],
             p['val_W2'], p['val_b2']]

    probs, val = _tc_call(*args)
    return (probs, val)

# --- scband reference (transcript-rebuilt; emitter-appended) ---
"""Pipeline reference for scband-attention-policy-2611340116101 (READ-ONLY COPY).

The authoritative reference and input builder live on the scoring server;
editing this copy changes nothing except your own understanding.
"""

import jax, jax.numpy as jnp
import numpy as np

N = 1024
E = 32768
SD = 6
HD = 64
HEADS = 4
OC = HD // HEADS
AD = 5
NL = 3


def _ln(x, g, b):
    m = x.mean(-1, keepdims=True)
    v = ((x - m) ** 2).mean(-1, keepdims=True)
    return (x - m) / jnp.sqrt(v + 1e-5) * g + b


def _gat(x, src, dst, W, a_src, a_dst, b):
    n = x.shape[0]
    h = (x @ W).reshape(n, HEADS, OC)
    alpha_src = (h * a_src[None]).sum(-1)
    alpha_dst = (h * a_dst[None]).sum(-1)
    e = alpha_src[src] + alpha_dst[dst]
    e = jax.nn.leaky_relu(e, 0.2)
    emax = jax.ops.segment_max(e, dst, num_segments=n)
    ex = jnp.exp(e - emax[dst])
    den = jax.ops.segment_sum(ex, dst, num_segments=n)
    alpha = ex / (den[dst] + 1e-16)
    msg = h[src] * alpha[:, :, None]
    out = jax.ops.segment_sum(msg, dst, num_segments=n)
    return out.reshape(n, HEADS * OC) + b


def setup_inputs(seed: int = 0) -> dict:
    key = jax.random.key(seed)
    ks = jax.random.split(key, 40)
    robot_features = jax.random.normal(ks[0], (N, SD), dtype=jnp.float32)
    edge_index = jax.random.randint(ks[1], (2, E), 0, N, dtype=jnp.int64)
    p = {}
    p['enc_W'] = jax.random.normal(ks[2], (SD, HD)) * 0.1
    p['enc_b'] = jnp.zeros((HD,))
    p['enc_g'] = jnp.ones((HD,))
    p['enc_beta'] = jnp.zeros((HD,))
    kk = 3
    for i in range(NL):
        p[f'gat{i}_W'] = jax.random.normal(ks[kk], (HD, HD)) * 0.1; kk += 1
        p[f'gat{i}_asrc'] = jax.random.normal(ks[kk], (HEADS, OC)) * 0.1; kk += 1
        p[f'gat{i}_adst'] = jax.random.normal(ks[kk], (HEADS, OC)) * 0.1; kk += 1
        p[f'gat{i}_b'] = jnp.zeros((HD,))
        p[f'ln{i}_g'] = jnp.ones((HD,))
        p[f'ln{i}_b'] = jnp.zeros((HD,))
    p['out_W'] = jax.random.normal(ks[kk], (HD, HD)) * 0.1; kk += 1
    p['out_b'] = jnp.zeros((HD,))
    p['pol_W1'] = jax.random.normal(ks[kk], (2 * HD, HD)) * 0.1; kk += 1
    p['pol_b1'] = jnp.zeros((HD,))
    p['pol_W2'] = jax.random.normal(ks[kk], (HD, AD)) * 0.1; kk += 1
    p['pol_b2'] = jnp.zeros((AD,))
    p['val_W1'] = jax.random.normal(ks[kk], (2 * HD, HD)) * 0.1; kk += 1
    p['val_b1'] = jnp.zeros((HD,))
    p['val_W2'] = jax.random.normal(ks[kk], (HD, 1)) * 0.1; kk += 1
    p['val_b2'] = jnp.zeros((1,))
    return {'robot_features': robot_features, 'edge_index': edge_index, 'params': p}


def reference(robot_features, edge_index, params):
    p = params
    x = robot_features @ p['enc_W'] + p['enc_b']
    x = _ln(x, p['enc_g'], p['enc_beta'])
    x = jax.nn.relu(x)
    n = x.shape[0]
    loop = jnp.arange(n, dtype=edge_index.dtype)
    src = jnp.concatenate([edge_index[0], loop])
    dst = jnp.concatenate([edge_index[1], loop])
    for i in range(NL):
        xn = _gat(x, src, dst, p[f'gat{i}_W'], p[f'gat{i}_asrc'], p[f'gat{i}_adst'], p[f'gat{i}_b'])
        xn = _ln(xn, p[f'ln{i}_g'], p[f'ln{i}_b'])
        xn = jax.nn.relu(xn)
        x = xn + x
    emb = x @ p['out_W'] + p['out_b']
    idx = jnp.arange(n)
    i1 = jnp.broadcast_to(idx[:, None], (n, n)).reshape(-1)
    i2 = jnp.broadcast_to(idx[None, :], (n, n)).reshape(-1)
    emb1 = emb[i1]
    emb2 = emb[i2]
    state_pairs = jnp.concatenate([emb1, emb2], axis=-1).reshape(n, n, -1)
    state_pair = state_pairs.mean(axis=1)
    h1 = jax.nn.relu(state_pair @ p['pol_W1'] + p['pol_b1'])
    action_logits = h1 @ p['pol_W2'] + p['pol_b2']
    action_probs = jax.nn.softmax(action_logits, axis=-1)
    h2 = jax.nn.relu(state_pair @ p['val_W1'] + p['val_b1'])
    state_value = h2 @ p['val_W2'] + p['val_b2']
    return (action_probs, state_value)

if __name__ == "__main__":
    import jax
    _d = setup_inputs()
    print(jax.jit(kernel)(*tuple(_d.values())))

</pallas_src>

<mosaic_0001>
#map = affine_map<(d0, d1) -> (0)>
module attributes {stable_mosaic.version = 14 : i64} {
  func.func @_sc_count_body(%arg0: i32, %arg1: i32, %arg2: memref<36864xi32, #tpu.memory_space<hbm>>, %arg3: memref<36864xi32, #tpu.memory_space<hbm>>, %arg4: memref<32768xf32, #tpu.memory_space<hbm>>, %arg5: memref<1048576xf32, #tpu.memory_space<hbm>>, %arg6: memref<2304xi32, #tpu.memory_space<vmem>>, %arg7: memref<2304xi32, #tpu.memory_space<vmem>>, %arg8: memref<18x128xi32, #tpu.memory_space<vmem>>, %arg9: memref<128xf32, #tpu.memory_space<vmem>>, %arg10: memref<525312xf32, #tpu.memory_space<vmem_shared>>, %arg11: memref<!tpu.dma_semaphore, #tpu.memory_space<semaphore_mem>>, %arg12: memref<!tpu.dma_semaphore, #tpu.memory_space<semaphore_mem>>, %arg13: memref<!tpu.dma_semaphore, #tpu.memory_space<semaphore_mem>>) attributes {dimension_semantics = [#tpu.dimension_semantics<core_parallel>, #tpu.dimension_semantics<subcore_parallel>], iteration_bounds = array<i64: 2, 16>, scalar_prefetch = 0 : i64, scratch_operands = 8 : i64, tpu.core_type = #tpu.core_type<sc_vector_subcore>, window_params = [{transform_indices = #map}, {transform_indices = #map}, {transform_indices = #map}, {transform_indices = #map}]} {
    %mul3A = arith.constant 2304 : i32
    %mul3A_0 = arith.muli %arg1, %mul3A : i32
    %mul3A_1 = arith.constant 32768 : i32
    %mul3A_2 = arith.muli %arg1, %mul3A_1 : i32
    %dma_start3A = tpu.memref_slice %arg10[%mul3A_2] : memref<525312xf32, #tpu.memory_space<vmem_shared>> -> memref<32768xf32, #tpu.memory_space<vmem_shared>>
    tpu.enqueue_dma source(%arg4 : memref<32768xf32, #tpu.memory_space<hbm>>) target(%dma_start3A : memref<32768xf32, #tpu.memory_space<vmem_shared>>) target_semaphore(%arg11 : memref<!tpu.dma_semaphore, #tpu.memory_space<semaphore_mem>>)
    %dma_start3A_3 = tpu.memref_slice %arg2[%mul3A_0] : memref<36864xi32, #tpu.memory_space<hbm>> -> memref<2304xi32, #tpu.memory_space<hbm>>
    %dma_start3A_4 = tpu.memref_slice %arg2[%mul3A_0] : memref<36864xi32, #tpu.memory_space<hbm>> -> memref<2304xi32, #tpu.memory_space<hbm>>
    tpu.enqueue_dma source(%dma_start3A_4 : memref<2304xi32, #tpu.memory_space<hbm>>) target(%arg6 : memref<2304xi32, #tpu.memory_space<vmem>>) target_semaphore(%arg12 : memref<!tpu.dma_semaphore, #tpu.memory_space<semaphore_mem>>)
    %dma_start3A_5 = tpu.memref_slice %arg3[%mul3A_0] : memref<36864xi32, #tpu.memory_space<hbm>> -> memref<2304xi32, #tpu.memory_space<hbm>>
    %dma_start3A_6 = tpu.memref_slice %arg3[%mul3A_0] : memref<36864xi32, #tpu.memory_space<hbm>> -> memref<2304xi32, #tpu.memory_space<hbm>>
    tpu.enqueue_dma source(%dma_start3A_6 : memref<2304xi32, #tpu.memory_space<hbm>>) target(%arg7 : memref<2304xi32, #tpu.memory_space<vmem>>) target_semaphore(%arg12 : memref<!tpu.dma_semaphore, #tpu.memory_space<semaphore_mem>>)
    %broadcast_in_dim3A = arith.constant 1.000000e+00 : f32
    %broadcast_in_dim3A_7 = vector.broadcast %broadcast_in_dim3A : f32 to vector<16xf32>
    %swap3A = arith.constant 0 : index
    %swap3A_8 = tpu.vector_load %arg9[%swap3A] {strides = array<i32>} : memref<128xf32, #tpu.memory_space<vmem>>, vector<16xf32>,
    %swap3A_9 = vector.shape_cast %swap3A_8 : vector<16xf32> to vector<16xf32>
    %swap3A_10 = vector.shape_cast %broadcast_in_dim3A_7 : vector<16xf32> to vector<16xf32>
    tpu.vector_store %arg9[%swap3A], %swap3A_10 {strides = array<i32>} : memref<128xf32, #tpu.memory_space<vmem>>, vector<16xf32>,
    %broadcast_in_dim3A_11 = arith.constant 1.000000e+00 : f32
    %broadcast_in_dim3A_12 = vector.broadcast %broadcast_in_dim3A_11 : f32 to vector<16xf32>
    %swap3A_13 = arith.constant 16 : index
    %swap3A_14 = tpu.vector_load %arg9[%swap3A_13] {strides = array<i32>} : memref<128xf32, #tpu.memory_space<vmem>>, vector<16xf32>,
    %swap3A_15 = vector.shape_cast %swap3A_14 : vector<16xf32> to vector<16xf32>
    %swap3A_16 = vector.shape_cast %broadcast_in_dim3A_12 : vector<16xf32> to vector<16xf32>
    tpu.vector_store %arg9[%swap3A_13], %swap3A_16 {strides = array<i32>} : memref<128xf32, #tpu.memory_space<vmem>>, vector<16xf32>,
    %broadcast_in_dim3A_17 = arith.constant 1.000000e+00 : f32
    %broadcast_in_dim3A_18 = vector.broadcast %broadcast_in_dim3A_17 : f32 to vector<16xf32>
    %swap3A_19 = arith.constant 32 : index
    %swap3A_20 = tpu.vector_load %arg9[%swap3A_19] {strides = array<i32>} : memref<128xf32, #tpu.memory_space<vmem>>, vector<16xf32>,
    %swap3A_21 = vector.shape_cast %swap3A_20 : vector<16xf32> to vector<16xf32>
    %swap3A_22 = vector.shape_cast %broadcast_in_dim3A_18 : vector<16xf32> to vector<16xf32>
    tpu.vector_store %arg9[%swap3A_19], %swap3A_22 {strides = array<i32>} : memref<128xf32, #tpu.memory_space<vmem>>, vector<16xf32>,
    %broadcast_in_dim3A_23 = arith.constant 1.000000e+00 : f32
    %broadcast_in_dim3A_24 = vector.broadcast %broadcast_in_dim3A_23 : f32 to vector<16xf32>
    %swap3A_25 = arith.constant 48 : index
    %swap3A_26 = tpu.vector_load %arg9[%swap3A_25] {strides = array<i32>} : memref<128xf32, #tpu.memory_space<vmem>>, vector<16xf32>,
    %swap3A_27 = vector.shape_cast %swap3A_26 : vector<16xf32> to vector<16xf32>
    %swap3A_28 = vector.shape_cast %broadcast_in_dim3A_24 : vector<16xf32> to vector<16xf32>
    tpu.vector_store %arg9[%swap3A_25], %swap3A_28 {strides = array<i32>} : memref<128xf32, #tpu.memory_space<vmem>>, vector<16xf32>,
    %broadcast_in_dim3A_29 = arith.constant 1.000000e+00 : f32
    %broadcast_in_dim3A_30 = vector.broadcast %broadcast_in_dim3A_29 : f32 to vector<16xf32>
    %swap3A_31 = arith.constant 64 : index
    %swap3A_32 = tpu.vector_load %arg9[%swap3A_31] {strides = array<i32>} : memref<128xf32, #tpu.memory_space<vmem>>, vector<16xf32>,
    %swap3A_33 = vector.shape_cast %swap3A_32 : vector<16xf32> to vector<16xf32>
    %swap3A_34 = vector.shape_cast %broadcast_in_dim3A_30 : vector<16xf32> to vector<16xf32>
    tpu.vector_store %arg9[%swap3A_31], %swap3A_34 {strides = array<i32>} : memref<128xf32, #tpu.memory_space<vmem>>, vector<16xf32>,
    %broadcast_in_dim3A_35 = arith.constant 1.000000e+00 : f32
    %broadcast_in_dim3A_36 = vector.broadcast %broadcast_in_dim3A_35 : f32 to vector<16xf32>
    %swap3A_37 = arith.constant 80 : index
    %swap3A_38 = tpu.vector_load %arg9[%swap3A_37] {strides = array<i32>} : memref<128xf32, #tpu.memory_space<vmem>>, vector<16xf32>,
    %swap3A_39 = vector.shape_cast %swap3A_38 : vector<16xf32> to vector<16xf32>
    %swap3A_40 = vector.shape_cast %broadcast_in_dim3A_36 : vector<16xf32> to vector<16xf32>
    tpu.vector_store %arg9[%swap3A_37], %swap3A_40 {strides = array<i32>} : memref<128xf32, #tpu.memory_space<vmem>>, vector<16xf32>,
    %broadcast_in_dim3A_41 = arith.constant 1.000000e+00 : f32
    %broadcast_in_dim3A_42 = vector.broadcast %broadcast_in_dim3A_41 : f32 to vector<16xf32>
    %swap3A_43 = arith.constant 96 : index
    %swap3A_44 = tpu.vector_load %arg9[%swap3A_43] {strides = array<i32>} : memref<128xf32, #tpu.memory_space<vmem>>, vector<16xf32>,
    %swap3A_45 = vector.shape_cast %swap3A_44 : vector<16xf32> to vector<16xf32>
    %swap3A_46 = vector.shape_cast %broadcast_in_dim3A_42 : vector<16xf32> to vector<16xf32>
    tpu.vector_store %arg9[%swap3A_43], %swap3A_46 {strides = array<i32>} : memref<128xf32, #tpu.memory_space<vmem>>, vector<16xf32>,
    %broadcast_in_dim3A_47 = arith.constant 1.000000e+00 : f32
    %broadcast_in_dim3A_48 = vector.broadcast %broadcast_in_dim3A_47 : f32 to vector<16xf32>
    %swap3A_49 = arith.constant 112 : index
    %swap3A_50 = tpu.vector_load %arg9[%swap3A_49] {strides = array<i32>} : memref<128xf32, #tpu.memory_space<vmem>>, vector<16xf32>,
    %swap3A_51 = vector.shape_cast %swap3A_50 : vector<16xf32> to vector<16xf32>
    %swap3A_52 = vector.shape_cast %broadcast_in_dim3A_48 : vector<16xf32> to vector<16xf32>
    tpu.vector_store %arg9[%swap3A_49], %swap3A_52 {strides = array<i32>} : memref<128xf32, #tpu.memory_space<vmem>>, vector<16xf32>,
    %dma_wait3A = tpu.memref_slice %arg2[%mul3A_0] : memref<36864xi32, #tpu.memory_space<hbm>> -> memref<2304xi32, #tpu.memory_space<hbm>>
    %dma_wait3A_53 = tpu.memref_slice %arg2[%mul3A_0] : memref<36864xi32, #tpu.memory_space<hbm>> -> memref<2304xi32, #tpu.memory_space<hbm>>
    tpu.wait_dma2 semaphore(%arg12 : memref<!tpu.dma_semaphore, #tpu.memory_space<semaphore_mem>>) src(%dma_wait3A_53 : memref<2304xi32, #tpu.memory_space<hbm>>) dst(%arg6 : memref<2304xi32, #tpu.memory_space<vmem>>)
    %dma_wait3A_54 = tpu.memref_slice %arg3[%mul3A_0] : memref<36864xi32, #tpu.memory_space<hbm>> -> memref<2304xi32, #tpu.memory_space<hbm>>
    %dma_wait3A_55 = tpu.memref_slice %arg3[%mul3A_0] : memref<36864xi32, #tpu.memory_space<hbm>> -> memref<2304xi32, #tpu.memory_space<hbm>>
    tpu.wait_dma2 semaphore(%arg12 : memref<!tpu.dma_semaphore, #tpu.memory_space<semaphore_mem>>) src(%dma_wait3A_55 : memref<2304xi32, #tpu.memory_space<hbm>>) dst(%arg7 : memref<2304xi32, #tpu.memory_space<vmem>>)
    %mul3A_56 = arith.constant 512 : i32
    %mul3A_57 = arith.muli %arg0, %mul3A_56 : i32
    %get3A = arith.constant 0 : index
    %get3A_58 = tpu.vector_load %arg6[%get3A] {strides = array<i32>} : memref<2304xi32, #tpu.memory_space<vmem>>, vector<16xi32>,
    %get3A_59 = vector.shape_cast %get3A_58 : vector<16xi32> to vector<16xi32>
    %get3A_60 = arith.constant 0 : index
    %get3A_61 = tpu.vector_load %arg7[%get3A_60] {strides = array<i32>} : memref<2304xi32, #tpu.memory_space<vmem>>, vector<16xi32>,
    %get3A_62 = vector.shape_cast %get3A_61 : vector<16xi32> to vector<16xi32>
    %sub3A = vector.broadcast %mul3A_57 : i32 to vector<16xi32>
    %sub3A_63 = arith.subi %get3A_62, %sub3A : vector<16xi32>
    %ge3A = arith.constant 0 : i32
    %ge3A_64 = vector.broadcast %ge3A : i32 to vector<16xi32>
    %ge3A_65 = arith.cmpi sge, %sub3A_63, %ge3A_64 : vector<16xi32>
    %lt3A = arith.constant 512 : i32
    %lt3A_66 = vector.broadcast %lt3A : i32 to vector<16xi32>
    %lt3A_67 = arith.cmpi slt, %sub3A_63, %lt3A_66 : vector<16xi32>
    %and3A = arith.andi %ge3A_65, %lt3A_67 : vector<16xi1>
    %mul3A_68 = arith.constant 1024 : i32
    %mul3A_69 = vector.broadcast %mul3A_68 : i32 to vector<16xi32>
    %mul3A_70 = arith.muli %sub3A_63, %mul3A_69 : vector<16xi32>
    %add3A = arith.addi %mul3A_70, %get3A_59 : vector<16xi32>
    %jit3A = arith.constant 524288 : i32
    %broadcast_in_dim3A_71 = vector.broadcast %jit3A : i32 to vector<16xi32>
    %select_n3A = arith.select %and3A, %add3A, %broadcast_in_dim3A_71 : vector<16xi1>, vector<16xi32>
    %swap3A_72 = arith.constant 0 : i32
    %swap3A_73 = arith.index_cast %swap3A_72 : i32 to index
    %swap3A_74 = arith.constant 0 : index
    %swap3A_75 = tpu.vector_load %arg8[%swap3A_73, %swap3A_74] {strides = array<i32>} : memref<18x128xi32, #tpu.memory_space<vmem>>, vector<1x16xi32>,
    %swap3A_76 = vector.shape_cast %swap3A_75 : vector<1x16xi32> to vector<16xi32>
    %swap3A_77 = vector.shape_cast %select_n3A : vector<16xi32> to vector<1x16xi32>
    tpu.vector_store %arg8[%swap3A_73, %swap3A_74], %swap3A_77 {strides = array<i32>} : memref<18x128xi32, #tpu.memory_space<vmem>>, vector<1x16xi32>,
    %get3A_78 = arith.constant 16 : index
    %get3A_79 = tpu.vector_load %arg6[%get3A_78] {strides = array<i32>} : memref<2304xi32, #tpu.memory_space<vmem>>, vector<16xi32>,
    %get3A_80 = vector.shape_cast %get3A_79 : vector<16xi32> to vector<16xi32>
    %get3A_81 = arith.constant 16 : index
    %get3A_82 = tpu.vector_load %arg7[%get3A_81] {strides = array<i32>} : memref<2304xi32, #tpu.memory_space<vmem>>, vector<16xi32>,
    %get3A_83 = vector.shape_cast %get3A_82 : vector<16xi32> to vector<16xi32>
    %sub3A_84 = vector.broadcast %mul3A_57 : i32 to vector<16xi32>
    %sub3A_85 = arith.subi %get3A_83, %sub3A_84 : vector<16xi32>
    %ge3A_86 = arith.constant 0 : i32
    %ge3A_87 = vector.broadcast %ge3A_86 : i32 to vector<16xi32>
    %ge3A_88 = arith.cmpi sge, %sub3A_85, %ge3A_87 : vector<16xi32>
    %lt3A_89 = arith.constant 512 : i32
    %lt3A_90 = vector.broadcast %lt3A_89 : i32 to vector<16xi32>
    %lt3A_91 = arith.cmpi slt, %sub3A_85, %lt3A_90 : vector<16xi32>
    %and3A_92 = arith.andi %ge3A_88, %lt3A_91 : vector<16xi1>
    %mul3A_93 = arith.constant 1024 : i32
    %mul3A_94 = vector.broadcast %mul3A_93 : i32 to vector<16xi32>
    %mul3A_95 = arith.muli %sub3A_85, %mul3A_94 : vector<16xi32>
    %add3A_96 = arith.addi %mul3A_95, %get3A_80 : vector<16xi32>
    %jit3A_97 = arith.constant 524288 : i32
    %broadcast_in_dim3A_98 = vector.broadcast %jit3A_97 : i32 to vector<16xi32>
    %select_n3A_99 = arith.select %and3A_92, %add3A_96, %broadcast_in_dim3A_98 : vector<16xi1>, vector<16xi32>
    %swap3A_100 = arith.constant 0 : i32
    %swap3A_101 = arith.index_cast %swap3A_100 : i32 to index
    %swap3A_102 = arith.constant 16 : index
    %swap3A_103 = tpu.vector_load %arg8[%swap3A_101, %swap3A_102] {strides = array<i32>} : memref<18x128xi32, #tpu.memory_space<vmem>>, vector<1x16xi32>,
    %swap3A_104 = vector.shape_cast %swap3A_103 : vector<1x16xi32> to vector<16xi32>
    %swap3A_105 = vector.shape_cast %select_n3A_99 : vector<16xi32> to vector<1x16xi32>
    tpu.vector_store %arg8[%swap3A_101, %swap3A_102], %swap3A_105 {strides = array<i32>} : memref<18x128xi32, #tpu.memory_space<vmem>>, vector<1x16xi32>,
    %get3A_106 = arith.constant 32 : index
    %get3A_107 = tpu.vector_load %arg6[%get3A_106] {strides = array<i32>} : memref<2304xi32, #tpu.memory_space<vmem>>, vector<16xi32>,
    %get3A_108 = vector.shape_cast %get3A_107 : vector<16xi32> to vector<16xi32>
    %get3A_109 = arith.constant 32 : index
    %get3A_110 = tpu.vector_load %arg7[%get3A_109] {strides = array<i32>} : memref<2304xi32, #tpu.memory_space<vmem>>, vector<16xi32>,
    %get3A_111 = vector.shape_cast %get3A_110 : vector<16xi32> to vector<16xi32>
    %sub3A_112 = vector.broadcast %mul3A_57 : i32 to vector<16xi32>
    %sub3A_113 = arith.subi %get3A_111, %sub3A_112 : vector<16xi32>
    %ge3A_114 = arith.constant 0 : i32
    %ge3A_115 = vector.broadcast %ge3A_114 : i32 to vector<16xi32>
    %ge3A_116 = arith.cmpi sge, %sub3A_113, %ge3A_115 : vector<16xi32>
    %lt3A_117 = arith.constant 512 : i32
    %lt3A_118 = vector.broadcast %lt3A_117 : i32 to vector<16xi32>
    %lt3A_119 = arith.cmpi slt, %sub3A_113, %lt3A_118 : vector<16xi32>
    %and3A_120 = arith.andi %ge3A_116, %lt3A_119 : vector<16xi1>
    %mul3A_121 = arith.constant 1024 : i32
    %mul3A_122 = vector.broadcast %mul3A_121 : i32 to vector<16xi32>
    %mul3A_123 = arith.muli %sub3A_113, %mul3A_122 : vector<16xi32>
    %add3A_124 = arith.addi %mul3A_123, %get3A_108 : vector<16xi32>
    %jit3A_125 = arith.constant 524288 : i32
    %broadcast_in_dim3A_126 = vector.broadcast %jit3A_125 : i32 to vector<16xi32>
    %select_n3A_127 = arith.select %and3A_120, %add3A_124, %broadcast_in_dim3A_126 : vector<16xi1>, vector<16xi32>
    %swap3A_128 = arith.constant 0 : i32
    %swap3A_129 = arith.index_cast %swap3A_128 : i32 to index
    %swap3A_130 = arith.constant 32 : index
    %swap3A_131 = tpu.vector_load %arg8[%swap3A_129, %swap3A_130] {strides = array<i32>} : memref<18x128xi32, #tpu.memory_space<vmem>>, vector<1x16xi32>,
    %swap3A_132 = vector.shape_cast %swap3A_131 : vector<1x16xi32> to vector<16xi32>
    %swap3A_133 = vector.shape_cast %select_n3A_127 : vector<16xi32> to vector<1x16xi32>
    tpu.vector_store %arg8[%swap3A_129, %swap3A_130], %swap3A_133 {strides = array<i32>} : memref<18x128xi32, #tpu.memory_space<vmem>>, vector<1x16xi32>,
    %get3A_134 = arith.constant 48 : index
    %get3A_135 = tpu.vector_load %arg6[%get3A_134] {strides = array<i32>} : memref<2304xi32, #tpu.memory_space<vmem>>, vector<16xi32>,
    %get3A_136 = vector.shape_cast %get3A_135 : vector<16xi32> to vector<16xi32>
    %get3A_137 = arith.constant 48 : index
    %get3A_138 = tpu.vector_load %arg7[%get3A_137] {strides = array<i32>} : memref<2304xi32, #tpu.memory_space<vmem>>, vector<16xi32>,
    %get3A_139 = vector.shape_cast %get3A_138 : vector<16xi32> to vector<16xi32>
    %sub3A_140 = vector.broadcast %mul3A_57 : i32 to vector<16xi32>
    %sub3A_141 = arith.subi %get3A_139, %sub3A_140 : vector<16xi32>
    %ge3A_142 = arith.constant 0 : i32
    %ge3A_143 = vector.broadcast %ge3A_142 : i32 to vector<16xi32>
    %ge3A_144 = arith.cmpi sge, %sub3A_141, %ge3A_143 : vector<16xi32>
    %lt3A_145 = arith.constant 512 : i32
    %lt3A_146 = vector.broadcast %lt3A_145 : i32 to vector<16xi32>
    %lt3A_147 = arith.cmpi slt, %sub3A_141, %lt3A_146 : vector<16xi32>
    %and3A_148 = arith.andi %ge3A_144, %lt3A_147 : vector<16xi1>
    %mul3A_149 = arith.constant 1024 : i32
    %mul3A_150 = vector.broadcast %mul3A_149 : i32 to vector<16xi32>
    %mul3A_151 = arith.muli %sub3A_141, %mul3A_150 : vector<16xi32>
    %add3A_152 = arith.addi %mul3A_151, %get3A_136 : vector<16xi32>
    %jit3A_153 = arith.constant 524288 : i32
    %broadcast_in_dim3A_154 = vector.broadcast %jit3A_153 : i32 to vector<16xi32>
    %select_n3A_155 = arith.select %and3A_148, %add3A_152, %broadcast_in_dim3A_154 : vector<16xi1>, vector<16xi32>
    %swap3A_156 = arith.constant 0 : i32
    %swap3A_157 = arith.index_cast %swap3A_156 : i32 to index
    %swap3A_158 = arith.constant 48 : index
    %swap3A_159 = tpu.vector_load %arg8[%swap3A_157, %swap3A_158] {strides = array<i32>} : memref<18x128xi32, #tpu.memory_space<vmem>>, vector<1x16xi32>,
    %swap3A_160 = vector.shape_cast %swap3A_159 : vector<1x16xi32> to vector<16xi32>
    %swap3A_161 = vector.shape_cast %select_n3A_155 : vector<16xi32> to vector<1x16xi32>
    tpu.vector_store %arg8[%swap3A_157, %swap3A_158], %swap3A_161 {strides = array<i32>} : memref<18x128xi32, #tpu.memory_space<vmem>>, vector<1x16xi32>,
    %get3A_162 = arith.constant 64 : index
    %get3A_163 = tpu.vector_load %arg6[%get3A_162] {strides = array<i32>} : memref<2304xi32, #tpu.memory_space<vmem>>, vector<16xi32>,
    %get3A_164 = vector.shape_cast %get3A_163 : vector<16xi32> to vector<16xi32>
    %get3A_165 = arith.constant 64 : index
    %get3A_166 = tpu.vector_load %arg7[%get3A_165] {strides = array<i32>} : memref<2304xi32, #tpu.memory_space<vmem>>, vector<16xi32>,
    %get3A_167 = vector.shape_cast %get3A_166 : vector<16xi32> to vector<16xi32>
    %sub3A_168 = vector.broadcast %mul3A_57 : i32 to vector<16xi32>
    %sub3A_169 = arith.subi %get3A_167, %sub3A_168 : vector<16xi32>
    %ge3A_170 = arith.constant 0 : i32
    %ge3A_171 = vector.broadcast %ge3A_170 : i32 to vector<16xi32>
    %ge3A_172 = arith.cmpi sge, %sub3A_169, %ge3A_171 : vector<16xi32>
    %lt3A_173 = arith.constant 512 : i32
    %lt3A_174 = vector.broadcast %lt3A_173 : i32 to vector<16xi32>
    %lt3A_175 = arith.cmpi slt, %sub3A_169, %lt3A_174 : vector<16xi32>
    %and3A_176 = arith.andi %ge3A_172, %lt3A_175 : vector<16xi1>
    %mul3A_177 = arith.constant 1024 : i32
    %mul3A_178 = vector.broadcast %mul3A_177 : i32 to vector<16xi32>
    %mul3A_179 = arith.muli %sub3A_169, %mul3A_178 : vector<16xi32>
    %add3A_180 = arith.addi %mul3A_179, %get3A_164 : vector<16xi32>
    %jit3A_181 = arith.constant 524288 : i32
    %broadcast_in_dim3A_182 = vector.broadcast %jit3A_181 : i32 to vector<16xi32>
    %select_n3A_183 = arith.select %and3A_176, %add3A_180, %broadcast_in_dim3A_182 : vector<16xi1>, vector<16xi32>
    %swap3A_184 = arith.constant 0 : i32
    %swap3A_185 = arith.index_cast %swap3A_184 : i32 to index
    %swap3A_186 = arith.constant 64 : index
    %swap3A_187 = tpu.vector_load %arg8[%swap3A_185, %swap3A_186] {strides = array<i32>} : memref<18x128xi32, #tpu.memory_space<vmem>>, vector<1x16xi32>,
    %swap3A_188 = vector.shape_cast %swap3A_187 : vector<1x16xi32> to vector<16xi32>
    %swap3A_189 = vector.shape_cast %select_n3A_183 : vector<16xi32> to vector<1x16xi32>
    tpu.vector_store %arg8[%swap3A_185, %swap3A_186], %swap3A_189 {strides = array<i32>} : memref<18x128xi32, #tpu.memory_space<vmem>>, vector<1x16xi32>,
    %get3A_190 = arith.constant 80 : index
    %get3A_191 = tpu.vector_load %arg6[%get3A_190] {strides = array<i32>} : memref<2304xi32, #tpu.memory_space<vmem>>, vector<16xi32>,
    %get3A_192 = vector.shape_cast %get3A_191 : vector<16xi32> to vector<16xi32>
    %get3A_193 = arith.constant 80 : index
    %get3A_194 = tpu.vector_load %arg7[%get3A_193] {strides = array<i32>} : memref<2304xi32, #tpu.memory_space<vmem>>, vector<16xi32>,
    %get3A_195 = vector.shape_cast %get3A_194 : vector<16xi32> to vector<16xi32>
    %sub3A_196 = vector.broadcast %mul3A_57 : i32 to vector<16xi32>
    %sub3A_197 = arith.subi %get3A_195, %sub3A_196 : vector<16xi32>
    %ge3A_198 = arith.constant 0 : i32
    %ge3A_199 = vector.broadcast %ge3A_198 : i32 to vector<16xi32>
    %ge3A_200 = arith.cmpi sge, %sub3A_197, %ge3A_199 : vector<16xi32>
    %lt3A_201 = arith.constant 512 : i32
    %lt3A_202 = vector.broadcast %lt3A_201 : i32 to vector<16xi32>
    %lt3A_203 = arith.cmpi slt, %sub3A_197, %lt3A_202 : vector<16xi32>
    %and3A_204 = arith.andi %ge3A_200, %lt3A_203 : vector<16xi1>
    %mul3A_205 = arith.constant 1024 : i32
    %mul3A_206 = vector.broadcast %mul3A_205 : i32 to vector<16xi32>
    %mul3A_207 = arith.muli %sub3A_197, %mul3A_206 : vector<16xi32>
    %add3A_208 = arith.addi %mul3A_207, %get3A_192 : vector<16xi32>
    %jit3A_209 = arith.constant 524288 : i32
    %broadcast_in_dim3A_210 = vector.broadcast %jit3A_209 : i32 to vector<16xi32>
    %select_n3A_211 = arith.select %and3A_204, %add3A_208, %broadcast_in_dim3A_210 : vector<16xi1>, vector<16xi32>
    %swap3A_212 = arith.constant 0 : i32
    %swap3A_213 = arith.index_cast %swap3A_212 : i32 to index
    %swap3A_214 = arith.constant 80 : index
    %swap3A_215 = tpu.vector_load %arg8[%swap3A_213, %swap3A_214] {strides = array<i32>} : memref<18x128xi32, #tpu.memory_space<vmem>>, vector<1x16xi32>,
    %swap3A_216 = vector.shape_cast %swap3A_215 : vector<1x16xi32> to vector<16xi32>
    %swap3A_217 = vector.shape_cast %select_n3A_211 : vector<16xi32> to vector<1x16xi32>
    tpu.vector_store %arg8[%swap3A_213, %swap3A_214], %swap3A_217 {strides = array<i32>} : memref<18x128xi32, #tpu.memory_space<vmem>>, vector<1x16xi32>,
    %get3A_218 = arith.constant 96 : index
    %get3A_219 = tpu.vector_load %arg6[%get3A_218] {strides = array<i32>} : memref<2304xi32, #tpu.memory_space<vmem>>, vector<16xi32>,
    %get3A_220 = vector.shape_cast %get3A_219 : vector<16xi32> to vector<16xi32>
    %get3A_221 = arith.constant 96 : index
    %get3A_222 = tpu.vector_load %arg7[%get3A_221] {strides = array<i32>} : memref<2304xi32, #tpu.memory_space<vmem>>, vector<16xi32>,
    %get3A_223 = vector.shape_cast %get3A_222 : vector<16xi32> to vector<16xi32>
    %sub3A_224 = vector.broadcast %mul3A_57 : i32 to vector<16xi32>
    %sub3A_225 = arith.subi %get3A_223, %sub3A_224 : vector<16xi32>
    %ge3A_226 = arith.constant 0 : i32
    %ge3A_227 = vector.broadcast %ge3A_226 : i32 to vector<16xi32>
    %ge3A_228 = arith.cmpi sge, %sub3A_225, %ge3A_227 : vector<16xi32>
    %lt3A_229 = arith.constant 512 : i32
    %lt3A_230 = vector.broadcast %lt3A_229 : i32 to vector<16xi32>
    %lt3A_231 = arith.cmpi slt, %sub3A_225, %lt3A_230 : vector<16xi32>
    %and3A_232 = arith.andi %ge3A_228, %lt3A_231 : vector<16xi1>
    %mul3A_233 = arith.constant 1024 : i32
    %mul3A_234 = vector.broadcast %mul3A_233 : i32 to vector<16xi32>
    %mul3A_235 = arith.muli %sub3A_225, %mul3A_234 : vector<16xi32>
    %add3A_236 = arith.addi %mul3A_235, %get3A_220 : vector<16xi32>
    %jit3A_237 = arith.constant 524288 : i32
    %broadcast_in_dim3A_238 = vector.broadcast %jit3A_237 : i32 to vector<16xi32>
    %select_n3A_239 = arith.select %and3A_232, %add3A_236, %broadcast_in_dim3A_238 : vector<16xi1>, vector<16xi32>
    %swap3A_240 = arith.constant 0 : i32
    %swap3A_241 = arith.index_cast %swap3A_240 : i32 to index
    %swap3A_242 = arith.constant 96 : index
    %swap3A_243 = tpu.vector_load %arg8[%swap3A_241, %swap3A_242] {strides = array<i32>} : memref<18x128xi32, #tpu.memory_space<vmem>>, vector<1x16xi32>,
    %swap3A_244 = vector.shape_cast %swap3A_243 : vector<1x16xi32> to vector<16xi32>
    %swap3A_245 = vector.shape_cast %select_n3A_239 : vector<16xi32> to vector<1x16xi32>
    tpu.vector_store %arg8[%swap3A_241, %swap3A_242], %swap3A_245 {strides = array<i32>} : memref<18x128xi32, #tpu.memory_space<vmem>>, vector<1x16xi32>,
    %get3A_246 = arith.constant 112 : index
    %get3A_247 = tpu.vector_load %arg6[%get3A_246] {strides = array<i32>} : memref<2304xi32, #tpu.memory_space<vmem>>, vector<16xi32>,
    %get3A_248 = vector.shape_cast %get3A_247 : vector<16xi32> to vector<16xi32>
    %get3A_249 = arith.constant 112 : index
    %get3A_250 = tpu.vector_load %arg7[%get3A_249] {strides = array<i32>} : memref<2304xi32, #tpu.memory_space<vmem>>, vector<16xi32>,
    %get3A_251 = vector.shape_cast %get3A_250 : vector<16xi32> to vector<16xi32>
    %sub3A_252 = vector.broadcast %mul3A_57 : i32 to vector<16xi32>
    %sub3A_253 = arith.subi %get3A_251, %sub3A_252 : vector<16xi32>
    %ge3A_254 = arith.constant 0 : i32
    %ge3A_255 = vector.broadcast %ge3A_254 : i32 to vector<16xi32>
    %ge3A_256 = arith.cmpi sge, %sub3A_253, %ge3A_255 : vector<16xi32>
    %lt3A_257 = arith.constant 512 : i32
    %lt3A_258 = vector.broadcast %lt3A_257 : i32 to vector<16xi32>
    %lt3A_259 = arith.cmpi slt, %sub3A_253, %lt3A_258 : vector<16xi32>
    %and3A_260 = arith.andi %ge3A_256, %lt3A_259 : vector<16xi1>
    %mul3A_261 = arith.constant 1024 : i32
    %mul3A_262 = vector.broadcast %mul3A_261 : i32 to vector<16xi32>
    %mul3A_263 = arith.muli %sub3A_253, %mul3A_262 : vector<16xi32>
    %add3A_264 = arith.addi %mul3A_263, %get3A_248 : vector<16xi32>
    %jit3A_265 = arith.constant 524288 : i32
    %broadcast_in_dim3A_266 = vector.broadcast %jit3A_265 : i32 to vector<16xi32>
    %select_n3A_267 = arith.select %and3A_260, %add3A_264, %broadcast_in_dim3A_266 : vector<16xi1>, vector<16xi32>
    %swap3A_268 = arith.constant 0 : i32
    %swap3A_269 = arith.index_cast %swap3A_268 : i32 to index
    %swap3A_270 = arith.constant 112 : index
    %swap3A_271 = tpu.vector_load %arg8[%swap3A_269, %swap3A_270] {strides = array<i32>} : memref<18x128xi32, #tpu.memory_space<vmem>>, vector<1x16xi32>,
    %swap3A_272 = vector.shape_cast %swap3A_271 : vector<1x16xi32> to vector<16xi32>
    %swap3A_273 = vector.shape_cast %select_n3A_267 : vector<16xi32> to vector<1x16xi32>
    tpu.vector_store %arg8[%swap3A_269, %swap3A_270], %swap3A_273 {strides = array<i32>} : memref<18x128xi32, #tpu.memory_space<vmem>>, vector<1x16xi32>,
    %get3A_274 = arith.constant 128 : index
    %get3A_275 = tpu.vector_load %arg6[%get3A_274] {strides = array<i32>} : memref<2304xi32, #tpu.memory_space<vmem>>, vector<16xi32>,
    %get3A_276 = vector.shape_cast %get3A_275 : vector<16xi32> to vector<16xi32>
    %get3A_277 = arith.constant 128 : index
    %get3A_278 = tpu.vector_load %arg7[%get3A_277] {strides = array<i32>} : memref<2304xi32, #tpu.memory_space<vmem>>, vector<16xi32>,
    %get3A_279 = vector.shape_cast %get3A_278 : vector<16xi32> to vector<16xi32>
    %sub3A_280 = vector.broadcast %mul3A_57 : i32 to vector<16xi32>
    %sub3A_281 = arith.subi %get3A_279, %sub3A_280 : vector<16xi32>
    %ge3A_282 = arith.constant 0 : i32
    %ge3A_283 = vector.broadcast %ge3A_282 : i32 to vector<16xi32>
    %ge3A_284 = arith.cmpi sge, %sub3A_281, %ge3A_283 : vector<16xi32>
    %lt3A_285 = arith.constant 512 : i32
    %lt3A_286 = vector.broadcast %lt3A_285 : i32 to vector<16xi32>
    %lt3A_287 = arith.cmpi slt, %sub3A_281, %lt3A_286 : vector<16xi32>
    %and3A_288 = arith.andi %ge3A_284, %lt3A_287 : vector<16xi1>
    %mul3A_289 = arith.constant 1024 : i32
    %mul3A_290 = vector.broadcast %mul3A_289 : i32 to vector<16xi32>
    %mul3A_291 = arith.muli %sub3A_281, %mul3A_290 : vector<16xi32>
    %add3A_292 = arith.addi %mul3A_291, %get3A_276 : vector<16xi32>
    %jit3A_293 = arith.constant 524288 : i32
    %broadcast_in_dim3A_294 = vector.broadcast %jit3A_293 : i32 to vector<16xi32>
    %select_n3A_295 = arith.select %and3A_288, %add3A_292, %broadcast_in_dim3A_294 : vector<16xi1>, vector<16xi32>
    %swap3A_296 = arith.constant 1 : i32
    %swap3A_297 = arith.index_cast %swap3A_296 : i32 to index
    %swap3A_298 = arith.constant 0 : index
    %swap3A_299 = tpu.vector_load %arg8[%swap3A_297, %swap3A_298] {strides = array<i32>} : memref<18x128xi32, #tpu.memory_space<vmem>>, vector<1x16xi32>,
    %swap3A_300 = vector.shape_cast %swap3A_299 : vector<1x16xi32> to vector<16xi32>
    %swap3A_301 = vector.shape_cast %select_n3A_295 : vector<16xi32> to vector<1x16xi32>
    tpu.vector_store %arg8[%swap3A_297, %swap3A_298], %swap3A_301 {strides = array<i32>} : memref<18x128xi32, #tpu.memory_space<vmem>>, vector<1x16xi32>,
    %get3A_302 = arith.constant 144 : index
    %get3A_303 = tpu.vector_load %arg6[%get3A_302] {strides = array<i32>} : memref<2304xi32, #tpu.memory_space<vmem>>, vector<16xi32>,
    %get3A_304 = vector.shape_cast %get3A_303 : vector<16xi32> to vector<16xi32>
    %get3A_305 = arith.constant 144 : index
    %get3A_306 = tpu.vector_load %arg7[%get3A_305] {strides = array<i32>} : memref<2304xi32, #tpu.memory_space<vmem>>, vector<16xi32>,
    %get3A_307 = vector.shape_cast %get3A_306 : vector<16xi32> to vector<16xi32>
    %sub3A_308 = vector.broadcast %mul3A_57 : i32 to vector<16xi32>
    %sub3A_309 = arith.subi %get3A_307, %sub3A_308 : vector<16xi32>
    %ge3A_310 = arith.constant 0 : i32
    %ge3A_311 = vector.broadcast %ge3A_310 : i32 to vector<16xi32>
    %ge3A_312 = arith.cmpi sge, %sub3A_309, %ge3A_311 : vector<16xi32>
    %lt3A_313 = arith.constant 512 : i32
    %lt3A_314 = vector.broadcast %lt3A_313 : i32 to vector<16xi32>
    %lt3A_315 = arith.cmpi slt, %sub3A_309, %lt3A_314 : vector<16xi32>
    %and3A_316 = arith.andi %ge3A_312, %lt3A_315 : vector<16xi1>
    %mul3A_317 = arith.constant 1024 : i32
    %mul3A_318 = vector.broadcast %mul3A_317 : i32 to vector<16xi32>
    %mul3A_319 = arith.muli %sub3A_309, %mul3A_318 : vector<16xi32>
    %add3A_320 = arith.addi %mul3A_319, %get3A_304 : vector<16xi32>
    %jit3A_321 = arith.constant 524288 : i32
    %broadcast_in_dim3A_322 = vector.broadcast %jit3A_321 : i32 to vector<16xi32>
    %select_n3A_323 = arith.select %and3A_316, %add3A_320, %broadcast_in_dim3A_322 : vector<16xi1>, vector<16xi32>
    %swap3A_324 = arith.constant 1 : i32
    %swap3A_325 = arith.index_cast %swap3A_324 : i32 to index
    %swap3A_326 = arith.constant 16 : index
    %swap3A_327 = tpu.vector_load %arg8[%swap3A_325, %swap3A_326] {strides = array<i32>} : memref<18x128xi32, #tpu.memory_space<vmem>>, vector<1x16xi32>,
    %swap3A_328 = vector.shape_cast %swap3A_327 : vector<1x16xi32> to vector<16xi32>
    %swap3A_329 = vector.shape_cast %select_n3A_323 : vector<16xi32> to vector<1x16xi32>
    tpu.vector_store %arg8[%swap3A_325, %swap3A_326], %swap3A_329 {strides = array<i32>} : memref<18x128xi32, #tpu.memory_space<vmem>>, vector<1x16xi32>,
    %get3A_330 = arith.constant 160 : index
    %get3A_331 = tpu.vector_load %arg6[%get3A_330] {strides = array<i32>} : memref<2304xi32, #tpu.memory_space<vmem>>, vector<16xi32>,
    %get3A_332 = vector.shape_cast %get3A_331 : vector<16xi32> to vector<16xi32>
    %get3A_333 = arith.constant 160 : index
    %get3A_334 = tpu.vector_load %arg7[%get3A_333] {strides = array<i32>} : memref<2304xi32, #tpu.memory_space<vmem>>, vector<16xi32>,
    %get3A_335 = vector.shape_cast %get3A_334 : vector<16xi32> to vector<16xi32>
    %sub3A_336 = vector.broadcast %mul3A_57 : i32 to vector<16xi32>
    %sub3A_337 = arith.subi %get3A_335, %sub3A_336 : vector<16xi32>
    %ge3A_338 = arith.constant 0 : i32
    %ge3A_339 = vector.broadcast %ge3A_338 : i32 to vector<16xi32>
    %ge3A_340 = arith.cmpi sge, %sub3A_337, %ge3A_339 : vector<16xi32>
    %lt3A_341 = arith.constant 512 : i32
    %lt3A_342 = vector.broadcast %lt3A_341 : i32 to vector<16xi32>
    %lt3A_343 = arith.cmpi slt, %sub3A_337, %lt3A_342 : vector<16xi32>
    %and3A_344 = arith.andi %ge3A_340, %lt3A_343 : vector<16xi1>
    %mul3A_345 = arith.constant 1024 : i32
    %mul3A_346 = vector.broadcast %mul3A_345 : i32 to vector<16xi32>
    %mul3A_347 = arith.muli %sub3A_337, %mul3A_346 : vector<16xi32>
    %add3A_348 = arith.addi %mul3A_347, %get3A_332 : vector<16xi32>
    %jit3A_349 = arith.constant 524288 : i32
    %broadcast_in_dim3A_350 = vector.broadcast %jit3A_349 : i32 to vector<16xi32>
    %select_n3A_351 = arith.select %and3A_344, %add3A_348, %broadcast_in_dim3A_350 : vector<16xi1>, vector<16xi32>
    %swap3A_352 = arith.constant 1 : i32
    %swap3A_353 = arith.index_cast %swap3A_352 : i32 to index
    %swap3A_354 = arith.constant 32 : index
    %swap3A_355 = tpu.vector_load %arg8[%swap3A_353, %swap3A_354] {strides = array<i32>} : memref<18x128xi32, #tpu.memory_space<vmem>>, vector<1x16xi32>,
    %swap3A_356 = vector.shape_cast %swap3A_355 : vector<1x16xi32> to vector<16xi32>
    %swap3A_357 = vector.shape_cast %select_n3A_351 : vector<16xi32> to vector<1x16xi32>
    tpu.vector_store %arg8[%swap3A_353, %swap3A_354], %swap3A_357 {strides = array<i32>} : memref<18x128xi32, #tpu.memory_space<vmem>>, vector<1x16xi32>,
    %get3A_358 = arith.constant 176 : index
    %get3A_359 = tpu.vector_load %arg6[%get3A_358] {strides = array<i32>} : memref<2304xi32, #tpu.memory_space<vmem>>, vector<16xi32>,
    %get3A_360 = vector.shape_cast %get3A_359 : vector<16xi32> to vector<16xi32>
    %get3A_361 = arith.constant 176 : index
    %get3A_362 = tpu.vector_load %arg7[%get3A_361] {strides = array<i32>} : memref<2304xi32, #tpu.memory_space<vmem>>, vector<16xi32>,
    %get3A_363 = vector.shape_cast %get3A_362 : vector<16xi32> to vector<16xi32>
    %sub3A_364 = vector.broadcast %mul3A_57 : i32 to vector<16xi32>
    %sub3A_365 = arith.subi %get3A_363, %sub3A_364 : vector<16xi32>
    %ge3A_366 = arith.constant 0 : i32
    %ge3A_367 = vector.broadcast %ge3A_366 : i32 to vector<16xi32>
    %ge3A_368 = arith.cmpi sge, %sub3A_365, %ge3A_367 : vector<16xi32>
    %lt3A_369 = arith.constant 512 : i32
    %lt3A_370 = vector.broadcast %lt3A_369 : i32 to vector<16xi32>
    %lt3A_371 = arith.cmpi slt, %sub3A_365, %lt3A_370 : vector<16xi32>
    %and3A_372 = arith.andi %ge3A_368, %lt3A_371 : vector<16xi1>
    %mul3A_373 = arith.constant 1024 : i32
    %mul3A_374 = vector.broadcast %mul3A_373 : i32 to vector<16xi32>
    %mul3A_375 = arith.muli %sub3A_365, %mul3A_374 : vector<16xi32>
    %add3A_376 = arith.addi %mul3A_375, %get3A_360 : vector<16xi32>
    %jit3A_377 = arith.constant 524288 : i32
    %broadcast_in_dim3A_378 = vector.broadcast %jit3A_377 : i32 to vector<16xi32>
    %select_n3A_379 = arith.select %and3A_372, %add3A_376, %broadcast_in_dim3A_378 : vector<16xi1>, vector<16xi32>
    %swap3A_380 = arith.constant 1 : i32
    %swap3A_381 = arith.index_cast %swap3A_380 : i32 to index
    %swap3A_382 = arith.constant 48 : index
    %swap3A_383 = tpu.vector_load %arg8[%swap3A_381, %swap3A_382] {strides = array<i32>} : memref<18x128xi32, #tpu.memory_space<vmem>>, vector<1x16xi32>,
    %swap3A_384 = vector.shape_cast %swap3A_383 : vector<1x16xi32> to vector<16xi32>
    %swap3A_385 = vector.shape_cast %select_n3A_379 : vector<16xi32> to vector<1x16xi32>
    tpu.vector_store %arg8[%swap3A_381, %swap3A_382], %swap3A_385 {strides = array<i32>} : memref<18x128xi32, #tpu.memory_space<vmem>>, vector<1x16xi32>,
    %get3A_386 = arith.constant 192 : index
    %get3A_387 = tpu.vector_load %arg6[%get3A_386] {strides = array<i32>} : memref<2304xi32, #tpu.memory_space<vmem>>, vector<16xi32>,
    %get3A_388 = vector.shape_cast %get3A_387 : vector<16xi32> to vector<16xi32>
    %get3A_389 = arith.constant 192 : index
    %get3A_390 = tpu.vector_load %arg7[%get3A_389] {strides = array<i32>} : memref<2304xi32, #tpu.memory_space<vmem>>, vector<16xi32>,
    %get3A_391 = vector.shape_cast %get3A_390 : vector<16xi32> to vector<16xi32>
    %sub3A_392 = vector.broadcast %mul3A_57 : i32 to vector<16xi32>
    %sub3A_393 = arith.subi %get3A_391, %sub3A_392 : vector<16xi32>
    %ge3A_394 = arith.constant 0 : i32
    %ge3A_395 = vector.broadcast %ge3A_394 : i32 to vector<16xi32>
    %ge3A_396 = arith.cmpi sge, %sub3A_393, %ge3A_395 : vector<16xi32>
    %lt3A_397 = arith.constant 512 : i32
    %lt3A_398 = vector.broadcast %lt3A_397 : i32 to vector<16xi32>
    %lt3A_399 = arith.cmpi slt, %sub3A_393, %lt3A_398 : vector<16xi32>
    %and3A_400 = arith.andi %ge3A_396, %lt3A_399 : vector<16xi1>
    %mul3A_401 = arith.constant 1024 : i32
    %mul3A_402 = vector.broadcast %mul3A_401 : i32 to vector<16xi32>
    %mul3A_403 = arith.muli %sub3A_393, %mul3A_402 : vector<16xi32>
    %add3A_404 = arith.addi %mul3A_403, %get3A_388 : vector<16xi32>
    %jit3A_405 = arith.constant 524288 : i32
    %broadcast_in_dim3A_406 = vector.broadcast %jit3A_405 : i32 to vector<16xi32>
    %select_n3A_407 = arith.select %and3A_400, %add3A_404, %broadcast_in_dim3A_406 : vector<16xi1>, vector<16xi32>
    %swap3A_408 = arith.constant 1 : i32
    %swap3A_409 = arith.index_cast %swap3A_408 : i32 to index
    %swap3A_410 = arith.constant 64 : index
    %swap3A_411 = tpu.vector_load %arg8[%swap3A_409, %swap3A_410] {strides = array<i32>} : memref<18x128xi32, #tpu.memory_space<vmem>>, vector<1x16xi32>,
    %swap3A_412 = vector.shape_cast %swap3A_411 : vector<1x16xi32> to vector<16xi32>
    %swap3A_413 = vector.shape_cast %select_n3A_407 : vector<16xi32> to vector<1x16xi32>
    tpu.vector_store %arg8[%swap3A_409, %swap3A_410], %swap3A_413 {strides = array<i32>} : memref<18x128xi32, #tpu.memory_space<vmem>>, vector<1x16xi32>,
    %get3A_414 = arith.constant 208 : index
    %get3A_415 = tpu.vector_load %arg6[%get3A_414] {strides = array<i32>} : memref<2304xi32, #tpu.memory_space<vmem>>, vector<16xi32>,
    %get3A_416 = vector.shape_cast %get3A_415 : vector<16xi32> to vector<16xi32>
    %get3A_417 = arith.constant 208 : index
    %get3A_418 = tpu.vector_load %arg7[%get3A_417] {strides = array<i32>} : memref<2304xi32, #tpu.memory_space<vmem>>, vector<16xi32>,
    %get3A_419 = vector.shape_cast %get3A_418 : vector<16xi32> to vector<16xi32>
    %sub3A_420 = vector.broadcast %mul3A_57 : i32 to vector<16xi32>
    %sub3A_421 = arith.subi %get3A_419, %sub3A_420 : vector<16xi32>
    %ge3A_422 = arith.constant 0 : i32
    %ge3A_423 = vector.broadcast %ge3A_422 : i32 to vector<16xi32>
    %ge3A_424 = arith.cmpi sge, %sub3A_421, %ge3A_423 : vector<16xi32>
    %lt3A_425 = arith.constant 512 : i32
    %lt3A_426 = vector.broadcast %lt3A_425 : i32 to vector<16xi32>
    %lt3A_427 = arith.cmpi slt, %sub3A_421, %lt3A_426 : vector<16xi32>
    %and3A_428 = arith.andi %ge3A_424, %lt3A_427 : vector<16xi1>
    %mul3A_429 = arith.constant 1024 : i32
    %mul3A_430 = vector.broadcast %mul3A_429 : i32 to vector<16xi32>
    %mul3A_431 = arith.muli %sub3A_421, %mul3A_430 : vector<16xi32>
    %add3A_432 = arith.addi %mul3A_431, %get3A_416 : vector<16xi32>
    %jit3A_433 = arith.constant 524288 : i32
    %broadcast_in_dim3A_434 = vector.broadcast %jit3A_433 : i32 to vector<16xi32>
    %select_n3A_435 = arith.select %and3A_428, %add3A_432, %broadcast_in_dim3A_434 : vector<16xi1>, vector<16xi32>
    %swap3A_436 = arith.constant 1 : i32
    %swap3A_437 = arith.index_cast %swap3A_436 : i32 to index
    %swap3A_438 = arith.constant 80 : index
    %swap3A_439 = tpu.vector_load %arg8[%swap3A_437, %swap3A_438] {strides = array<i32>} : memref<18x128xi32, #tpu.memory_space<vmem>>, vector<1x16xi32>,
    %swap3A_440 = vector.shape_cast %swap3A_439 : vector<1x16xi32> to vector<16xi32>
    %swap3A_441 = vector.shape_cast %select_n3A_435 : vector<16xi32> to vector<1x16xi32>
    tpu.vector_store %arg8[%swap3A_437, %swap3A_438], %swap3A_441 {strides = array<i32>} : memref<18x128xi32, #tpu.memory_space<vmem>>, vector<1x16xi32>,
    %get3A_442 = arith.constant 224 : index
    %get3A_443 = tpu.vector_load %arg6[%get3A_442] {strides = array<i32>} : memref<2304xi32, #tpu.memory_space<vmem>>, vector<16xi32>,
    %get3A_444 = vector.shape_cast %get3A_443 : vector<16xi32> to vector<16xi32>
    %get3A_445 = arith.constant 224 : index
    %get3A_446 = tpu.vector_load %arg7[%get3A_445] {strides = array<i32>} : memref<2304xi32, #tpu.memory_space<vmem>>, vector<16xi32>,
    %get3A_447 = vector.shape_cast %get3A_446 : vector<16xi32> to vector<16xi32>
    %sub3A_448 = vector.broadcast %mul3A_57 : i32 to vector<16xi32>
    %sub3A_449 = arith.subi %get3A_447, %sub3A_448 : vector<16xi32>
    %ge3A_450 = arith.constant 0 : i32
    %ge3A_451 = vector.broadcast %ge3A_450 : i32 to vector<16xi32>
    %ge3A_452 = arith.cmpi sge, %sub3A_449, %ge3A_451 : vector<16xi32>
    %lt3A_453 = arith.constant 512 : i32
    %lt3A_454 = vector.broadcast %lt3A_453 : i32 to vector<16xi32>
    %lt3A_455 = arith.cmpi slt, %sub3A_449, %lt3A_454 : vector<16xi32>
    %and3A_456 = arith.andi %ge3A_452, %lt3A_455 : vector<16xi1>
    %mul3A_457 = arith.constant 1024 : i32
    %mul3A_458 = vector.broadcast %mul3A_457 : i32 to vector<16xi32>
    %mul3A_459 = arith.muli %sub3A_449, %mul3A_458 : vector<16xi32>
    %add3A_460 = arith.addi %mul3A_459, %get3A_444 : vector<16xi32>
    %jit3A_461 = arith.constant 524288 : i32
    %broadcast_in_dim3A_462 = vector.broadcast %jit3A_461 : i32 to vector<16xi32>
    %select_n3A_463 = arith.select %and3A_456, %add3A_460, %broadcast_in_dim3A_462 : vector<16xi1>, vector<16xi32>
    %swap3A_464 = arith.constant 1 : i32
    %swap3A_465 = arith.index_cast %swap3A_464 : i32 to index
    %swap3A_466 = arith.constant 96 : index
    %swap3A_467 = tpu.vector_load %arg8[%swap3A_465, %swap3A_466] {strides = array<i32>} : memref<18x128xi32, #tpu.memory_space<vmem>>, vector<1x16xi32>,
    %swap3A_468 = vector.shape_cast %swap3A_467 : vector<1x16xi32> to vector<16xi32>
    %swap3A_469 = vector.shape_cast %select_n3A_463 : vector<16xi32> to vector<1x16xi32>
    tpu.vector_store %arg8[%swap3A_465, %swap3A_466], %swap3A_469 {strides = array<i32>} : memref<18x128xi32, #tpu.memory_space<vmem>>, vector<1x16xi32>,
    %get3A_470 = arith.constant 240 : index
    %get3A_471 = tpu.vector_load %arg6[%get3A_470] {strides = array<i32>} : memref<2304xi32, #tpu.memory_space<vmem>>, vector<16xi32>,
    %get3A_472 = vector.shape_cast %get3A_471 : vector<16xi32> to vector<16xi32>
    %get3A_473 = arith.constant 240 : index
    %get3A_474 = tpu.vector_load %arg7[%get3A_473] {strides = array<i32>} : memref<2304xi32, #tpu.memory_space<vmem>>, vector<16xi32>,
    %get3A_475 = vector.shape_cast %get3A_474 : vector<16xi32> to vector<16xi32>
    %sub3A_476 = vector.broadcast %mul3A_57 : i32 to vector<16xi32>
    %sub3A_477 = arith.subi %get3A_475, %sub3A_476 : vector<16xi32>
    %ge3A_478 = arith.constant 0 : i32
    %ge3A_479 = vector.broadcast %ge3A_478 : i32 to vector<16xi32>
    %ge3A_480 = arith.cmpi sge, %sub3A_477, %ge3A_479 : vector<16xi32>
    %lt3A_481 = arith.constant 512 : i32
    %lt3A_482 = vector.broadcast %lt3A_481 : i32 to vector<16xi32>
    %lt3A_483 = arith.cmpi slt, %sub3A_477, %lt3A_482 : vector<16xi32>
    %and3A_484 = arith.andi %ge3A_480, %lt3A_483 : vector<16xi1>
    %mul3A_485 = arith.constant 1024 : i32
    %mul3A_486 = vector.broadcast %mul3A_485 : i32 to vector<16xi32>
    %mul3A_487 = arith.muli %sub3A_477, %mul3A_486 : vector<16xi32>
    %add3A_488 = arith.addi %mul3A_487, %get3A_472 : vector<16xi32>
    %jit3A_489 = arith.constant 524288 : i32
    %broadcast_in_dim3A_490 = vector.broadcast %jit3A_489 : i32 to vector<16xi32>
    %select_n3A_491 = arith.select %and3A_484, %add3A_488, %broadcast_in_dim3A_490 : vector<16xi1>, vector<16xi32>
    %swap3A_492 = arith.constant 1 : i32
    %swap3A_493 = arith.index_cast %swap3A_492 : i32 to index
    %swap3A_494 = arith.constant 112 : index
    %swap3A_495 = tpu.vector_load %arg8[%swap3A_493, %swap3A_494] {strides = array<i32>} : memref<18x128xi32, #tpu.memory_space<vmem>>, vector<1x16xi32>,
    %swap3A_496 = vector.shape_cast %swap3A_495 : vector<1x16xi32> to vector<16xi32>
    %swap3A_497 = vector.shape_cast %select_n3A_491 : vector<16xi32> to vector<1x16xi32>
    tpu.vector_store %arg8[%swap3A_493, %swap3A_494], %swap3A_497 {strides = array<i32>} : memref<18x128xi32, #tpu.memory_space<vmem>>, vector<1x16xi32>,
    %get3A_498 = arith.constant 256 : index
    %get3A_499 = tpu.vector_load %arg6[%get3A_498] {strides = array<i32>} : memref<2304xi32, #tpu.memory_space<vmem>>, vector<16xi32>,
    %get3A_500 = vector.shape_cast %get3A_499 : vector<16xi32> to vector<16xi32>
    %get3A_501 = arith.constant 256 : index
    %get3A_502 = tpu.vector_load %arg7[%get3A_501] {strides = array<i32>} : memref<2304xi32, #tpu.memory_space<vmem>>, vector<16xi32>,
    %get3A_503 = vector.shape_cast %get3A_502 : vector<16xi32> to vector<16xi32>
    %sub3A_504 = vector.broadcast %mul3A_57 : i32 to vector<16xi32>
    %sub3A_505 = arith.subi %get3A_503, %sub3A_504 : vector<16xi32>
    %ge3A_506 = arith.constant 0 : i32
    %ge3A_507 = vector.broadcast %ge3A_506 : i32 to vector<16xi32>
    %ge3A_508 = arith.cmpi sge, %sub3A_505, %ge3A_507 : vector<16xi32>
    %lt3A_509 = arith.constant 512 : i32
    %lt3A_510 = vector.broadcast %lt3A_509 : i32 to vector<16xi32>
    %lt3A_511 = arith.cmpi slt, %sub3A_505, %lt3A_510 : vector<16xi32>
    %and3A_512 = arith.andi %ge3A_508, %lt3A_511 : vector<16xi1>
    %mul3A_513 = arith.constant 1024 : i32
    %mul3A_514 = vector.broadcast %mul3A_513 : i32 to vector<16xi32>
    %mul3A_515 = arith.muli %sub3A_505, %mul3A_514 : vector<16xi32>
    %add3A_516 = arith.addi %mul3A_515, %get3A_500 : vector<16xi32>
    %jit3A_517 = arith.constant 524288 : i32
    %broadcast_in_dim3A_518 = vector.broadcast %jit3A_517 : i32 to vector<16xi32>
    %select_n3A_519 = arith.select %and3A_512, %add3A_516, %broadcast_in_dim3A_518 : vector<16xi1>, vector<16xi32>
    %swap3A_520 = arith.constant 2 : i32
    %swap3A_521 = arith.index_cast %swap3A_520 : i32 to index
    %swap3A_522 = arith.constant 0 : index
    %swap3A_523 = tpu.vector_load %arg8[%swap3A_521, %swap3A_522] {strides = array<i32>} : memref<18x128xi32, #tpu.memory_space<vmem>>, vector<1x16xi32>,
    %swap3A_524 = vector.shape_cast %swap3A_523 : vector<1x16xi32> to vector<16xi32>
    %swap3A_525 = vector.shape_cast %select_n3A_519 : vector<16xi32> to vector<1x16xi32>
    tpu.vector_store %arg8[%swap3A_521, %swap3A_522], %swap3A_525 {strides = array<i32>} : memref<18x128xi32, #tpu.memory_space<vmem>>, vector<1x16xi32>,
    %get3A_526 = arith.constant 272 : index
    %get3A_527 = tpu.vector_load %arg6[%get3A_526] {strides = array<i32>} : memref<2304xi32, #tpu.memory_space<vmem>>, vector<16xi32>,
    %get3A_528 = vector.shape_cast %get3A_527 : vector<16xi32> to vector<16xi32>
    %get3A_529 = arith.constant 272 : index
    %get3A_530 = tpu.vector_load %arg7[%get3A_529] {strides = array<i32>} : memref<2304xi32, #tpu.memory_space<vmem>>, vector<16xi32>,
    %get3A_531 = vector.shape_cast %get3A_530 : vector<16xi32> to vector<16xi32>
    %sub3A_532 = vector.broadcast %mul3A_57 : i32 to vector<16xi32>
    %sub3A_533 = arith.subi %get3A_531, %sub3A_532 : vector<16xi32>
    %ge3A_534 = arith.constant 0 : i32
    %ge3A_535 = vector.broadcast %ge3A_534 : i32 to vector<16xi32>
    %ge3A_536 = arith.cmpi sge, %sub3A_533, %ge3A_535 : vector<16xi32>
    %lt3A_537 = arith.constant 512 : i32
    %lt3A_538 = vector.broadcast %lt3A_537 : i32 to vector<16xi32>
    %lt3A_539 = arith.cmpi slt, %sub3A_533, %lt3A_538 : vector<16xi32>
    %and3A_540 = arith.andi %ge3A_536, %lt3A_539 : vector<16xi1>
    %mul3A_541 = arith.constant 1024 : i32
    %mul3A_542 = vector.broadcast %mul3A_541 : i32 to vector<16xi32>
    %mul3A_543 = arith.muli %sub3A_533, %mul3A_542 : vector<16xi32>
    %add3A_544 = arith.addi %mul3A_543, %get3A_528 : vector<16xi32>
    %jit3A_545 = arith.constant 524288 : i32
    %broadcast_in_dim3A_546 = vector.broadcast %jit3A_545 : i32 to vector<16xi32>
    %select_n3A_547 = arith.select %and3A_540, %add3A_544, %broadcast_in_dim3A_546 : vector<16xi1>, vector<16xi32>
    %swap3A_548 = arith.constant 2 : i32
    %swap3A_549 = arith.index_cast %swap3A_548 : i32 to index
    %swap3A_550 = arith.constant 16 : index
    %swap3A_551 = tpu.vector_load %arg8[%swap3A_549, %swap3A_550] {strides = array<i32>} : memref<18x128xi32, #tpu.memory_space<vmem>>, vector<1x16xi32>,
    %swap3A_552 = vector.shape_cast %swap3A_551 : vector<1x16xi32> to vector<16xi32>
    %swap3A_553 = vector.shape_cast %select_n3A_547 : vector<16xi32> to vector<1x16xi32>
    tpu.vector_store %arg8[%swap3A_549, %swap3A_550], %swap3A_553 {strides = array<i32>} : memref<18x128xi32, #tpu.memory_space<vmem>>, vector<1x16xi32>,
    %get3A_554 = arith.constant 288 : index
    %get3A_555 = tpu.vector_load %arg6[%get3A_554] {strides = array<i32>} : memref<2304xi32, #tpu.memory_space<vmem>>, vector<16xi32>,
    %get3A_556 = vector.shape_cast %get3A_555 : vector<16xi32> to vector<16xi32>
    %get3A_557 = arith.constant 288 : index
    %get3A_558 = tpu.vector_load %arg7[%get3A_557] {strides = array<i32>} : memref<2304xi32, #tpu.memory_space<vmem>>, vector<16xi32>,
    %get3A_559 = vector.shape_cast %get3A_558 : vector<16xi32> to vector<16xi32>
    %sub3A_560 = vector.broadcast %mul3A_57 : i32 to vector<16xi32>
    %sub3A_561 = arith.subi %get3A_559, %sub3A_560 : vector<16xi32>
    %ge3A_562 = arith.constant 0 : i32
    %ge3A_563 = vector.broadcast %ge3A_562 : i32 to vector<16xi32>
    %ge3A_564 = arith.cmpi sge, %sub3A_561, %ge3A_563 : vector<16xi32>
    %lt3A_565 = arith.constant 512 : i32
    %lt3A_566 = vector.broadcast %lt3A_565 : i32 to vector<16xi32>
    %lt3A_567 = arith.cmpi slt, %sub3A_561, %lt3A_566 : vector<16xi32>
    %and3A_568 = arith.andi %ge3A_564, %lt3A_567 : vector<16xi1>
    %mul3A_569 = arith.constant 1024 : i32
    %mul3A_570 = vector.broadcast %mul3A_569 : i32 to vector<16xi32>
    %mul3A_571 = arith.muli %sub3A_561, %mul3A_570 : vector<16xi32>
    %add3A_572 = arith.addi %mul3A_571, %get3A_556 : vector<16xi32>
    %jit3A_573 = arith.constant 524288 : i32
    %broadcast_in_dim3A_574 = vector.broadcast %jit3A_573 : i32 to vector<16xi32>
    %select_n3A_575 = arith.select %and3A_568, %add3A_572, %broadcast_in_dim3A_574 : vector<16xi1>, vector<16xi32>
    %swap3A_576 = arith.constant 2 : i32
    %swap3A_577 = arith.index_cast %swap3A_576 : i32 to index
    %swap3A_578 = arith.constant 32 : index
    %swap3A_579 = tpu.vector_load %arg8[%swap3A_577, %swap3A_578] {strides = array<i32>} : memref<18x128xi32, #tpu.memory_space<vmem>>, vector<1x16xi32>,
    %swap3A_580 = vector.shape_cast %swap3A_579 : vector<1x16xi32> to vector<16xi32>
    %swap3A_581 = vector.shape_cast %select_n3A_575 : vector<16xi32> to vector<1x16xi32>
    tpu.vector_store %arg8[%swap3A_577, %swap3A_578], %swap3A_581 {strides = array<i32>} : memref<18x128xi32, #tpu.memory_space<vmem>>, vector<1x16xi32>,
    %get3A_582 = arith.constant 304 : index
    %get3A_583 = tpu.vector_load %arg6[%get3A_582] {strides = array<i32>} : memref<2304xi32, #tpu.memory_space<vmem>>, vector<16xi32>,
    %get3A_584 = vector.shape_cast %get3A_583 : vector<16xi32> to vector<16xi32>
    %get3A_585 = arith.constant 304 : index
    %get3A_586 = tpu.vector_load %arg7[%get3A_585] {strides = array<i32>} : memref<2304xi32, #tpu.memory_space<vmem>>, vector<16xi32>,
    %get3A_587 = vector.shape_cast %get3A_586 : vector<16xi32> to vector<16xi32>
    %sub3A_588 = vector.broadcast %mul3A_57 : i32 to vector<16xi32>
    %sub3A_589 = arith.subi %get3A_587, %sub3A_588 : vector<16xi32>
    %ge3A_590 = arith.constant 0 : i32
    %ge3A_591 = vector.broadcast %ge3A_590 : i32 to vector<16xi32>
    %ge3A_592 = arith.cmpi sge, %sub3A_589, %ge3A_591 : vector<16xi32>
    %lt3A_593 = arith.constant 512 : i32
    %lt3A_594 = vector.broadcast %lt3A_593 : i32 to vector<16xi32>
    %lt3A_595 = arith.cmpi slt, %sub3A_589, %lt3A_594 : vector<16xi32>
    %and3A_596 = arith.andi %ge3A_592, %lt3A_595 : vector<16xi1>
    %mul3A_597 = arith.constant 1024 : i32
    %mul3A_598 = vector.broadcast %mul3A_597 : i32 to vector<16xi32>
    %mul3A_599 = arith.muli %sub3A_589, %mul3A_598 : vector<16xi32>
    %add3A_600 = arith.addi %mul3A_599, %get3A_584 : vector<16xi32>
    %jit3A_601 = arith.constant 524288 : i32
    %broadcast_in_dim3A_602 = vector.broadcast %jit3A_601 : i32 to vector<16xi32>
    %select_n3A_603 = arith.select %and3A_596, %add3A_600, %broadcast_in_dim3A_602 : vector<16xi1>, vector<16xi32>
    %swap3A_604 = arith.constant 2 : i32
    %swap3A_605 = arith.index_cast %swap3A_604 : i32 to index
    %swap3A_606 = arith.constant 48 : index
    %swap3A_607 = tpu.vector_load %arg8[%swap3A_605, %swap3A_606] {strides = array<i32>} : memref<18x128xi32, #tpu.memory_space<vmem>>, vector<1x16xi32>,
    %swap3A_608 = vector.shape_cast %swap3A_607 : vector<1x16xi32> to vector<16xi32>
    %swap3A_609 = vector.shape_cast %select_n3A_603 : vector<16xi32> to vector<1x16xi32>
    tpu.vector_store %arg8[%swap3A_605, %swap3A_606], %swap3A_609 {strides = array<i32>} : memref<18x128xi32, #tpu.memory_space<vmem>>, vector<1x16xi32>,
    %get3A_610 = arith.constant 320 : index
    %get3A_611 = tpu.vector_load %arg6[%get3A_610] {strides = array<i32>} : memref<2304xi32, #tpu.memory_space<vmem>>, vector<16xi32>,
    %get3A_612 = vector.shape_cast %get3A_611 : vector<16xi32> to vector<16xi32>
    %get3A_613 = arith.constant 320 : index
    %get3A_614 = tpu.vector_load %arg7[%get3A_613] {strides = array<i32>} : memref<2304xi32, #tpu.memory_space<vmem>>, vector<16xi32>,
    %get3A_615 = vector.shape_cast %get3A_614 : vector<16xi32> to vector<16xi32>
    %sub3A_616 = vector.broadcast %mul3A_57 : i32 to vector<16xi32>
    %sub3A_617 = arith.subi %get3A_615, %sub3A_616 : vector<16xi32>
    %ge3A_618 = arith.constant 0 : i32
    %ge3A_619 = vector.broadcast %ge3A_618 : i32 to vector<16xi32>
    %ge3A_620 = arith.cmpi sge, %sub3A_617, %ge3A_619 : vector<16xi32>
    %lt3A_621 = arith.constant 512 : i32
    %lt3A_622 = vector.broadcast %lt3A_621 : i32 to vector<16xi32>
    %lt3A_623 = arith.cmpi slt, %sub3A_617, %lt3A_622 : vector<16xi32>
    %and3A_624 = arith.andi %ge3A_620, %lt3A_623 : vector<16xi1>
    %mul3A_625 = arith.constant 1024 : i32
    %mul3A_626 = vector.broadcast %mul3A_625 : i32 to vector<16xi32>
    %mul3A_627 = arith.muli %sub3A_617, %mul3A_626 : vector<16xi32>
    %add3A_628 = arith.addi %mul3A_627, %get3A_612 : vector<16xi32>
    %jit3A_629 = arith.constant 524288 : i32
    %broadcast_in_dim3A_630 = vector.broadcast %jit3A_629 : i32 to vector<16xi32>
    %select_n3A_631 = arith.select %and3A_624, %add3A_628, %broadcast_in_dim3A_630 : vector<16xi1>, vector<16xi32>
    %swap3A_632 = arith.constant 2 : i32
    %swap3A_633 = arith.index_cast %swap3A_632 : i32 to index
    %swap3A_634 = arith.constant 64 : index
    %swap3A_635 = tpu.vector_load %arg8[%swap3A_633, %swap3A_634] {strides = array<i32>} : memref<18x128xi32, #tpu.memory_space<vmem>>, vector<1x16xi32>,
    %swap3A_636 = vector.shape_cast %swap3A_635 : vector<1x16xi32> to vector<16xi32>
    %swap3A_637 = vector.shape_cast %select_n3A_631 : vector<16xi32> to vector<1x16xi32>
    tpu.vector_store %arg8[%swap3A_633, %swap3A_634], %swap3A_637 {strides = array<i32>} : memref<18x128xi32, #tpu.memory_space<vmem>>, vector<1x16xi32>,
    %get3A_638 = arith.constant 336 : index
    %get3A_639 = tpu.vector_load %arg6[%get3A_638] {strides = array<i32>} : memref<2304xi32, #tpu.memory_space<vmem>>, vector<16xi32>,
    %get3A_640 = vector.shape_cast %get3A_639 : vector<16xi32> to vector<16xi32>
    %get3A_641 = arith.constant 336 : index
    %get3A_642 = tpu.vector_load %arg7[%get3A_641] {strides = array<i32>} : memref<2304xi32, #tpu.memory_space<vmem>>, vector<16xi32>,
    %get3A_643 = vector.shape_cast %get3A_642 : vector<16xi32> to vector<16xi32>
    %sub3A_644 = vector.broadcast %mul3A_57 : i32 to vector<16xi32>
    %sub3A_645 = arith.subi %get3A_643, %sub3A_644 : vector<16xi32>
    %ge3A_646 = arith.constant 0 : i32
    %ge3A_647 = vector.broadcast %ge3A_646 : i32 to vector<16xi32>
    %ge3A_648 = arith.cmpi sge, %sub3A_645, %ge3A_647 : vector<16xi32>
    %lt3A_649 = arith.constant 512 : i32
    %lt3A_650 = vector.broadcast %lt3A_649 : i32 to vector<16xi32>
    %lt3A_651 = arith.cmpi slt, %sub3A_645, %lt3A_650 : vector<16xi32>
    %and3A_652 = arith.andi %ge3A_648, %lt3A_651 : vector<16xi1>
    %mul3A_653 = arith.constant 1024 : i32
    %mul3A_654 = vector.broadcast %mul3A_653 : i32 to vector<16xi32>
    %mul3A_655 = arith.muli %sub3A_645, %mul3A_654 : vector<16xi32>
    %add3A_656 = arith.addi %mul3A_655, %get3A_640 : vector<16xi32>
    %jit3A_657 = arith.constant 524288 : i32
    %broadcast_in_dim3A_658 = vector.broadcast %jit3A_657 : i32 to vector<16xi32>
    %select_n3A_659 = arith.select %and3A_652, %add3A_656, %broadcast_in_dim3A_658 : vector<16xi1>, vector<16xi32>
    %swap3A_660 = arith.constant 2 : i32
    %swap3A_661 = arith.index_cast %swap3A_660 : i32 to index
    %swap3A_662 = arith.constant 80 : index
    %swap3A_663 = tpu.vector_load %arg8[%swap3A_661, %swap3A_662] {strides = array<i32>} : memref<18x128xi32, #tpu.memory_space<vmem>>, vector<1x16xi32>,
    %swap3A_664 = vector.shape_cast %swap3A_663 : vector<1x16xi32> to vector<16xi32>
    %swap3A_665 = vector.shape_cast %select_n3A_659 : vector<16xi32> to vector<1x16xi32>
    tpu.vector_store %arg8[%swap3A_661, %swap3A_662], %swap3A_665 {strides = array<i32>} : memref<18x128xi32, #tpu.memory_space<vmem>>, vector<1x16xi32>,
    %get3A_666 = arith.constant 352 : index
    %get3A_667 = tpu.vector_load %arg6[%get3A_666] {strides = array<i32>} : memref<2304xi32, #tpu.memory_space<vmem>>, vector<16xi32>,
    %get3A_668 = vector.shape_cast %get3A_667 : vector<16xi32> to vector<16xi32>
    %get3A_669 = arith.constant 352 : index
    %get3A_670 = tpu.vector_load %arg7[%get3A_669] {strides = array<i32>} : memref<2304xi32, #tpu.memory_space<vmem>>, vector<16xi32>,
    %get3A_671 = vector.shape_cast %get3A_670 : vector<16xi32> to vector<16xi32>
    %sub3A_672 = vector.broadcast %mul3A_57 : i32 to vector<16xi32>
    %sub3A_673 = arith.subi %get3A_671, %sub3A_672 : vector<16xi32>
    %ge3A_674 = arith.constant 0 : i32
    %ge3A_675 = vector.broadcast %ge3A_674 : i32 to vector<16xi32>
    %ge3A_676 = arith.cmpi sge, %sub3A_673, %ge3A_675 : vector<16xi32>
    %lt3A_677 = arith.constant 512 : i32
    %lt3A_678 = vector.broadcast %lt3A_677 : i32 to vector<16xi32>
    %lt3A_679 = arith.cmpi slt, %sub3A_673, %lt3A_678 : vector<16xi32>
    %and3A_680 = arith.andi %ge3A_676, %lt3A_679 : vector<16xi1>
    %mul3A_681 = arith.constant 1024 : i32
    %mul3A_682 = vector.broadcast %mul3A_681 : i32 to vector<16xi32>
    %mul3A_683 = arith.muli %sub3A_673, %mul3A_682 : vector<16xi32>
    %add3A_684 = arith.addi %mul3A_683, %get3A_668 : vector<16xi32>
    %jit3A_685 = arith.constant 524288 : i32
    %broadcast_in_dim3A_686 = vector.broadcast %jit3A_685 : i32 to vector<16xi32>
    %select_n3A_687 = arith.select %and3A_680, %add3A_684, %broadcast_in_dim3A_686 : vector<16xi1>, vector<16xi32>
    %swap3A_688 = arith.constant 2 : i32
    %swap3A_689 = arith.index_cast %swap3A_688 : i32 to index
    %swap3A_690 = arith.constant 96 : index
    %swap3A_691 = tpu.vector_load %arg8[%swap3A_689, %swap3A_690] {strides = array<i32>} : memref<18x128xi32, #tpu.memory_space<vmem>>, vector<1x16xi32>,
    %swap3A_692 = vector.shape_cast %swap3A_691 : vector<1x16xi32> to vector<16xi32>
    %swap3A_693 = vector.shape_cast %select_n3A_687 : vector<16xi32> to vector<1x16xi32>
    tpu.vector_store %arg8[%swap3A_689, %swap3A_690], %swap3A_693 {strides = array<i32>} : memref<18x128xi32, #tpu.memory_space<vmem>>, vector<1x16xi32>,
    %get3A_694 = arith.constant 368 : index
    %get3A_695 = tpu.vector_load %arg6[%get3A_694] {strides = array<i32>} : memref<2304xi32, #tpu.memory_space<vmem>>, vector<16xi32>,
    %get3A_696 = vector.shape_cast %get3A_695 : vector<16xi32> to vector<16xi32>
    %get3A_697 = arith.constant 368 : index
    %get3A_698 = tpu.vector_load %arg7[%get3A_697] {strides = array<i32>} : memref<2304xi32, #tpu.memory_space<vmem>>, vector<16xi32>,
    %get3A_699 = vector.shape_cast %get3A_698 : vector<16xi32> to vector<16xi32>
    %sub3A_700 = vector.broadcast %mul3A_57 : i32 to vector<16xi32>
    %sub3A_701 = arith.subi %get3A_699, %sub3A_700 : vector<16xi32>
    %ge3A_702 = arith.constant 0 : i32
    %ge3A_703 = vector.broadcast %ge3A_702 : i32 to vector<16xi32>
    %ge3A_704 = arith.cmpi sge, %sub3A_701, %ge3A_703 : vector<16xi32>
    %lt3A_705 = arith.constant 512 : i32
    %lt3A_706 = vector.broadcast %lt3A_705 : i32 to vector<16xi32>
    %lt3A_707 = arith.cmpi slt, %sub3A_701, %lt3A_706 : vector<16xi32>
    %and3A_708 = arith.andi %ge3A_704, %lt3A_707 : vector<16xi1>
    %mul3A_709 = arith.constant 1024 : i32
    %mul3A_710 = vector.broadcast %mul3A_709 : i32 to vector<16xi32>
    %mul3A_711 = arith.muli %sub3A_701, %mul3A_710 : vector<16xi32>
    %add3A_712 = arith.addi %mul3A_711, %get3A_696 : vector<16xi32>
    %jit3A_713 = arith.constant 524288 : i32
    %broadcast_in_dim3A_714 = vector.broadcast %jit3A_713 : i32 to vector<16xi32>
    %select_n3A_715 = arith.select %and3A_708, %add3A_712, %broadcast_in_dim3A_714 : vector<16xi1>, vector<16xi32>
    %swap3A_716 = arith.constant 2 : i32
    %swap3A_717 = arith.index_cast %swap3A_716 : i32 to index
    %swap3A_718 = arith.constant 112 : index
    %swap3A_719 = tpu.vector_load %arg8[%swap3A_717, %swap3A_718] {strides = array<i32>} : memref<18x128xi32, #tpu.memory_space<vmem>>, vector<1x16xi32>,
    %swap3A_720 = vector.shape_cast %swap3A_719 : vector<1x16xi32> to vector<16xi32>
    %swap3A_721 = vector.shape_cast %select_n3A_715 : vector<16xi32> to vector<1x16xi32>
    tpu.vector_store %arg8[%swap3A_717, %swap3A_718], %swap3A_721 {strides = array<i32>} : memref<18x128xi32, #tpu.memory_space<vmem>>, vector<1x16xi32>,
    %get3A_722 = arith.constant 384 : index
    %get3A_723 = tpu.vector_load %arg6[%get3A_722] {strides = array<i32>} : memref<2304xi32, #tpu.memory_space<vmem>>, vector<16xi32>,
    %get3A_724 = vector.shape_cast %get3A_723 : vector<16xi32> to vector<16xi32>
    %get3A_725 = arith.constant 384 : index
    %get3A_726 = tpu.vector_load %arg7[%get3A_725] {strides = array<i32>} : memref<2304xi32, #tpu.memory_space<vmem>>, vector<16xi32>,
    %get3A_727 = vector.shape_cast %get3A_726 : vector<16xi32> to vector<16xi32>
    %sub3A_728 = vector.broadcast %mul3A_57 : i32 to vector<16xi32>
    %sub3A_729 = arith.subi %get3A_727, %sub3A_728 : vector<16xi32>
    %ge3A_730 = arith.constant 0 : i32
    %ge3A_731 = vector.broadcast %ge3A_730 : i32 to vector<16xi32>
    %ge3A_732 = arith.cmpi sge, %sub3A_729, %ge3A_731 : vector<16xi32>
    %lt3A_733 = arith.constant 512 : i32
    %lt3A_734 = vector.broadcast %lt3A_733 : i32 to vector<16xi32>
    %lt3A_735 = arith.cmpi slt, %sub3A_729, %lt3A_734 : vector<16xi32>
    %and3A_736 = arith.andi %ge3A_732, %lt3A_735 : vector<16xi1>
    %mul3A_737 = arith.constant 1024 : i32
    %mul3A_738 = vector.broadcast %mul3A_737 : i32 to vector<16xi32>
    %mul3A_739 = arith.muli %sub3A_729, %mul3A_738 : vector<16xi32>
    %add3A_740 = arith.addi %mul3A_739, %get3A_724 : vector<16xi32>
    %jit3A_741 = arith.constant 524288 : i32
    %broadcast_in_dim3A_742 = vector.broadcast %jit3A_741 : i32 to vector<16xi32>
    %select_n3A_743 = arith.select %and3A_736, %add3A_740, %broadcast_in_dim3A_742 : vector<16xi1>, vector<16xi32>
    %swap3A_744 = arith.constant 3 : i32
    %swap3A_745 = arith.index_cast %swap3A_744 : i32 to index
    %swap3A_746 = arith.constant 0 : index
    %swap3A_747 = tpu.vector_load %arg8[%swap3A_745, %swap3A_746] {strides = array<i32>} : memref<18x128xi32, #tpu.memory_space<vmem>>, vector<1x16xi32>,
    %swap3A_748 = vector.shape_cast %swap3A_747 : vector<1x16xi32> to vector<16xi32>
    %swap3A_749 = vector.shape_cast %select_n3A_743 : vector<16xi32> to vector<1x16xi32>
    tpu.vector_store %arg8[%swap3A_745, %swap3A_746], %swap3A_749 {strides = array<i32>} : memref<18x128xi32, #tpu.memory_space<vmem>>, vector<1x16xi32>,
    %get3A_750 = arith.constant 400 : index
    %get3A_751 = tpu.vector_load %arg6[%get3A_750] {strides = array<i32>} : memref<2304xi32, #tpu.memory_space<vmem>>, vector<16xi32>,
    %get3A_752 = vector.shape_cast %get3A_751 : vector<16xi32> to vector<16xi32>
    %get3A_753 = arith.constant 400 : index
    %get3A_754 = tpu.vector_load %arg7[%get3A_753] {strides = array<i32>} : memref<2304xi32, #tpu.memory_space<vmem>>, vector<16xi32>,
    %get3A_755 = vector.shape_cast %get3A_754 : vector<16xi32> to vector<16xi32>
    %sub3A_756 = vector.broadcast %mul3A_57 : i32 to vector<16xi32>
    %sub3A_757 = arith.subi %get3A_755, %sub3A_756 : vector<16xi32>
    %ge3A_758 = arith.constant 0 : i32
    %ge3A_759 = vector.broadcast %ge3A_758 : i32 to vector<16xi32>
    %ge3A_760 = arith.cmpi sge, %sub3A_757, %ge3A_759 : vector<16xi32>
    %lt3A_761 = arith.constant 512 : i32
    %lt3A_762 = vector.broadcast %lt3A_761 : i32 to vector<16xi32>
    %lt3A_763 = arith.cmpi slt, %sub3A_757, %lt3A_762 : vector<16xi32>
    %and3A_764 = arith.andi %ge3A_760, %lt3A_763 : vector<16xi1>
    %mul3A_765 = arith.constant 1024 : i32
    %mul3A_766 = vector.broadcast %mul3A_765 : i32 to vector<16xi32>
    %mul3A_767 = arith.muli %sub3A_757, %mul3A_766 : vector<16xi32>
    %add3A_768 = arith.addi %mul3A_767, %get3A_752 : vector<16xi32>
    %jit3A_769 = arith.constant 524288 : i32
    %broadcast_in_dim3A_770 = vector.broadcast %jit3A_769 : i32 to vector<16xi32>
    %select_n3A_771 = arith.select %and3A_764, %add3A_768, %broadcast_in_dim3A_770 : vector<16xi1>, vector<16xi32>
    %swap3A_772 = arith.constant 3 : i32
    %swap3A_773 = arith.index_cast %swap3A_772 : i32 to index
    %swap3A_774 = arith.constant 16 : index
    %swap3A_775 = tpu.vector_load %arg8[%swap3A_773, %swap3A_774] {strides = array<i32>} : memref<18x128xi32, #tpu.memory_space<vmem>>, vector<1x16xi32>,
    %swap3A_776 = vector.shape_cast %swap3A_775 : vector<1x16xi32> to vector<16xi32>
    %swap3A_777 = vector.shape_cast %select_n3A_771 : vector<16xi32> to vector<1x16xi32>
    tpu.vector_store %arg8[%swap3A_773, %swap3A_774], %swap3A_777 {strides = array<i32>} : memref<18x128xi32, #tpu.memory_space<vmem>>, vector<1x16xi32>,
    %get3A_778 = arith.constant 416 : index
    %get3A_779 = tpu.vector_load %arg6[%get3A_778] {strides = array<i32>} : memref<2304xi32, #tpu.memory_space<vmem>>, vector<16xi32>,
    %get3A_780 = vector.shape_cast %get3A_779 : vector<16xi32> to vector<16xi32>
    %get3A_781 = arith.constant 416 : index
    %get3A_782 = tpu.vector_load %arg7[%get3A_781] {strides = array<i32>} : memref<2304xi32, #tpu.memory_space<vmem>>, vector<16xi32>,
    %get3A_783 = vector.shape_cast %get3A_782 : vector<16xi32> to vector<16xi32>
    %sub3A_784 = vector.broadcast %mul3A_57 : i32 to vector<16xi32>
    %sub3A_785 = arith.subi %get3A_783, %sub3A_784 : vector<16xi32>
    %ge3A_786 = arith.constant 0 : i32
    %ge3A_787 = vector.broadcast %ge3A_786 : i32 to vector<16xi32>
    %ge3A_788 = arith.cmpi sge, %sub3A_785, %ge3A_787 : vector<16xi32>
    %lt3A_789 = arith.constant 512 : i32
    %lt3A_790 = vector.broadcast %lt3A_789 : i32 to vector<16xi32>
    %lt3A_791 = arith.cmpi slt, %sub3A_785, %lt3A_790 : vector<16xi32>
    %and3A_792 = arith.andi %ge3A_788, %lt3A_791 : vector<16xi1>
    %mul3A_793 = arith.constant 1024 : i32
    %mul3A_794 = vector.broadcast %mul3A_793 : i32 to vector<16xi32>
    %mul3A_795 = arith.muli %sub3A_785, %mul3A_794 : vector<16xi32>
    %add3A_796 = arith.addi %mul3A_795, %get3A_780 : vector<16xi32>
    %jit3A_797 = arith.constant 524288 : i32
    %broadcast_in_dim3A_798 = vector.broadcast %jit3A_797 : i32 to vector<16xi32>
    %select_n3A_799 = arith.select %and3A_792, %add3A_796, %broadcast_in_dim3A_798 : vector<16xi1>, vector<16xi32>
    %swap3A_800 = arith.constant 3 : i32
    %swap3A_801 = arith.index_cast %swap3A_800 : i32 to index
    %swap3A_802 = arith.constant 32 : index
    %swap3A_803 = tpu.vector_load %arg8[%swap3A_801, %swap3A_802] {strides = array<i32>} : memref<18x128xi32, #tpu.memory_space<vmem>>, vector<1x16xi32>,
    %swap3A_804 = vector.shape_cast %swap3A_803 : vector<1x16xi32> to vector<16xi32>
    %swap3A_805 = vector.shape_cast %select_n3A_799 : vector<16xi32> to vector<1x16xi32>
    tpu.vector_store %arg8[%swap3A_801, %swap3A_802], %swap3A_805 {strides = array<i32>} : memref<18x128xi32, #tpu.memory_space<vmem>>, vector<1x16xi32>,
    %get3A_806 = arith.constant 432 : index
    %get3A_807 = tpu.vector_load %arg6[%get3A_806] {strides = array<i32>} : memref<2304xi32, #tpu.memory_space<vmem>>, vector<16xi32>,
    %get3A_808 = vector.shape_cast %get3A_807 : vector<16xi32> to vector<16xi32>
    %get3A_809 = arith.constant 432 : index
    %get3A_810 = tpu.vector_load %arg7[%get3A_809] {strides = array<i32>} : memref<2304xi32, #tpu.memory_space<vmem>>, vector<16xi32>,
    %get3A_811 = vector.shape_cast %get3A_810 : vector<16xi32> to vector<16xi32>
    %sub3A_812 = vector.broadcast %mul3A_57 : i32 to vector<16xi32>
    %sub3A_813 = arith.subi %get3A_811, %sub3A_812 : vector<16xi32>
    %ge3A_814 = arith.constant 0 : i32
    %ge3A_815 = vector.broadcast %ge3A_814 : i32 to vector<16xi32>
    %ge3A_816 = arith.cmpi sge, %sub3A_813, %ge3A_815 : vector<16xi32>
    %lt3A_817 = arith.constant 512 : i32
    %lt3A_818 = vector.broadcast %lt3A_817 : i32 to vector<16xi32>
    %lt3A_819 = arith.cmpi slt, %sub3A_813, %lt3A_818 : vector<16xi32>
    %and3A_820 = arith.andi %ge3A_816, %lt3A_819 : vector<16xi1>
    %mul3A_821 = arith.constant 1024 : i32
    %mul3A_822 = vector.broadcast %mul3A_821 : i32 to vector<16xi32>
    %mul3A_823 = arith.muli %sub3A_813, %mul3A_822 : vector<16xi32>
    %add3A_824 = arith.addi %mul3A_823, %get3A_808 : vector<16xi32>
    %jit3A_825 = arith.constant 524288 : i32
    %broadcast_in_dim3A_826 = vector.broadcast %jit3A_825 : i32 to vector<16xi32>
    %select_n3A_827 = arith.select %and3A_820, %add3A_824, %broadcast_in_dim3A_826 : vector<16xi1>, vector<16xi32>
    %swap3A_828 = arith.constant 3 : i32
    %swap3A_829 = arith.index_cast %swap3A_828 : i32 to index
    %swap3A_830 = arith.constant 48 : index
    %swap3A_831 = tpu.vector_load %arg8[%swap3A_829, %swap3A_830] {strides = array<i32>} : memref<18x128xi32, #tpu.memory_space<vmem>>, vector<1x16xi32>,
    %swap3A_832 = vector.shape_cast %swap3A_831 : vector<1x16xi32> to vector<16xi32>
    %swap3A_833 = vector.shape_cast %select_n3A_827 : vector<16xi32> to vector<1x16xi32>
    tpu.vector_store %arg8[%swap3A_829, %swap3A_830], %swap3A_833 {strides = array<i32>} : memref<18x128xi32, #tpu.memory_space<vmem>>, vector<1x16xi32>,
    %get3A_834 = arith.constant 448 : index
    %get3A_835 = tpu.vector_load %arg6[%get3A_834] {strides = array<i32>} : memref<2304xi32, #tpu.memory_space<vmem>>, vector<16xi32>,
    %get3A_836 = vector.shape_cast %get3A_835 : vector<16xi32> to vector<16xi32>
    %get3A_837 = arith.constant 448 : index
    %get3A_838 = tpu.vector_load %arg7[%get3A_837] {strides = array<i32>} : memref<2304xi32, #tpu.memory_space<vmem>>, vector<16xi32>,
    %get3A_839 = vector.shape_cast %get3A_838 : vector<16xi32> to vector<16xi32>
    %sub3A_840 = vector.broadcast %mul3A_57 : i32 to vector<16xi32>
    %sub3A_841 = arith.subi %get3A_839, %sub3A_840 : vector<16xi32>
    %ge3A_842 = arith.constant 0 : i32
    %ge3A_843 = vector.broadcast %ge3A_842 : i32 to vector<16xi32>
    %ge3A_844 = arith.cmpi sge, %sub3A_841, %ge3A_843 : vector<16xi32>
    %lt3A_845 = arith.constant 512 : i32
    %lt3A_846 = vector.broadcast %lt3A_845 : i32 to vector<16xi32>
    %lt3A_847 = arith.cmpi slt, %sub3A_841, %lt3A_846 : vector<16xi32>
    %and3A_848 = arith.andi %ge3A_844, %lt3A_847 : vector<16xi1>
    %mul3A_849 = arith.constant 1024 : i32
    %mul3A_850 = vector.broadcast %mul3A_849 : i32 to vector<16xi32>
    %mul3A_851 = arith.muli %sub3A_841, %mul3A_850 : vector<16xi32>
    %add3A_852 = arith.addi %mul3A_851, %get3A_836 : vector<16xi32>
    %jit3A_853 = arith.constant 524288 : i32
    %broadcast_in_dim3A_854 = vector.broadcast %jit3A_853 : i32 to vector<16xi32>
    %select_n3A_855 = arith.select %and3A_848, %add3A_852, %broadcast_in_dim3A_854 : vector<16xi1>, vector<16xi32>
    %swap3A_856 = arith.constant 3 : i32
    %swap3A_857 = arith.index_cast %swap3A_856 : i32 to index
    %swap3A_858 = arith.constant 64 : index
    %swap3A_859 = tpu.vector_load %arg8[%swap3A_857, %swap3A_858] {strides = array<i32>} : memref<18x128xi32, #tpu.memory_space<vmem>>, vector<1x16xi32>,
    %swap3A_860 = vector.shape_cast %swap3A_859 : vector<1x16xi32> to vector<16xi32>
    %swap3A_861 = vector.shape_cast %select_n3A_855 : vector<16xi32> to vector<1x16xi32>
    tpu.vector_store %arg8[%swap3A_857, %swap3A_858], %swap3A_861 {strides = array<i32>} : memref<18x128xi32, #tpu.memory_space<vmem>>, vector<1x16xi32>,
    %get3A_862 = arith.constant 464 : index
    %get3A_863 = tpu.vector_load %arg6[%get3A_862] {strides = array<i32>} : memref<2304xi32, #tpu.memory_space<vmem>>, vector<16xi32>,
    %get3A_864 = vector.shape_cast %get3A_863 : vector<16xi32> to vector<16xi32>
    %get3A_865 = arith.constant 464 : index
    %get3A_866 = tpu.vector_load %arg7[%get3A_865] {strides = array<i32>} : memref<2304xi32, #tpu.memory_space<vmem>>, vector<16xi32>,
    %get3A_867 = vector.shape_cast %get3A_866 : vector<16xi32> to vector<16xi32>
    %sub3A_868 = vector.broadcast %mul3A_57 : i32 to vector<16xi32>
    %sub3A_869 = arith.subi %get3A_867, %sub3A_868 : vector<16xi32>
    %ge3A_870 = arith.constant 0 : i32
    %ge3A_871 = vector.broadcast %ge3A_870 : i32 to vector<16xi32>
    %ge3A_872 = arith.cmpi sge, %sub3A_869, %ge3A_871 : vector<16xi32>
    %lt3A_873 = arith.constant 512 : i32
    %lt3A_874 = vector.broadcast %lt3A_873 : i32 to vector<16xi32>
    %lt3A_875 = arith.cmpi slt, %sub3A_869, %lt3A_874 : vector<16xi32>
    %and3A_876 = arith.andi %ge3A_872, %lt3A_875 : vector<16xi1>
    %mul3A_877 = arith.constant 1024 : i32
    %mul3A_878 = vector.broadcast %mul3A_877 : i32 to vector<16xi32>
    %mul3A_879 = arith.muli %sub3A_869, %mul3A_878 : vector<16xi32>
    %add3A_880 = arith.addi %mul3A_879, %get3A_864 : vector<16xi32>
    %jit3A_881 = arith.constant 524288 : i32
    %broadcast_in_dim3A_882 = vector.broadcast %jit3A_881 : i32 to vector<16xi32>
    %select_n3A_883 = arith.select %and3A_876, %add3A_880, %broadcast_in_dim3A_882 : vector<16xi1>, vector<16xi32>
    %swap3A_884 = arith.constant 3 : i32
    %swap3A_885 = arith.index_cast %swap3A_884 : i32 to index
    %swap3A_886 = arith.constant 80 : index
    %swap3A_887 = tpu.vector_load %arg8[%swap3A_885, %swap3A_886] {strides = array<i32>} : memref<18x128xi32, #tpu.memory_space<vmem>>, vector<1x16xi32>,
    %swap3A_888 = vector.shape_cast %swap3A_887 : vector<1x16xi32> to vector<16xi32>
    %swap3A_889 = vector.shape_cast %select_n3A_883 : vector<16xi32> to vector<1x16xi32>
    tpu.vector_store %arg8[%swap3A_885, %swap3A_886], %swap3A_889 {strides = array<i32>} : memref<18x128xi32, #tpu.memory_space<vmem>>, vector<1x16xi32>,
    %get3A_890 = arith.constant 480 : index
    %get3A_891 = tpu.vector_load %arg6[%get3A_890] {strides = array<i32>} : memref<2304xi32, #tpu.memory_space<vmem>>, vector<16xi32>,
    %get3A_892 = vector.shape_cast %get3A_891 : vector<16xi32> to vector<16xi32>
    %get3A_893 = arith.constant 480 : index
    %get3A_894 = tpu.vector_load %arg7[%get3A_893] {strides = array<i32>} : memref<2304xi32, #tpu.memory_space<vmem>>, vector<16xi32>,
    %get3A_895 = vector.shape_cast %get3A_894 : vector<16xi32> to vector<16xi32>
    %sub3A_896 = vector.broadcast %mul3A_57 : i32 to vector<16xi32>
    %sub3A_897 = arith.subi %get3A_895, %sub3A_896 : vector<16xi32>
    %ge3A_898 = arith.constant 0 : i32
    %ge3A_899 = vector.broadcast %ge3A_898 : i32 to vector<16xi32>
    %ge3A_900 = arith.cmpi sge, %sub3A_897, %ge3A_899 : vector<16xi32>
    %lt3A_901 = arith.constant 512 : i32
    %lt3A_902 = vector.broadcast %lt3A_901 : i32 to vector<16xi32>
    %lt3A_903 = arith.cmpi slt, %sub3A_897, %lt3A_902 : vector<16xi32>
    %and3A_904 = arith.andi %ge3A_900, %lt3A_903 : vector<16xi1>
    %mul3A_905 = arith.constant 1024 : i32
    %mul3A_906 = vector.broadcast %mul3A_905 : i32 to vector<16xi32>
    %mul3A_907 = arith.muli %sub3A_897, %mul3A_906 : vector<16xi32>
    %add3A_908 = arith.addi %mul3A_907, %get3A_892 : vector<16xi32>
    %jit3A_909 = arith.constant 524288 : i32
    %broadcast_in_dim3A_910 = vector.broadcast %jit3A_909 : i32 to vector<16xi32>
    %select_n3A_911 = arith.select %and3A_904, %add3A_908, %broadcast_in_dim3A_910 : vector<16xi1>, vector<16xi32>
    %swap3A_912 = arith.constant 3 : i32
    %swap3A_913 = arith.index_cast %swap3A_912 : i32 to index
    %swap3A_914 = arith.constant 96 : index
    %swap3A_915 = tpu.vector_load %arg8[%swap3A_913, %swap3A_914] {strides = array<i32>} : memref<18x128xi32, #tpu.memory_space<vmem>>, vector<1x16xi32>,
    %swap3A_916 = vector.shape_cast %swap3A_915 : vector<1x16xi32> to vector<16xi32>
    %swap3A_917 = vector.shape_cast %select_n3A_911 : vector<16xi32> to vector<1x16xi32>
    tpu.vector_store %arg8[%swap3A_913, %swap3A_914], %swap3A_917 {strides = array<i32>} : memref<18x128xi32, #tpu.memory_space<vmem>>, vector<1x16xi32>,
    %get3A_918 = arith.constant 496 : index
    %get3A_919 = tpu.vector_load %arg6[%get3A_918] {strides = array<i32>} : memref<2304xi32, #tpu.memory_space<vmem>>, vector<16xi32>,
    %get3A_920 = vector.shape_cast %get3A_919 : vector<16xi32> to vector<16xi32>
    %get3A_921 = arith.constant 496 : index
    %get3A_922 = tpu.vector_load %arg7[%get3A_921] {strides = array<i32>} : memref<2304xi32, #tpu.memory_space<vmem>>, vector<16xi32>,
    %get3A_923 = vector.shape_cast %get3A_922 : vector<16xi32> to vector<16xi32>
    %sub3A_924 = vector.broadcast %mul3A_57 : i32 to vector<16xi32>
    %sub3A_925 = arith.subi %get3A_923, %sub3A_924 : vector<16xi32>
    %ge3A_926 = arith.constant 0 : i32
    %ge3A_927 = vector.broadcast %ge3A_926 : i32 to vector<16xi32>
    %ge3A_928 = arith.cmpi sge, %sub3A_925, %ge3A_927 : vector<16xi32>
    %lt3A_929 = arith.constant 512 : i32
    %lt3A_930 = vector.broadcast %lt3A_929 : i32 to vector<16xi32>
    %lt3A_931 = arith.cmpi slt, %sub3A_925, %lt3A_930 : vector<16xi32>
    %and3A_932 = arith.andi %ge3A_928, %lt3A_931 : vector<16xi1>
    %mul3A_933 = arith.constant 1024 : i32
    %mul3A_934 = vector.broadcast %mul3A_933 : i32 to vector<16xi32>
    %mul3A_935 = arith.muli %sub3A_925, %mul3A_934 : vector<16xi32>
    %add3A_936 = arith.addi %mul3A_935, %get3A_920 : vector<16xi32>
    %jit3A_937 = arith.constant 524288 : i32
    %broadcast_in_dim3A_938 = vector.broadcast %jit3A_937 : i32 to vector<16xi32>
    %select_n3A_939 = arith.select %and3A_932, %add3A_936, %broadcast_in_dim3A_938 : vector<16xi1>, vector<16xi32>
    %swap3A_940 = arith.constant 3 : i32
    %swap3A_941 = arith.index_cast %swap3A_940 : i32 to index
    %swap3A_942 = arith.constant 112 : index
    %swap3A_943 = tpu.vector_load %arg8[%swap3A_941, %swap3A_942] {strides = array<i32>} : memref<18x128xi32, #tpu.memory_space<vmem>>, vector<1x16xi32>,
    %swap3A_944 = vector.shape_cast %swap3A_943 : vector<1x16xi32> to vector<16xi32>
    %swap3A_945 = vector.shape_cast %select_n3A_939 : vector<16xi32> to vector<1x16xi32>
    tpu.vector_store %arg8[%swap3A_941, %swap3A_942], %swap3A_945 {strides = array<i32>} : memref<18x128xi32, #tpu.memory_space<vmem>>, vector<1x16xi32>,
    %get3A_946 = arith.constant 512 : index
    %get3A_947 = tpu.vector_load %arg6[%get3A_946] {strides = array<i32>} : memref<2304xi32, #tpu.memory_space<vmem>>, vector<16xi32>,
    %get3A_948 = vector.shape_cast %get3A_947 : vector<16xi32> to vector<16xi32>
    %get3A_949 = arith.constant 512 : index
    %get3A_950 = tpu.vector_load %arg7[%get3A_949] {strides = array<i32>} : memref<2304xi32, #tpu.memory_space<vmem>>, vector<16xi32>,
    %get3A_951 = vector.shape_cast %get3A_950 : vector<16xi32> to vector<16xi32>
    %sub3A_952 = vector.broadcast %mul3A_57 : i32 to vector<16xi32>
    %sub3A_953 = arith.subi %get3A_951, %sub3A_952 : vector<16xi32>
    %ge3A_954 = arith.constant 0 : i32
    %ge3A_955 = vector.broadcast %ge3A_954 : i32 to vector<16xi32>
    %ge3A_956 = arith.cmpi sge, %sub3A_953, %ge3A_955 : vector<16xi32>
    %lt3A_957 = arith.constant 512 : i32
    %lt3A_958 = vector.broadcast %lt3A_957 : i32 to vector<16xi32>
    %lt3A_959 = arith.cmpi slt, %sub3A_953, %lt3A_958 : vector<16xi32>
    %and3A_960 = arith.andi %ge3A_956, %lt3A_959 : vector<16xi1>
    %mul3A_961 = arith.constant 1024 : i32
    %mul3A_962 = vector.broadcast %mul3A_961 : i32 to vector<16xi32>
    %mul3A_963 = arith.muli %sub3A_953, %mul3A_962 : vector<16xi32>
    %add3A_964 = arith.addi %mul3A_963, %get3A_948 : vector<16xi32>
    %jit3A_965 = arith.constant 524288 : i32
    %broadcast_in_dim3A_966 = vector.broadcast %jit3A_965 : i32 to vector<16xi32>
    %select_n3A_967 = arith.select %and3A_960, %add3A_964, %broadcast_in_dim3A_966 : vector<16xi1>, vector<16xi32>
    %swap3A_968 = arith.constant 4 : i32
    %swap3A_969 = arith.index_cast %swap3A_968 : i32 to index
    %swap3A_970 = arith.constant 0 : index
    %swap3A_971 = tpu.vector_load %arg8[%swap3A_969, %swap3A_970] {strides = array<i32>} : memref<18x128xi32, #tpu.memory_space<vmem>>, vector<1x16xi32>,
    %swap3A_972 = vector.shape_cast %swap3A_971 : vector<1x16xi32> to vector<16xi32>
    %swap3A_973 = vector.shape_cast %select_n3A_967 : vector<16xi32> to vector<1x16xi32>
    tpu.vector_store %arg8[%swap3A_969, %swap3A_970], %swap3A_973 {strides = array<i32>} : memref<18x128xi32, #tpu.memory_space<vmem>>, vector<1x16xi32>,
    %get3A_974 = arith.constant 528 : index
    %get3A_975 = tpu.vector_load %arg6[%get3A_974] {strides = array<i32>} : memref<2304xi32, #tpu.memory_space<vmem>>, vector<16xi32>,
    %get3A_976 = vector.shape_cast %get3A_975 : vector<16xi32> to vector<16xi32>
    %get3A_977 = arith.constant 528 : index
    %get3A_978 = tpu.vector_load %arg7[%get3A_977] {strides = array<i32>} : memref<2304xi32, #tpu.memory_space<vmem>>, vector<16xi32>,
    %get3A_979 = vector.shape_cast %get3A_978 : vector<16xi32> to vector<16xi32>
    %sub3A_980 = vector.broadcast %mul3A_57 : i32 to vector<16xi32>
    %sub3A_981 = arith.subi %get3A_979, %sub3A_980 : vector<16xi32>
    %ge3A_982 = arith.constant 0 : i32
    %ge3A_983 = vector.broadcast %ge3A_982 : i32 to vector<16xi32>
    %ge3A_984 = arith.cmpi sge, %sub3A_981, %ge3A_983 : vector<16xi32>
    %lt3A_985 = arith.constant 512 : i32
    %lt3A_986 = vector.broadcast %lt3A_985 : i32 to vector<16xi32>
    %lt3A_987 = arith.cmpi slt, %sub3A_981, %lt3A_986 : vector<16xi32>
    %and3A_988 = arith.andi %ge3A_984, %lt3A_987 : vector<16xi1>
    %mul3A_989 = arith.constant 1024 : i32
    %mul3A_990 = vector.broadcast %mul3A_989 : i32 to vector<16xi32>
    %mul3A_991 = arith.muli %sub3A_981, %mul3A_990 : vector<16xi32>
    %add3A_992 = arith.addi %mul3A_991, %get3A_976 : vector<16xi32>
    %jit3A_993 = arith.constant 524288 : i32
    %broadcast_in_dim3A_994 = vector.broadcast %jit3A_993 : i32 to vector<16xi32>
    %select_n3A_995 = arith.select %and3A_988, %add3A_992, %broadcast_in_dim3A_994 : vector<16xi1>, vector<16xi32>
    %swap3A_996 = arith.constant 4 : i32
    %swap3A_997 = arith.index_cast %swap3A_996 : i32 to index
    %swap3A_998 = arith.constant 16 : index
    %swap3A_999 = tpu.vector_load %arg8[%swap3A_997, %swap3A_998] {strides = array<i32>} : memref<18x128xi32, #tpu.memory_space<vmem>>, vector<1x16xi32>,
    %swap3A_1000 = vector.shape_cast %swap3A_999 : vector<1x16xi32> to vector<16xi32>
    %swap3A_1001 = vector.shape_cast %select_n3A_995 : vector<16xi32> to vector<1x16xi32>
    tpu.vector_store %arg8[%swap3A_997, %swap3A_998], %swap3A_1001 {strides = array<i32>} : memref<18x128xi32, #tpu.memory_space<vmem>>, vector<1x16xi32>,
    %get3A_1002 = arith.constant 544 : index
    %get3A_1003 = tpu.vector_load %arg6[%get3A_1002] {strides = array<i32>} : memref<2304xi32, #tpu.memory_space<vmem>>, vector<16xi32>,
    %get3A_1004 = vector.shape_cast %get3A_1003 : vector<16xi32> to vector<16xi32>
    %get3A_1005 = arith.constant 544 : index
    %get3A_1006 = tpu.vector_load %arg7[%get3A_1005] {strides = array<i32>} : memref<2304xi32, #tpu.memory_space<vmem>>, vector<16xi32>,
    %get3A_1007 = vector.shape_cast %get3A_1006 : vector<16xi32> to vector<16xi32>
    %sub3A_1008 = vector.broadcast %mul3A_57 : i32 to vector<16xi32>
    %sub3A_1009 = arith.subi %get3A_1007, %sub3A_1008 : vector<16xi32>
    %ge3A_1010 = arith.constant 0 : i32
    %ge3A_1011 = vector.broadcast %ge3A_1010 : i32 to vector<16xi32>
    %ge3A_1012 = arith.cmpi sge, %sub3A_1009, %ge3A_1011 : vector<16xi32>
    %lt3A_1013 = arith.constant 512 : i32
    %lt3A_1014 = vector.broadcast %lt3A_1013 : i32 to vector<16xi32>
    %lt3A_1015 = arith.cmpi slt, %sub3A_1009, %lt3A_1014 : vector<16xi32>
    %and3A_1016 = arith.andi %ge3A_1012, %lt3A_1015 : vector<16xi1>
    %mul3A_1017 = arith.constant 1024 : i32
    %mul3A_1018 = vector.broadcast %mul3A_1017 : i32 to vector<16xi32>
    %mul3A_1019 = arith.muli %sub3A_1009, %mul3A_1018 : vector<16xi32>
    %add3A_1020 = arith.addi %mul3A_1019, %get3A_1004 : vector<16xi32>
    %jit3A_1021 = arith.constant 524288 : i32
    %broadcast_in_dim3A_1022 = vector.broadcast %jit3A_1021 : i32 to vector<16xi32>
    %select_n3A_1023 = arith.select %and3A_1016, %add3A_1020, %broadcast_in_dim3A_1022 : vector<16xi1>, vector<16xi32>
    %swap3A_1024 = arith.constant 4 : i32
    %swap3A_1025 = arith.index_cast %swap3A_1024 : i32 to index
    %swap3A_1026 = arith.constant 32 : index
    %swap3A_1027 = tpu.vector_load %arg8[%swap3A_1025, %swap3A_1026] {strides = array<i32>} : memref<18x128xi32, #tpu.memory_space<vmem>>, vector<1x16xi32>,
    %swap3A_1028 = vector.shape_cast %swap3A_1027 : vector<1x16xi32> to vector<16xi32>
    %swap3A_1029 = vector.shape_cast %select_n3A_1023 : vector<16xi32> to vector<1x16xi32>
    tpu.vector_store %arg8[%swap3A_1025, %swap3A_1026], %swap3A_1029 {strides = array<i32>} : memref<18x128xi32, #tpu.memory_space<vmem>>, vector<1x16xi32>,
    %get3A_1030 = arith.constant 560 : index
    %get3A_1031 = tpu.vector_load %arg6[%get3A_1030] {strides = array<i32>} : memref<2304xi32, #tpu.memory_space<vmem>>, vector<16xi32>,
    %get3A_1032 = vector.shape_cast %get3A_1031 : vector<16xi32> to vector<16xi32>
    %get3A_1033 = arith.constant 560 : index
    %get3A_1034 = tpu.vector_load %arg7[%get3A_1033] {strides = array<i32>} : memref<2304xi32, #tpu.memory_space<vmem>>, vector<16xi32>,
    %get3A_1035 = vector.shape_cast %get3A_1034 : vector<16xi32> to vector<16xi32>
    %sub3A_1036 = vector.broadcast %mul3A_57 : i32 to vector<16xi32>
    %sub3A_1037 = arith.subi %get3A_1035, %sub3A_1036 : vector<16xi32>
    %ge3A_1038 = arith.constant 0 : i32
    %ge3A_1039 = vector.broadcast %ge3A_1038 : i32 to vector<16xi32>
    %ge3A_1040 = arith.cmpi sge, %sub3A_1037, %ge3A_1039 : vector<16xi32>
    %lt3A_1041 = arith.constant 512 : i32
    %lt3A_1042 = vector.broadcast %lt3A_1041 : i32 to vector<16xi32>
    %lt3A_1043 = arith.cmpi slt, %sub3A_1037, %lt3A_1042 : vector<16xi32>
    %and3A_1044 = arith.andi %ge3A_1040, %lt3A_1043 : vector<16xi1>
    %mul3A_1045 = arith.constant 1024 : i32
    %mul3A_1046 = vector.broadcast %mul3A_1045 : i32 to vector<16xi32>
    %mul3A_1047 = arith.muli %sub3A_1037, %mul3A_1046 : vector<16xi32>
    %add3A_1048 = arith.addi %mul3A_1047, %get3A_1032 : vector<16xi32>
    %jit3A_1049 = arith.constant 524288 : i32
    %broadcast_in_dim3A_1050 = vector.broadcast %jit3A_1049 : i32 to vector<16xi32>
    %select_n3A_1051 = arith.select %and3A_1044, %add3A_1048, %broadcast_in_dim3A_1050 : vector<16xi1>, vector<16xi32>
    %swap3A_1052 = arith.constant 4 : i32
    %swap3A_1053 = arith.index_cast %swap3A_1052 : i32 to index
    %swap3A_1054 = arith.constant 48 : index
    %swap3A_1055 = tpu.vector_load %arg8[%swap3A_1053, %swap3A_1054] {strides = array<i32>} : memref<18x128xi32, #tpu.memory_space<vmem>>, vector<1x16xi32>,
    %swap3A_1056 = vector.shape_cast %swap3A_1055 : vector<1x16xi32> to vector<16xi32>
    %swap3A_1057 = vector.shape_cast %select_n3A_1051 : vector<16xi32> to vector<1x16xi32>
    tpu.vector_store %arg8[%swap3A_1053, %swap3A_1054], %swap3A_1057 {strides = array<i32>} : memref<18x128xi32, #tpu.memory_space<vmem>>, vector<1x16xi32>,
    %get3A_1058 = arith.constant 576 : index
    %get3A_1059 = tpu.vector_load %arg6[%get3A_1058] {strides = array<i32>} : memref<2304xi32, #tpu.memory_space<vmem>>, vector<16xi32>,
    %get3A_1060 = vector.shape_cast %get3A_1059 : vector<16xi32> to vector<16xi32>
    %get3A_1061 = arith.constant 576 : index
    %get3A_1062 = tpu.vector_load %arg7[%get3A_1061] {strides = array<i32>} : memref<2304xi32, #tpu.memory_space<vmem>>, vector<16xi32>,
    %get3A_1063 = vector.shape_cast %get3A_1062 : vector<16xi32> to vector<16xi32>
    %sub3A_1064 = vector.broadcast %mul3A_57 : i32 to vector<16xi32>
    %sub3A_1065 = arith.subi %get3A_1063, %sub3A_1064 : vector<16xi32>
    %ge3A_1066 = arith.constant 0 : i32
    %ge3A_1067 = vector.broadcast %ge3A_1066 : i32 to vector<16xi32>
    %ge3A_1068 = arith.cmpi sge, %sub3A_1065, %ge3A_1067 : vector<16xi32>
    %lt3A_1069 = arith.constant 512 : i32
    %lt3A_1070 = vector.broadcast %lt3A_1069 : i32 to vector<16xi32>
    %lt3A_1071 = arith.cmpi slt, %sub3A_1065, %lt3A_1070 : vector<16xi32>
    %and3A_1072 = arith.andi %ge3A_1068, %lt3A_1071 : vector<16xi1>
    %mul3A_1073 = arith.constant 1024 : i32
    %mul3A_1074 = vector.broadcast %mul3A_1073 : i32 to vector<16xi32>
    %mul3A_1075 = arith.muli %sub3A_1065, %mul3A_1074 : vector<16xi32>
    %add3A_1076 = arith.addi %mul3A_1075, %get3A_1060 : vector<16xi32>
    %jit3A_1077 = arith.constant 524288 : i32
    %broadcast_in_dim3A_1078 = vector.broadcast %jit3A_1077 : i32 to vector<16xi32>
    %select_n3A_1079 = arith.select %and3A_1072, %add3A_1076, %broadcast_in_dim3A_1078 : vector<16xi1>, vector<16xi32>
    %swap3A_1080 = arith.constant 4 : i32
    %swap3A_1081 = arith.index_cast %swap3A_1080 : i32 to index
    %swap3A_1082 = arith.constant 64 : index
    %swap3A_1083 = tpu.vector_load %arg8[%swap3A_1081, %swap3A_1082] {strides = array<i32>} : memref<18x128xi32, #tpu.memory_space<vmem>>, vector<1x16xi32>,
    %swap3A_1084 = vector.shape_cast %swap3A_1083 : vector<1x16xi32> to vector<16xi32>
    %swap3A_1085 = vector.shape_cast %select_n3A_1079 : vector<16xi32> to vector<1x16xi32>
    tpu.vector_store %arg8[%swap3A_1081, %swap3A_1082], %swap3A_1085 {strides = array<i32>} : memref<18x128xi32, #tpu.memory_space<vmem>>, vector<1x16xi32>,
    %get3A_1086 = arith.constant 592 : index
    %get3A_1087 = tpu.vector_load %arg6[%get3A_1086] {strides = array<i32>} : memref<2304xi32, #tpu.memory_space<vmem>>, vector<16xi32>,
    %get3A_1088 = vector.shape_cast %get3A_1087 : vector<16xi32> to vector<16xi32>
    %get3A_1089 = arith.constant 592 : index
    %get3A_1090 = tpu.vector_load %arg7[%get3A_1089] {strides = array<i32>} : memref<2304xi32, #tpu.memory_space<vmem>>, vector<16xi32>,
    %get3A_1091 = vector.shape_cast %get3A_1090 : vector<16xi32> to vector<16xi32>
    %sub3A_1092 = vector.broadcast %mul3A_57 : i32 to vector<16xi32>
    %sub3A_1093 = arith.subi %get3A_1091, %sub3A_1092 : vector<16xi32>
    %ge3A_1094 = arith.constant 0 : i32
    %ge3A_1095 = vector.broadcast %ge3A_1094 : i32 to vector<16xi32>
    %ge3A_1096 = arith.cmpi sge, %sub3A_1093, %ge3A_1095 : vector<16xi32>
    %lt3A_1097 = arith.constant 512 : i32
    %lt3A_1098 = vector.broadcast %lt3A_1097 : i32 to vector<16xi32>
    %lt3A_1099 = arith.cmpi slt, %sub3A_1093, %lt3A_1098 : vector<16xi32>
    %and3A_1100 = arith.andi %ge3A_1096, %lt3A_1099 : vector<16xi1>
    %mul3A_1101 = arith.constant 1024 : i32
    %mul3A_1102 = vector.broadcast %mul3A_1101 : i32 to vector<16xi32>
    %mul3A_1103 = arith.muli %sub3A_1093, %mul3A_1102 : vector<16xi32>
    %add3A_1104 = arith.addi %mul3A_1103, %get3A_1088 : vector<16xi32>
    %jit3A_1105 = arith.constant 524288 : i32
    %broadcast_in_dim3A_1106 = vector.broadcast %jit3A_1105 : i32 to vector<16xi32>
    %select_n3A_1107 = arith.select %and3A_1100, %add3A_1104, %broadcast_in_dim3A_1106 : vector<16xi1>, vector<16xi32>
    %swap3A_1108 = arith.constant 4 : i32
    %swap3A_1109 = arith.index_cast %swap3A_1108 : i32 to index
    %swap3A_1110 = arith.constant 80 : index
    %swap3A_1111 = tpu.vector_load %arg8[%swap3A_1109, %swap3A_1110] {strides = array<i32>} : memref<18x128xi32, #tpu.memory_space<vmem>>, vector<1x16xi32>,
    %swap3A_1112 = vector.shape_cast %swap3A_1111 : vector<1x16xi32> to vector<16xi32>
    %swap3A_1113 = vector.shape_cast %select_n3A_1107 : vector<16xi32> to vector<1x16xi32>
    tpu.vector_store %arg8[%swap3A_1109, %swap3A_1110], %swap3A_1113 {strides = array<i32>} : memref<18x128xi32, #tpu.memory_space<vmem>>, vector<1x16xi32>,
    %get3A_1114 = arith.constant 608 : index
    %get3A_1115 = tpu.vector_load %arg6[%get3A_1114] {strides = array<i32>} : memref<2304xi32, #tpu.memory_space<vmem>>, vector<16xi32>,
    %get3A_1116 = vector.shape_cast %get3A_1115 : vector<16xi32> to vector<16xi32>
    %get3A_1117 = arith.constant 608 : index
    %get3A_1118 = tpu.vector_load %arg7[%get3A_1117] {strides = array<i32>} : memref<2304xi32, #tpu.memory_space<vmem>>, vector<16xi32>,
    %get3A_1119 = vector.shape_cast %get3A_1118 : vector<16xi32> to vector<16xi32>
    %sub3A_1120 = vector.broadcast %mul3A_57 : i32 to vector<16xi32>
    %sub3A_1121 = arith.subi %get3A_1119, %sub3A_1120 : vector<16xi32>
    %ge3A_1122 = arith.constant 0 : i32
    %ge3A_1123 = vector.broadcast %ge3A_1122 : i32 to vector<16xi32>
    %ge3A_1124 = arith.cmpi sge, %sub3A_1121, %ge3A_1123 : vector<16xi32>
    %lt3A_1125 = arith.constant 512 : i32
    %lt3A_1126 = vector.broadcast %lt3A_1125 : i32 to vector<16xi32>
    %lt3A_1127 = arith.cmpi slt, %sub3A_1121, %lt3A_1126 : vector<16xi32>
    %and3A_1128 = arith.andi %ge3A_1124, %lt3A_1127 : vector<16xi1>
    %mul3A_1129 = arith.constant 1024 : i32
    %mul3A_1130 = vector.broadcast %mul3A_1129 : i32 to vector<16xi32>
    %mul3A_1131 = arith.muli %sub3A_1121, %mul3A_1130 : vector<16xi32>
    %add3A_1132 = arith.addi %mul3A_1131, %get3A_1116 : vector<16xi32>
    %jit3A_1133 = arith.constant 524288 : i32
    %broadcast_in_dim3A_1134 = vector.broadcast %jit3A_1133 : i32 to vector<16xi32>
    %select_n3A_1135 = arith.select %and3A_1128, %add3A_1132, %broadcast_in_dim3A_1134 : vector<16xi1>, vector<16xi32>
    %swap3A_1136 = arith.constant 4 : i32
    %swap3A_1137 = arith.index_cast %swap3A_1136 : i32 to index
    %swap3A_1138 = arith.constant 96 : index
    %swap3A_1139 = tpu.vector_load %arg8[%swap3A_1137, %swap3A_1138] {strides = array<i32>} : memref<18x128xi32, #tpu.memory_space<vmem>>, vector<1x16xi32>,
    %swap3A_1140 = vector.shape_cast %swap3A_1139 : vector<1x16xi32> to vector<16xi32>
    %swap3A_1141 = vector.shape_cast %select_n3A_1135 : vector<16xi32> to vector<1x16xi32>
    tpu.vector_store %arg8[%swap3A_1137, %swap3A_1138], %swap3A_1141 {strides = array<i32>} : memref<18x128xi32, #tpu.memory_space<vmem>>, vector<1x16xi32>,
    %get3A_1142 = arith.constant 624 : index
    %get3A_1143 = tpu.vector_load %arg6[%get3A_1142] {strides = array<i32>} : memref<2304xi32, #tpu.memory_space<vmem>>, vector<16xi32>,
    %get3A_1144 = vector.shape_cast %get3A_1143 : vector<16xi32> to vector<16xi32>
    %get3A_1145 = arith.constant 624 : index
    %get3A_1146 = tpu.vector_load %arg7[%get3A_1145] {strides = array<i32>} : memref<2304xi32, #tpu.memory_space<vmem>>, vector<16xi32>,
    %get3A_1147 = vector.shape_cast %get3A_1146 : vector<16xi32> to vector<16xi32>
    %sub3A_1148 = vector.broadcast %mul3A_57 : i32 to vector<16xi32>
    %sub3A_1149 = arith.subi %get3A_1147, %sub3A_1148 : vector<16xi32>
    %ge3A_1150 = arith.constant 0 : i32
    %ge3A_1151 = vector.broadcast %ge3A_1150 : i32 to vector<16xi32>
    %ge3A_1152 = arith.cmpi sge, %sub3A_1149, %ge3A_1151 : vector<16xi32>
    %lt3A_1153 = arith.constant 512 : i32
    %lt3A_1154 = vector.broadcast %lt3A_1153 : i32 to vector<16xi32>
    %lt3A_1155 = arith.cmpi slt, %sub3A_1149, %lt3A_1154 : vector<16xi32>
    %and3A_1156 = arith.andi %ge3A_1152, %lt3A_1155 : vector<16xi1>
    %mul3A_1157 = arith.constant 1024 : i32
    %mul3A_1158 = vector.broadcast %mul3A_1157 : i32 to vector<16xi32>
    %mul3A_1159 = arith.muli %sub3A_1149, %mul3A_1158 : vector<16xi32>
    %add3A_1160 = arith.addi %mul3A_1159, %get3A_1144 : vector<16xi32>
    %jit3A_1161 = arith.constant 524288 : i32
    %broadcast_in_dim3A_1162 = vector.broadcast %jit3A_1161 : i32 to vector<16xi32>
    %select_n3A_1163 = arith.select %and3A_1156, %add3A_1160, %broadcast_in_dim3A_1162 : vector<16xi1>, vector<16xi32>
    %swap3A_1164 = arith.constant 4 : i32
    %swap3A_1165 = arith.index_cast %swap3A_1164 : i32 to index
    %swap3A_1166 = arith.constant 112 : index
    %swap3A_1167 = tpu.vector_load %arg8[%swap3A_1165, %swap3A_1166] {strides = array<i32>} : memref<18x128xi32, #tpu.memory_space<vmem>>, vector<1x16xi32>,
    %swap3A_1168 = vector.shape_cast %swap3A_1167 : vector<1x16xi32> to vector<16xi32>
    %swap3A_1169 = vector.shape_cast %select_n3A_1163 : vector<16xi32> to vector<1x16xi32>
    tpu.vector_store %arg8[%swap3A_1165, %swap3A_1166], %swap3A_1169 {strides = array<i32>} : memref<18x128xi32, #tpu.memory_space<vmem>>, vector<1x16xi32>,
    %get3A_1170 = arith.constant 640 : index
    %get3A_1171 = tpu.vector_load %arg6[%get3A_1170] {strides = array<i32>} : memref<2304xi32, #tpu.memory_space<vmem>>, vector<16xi32>,
    %get3A_1172 = vector.shape_cast %get3A_1171 : vector<16xi32> to vector<16xi32>
    %get3A_1173 = arith.constant 640 : index
    %get3A_1174 = tpu.vector_load %arg7[%get3A_1173] {strides = array<i32>} : memref<2304xi32, #tpu.memory_space<vmem>>, vector<16xi32>,
    %get3A_1175 = vector.shape_cast %get3A_1174 : vector<16xi32> to vector<16xi32>
    %sub3A_1176 = vector.broadcast %mul3A_57 : i32 to vector<16xi32>
    %sub3A_1177 = arith.subi %get3A_1175, %sub3A_1176 : vector<16xi32>
    %ge3A_1178 = arith.constant 0 : i32
    %ge3A_1179 = vector.broadcast %ge3A_1178 : i32 to vector<16xi32>
    %ge3A_1180 = arith.cmpi sge, %sub3A_1177, %ge3A_1179 : vector<16xi32>
    %lt3A_1181 = arith.constant 512 : i32
    %lt3A_1182 = vector.broadcast %lt3A_1181 : i32 to vector<16xi32>
    %lt3A_1183 = arith.cmpi slt, %sub3A_1177, %lt3A_1182 : vector<16xi32>
    %and3A_1184 = arith.andi %ge3A_1180, %lt3A_1183 : vector<16xi1>
    %mul3A_1185 = arith.constant 1024 : i32
    %mul3A_1186 = vector.broadcast %mul3A_1185 : i32 to vector<16xi32>
    %mul3A_1187 = arith.muli %sub3A_1177, %mul3A_1186 : vector<16xi32>
    %add3A_1188 = arith.addi %mul3A_1187, %get3A_1172 : vector<16xi32>
    %jit3A_1189 = arith.constant 524288 : i32
    %broadcast_in_dim3A_1190 = vector.broadcast %jit3A_1189 : i32 to vector<16xi32>
    %select_n3A_1191 = arith.select %and3A_1184, %add3A_1188, %broadcast_in_dim3A_1190 : vector<16xi1>, vector<16xi32>
    %swap3A_1192 = arith.constant 5 : i32
    %swap3A_1193 = arith.index_cast %swap3A_1192 : i32 to index
    %swap3A_1194 = arith.constant 0 : index
    %swap3A_1195 = tpu.vector_load %arg8[%swap3A_1193, %swap3A_1194] {strides = array<i32>} : memref<18x128xi32, #tpu.memory_space<vmem>>, vector<1x16xi32>,
    %swap3A_1196 = vector.shape_cast %swap3A_1195 : vector<1x16xi32> to vector<16xi32>
    %swap3A_1197 = vector.shape_cast %select_n3A_1191 : vector<16xi32> to vector<1x16xi32>
    tpu.vector_store %arg8[%swap3A_1193, %swap3A_1194], %swap3A_1197 {strides = array<i32>} : memref<18x128xi32, #tpu.memory_space<vmem>>, vector<1x16xi32>,
    %get3A_1198 = arith.constant 656 : index
    %get3A_1199 = tpu.vector_load %arg6[%get3A_1198] {strides = array<i32>} : memref<2304xi32, #tpu.memory_space<vmem>>, vector<16xi32>,
    %get3A_1200 = vector.shape_cast %get3A_1199 : vector<16xi32> to vector<16xi32>
    %get3A_1201 = arith.constant 656 : index
    %get3A_1202 = tpu.vector_load %arg7[%get3A_1201] {strides = array<i32>} : memref<2304xi32, #tpu.memory_space<vmem>>, vector<16xi32>,
    %get3A_1203 = vector.shape_cast %get3A_1202 : vector<16xi32> to vector<16xi32>
    %sub3A_1204 = vector.broadcast %mul3A_57 : i32 to vector<16xi32>
    %sub3A_1205 = arith.subi %get3A_1203, %sub3A_1204 : vector<16xi32>
    %ge3A_1206 = arith.constant 0 : i32
    %ge3A_1207 = vector.broadcast %ge3A_1206 : i32 to vector<16xi32>
    %ge3A_1208 = arith.cmpi sge, %sub3A_1205, %ge3A_1207 : vector<16xi32>
    %lt3A_1209 = arith.constant 512 : i32
    %lt3A_1210 = vector.broadcast %lt3A_1209 : i32 to vector<16xi32>
    %lt3A_1211 = arith.cmpi slt, %sub3A_1205, %lt3A_1210 : vector<16xi32>
    %and3A_1212 = arith.andi %ge3A_1208, %lt3A_1211 : vector<16xi1>
    %mul3A_1213 = arith.constant 1024 : i32
    %mul3A_1214 = vector.broadcast %mul3A_1213 : i32 to vector<16xi32>
    %mul3A_1215 = arith.muli %sub3A_1205, %mul3A_1214 : vector<16xi32>
    %add3A_1216 = arith.addi %mul3A_1215, %get3A_1200 : vector<16xi32>
    %jit3A_1217 = arith.constant 524288 : i32
    %broadcast_in_dim3A_1218 = vector.broadcast %jit3A_1217 : i32 to vector<16xi32>
    %select_n3A_1219 = arith.select %and3A_1212, %add3A_1216, %broadcast_in_dim3A_1218 : vector<16xi1>, vector<16xi32>
    %swap3A_1220 = arith.constant 5 : i32
    %swap3A_1221 = arith.index_cast %swap3A_1220 : i32 to index
    %swap3A_1222 = arith.constant 16 : index
    %swap3A_1223 = tpu.vector_load %arg8[%swap3A_1221, %swap3A_1222] {strides = array<i32>} : memref<18x128xi32, #tpu.memory_space<vmem>>, vector<1x16xi32>,
    %swap3A_1224 = vector.shape_cast %swap3A_1223 : vector<1x16xi32> to vector<16xi32>
    %swap3A_1225 = vector.shape_cast %select_n3A_1219 : vector<16xi32> to vector<1x16xi32>
    tpu.vector_store %arg8[%swap3A_1221, %swap3A_1222], %swap3A_1225 {strides = array<i32>} : memref<18x128xi32, #tpu.memory_space<vmem>>, vector<1x16xi32>,
    %get3A_1226 = arith.constant 672 : index
    %get3A_1227 = tpu.vector_load %arg6[%get3A_1226] {strides = array<i32>} : memref<2304xi32, #tpu.memory_space<vmem>>, vector<16xi32>,
    %get3A_1228 = vector.shape_cast %get3A_1227 : vector<16xi32> to vector<16xi32>
    %get3A_1229 = arith.constant 672 : index
    %get3A_1230 = tpu.vector_load %arg7[%get3A_1229] {strides = array<i32>} : memref<2304xi32, #tpu.memory_space<vmem>>, vector<16xi32>,
    %get3A_1231 = vector.shape_cast %get3A_1230 : vector<16xi32> to vector<16xi32>
    %sub3A_1232 = vector.broadcast %mul3A_57 : i32 to vector<16xi32>
    %sub3A_1233 = arith.subi %get3A_1231, %sub3A_1232 : vector<16xi32>
    %ge3A_1234 = arith.constant 0 : i32
    %ge3A_1235 = vector.broadcast %ge3A_1234 : i32 to vector<16xi32>
    %ge3A_1236 = arith.cmpi sge, %sub3A_1233, %ge3A_1235 : vector<16xi32>
    %lt3A_1237 = arith.constant 512 : i32
    %lt3A_1238 = vector.broadcast %lt3A_1237 : i32 to vector<16xi32>
    %lt3A_1239 = arith.cmpi slt, %sub3A_1233, %lt3A_1238 : vector<16xi32>
    %and3A_1240 = arith.andi %ge3A_1236, %lt3A_1239 : vector<16xi1>
    %mul3A_1241 = arith.constant 1024 : i32
    %mul3A_1242 = vector.broadcast %mul3A_1241 : i32 to vector<16xi32>
    %mul3A_1243 = arith.muli %sub3A_1233, %mul3A_1242 : vector<16xi32>
    %add3A_1244 = arith.addi %mul3A_1243, %get3A_1228 : vector<16xi32>
    %jit3A_1245 = arith.constant 524288 : i32
    %broadcast_in_dim3A_1246 = vector.broadcast %jit3A_1245 : i32 to vector<16xi32>
    %select_n3A_1247 = arith.select %and3A_1240, %add3A_1244, %broadcast_in_dim3A_1246 : vector<16xi1>, vector<16xi32>
    %swap3A_1248 = arith.constant 5 : i32
    %swap3A_1249 = arith.index_cast %swap3A_1248 : i32 to index
    %swap3A_1250 = arith.constant 32 : index
    %swap3A_1251 = tpu.vector_load %arg8[%swap3A_1249, %swap3A_1250] {strides = array<i32>} : memref<18x128xi32, #tpu.memory_space<vmem>>, vector<1x16xi32>,
    %swap3A_1252 = vector.shape_cast %swap3A_1251 : vector<1x16xi32> to vector<16xi32>
    %swap3A_1253 = vector.shape_cast %select_n3A_1247 : vector<16xi32> to vector<1x16xi32>
    tpu.vector_store %arg8[%swap3A_1249, %swap3A_1250], %swap3A_1253 {strides = array<i32>} : memref<18x128xi32, #tpu.memory_space<vmem>>, vector<1x16xi32>,
    %get3A_1254 = arith.constant 688 : index
    %get3A_1255 = tpu.vector_load %arg6[%get3A_1254] {strides = array<i32>} : memref<2304xi32, #tpu.memory_space<vmem>>, vector<16xi32>,
    %get3A_1256 = vector.shape_cast %get3A_1255 : vector<16xi32> to vector<16xi32>
    %get3A_1257 = arith.constant 688 : index
    %get3A_1258 = tpu.vector_load %arg7[%get3A_1257] {strides = array<i32>} : memref<2304xi32, #tpu.memory_space<vmem>>, vector<16xi32>,
    %get3A_1259 = vector.shape_cast %get3A_1258 : vector<16xi32> to vector<16xi32>
    %sub3A_1260 = vector.broadcast %mul3A_57 : i32 to vector<16xi32>
    %sub3A_1261 = arith.subi %get3A_1259, %sub3A_1260 : vector<16xi32>
    %ge3A_1262 = arith.constant 0 : i32
    %ge3A_1263 = vector.broadcast %ge3A_1262 : i32 to vector<16xi32>
    %ge3A_1264 = arith.cmpi sge, %sub3A_1261, %ge3A_1263 : vector<16xi32>
    %lt3A_1265 = arith.constant 512 : i32
    %lt3A_1266 = vector.broadcast %lt3A_1265 : i32 to vector<16xi32>
    %lt3A_1267 = arith.cmpi slt, %sub3A_1261, %lt3A_1266 : vector<16xi32>
    %and3A_1268 = arith.andi %ge3A_1264, %lt3A_1267 : vector<16xi1>
    %mul3A_1269 = arith.constant 1024 : i32
    %mul3A_1270 = vector.broadcast %mul3A_1269 : i32 to vector<16xi32>
    %mul3A_1271 = arith.muli %sub3A_1261, %mul3A_1270 : vector<16xi32>
    %add3A_1272 = arith.addi %mul3A_1271, %get3A_1256 : vector<16xi32>
    %jit3A_1273 = arith.constant 524288 : i32
    %broadcast_in_dim3A_1274 = vector.broadcast %jit3A_1273 : i32 to vector<16xi32>
    %select_n3A_1275 = arith.select %and3A_1268, %add3A_1272, %broadcast_in_dim3A_1274 : vector<16xi1>, vector<16xi32>
    %swap3A_1276 = arith.constant 5 : i32
    %swap3A_1277 = arith.index_cast %swap3A_1276 : i32 to index
    %swap3A_1278 = arith.constant 48 : index
    %swap3A_1279 = tpu.vector_load %arg8[%swap3A_1277, %swap3A_1278] {strides = array<i32>} : memref<18x128xi32, #tpu.memory_space<vmem>>, vector<1x16xi32>,
    %swap3A_1280 = vector.shape_cast %swap3A_1279 : vector<1x16xi32> to vector<16xi32>
    %swap3A_1281 = vector.shape_cast %select_n3A_1275 : vector<16xi32> to vector<1x16xi32>
    tpu.vector_store %arg8[%swap3A_1277, %swap3A_1278], %swap3A_1281 {strides = array<i32>} : memref<18x128xi32, #tpu.memory_space<vmem>>, vector<1x16xi32>,
    %get3A_1282 = arith.constant 704 : index
    %get3A_1283 = tpu.vector_load %arg6[%get3A_1282] {strides = array<i32>} : memref<2304xi32, #tpu.memory_space<vmem>>, vector<16xi32>,
    %get3A_1284 = vector.shape_cast %get3A_1283 : vector<16xi32> to vector<16xi32>
    %get3A_1285 = arith.constant 704 : index
    %get3A_1286 = tpu.vector_load %arg7[%get3A_1285] {strides = array<i32>} : memref<2304xi32, #tpu.memory_space<vmem>>, vector<16xi32>,
    %get3A_1287 = vector.shape_cast %get3A_1286 : vector<16xi32> to vector<16xi32>
    %sub3A_1288 = vector.broadcast %mul3A_57 : i32 to vector<16xi32>
    %sub3A_1289 = arith.subi %get3A_1287, %sub3A_1288 : vector<16xi32>
    %ge3A_1290 = arith.constant 0 : i32
    %ge3A_1291 = vector.broadcast %ge3A_1290 : i32 to vector<16xi32>
    %ge3A_1292 = arith.cmpi sge, %sub3A_1289, %ge3A_1291 : vector<16xi32>
    %lt3A_1293 = arith.constant 512 : i32
    %lt3A_1294 = vector.broadcast %lt3A_1293 : i32 to vector<16xi32>
    %lt3A_1295 = arith.cmpi slt, %sub3A_1289, %lt3A_1294 : vector<16xi32>
    %and3A_1296 = arith.andi %ge3A_1292, %lt3A_1295 : vector<16xi1>
    %mul3A_1297 = arith.constant 1024 : i32
    %mul3A_1298 = vector.broadcast %mul3A_1297 : i32 to vector<16xi32>
    %mul3A_1299 = arith.muli %sub3A_1289, %mul3A_1298 : vector<16xi32>
    %add3A_1300 = arith.addi %mul3A_1299, %get3A_1284 : vector<16xi32>
    %jit3A_1301 = arith.constant 524288 : i32
    %broadcast_in_dim3A_1302 = vector.broadcast %jit3A_1301 : i32 to vector<16xi32>
    %select_n3A_1303 = arith.select %and3A_1296, %add3A_1300, %broadcast_in_dim3A_1302 : vector<16xi1>, vector<16xi32>
    %swap3A_1304 = arith.constant 5 : i32
    %swap3A_1305 = arith.index_cast %swap3A_1304 : i32 to index
    %swap3A_1306 = arith.constant 64 : index
    %swap3A_1307 = tpu.vector_load %arg8[%swap3A_1305, %swap3A_1306] {strides = array<i32>} : memref<18x128xi32, #tpu.memory_space<vmem>>, vector<1x16xi32>,
    %swap3A_1308 = vector.shape_cast %swap3A_1307 : vector<1x16xi32> to vector<16xi32>
    %swap3A_1309 = vector.shape_cast %select_n3A_1303 : vector<16xi32> to vector<1x16xi32>
    tpu.vector_store %arg8[%swap3A_1305, %swap3A_1306], %swap3A_1309 {strides = array<i32>} : memref<18x128xi32, #tpu.memory_space<vmem>>, vector<1x16xi32>,
    %get3A_1310 = arith.constant 720 : index
    %get3A_1311 = tpu.vector_load %arg6[%get3A_1310] {strides = array<i32>} : memref<2304xi32, #tpu.memory_space<vmem>>, vector<16xi32>,
    %get3A_1312 = vector.shape_cast %get3A_1311 : vector<16xi32> to vector<16xi32>
    %get3A_1313 = arith.constant 720 : index
    %get3A_1314 = tpu.vector_load %arg7[%get3A_1313] {strides = array<i32>} : memref<2304xi32, #tpu.memory_space<vmem>>, vector<16xi32>,
    %get3A_1315 = vector.shape_cast %get3A_1314 : vector<16xi32> to vector<16xi32>
    %sub3A_1316 = vector.broadcast %mul3A_57 : i32 to vector<16xi32>
    %sub3A_1317 = arith.subi %get3A_1315, %sub3A_1316 : vector<16xi32>
    %ge3A_1318 = arith.constant 0 : i32
    %ge3A_1319 = vector.broadcast %ge3A_1318 : i32 to vector<16xi32>
    %ge3A_1320 = arith.cmpi sge, %sub3A_1317, %ge3A_1319 : vector<16xi32>
    %lt3A_1321 = arith.constant 512 : i32
    %lt3A_1322 = vector.broadcast %lt3A_1321 : i32 to vector<16xi32>
    %lt3A_1323 = arith.cmpi slt, %sub3A_1317, %lt3A_1322 : vector<16xi32>
    %and3A_1324 = arith.andi %ge3A_1320, %lt3A_1323 : vector<16xi1>
    %mul3A_1325 = arith.constant 1024 : i32
    %mul3A_1326 = vector.broadcast %mul3A_1325 : i32 to vector<16xi32>
    %mul3A_1327 = arith.muli %sub3A_1317, %mul3A_1326 : vector<16xi32>
    %add3A_1328 = arith.addi %mul3A_1327, %get3A_1312 : vector<16xi32>
    %jit3A_1329 = arith.constant 524288 : i32
    %broadcast_in_dim3A_1330 = vector.broadcast %jit3A_1329 : i32 to vector<16xi32>
    %select_n3A_1331 = arith.select %and3A_1324, %add3A_1328, %broadcast_in_dim3A_1330 : vector<16xi1>, vector<16xi32>
    %swap3A_1332 = arith.constant 5 : i32
    %swap3A_1333 = arith.index_cast %swap3A_1332 : i32 to index
    %swap3A_1334 = arith.constant 80 : index
    %swap3A_1335 = tpu.vector_load %arg8[%swap3A_1333, %swap3A_1334] {strides = array<i32>} : memref<18x128xi32, #tpu.memory_space<vmem>>, vector<1x16xi32>,
    %swap3A_1336 = vector.shape_cast %swap3A_1335 : vector<1x16xi32> to vector<16xi32>
    %swap3A_1337 = vector.shape_cast %select_n3A_1331 : vector<16xi32> to vector<1x16xi32>
    tpu.vector_store %arg8[%swap3A_1333, %swap3A_1334], %swap3A_1337 {strides = array<i32>} : memref<18x128xi32, #tpu.memory_space<vmem>>, vector<1x16xi32>,
    %get3A_1338 = arith.constant 736 : index
    %get3A_1339 = tpu.vector_load %arg6[%get3A_1338] {strides = array<i32>} : memref<2304xi32, #tpu.memory_space<vmem>>, vector<16xi32>,
    %get3A_1340 = vector.shape_cast %get3A_1339 : vector<16xi32> to vector<16xi32>
    %get3A_1341 = arith.constant 736 : index
    %get3A_1342 = tpu.vector_load %arg7[%get3A_1341] {strides = array<i32>} : memref<2304xi32, #tpu.memory_space<vmem>>, vector<16xi32>,
    %get3A_1343 = vector.shape_cast %get3A_1342 : vector<16xi32> to vector<16xi32>
    %sub3A_1344 = vector.broadcast %mul3A_57 : i32 to vector<16xi32>
    %sub3A_1345 = arith.subi %get3A_1343, %sub3A_1344 : vector<16xi32>
    %ge3A_1346 = arith.constant 0 : i32
    %ge3A_1347 = vector.broadcast %ge3A_1346 : i32 to vector<16xi32>
    %ge3A_1348 = arith.cmpi sge, %sub3A_1345, %ge3A_1347 : vector<16xi32>
    %lt3A_1349 = arith.constant 512 : i32
    %lt3A_1350 = vector.broadcast %lt3A_1349 : i32 to vector<16xi32>
    %lt3A_1351 = arith.cmpi slt, %sub3A_1345, %lt3A_1350 : vector<16xi32>
    %and3A_1352 = arith.andi %ge3A_1348, %lt3A_1351 : vector<16xi1>
    %mul3A_1353 = arith.constant 1024 : i32
    %mul3A_1354 = vector.broadcast %mul3A_1353 : i32 to vector<16xi32>
    %mul3A_1355 = arith.muli %sub3A_1345, %mul3A_1354 : vector<16xi32>
    %add3A_1356 = arith.addi %mul3A_1355, %get3A_1340 : vector<16xi32>
    %jit3A_1357 = arith.constant 524288 : i32
    %broadcast_in_dim3A_1358 = vector.broadcast %jit3A_1357 : i32 to vector<16xi32>
    %select_n3A_1359 = arith.select %and3A_1352, %add3A_1356, %broadcast_in_dim3A_1358 : vector<16xi1>, vector<16xi32>
    %swap3A_1360 = arith.constant 5 : i32
    %swap3A_1361 = arith.index_cast %swap3A_1360 : i32 to index
    %swap3A_1362 = arith.constant 96 : index
    %swap3A_1363 = tpu.vector_load %arg8[%swap3A_1361, %swap3A_1362] {strides = array<i32>} : memref<18x128xi32, #tpu.memory_space<vmem>>, vector<1x16xi32>,
    %swap3A_1364 = vector.shape_cast %swap3A_1363 : vector<1x16xi32> to vector<16xi32>
    %swap3A_1365 = vector.shape_cast %select_n3A_1359 : vector<16xi32> to vector<1x16xi32>
    tpu.vector_store %arg8[%swap3A_1361, %swap3A_1362], %swap3A_1365 {strides = array<i32>} : memref<18x128xi32, #tpu.memory_space<vmem>>, vector<1x16xi32>,
    %get3A_1366 = arith.constant 752 : index
    %get3A_1367 = tpu.vector_load %arg6[%get3A_1366] {strides = array<i32>} : memref<2304xi32, #tpu.memory_space<vmem>>, vector<16xi32>,
    %get3A_1368 = vector.shape_cast %get3A_1367 : vector<16xi32> to vector<16xi32>
    %get3A_1369 = arith.constant 752 : index
    %get3A_1370 = tpu.vector_load %arg7[%get3A_1369] {strides = array<i32>} : memref<2304xi32, #tpu.memory_space<vmem>>, vector<16xi32>,
    %get3A_1371 = vector.shape_cast %get3A_1370 : vector<16xi32> to vector<16xi32>
    %sub3A_1372 = vector.broadcast %mul3A_57 : i32 to vector<16xi32>
    %sub3A_1373 = arith.subi %get3A_1371, %sub3A_1372 : vector<16xi32>
    %ge3A_1374 = arith.constant 0 : i32
    %ge3A_1375 = vector.broadcast %ge3A_1374 : i32 to vector<16xi32>
    %ge3A_1376 = arith.cmpi sge, %sub3A_1373, %ge3A_1375 : vector<16xi32>
    %lt3A_1377 = arith.constant 512 : i32
    %lt3A_1378 = vector.broadcast %lt3A_1377 : i32 to vector<16xi32>
    %lt3A_1379 = arith.cmpi slt, %sub3A_1373, %lt3A_1378 : vector<16xi32>
    %and3A_1380 = arith.andi %ge3A_1376, %lt3A_1379 : vector<16xi1>
    %mul3A_1381 = arith.constant 1024 : i32
    %mul3A_1382 = vector.broadcast %mul3A_1381 : i32 to vector<16xi32>
    %mul3A_1383 = arith.muli %sub3A_1373, %mul3A_1382 : vector<16xi32>
    %add3A_1384 = arith.addi %mul3A_1383, %get3A_1368 : vector<16xi32>
    %jit3A_1385 = arith.constant 524288 : i32
    %broadcast_in_dim3A_1386 = vector.broadcast %jit3A_1385 : i32 to vector<16xi32>
    %select_n3A_1387 = arith.select %and3A_1380, %add3A_1384, %broadcast_in_dim3A_1386 : vector<16xi1>, vector<16xi32>
    %swap3A_1388 = arith.constant 5 : i32
    %swap3A_1389 = arith.index_cast %swap3A_1388 : i32 to index
    %swap3A_1390 = arith.constant 112 : index
    %swap3A_1391 = tpu.vector_load %arg8[%swap3A_1389, %swap3A_1390] {strides = array<i32>} : memref<18x128xi32, #tpu.memory_space<vmem>>, vector<1x16xi32>,
    %swap3A_1392 = vector.shape_cast %swap3A_1391 : vector<1x16xi32> to vector<16xi32>
    %swap3A_1393 = vector.shape_cast %select_n3A_1387 : vector<16xi32> to vector<1x16xi32>
    tpu.vector_store %arg8[%swap3A_1389, %swap3A_1390], %swap3A_1393 {strides = array<i32>} : memref<18x128xi32, #tpu.memory_space<vmem>>, vector<1x16xi32>,
    %get3A_1394 = arith.constant 768 : index
    %get3A_1395 = tpu.vector_load %arg6[%get3A_1394] {strides = array<i32>} : memref<2304xi32, #tpu.memory_space<vmem>>, vector<16xi32>,
    %get3A_1396 = vector.shape_cast %get3A_1395 : vector<16xi32> to vector<16xi32>
    %get3A_1397 = arith.constant 768 : index
    %get3A_1398 = tpu.vector_load %arg7[%get3A_1397] {strides = array<i32>} : memref<2304xi32, #tpu.memory_space<vmem>>, vector<16xi32>,
    %get3A_1399 = vector.shape_cast %get3A_1398 : vector<16xi32> to vector<16xi32>
    %sub3A_1400 = vector.broadcast %mul3A_57 : i32 to vector<16xi32>
    %sub3A_1401 = arith.subi %get3A_1399, %sub3A_1400 : vector<16xi32>
    %ge3A_1402 = arith.constant 0 : i32
    %ge3A_1403 = vector.broadcast %ge3A_1402 : i32 to vector<16xi32>
    %ge3A_1404 = arith.cmpi sge, %sub3A_1401, %ge3A_1403 : vector<16xi32>
    %lt3A_1405 = arith.constant 512 : i32
    %lt3A_1406 = vector.broadcast %lt3A_1405 : i32 to vector<16xi32>
    %lt3A_1407 = arith.cmpi slt, %sub3A_1401, %lt3A_1406 : vector<16xi32>
    %and3A_1408 = arith.andi %ge3A_1404, %lt3A_1407 : vector<16xi1>
    %mul3A_1409 = arith.constant 1024 : i32
    %mul3A_1410 = vector.broadcast %mul3A_1409 : i32 to vector<16xi32>
    %mul3A_1411 = arith.muli %sub3A_1401, %mul3A_1410 : vector<16xi32>
    %add3A_1412 = arith.addi %mul3A_1411, %get3A_1396 : vector<16xi32>
    %jit3A_1413 = arith.constant 524288 : i32
    %broadcast_in_dim3A_1414 = vector.broadcast %jit3A_1413 : i32 to vector<16xi32>
    %select_n3A_1415 = arith.select %and3A_1408, %add3A_1412, %broadcast_in_dim3A_1414 : vector<16xi1>, vector<16xi32>
    %swap3A_1416 = arith.constant 6 : i32
    %swap3A_1417 = arith.index_cast %swap3A_1416 : i32 to index
    %swap3A_1418 = arith.constant 0 : index
    %swap3A_1419 = tpu.vector_load %arg8[%swap3A_1417, %swap3A_1418] {strides = array<i32>} : memref<18x128xi32, #tpu.memory_space<vmem>>, vector<1x16xi32>,
    %swap3A_1420 = vector.shape_cast %swap3A_1419 : vector<1x16xi32> to vector<16xi32>
    %swap3A_1421 = vector.shape_cast %select_n3A_1415 : vector<16xi32> to vector<1x16xi32>
    tpu.vector_store %arg8[%swap3A_1417, %swap3A_1418], %swap3A_1421 {strides = array<i32>} : memref<18x128xi32, #tpu.memory_space<vmem>>, vector<1x16xi32>,
    %get3A_1422 = arith.constant 784 : index
    %get3A_1423 = tpu.vector_load %arg6[%get3A_1422] {strides = array<i32>} : memref<2304xi32, #tpu.memory_space<vmem>>, vector<16xi32>,
    %get3A_1424 = vector.shape_cast %get3A_1423 : vector<16xi32> to vector<16xi32>
    %get3A_1425 = arith.constant 784 : index
    %get3A_1426 = tpu.vector_load %arg7[%get3A_1425] {strides = array<i32>} : memref<2304xi32, #tpu.memory_space<vmem>>, vector<16xi32>,
    %get3A_1427 = vector.shape_cast %get3A_1426 : vector<16xi32> to vector<16xi32>
    %sub3A_1428 = vector.broadcast %mul3A_57 : i32 to vector<16xi32>
    %sub3A_1429 = arith.subi %get3A_1427, %sub3A_1428 : vector<16xi32>
    %ge3A_1430 = arith.constant 0 : i32
    %ge3A_1431 = vector.broadcast %ge3A_1430 : i32 to vector<16xi32>
    %ge3A_1432 = arith.cmpi sge, %sub3A_1429, %ge3A_1431 : vector<16xi32>
    %lt3A_1433 = arith.constant 512 : i32
    %lt3A_1434 = vector.broadcast %lt3A_1433 : i32 to vector<16xi32>
    %lt3A_1435 = arith.cmpi slt, %sub3A_1429, %lt3A_1434 : vector<16xi32>
    %and3A_1436 = arith.andi %ge3A_1432, %lt3A_1435 : vector<16xi1>
    %mul3A_1437 = arith.constant 1024 : i32
    %mul3A_1438 = vector.broadcast %mul3A_1437 : i32 to vector<16xi32>
    %mul3A_1439 = arith.muli %sub3A_1429, %mul3A_1438 : vector<16xi32>
    %add3A_1440 = arith.addi %mul3A_1439, %get3A_1424 : vector<16xi32>
    %jit3A_1441 = arith.constant 524288 : i32
    %broadcast_in_dim3A_1442 = vector.broadcast %jit3A_1441 : i32 to vector<16xi32>
    %select_n3A_1443 = arith.select %and3A_1436, %add3A_1440, %broadcast_in_dim3A_1442 : vector<16xi1>, vector<16xi32>
    %swap3A_1444 = arith.constant 6 : i32
    %swap3A_1445 = arith.index_cast %swap3A_1444 : i32 to index
    %swap3A_1446 = arith.constant 16 : index
    %swap3A_1447 = tpu.vector_load %arg8[%swap3A_1445, %swap3A_1446] {strides = array<i32>} : memref<18x128xi32, #tpu.memory_space<vmem>>, vector<1x16xi32>,
    %swap3A_1448 = vector.shape_cast %swap3A_1447 : vector<1x16xi32> to vector<16xi32>
    %swap3A_1449 = vector.shape_cast %select_n3A_1443 : vector<16xi32> to vector<1x16xi32>
    tpu.vector_store %arg8[%swap3A_1445, %swap3A_1446], %swap3A_1449 {strides = array<i32>} : memref<18x128xi32, #tpu.memory_space<vmem>>, vector<1x16xi32>,
    %get3A_1450 = arith.constant 800 : index
    %get3A_1451 = tpu.vector_load %arg6[%get3A_1450] {strides = array<i32>} : memref<2304xi32, #tpu.memory_space<vmem>>, vector<16xi32>,
    %get3A_1452 = vector.shape_cast %get3A_1451 : vector<16xi32> to vector<16xi32>
    %get3A_1453 = arith.constant 800 : index
    %get3A_1454 = tpu.vector_load %arg7[%get3A_1453] {strides = array<i32>} : memref<2304xi32, #tpu.memory_space<vmem>>, vector<16xi32>,
    %get3A_1455 = vector.shape_cast %get3A_1454 : vector<16xi32> to vector<16xi32>
    %sub3A_1456 = vector.broadcast %mul3A_57 : i32 to vector<16xi32>
    %sub3A_1457 = arith.subi %get3A_1455, %sub3A_1456 : vector<16xi32>
    %ge3A_1458 = arith.constant 0 : i32
    %ge3A_1459 = vector.broadcast %ge3A_1458 : i32 to vector<16xi32>
    %ge3A_1460 = arith.cmpi sge, %sub3A_1457, %ge3A_1459 : vector<16xi32>
    %lt3A_1461 = arith.constant 512 : i32
    %lt3A_1462 = vector.broadcast %lt3A_1461 : i32 to vector<16xi32>
    %lt3A_1463 = arith.cmpi slt, %sub3A_1457, %lt3A_1462 : vector<16xi32>
    %and3A_1464 = arith.andi %ge3A_1460, %lt3A_1463 : vector<16xi1>
    %mul3A_1465 = arith.constant 1024 : i32
    %mul3A_1466 = vector.broadcast %mul3A_1465 : i32 to vector<16xi32>
    %mul3A_1467 = arith.muli %sub3A_1457, %mul3A_1466 : vector<16xi32>
    %add3A_1468 = arith.addi %mul3A_1467, %get3A_1452 : vector<16xi32>
    %jit3A_1469 = arith.constant 524288 : i32
    %broadcast_in_dim3A_1470 = vector.broadcast %jit3A_1469 : i32 to vector<16xi32>
    %select_n3A_1471 = arith.select %and3A_1464, %add3A_1468, %broadcast_in_dim3A_1470 : vector<16xi1>, vector<16xi32>
    %swap3A_1472 = arith.constant 6 : i32
    %swap3A_1473 = arith.index_cast %swap3A_1472 : i32 to index
    %swap3A_1474 = arith.constant 32 : index
    %swap3A_1475 = tpu.vector_load %arg8[%swap3A_1473, %swap3A_1474] {strides = array<i32>} : memref<18x128xi32, #tpu.memory_space<vmem>>, vector<1x16xi32>,
    %swap3A_1476 = vector.shape_cast %swap3A_1475 : vector<1x16xi32> to vector<16xi32>
    %swap3A_1477 = vector.shape_cast %select_n3A_1471 : vector<16xi32> to vector<1x16xi32>
    tpu.vector_store %arg8[%swap3A_1473, %swap3A_1474], %swap3A_1477 {strides = array<i32>} : memref<18x128xi32, #tpu.memory_space<vmem>>, vector<1x16xi32>,
    %get3A_1478 = arith.constant 816 : index
    %get3A_1479 = tpu.vector_load %arg6[%get3A_1478] {strides = array<i32>} : memref<2304xi32, #tpu.memory_space<vmem>>, vector<16xi32>,
    %get3A_1480 = vector.shape_cast %get3A_1479 : vector<16xi32> to vector<16xi32>
    %get3A_1481 = arith.constant 816 : index
    %get3A_1482 = tpu.vector_load %arg7[%get3A_1481] {strides = array<i32>} : memref<2304xi32, #tpu.memory_space<vmem>>, vector<16xi32>,
    %get3A_1483 = vector.shape_cast %get3A_1482 : vector<16xi32> to vector<16xi32>
    %sub3A_1484 = vector.broadcast %mul3A_57 : i32 to vector<16xi32>
    %sub3A_1485 = arith.subi %get3A_1483, %sub3A_1484 : vector<16xi32>
    %ge3A_1486 = arith.constant 0 : i32
    %ge3A_1487 = vector.broadcast %ge3A_1486 : i32 to vector<16xi32>
    %ge3A_1488 = arith.cmpi sge, %sub3A_1485, %ge3A_1487 : vector<16xi32>
    %lt3A_1489 = arith.constant 512 : i32
    %lt3A_1490 = vector.broadcast %lt3A_1489 : i32 to vector<16xi32>
    %lt3A_1491 = arith.cmpi slt, %sub3A_1485, %lt3A_1490 : vector<16xi32>
    %and3A_1492 = arith.andi %ge3A_1488, %lt3A_1491 : vector<16xi1>
    %mul3A_1493 = arith.constant 1024 : i32
    %mul3A_1494 = vector.broadcast %mul3A_1493 : i32 to vector<16xi32>
    %mul3A_1495 = arith.muli %sub3A_1485, %mul3A_1494 : vector<16xi32>
    %add3A_1496 = arith.addi %mul3A_1495, %get3A_1480 : vector<16xi32>
    %jit3A_1497 = arith.constant 524288 : i32
    %broadcast_in_dim3A_1498 = vector.broadcast %jit3A_1497 : i32 to vector<16xi32>
    %select_n3A_1499 = arith.select %and3A_1492, %add3A_1496, %broadcast_in_dim3A_1498 : vector<16xi1>, vector<16xi32>
    %swap3A_1500 = arith.constant 6 : i32
    %swap3A_1501 = arith.index_cast %swap3A_1500 : i32 to index
    %swap3A_1502 = arith.constant 48 : index
    %swap3A_1503 = tpu.vector_load %arg8[%swap3A_1501, %swap3A_1502] {strides = array<i32>} : memref<18x128xi32, #tpu.memory_space<vmem>>, vector<1x16xi32>,
    %swap3A_1504 = vector.shape_cast %swap3A_1503 : vector<1x16xi32> to vector<16xi32>
    %swap3A_1505 = vector.shape_cast %select_n3A_1499 : vector<16xi32> to vector<1x16xi32>
    tpu.vector_store %arg8[%swap3A_1501, %swap3A_1502], %swap3A_1505 {strides = array<i32>} : memref<18x128xi32, #tpu.memory_space<vmem>>, vector<1x16xi32>,
    %get3A_1506 = arith.constant 832 : index
    %get3A_1507 = tpu.vector_load %arg6[%get3A_1506] {strides = array<i32>} : memref<2304xi32, #tpu.memory_space<vmem>>, vector<16xi32>,
    %get3A_1508 = vector.shape_cast %get3A_1507 : vector<16xi32> to vector<16xi32>
    %get3A_1509 = arith.constant 832 : index
    %get3A_1510 = tpu.vector_load %arg7[%get3A_1509] {strides = array<i32>} : memref<2304xi32, #tpu.memory_space<vmem>>, vector<16xi32>,
    %get3A_1511 = vector.shape_cast %get3A_1510 : vector<16xi32> to vector<16xi32>
    %sub3A_1512 = vector.broadcast %mul3A_57 : i32 to vector<16xi32>
    %sub3A_1513 = arith.subi %get3A_1511, %sub3A_1512 : vector<16xi32>
    %ge3A_1514 = arith.constant 0 : i32
    %ge3A_1515 = vector.broadcast %ge3A_1514 : i32 to vector<16xi32>
    %ge3A_1516 = arith.cmpi sge, %sub3A_1513, %ge3A_1515 : vector<16xi32>
    %lt3A_1517 = arith.constant 512 : i32
    %lt3A_1518 = vector.broadcast %lt3A_1517 : i32 to vector<16xi32>
    %lt3A_1519 = arith.cmpi slt, %sub3A_1513, %lt3A_1518 : vector<16xi32>
    %and3A_1520 = arith.andi %ge3A_1516, %lt3A_1519 : vector<16xi1>
    %mul3A_1521 = arith.constant 1024 : i32
    %mul3A_1522 = vector.broadcast %mul3A_1521 : i32 to vector<16xi32>
    %mul3A_1523 = arith.muli %sub3A_1513, %mul3A_1522 : vector<16xi32>
    %add3A_1524 = arith.addi %mul3A_1523, %get3A_1508 : vector<16xi32>
    %jit3A_1525 = arith.constant 524288 : i32
    %broadcast_in_dim3A_1526 = vector.broadcast %jit3A_1525 : i32 to vector<16xi32>
    %select_n3A_1527 = arith.select %and3A_1520, %add3A_1524, %broadcast_in_dim3A_1526 : vector<16xi1>, vector<16xi32>
    %swap3A_1528 = arith.constant 6 : i32
    %swap3A_1529 = arith.index_cast %swap3A_1528 : i32 to index
    %swap3A_1530 = arith.constant 64 : index
    %swap3A_1531 = tpu.vector_load %arg8[%swap3A_1529, %swap3A_1530] {strides = array<i32>} : memref<18x128xi32, #tpu.memory_space<vmem>>, vector<1x16xi32>,
    %swap3A_1532 = vector.shape_cast %swap3A_1531 : vector<1x16xi32> to vector<16xi32>
    %swap3A_1533 = vector.shape_cast %select_n3A_1527 : vector<16xi32> to vector<1x16xi32>
    tpu.vector_store %arg8[%swap3A_1529, %swap3A_1530], %swap3A_1533 {strides = array<i32>} : memref<18x128xi32, #tpu.memory_space<vmem>>, vector<1x16xi32>,
    %get3A_1534 = arith.constant 848 : index
    %get3A_1535 = tpu.vector_load %arg6[%get3A_1534] {strides = array<i32>} : memref<2304xi32, #tpu.memory_space<vmem>>, vector<16xi32>,
    %get3A_1536 = vector.shape_cast %get3A_1535 : vector<16xi32> to vector<16xi32>
    %get3A_1537 = arith.constant 848 : index
    %get3A_1538 = tpu.vector_load %arg7[%get3A_1537] {strides = array<i32>} : memref<2304xi32, #tpu.memory_space<vmem>>, vector<16xi32>,
    %get3A_1539 = vector.shape_cast %get3A_1538 : vector<16xi32> to vector<16xi32>
    %sub3A_1540 = vector.broadcast %mul3A_57 : i32 to vector<16xi32>
    %sub3A_1541 = arith.subi %get3A_1539, %sub3A_1540 : vector<16xi32>
    %ge3A_1542 = arith.constant 0 : i32
    %ge3A_1543 = vector.broadcast %ge3A_1542 : i32 to vector<16xi32>
    %ge3A_1544 = arith.cmpi sge, %sub3A_1541, %ge3A_1543 : vector<16xi32>
    %lt3A_1545 = arith.constant 512 : i32
    %lt3A_1546 = vector.broadcast %lt3A_1545 : i32 to vector<16xi32>
    %lt3A_1547 = arith.cmpi slt, %sub3A_1541, %lt3A_1546 : vector<16xi32>
    %and3A_1548 = arith.andi %ge3A_1544, %lt3A_1547 : vector<16xi1>
    %mul3A_1549 = arith.constant 1024 : i32
    %mul3A_1550 = vector.broadcast %mul3A_1549 : i32 to vector<16xi32>
    %mul3A_1551 = arith.muli %sub3A_1541, %mul3A_1550 : vector<16xi32>
    %add3A_1552 = arith.addi %mul3A_1551, %get3A_1536 : vector<16xi32>
    %jit3A_1553 = arith.constant 524288 : i32
    %broadcast_in_dim3A_1554 = vector.broadcast %jit3A_1553 : i32 to vector<16xi32>
    %select_n3A_1555 = arith.select %and3A_1548, %add3A_1552, %broadcast_in_dim3A_1554 : vector<16xi1>, vector<16xi32>
    %swap3A_1556 = arith.constant 6 : i32
    %swap3A_1557 = arith.index_cast %swap3A_1556 : i32 to index
    %swap3A_1558 = arith.constant 80 : index
    %swap3A_1559 = tpu.vector_load %arg8[%swap3A_1557, %swap3A_1558] {strides = array<i32>} : memref<18x128xi32, #tpu.memory_space<vmem>>, vector<1x16xi32>,
    %swap3A_1560 = vector.shape_cast %swap3A_1559 : vector<1x16xi32> to vector<16xi32>
    %swap3A_1561 = vector.shape_cast %select_n3A_1555 : vector<16xi32> to vector<1x16xi32>
    tpu.vector_store %arg8[%swap3A_1557, %swap3A_1558], %swap3A_1561 {strides = array<i32>} : memref<18x128xi32, #tpu.memory_space<vmem>>, vector<1x16xi32>,
    %get3A_1562 = arith.constant 864 : index
    %get3A_1563 = tpu.vector_load %arg6[%get3A_1562] {strides = array<i32>} : memref<2304xi32, #tpu.memory_space<vmem>>, vector<16xi32>,
    %get3A_1564 = vector.shape_cast %get3A_1563 : vector<16xi32> to vector<16xi32>
    %get3A_1565 = arith.constant 864 : index
    %get3A_1566 = tpu.vector_load %arg7[%get3A_1565] {strides = array<i32>} : memref<2304xi32, #tpu.memory_space<vmem>>, vector<16xi32>,
    %get3A_1567 = vector.shape_cast %get3A_1566 : vector<16xi32> to vector<16xi32>
    %sub3A_1568 = vector.broadcast %mul3A_57 : i32 to vector<16xi32>
    %sub3A_1569 = arith.subi %get3A_1567, %sub3A_1568 : vector<16xi32>
    %ge3A_1570 = arith.constant 0 : i32
    %ge3A_1571 = vector.broadcast %ge3A_1570 : i32 to vector<16xi32>
    %ge3A_1572 = arith.cmpi sge, %sub3A_1569, %ge3A_1571 : vector<16xi32>
    %lt3A_1573 = arith.constant 512 : i32
    %lt3A_1574 = vector.broadcast %lt3A_1573 : i32 to vector<16xi32>
    %lt3A_1575 = arith.cmpi slt, %sub3A_1569, %lt3A_1574 : vector<16xi32>
    %and3A_1576 = arith.andi %ge3A_1572, %lt3A_1575 : vector<16xi1>
    %mul3A_1577 = arith.constant 1024 : i32
    %mul3A_1578 = vector.broadcast %mul3A_1577 : i32 to vector<16xi32>
    %mul3A_1579 = arith.muli %sub3A_1569, %mul3A_1578 : vector<16xi32>
    %add3A_1580 = arith.addi %mul3A_1579, %get3A_1564 : vector<16xi32>
    %jit3A_1581 = arith.constant 524288 : i32
    %broadcast_in_dim3A_1582 = vector.broadcast %jit3A_1581 : i32 to vector<16xi32>
    %select_n3A_1583 = arith.select %and3A_1576, %add3A_1580, %broadcast_in_dim3A_1582 : vector<16xi1>, vector<16xi32>
    %swap3A_1584 = arith.constant 6 : i32
    %swap3A_1585 = arith.index_cast %swap3A_1584 : i32 to index
    %swap3A_1586 = arith.constant 96 : index
    %swap3A_1587 = tpu.vector_load %arg8[%swap3A_1585, %swap3A_1586] {strides = array<i32>} : memref<18x128xi32, #tpu.memory_space<vmem>>, vector<1x16xi32>,
    %swap3A_1588 = vector.shape_cast %swap3A_1587 : vector<1x16xi32> to vector<16xi32>
    %swap3A_1589 = vector.shape_cast %select_n3A_1583 : vector<16xi32> to vector<1x16xi32>
    tpu.vector_store %arg8[%swap3A_1585, %swap3A_1586], %swap3A_1589 {strides = array<i32>} : memref<18x128xi32, #tpu.memory_space<vmem>>, vector<1x16xi32>,
    %get3A_1590 = arith.constant 880 : index
    %get3A_1591 = tpu.vector_load %arg6[%get3A_1590] {strides = array<i32>} : memref<2304xi32, #tpu.memory_space<vmem>>, vector<16xi32>,
    %get3A_1592 = vector.shape_cast %get3A_1591 : vector<16xi32> to vector<16xi32>
    %get3A_1593 = arith.constant 880 : index
    %get3A_1594 = tpu.vector_load %arg7[%get3A_1593] {strides = array<i32>} : memref<2304xi32, #tpu.memory_space<vmem>>, vector<16xi32>,
    %get3A_1595 = vector.shape_cast %get3A_1594 : vector<16xi32> to vector<16xi32>
    %sub3A_1596 = vector.broadcast %mul3A_57 : i32 to vector<16xi32>
    %sub3A_1597 = arith.subi %get3A_1595, %sub3A_1596 : vector<16xi32>
    %ge3A_1598 = arith.constant 0 : i32
    %ge3A_1599 = vector.broadcast %ge3A_1598 : i32 to vector<16xi32>
    %ge3A_1600 = arith.cmpi sge, %sub3A_1597, %ge3A_1599 : vector<16xi32>
    %lt3A_1601 = arith.constant 512 : i32
    %lt3A_1602 = vector.broadcast %lt3A_1601 : i32 to vector<16xi32>
    %lt3A_1603 = arith.cmpi slt, %sub3A_1597, %lt3A_1602 : vector<16xi32>
    %and3A_1604 = arith.andi %ge3A_1600, %lt3A_1603 : vector<16xi1>
    %mul3A_1605 = arith.constant 1024 : i32
    %mul3A_1606 = vector.broadcast %mul3A_1605 : i32 to vector<16xi32>
    %mul3A_1607 = arith.muli %sub3A_1597, %mul3A_1606 : vector<16xi32>
    %add3A_1608 = arith.addi %mul3A_1607, %get3A_1592 : vector<16xi32>
    %jit3A_1609 = arith.constant 524288 : i32
    %broadcast_in_dim3A_1610 = vector.broadcast %jit3A_1609 : i32 to vector<16xi32>
    %select_n3A_1611 = arith.select %and3A_1604, %add3A_1608, %broadcast_in_dim3A_1610 : vector<16xi1>, vector<16xi32>
    %swap3A_1612 = arith.constant 6 : i32
    %swap3A_1613 = arith.index_cast %swap3A_1612 : i32 to index
    %swap3A_1614 = arith.constant 112 : index
    %swap3A_1615 = tpu.vector_load %arg8[%swap3A_1613, %swap3A_1614] {strides = array<i32>} : memref<18x128xi32, #tpu.memory_space<vmem>>, vector<1x16xi32>,
    %swap3A_1616 = vector.shape_cast %swap3A_1615 : vector<1x16xi32> to vector<16xi32>
    %swap3A_1617 = vector.shape_cast %select_n3A_1611 : vector<16xi32> to vector<1x16xi32>
    tpu.vector_store %arg8[%swap3A_1613, %swap3A_1614], %swap3A_1617 {strides = array<i32>} : memref<18x128xi32, #tpu.memory_space<vmem>>, vector<1x16xi32>,
    %get3A_1618 = arith.constant 896 : index
    %get3A_1619 = tpu.vector_load %arg6[%get3A_1618] {strides = array<i32>} : memref<2304xi32, #tpu.memory_space<vmem>>, vector<16xi32>,
    %get3A_1620 = vector.shape_cast %get3A_1619 : vector<16xi32> to vector<16xi32>
    %get3A_1621 = arith.constant 896 : index
    %get3A_1622 = tpu.vector_load %arg7[%get3A_1621] {strides = array<i32>} : memref<2304xi32, #tpu.memory_space<vmem>>, vector<16xi32>,
    %get3A_1623 = vector.shape_cast %get3A_1622 : vector<16xi32> to vector<16xi32>
    %sub3A_1624 = vector.broadcast %mul3A_57 : i32 to vector<16xi32>
    %sub3A_1625 = arith.subi %get3A_1623, %sub3A_1624 : vector<16xi32>
    %ge3A_1626 = arith.constant 0 : i32
    %ge3A_1627 = vector.broadcast %ge3A_1626 : i32 to vector<16xi32>
    %ge3A_1628 = arith.cmpi sge, %sub3A_1625, %ge3A_1627 : vector<16xi32>
    %lt3A_1629 = arith.constant 512 : i32
    %lt3A_1630 = vector.broadcast %lt3A_1629 : i32 to vector<16xi32>
    %lt3A_1631 = arith.cmpi slt, %sub3A_1625, %lt3A_1630 : vector<16xi32>
    %and3A_1632 = arith.andi %ge3A_1628, %lt3A_1631 : vector<16xi1>
    %mul3A_1633 = arith.constant 1024 : i32
    %mul3A_1634 = vector.broadcast %mul3A_1633 : i32 to vector<16xi32>
    %mul3A_1635 = arith.muli %sub3A_1625, %mul3A_1634 : vector<16xi32>
    %add3A_1636 = arith.addi %mul3A_1635, %get3A_1620 : vector<16xi32>
    %jit3A_1637 = arith.constant 524288 : i32
    %broadcast_in_dim3A_1638 = vector.broadcast %jit3A_1637 : i32 to vector<16xi32>
    %select_n3A_1639 = arith.select %and3A_1632, %add3A_1636, %broadcast_in_dim3A_1638 : vector<16xi1>, vector<16xi32>
    %swap3A_1640 = arith.constant 7 : i32
    %swap3A_1641 = arith.index_cast %swap3A_1640 : i32 to index
    %swap3A_1642 = arith.constant 0 : index
    %swap3A_1643 = tpu.vector_load %arg8[%swap3A_1641, %swap3A_1642] {strides = array<i32>} : memref<18x128xi32, #tpu.memory_space<vmem>>, vector<1x16xi32>,
    %swap3A_1644 = vector.shape_cast %swap3A_1643 : vector<1x16xi32> to vector<16xi32>
    %swap3A_1645 = vector.shape_cast %select_n3A_1639 : vector<16xi32> to vector<1x16xi32>
    tpu.vector_store %arg8[%swap3A_1641, %swap3A_1642], %swap3A_1645 {strides = array<i32>} : memref<18x128xi32, #tpu.memory_space<vmem>>, vector<1x16xi32>,
    %get3A_1646 = arith.constant 912 : index
    %get3A_1647 = tpu.vector_load %arg6[%get3A_1646] {strides = array<i32>} : memref<2304xi32, #tpu.memory_space<vmem>>, vector<16xi32>,
    %get3A_1648 = vector.shape_cast %get3A_1647 : vector<16xi32> to vector<16xi32>
    %get3A_1649 = arith.constant 912 : index
    %get3A_1650 = tpu.vector_load %arg7[%get3A_1649] {strides = array<i32>} : memref<2304xi32, #tpu.memory_space<vmem>>, vector<16xi32>,
    %get3A_1651 = vector.shape_cast %get3A_1650 : vector<16xi32> to vector<16xi32>
    %sub3A_1652 = vector.broadcast %mul3A_57 : i32 to vector<16xi32>
    %sub3A_1653 = arith.subi %get3A_1651, %sub3A_1652 : vector<16xi32>
    %ge3A_1654 = arith.constant 0 : i32
    %ge3A_1655 = vector.broadcast %ge3A_1654 : i32 to vector<16xi32>
    %ge3A_1656 = arith.cmpi sge, %sub3A_1653, %ge3A_1655 : vector<16xi32>
    %lt3A_1657 = arith.constant 512 : i32
    %lt3A_1658 = vector.broadcast %lt3A_1657 : i32 to vector<16xi32>
    %lt3A_1659 = arith.cmpi slt, %sub3A_1653, %lt3A_1658 : vector<16xi32>
    %and3A_1660 = arith.andi %ge3A_1656, %lt3A_1659 : vector<16xi1>
    %mul3A_1661 = arith.constant 1024 : i32
    %mul3A_1662 = vector.broadcast %mul3A_1661 : i32 to vector<16xi32>
    %mul3A_1663 = arith.muli %sub3A_1653, %mul3A_1662 : vector<16xi32>
    %add3A_1664 = arith.addi %mul3A_1663, %get3A_1648 : vector<16xi32>
    %jit3A_1665 = arith.constant 524288 : i32
    %broadcast_in_dim3A_1666 = vector.broadcast %jit3A_1665 : i32 to vector<16xi32>
    %select_n3A_1667 = arith.select %and3A_1660, %add3A_1664, %broadcast_in_dim3A_1666 : vector<16xi1>, vector<16xi32>
    %swap3A_1668 = arith.constant 7 : i32
    %swap3A_1669 = arith.index_cast %swap3A_1668 : i32 to index
    %swap3A_1670 = arith.constant 16 : index
    %swap3A_1671 = tpu.vector_load %arg8[%swap3A_1669, %swap3A_1670] {strides = array<i32>} : memref<18x128xi32, #tpu.memory_space<vmem>>, vector<1x16xi32>,
    %swap3A_1672 = vector.shape_cast %swap3A_1671 : vector<1x16xi32> to vector<16xi32>
    %swap3A_1673 = vector.shape_cast %select_n3A_1667 : vector<16xi32> to vector<1x16xi32>
    tpu.vector_store %arg8[%swap3A_1669, %swap3A_1670], %swap3A_1673 {strides = array<i32>} : memref<18x128xi32, #tpu.memory_space<vmem>>, vector<1x16xi32>,
    %get3A_1674 = arith.constant 928 : index
    %get3A_1675 = tpu.vector_load %arg6[%get3A_1674] {strides = array<i32>} : memref<2304xi32, #tpu.memory_space<vmem>>, vector<16xi32>,
    %get3A_1676 = vector.shape_cast %get3A_1675 : vector<16xi32> to vector<16xi32>
    %get3A_1677 = arith.constant 928 : index
    %get3A_1678 = tpu.vector_load %arg7[%get3A_1677] {strides = array<i32>} : memref<2304xi32, #tpu.memory_space<vmem>>, vector<16xi32>,
    %get3A_1679 = vector.shape_cast %get3A_1678 : vector<16xi32> to vector<16xi32>
    %sub3A_1680 = vector.broadcast %mul3A_57 : i32 to vector<16xi32>
    %sub3A_1681 = arith.subi %get3A_1679, %sub3A_1680 : vector<16xi32>
    %ge3A_1682 = arith.constant 0 : i32
    %ge3A_1683 = vector.broadcast %ge3A_1682 : i32 to vector<16xi32>
    %ge3A_1684 = arith.cmpi sge, %sub3A_1681, %ge3A_1683 : vector<16xi32>
    %lt3A_1685 = arith.constant 512 : i32
    %lt3A_1686 = vector.broadcast %lt3A_1685 : i32 to vector<16xi32>
    %lt3A_1687 = arith.cmpi slt, %sub3A_1681, %lt3A_1686 : vector<16xi32>
    %and3A_1688 = arith.andi %ge3A_1684, %lt3A_1687 : vector<16xi1>
    %mul3A_1689 = arith.constant 1024 : i32
    %mul3A_1690 = vector.broadcast %mul3A_1689 : i32 to vector<16xi32>
    %mul3A_1691 = arith.muli %sub3A_1681, %mul3A_1690 : vector<16xi32>
    %add3A_1692 = arith.addi %mul3A_1691, %get3A_1676 : vector<16xi32>
    %jit3A_1693 = arith.constant 524288 : i32
    %broadcast_in_dim3A_1694 = vector.broadcast %jit3A_1693 : i32 to vector<16xi32>
    %select_n3A_1695 = arith.select %and3A_1688, %add3A_1692, %broadcast_in_dim3A_1694 : vector<16xi1>, vector<16xi32>
    %swap3A_1696 = arith.constant 7 : i32
    %swap3A_1697 = arith.index_cast %swap3A_1696 : i32 to index
    %swap3A_1698 = arith.constant 32 : index
    %swap3A_1699 = tpu.vector_load %arg8[%swap3A_1697, %swap3A_1698] {strides = array<i32>} : memref<18x128xi32, #tpu.memory_space<vmem>>, vector<1x16xi32>,
    %swap3A_1700 = vector.shape_cast %swap3A_1699 : vector<1x16xi32> to vector<16xi32>
    %swap3A_1701 = vector.shape_cast %select_n3A_1695 : vector<16xi32> to vector<1x16xi32>
    tpu.vector_store %arg8[%swap3A_1697, %swap3A_1698], %swap3A_1701 {strides = array<i32>} : memref<18x128xi32, #tpu.memory_space<vmem>>, vector<1x16xi32>,
    %get3A_1702 = arith.constant 944 : index
    %get3A_1703 = tpu.vector_load %arg6[%get3A_1702] {strides = array<i32>} : memref<2304xi32, #tpu.memory_space<vmem>>, vector<16xi32>,
    %get3A_1704 = vector.shape_cast %get3A_1703 : vector<16xi32> to vector<16xi32>
    %get3A_1705 = arith.constant 944 : index
    %get3A_1706 = tpu.vector_load %arg7[%get3A_1705] {strides = array<i32>} : memref<2304xi32, #tpu.memory_space<vmem>>, vector<16xi32>,
    %get3A_1707 = vector.shape_cast %get3A_1706 : vector<16xi32> to vector<16xi32>
    %sub3A_1708 = vector.broadcast %mul3A_57 : i32 to vector<16xi32>
    %sub3A_1709 = arith.subi %get3A_1707, %sub3A_1708 : vector<16xi32>
    %ge3A_1710 = arith.constant 0 : i32
    %ge3A_1711 = vector.broadcast %ge3A_1710 : i32 to vector<16xi32>
    %ge3A_1712 = arith.cmpi sge, %sub3A_1709, %ge3A_1711 : vector<16xi32>
    %lt3A_1713 = arith.constant 512 : i32
    %lt3A_1714 = vector.broadcast %lt3A_1713 : i32 to vector<16xi32>
    %lt3A_1715 = arith.cmpi slt, %sub3A_1709, %lt3A_1714 : vector<16xi32>
    %and3A_1716 = arith.andi %ge3A_1712, %lt3A_1715 : vector<16xi1>
    %mul3A_1717 = arith.constant 1024 : i32
    %mul3A_1718 = vector.broadcast %mul3A_1717 : i32 to vector<16xi32>
    %mul3A_1719 = arith.muli %sub3A_1709, %mul3A_1718 : vector<16xi32>
    %add3A_1720 = arith.addi %mul3A_1719, %get3A_1704 : vector<16xi32>
    %jit3A_1721 = arith.constant 524288 : i32
    %broadcast_in_dim3A_1722 = vector.broadcast %jit3A_1721 : i32 to vector<16xi32>
    %select_n3A_1723 = arith.select %and3A_1716, %add3A_1720, %broadcast_in_dim3A_1722 : vector<16xi1>, vector<16xi32>
    %swap3A_1724 = arith.constant 7 : i32
    %swap3A_1725 = arith.index_cast %swap3A_1724 : i32 to index
    %swap3A_1726 = arith.constant 48 : index
    %swap3A_1727 = tpu.vector_load %arg8[%swap3A_1725, %swap3A_1726] {strides = array<i32>} : memref<18x128xi32, #tpu.memory_space<vmem>>, vector<1x16xi32>,
    %swap3A_1728 = vector.shape_cast %swap3A_1727 : vector<1x16xi32> to vector<16xi32>
    %swap3A_1729 = vector.shape_cast %select_n3A_1723 : vector<16xi32> to vector<1x16xi32>
    tpu.vector_store %arg8[%swap3A_1725, %swap3A_1726], %swap3A_1729 {strides = array<i32>} : memref<18x128xi32, #tpu.memory_space<vmem>>, vector<1x16xi32>,
    %get3A_1730 = arith.constant 960 : index
    %get3A_1731 = tpu.vector_load %arg6[%get3A_1730] {strides = array<i32>} : memref<2304xi32, #tpu.memory_space<vmem>>, vector<16xi32>,
    %get3A_1732 = vector.shape_cast %get3A_1731 : vector<16xi32> to vector<16xi32>
    %get3A_1733 = arith.constant 960 : index
    %get3A_1734 = tpu.vector_load %arg7[%get3A_1733] {strides = array<i32>} : memref<2304xi32, #tpu.memory_space<vmem>>, vector<16xi32>,
    %get3A_1735 = vector.shape_cast %get3A_1734 : vector<16xi32> to vector<16xi32>
    %sub3A_1736 = vector.broadcast %mul3A_57 : i32 to vector<16xi32>
    %sub3A_1737 = arith.subi %get3A_1735, %sub3A_1736 : vector<16xi32>
    %ge3A_1738 = arith.constant 0 : i32
    %ge3A_1739 = vector.broadcast %ge3A_1738 : i32 to vector<16xi32>
    %ge3A_1740 = arith.cmpi sge, %sub3A_1737, %ge3A_1739 : vector<16xi32>
    %lt3A_1741 = arith.constant 512 : i32
    %lt3A_1742 = vector.broadcast %lt3A_1741 : i32 to vector<16xi32>
    %lt3A_1743 = arith.cmpi slt, %sub3A_1737, %lt3A_1742 : vector<16xi32>
    %and3A_1744 = arith.andi %ge3A_1740, %lt3A_1743 : vector<16xi1>
    %mul3A_1745 = arith.constant 1024 : i32
    %mul3A_1746 = vector.broadcast %mul3A_1745 : i32 to vector<16xi32>
    %mul3A_1747 = arith.muli %sub3A_1737, %mul3A_1746 : vector<16xi32>
    %add3A_1748 = arith.addi %mul3A_1747, %get3A_1732 : vector<16xi32>
    %jit3A_1749 = arith.constant 524288 : i32
    %broadcast_in_dim3A_1750 = vector.broadcast %jit3A_1749 : i32 to vector<16xi32>
    %select_n3A_1751 = arith.select %and3A_1744, %add3A_1748, %broadcast_in_dim3A_1750 : vector<16xi1>, vector<16xi32>
    %swap3A_1752 = arith.constant 7 : i32
    %swap3A_1753 = arith.index_cast %swap3A_1752 : i32 to index
    %swap3A_1754 = arith.constant 64 : index
    %swap3A_1755 = tpu.vector_load %arg8[%swap3A_1753, %swap3A_1754] {strides = array<i32>} : memref<18x128xi32, #tpu.memory_space<vmem>>, vector<1x16xi32>,
    %swap3A_1756 = vector.shape_cast %swap3A_1755 : vector<1x16xi32> to vector<16xi32>
    %swap3A_1757 = vector.shape_cast %select_n3A_1751 : vector<16xi32> to vector<1x16xi32>
    tpu.vector_store %arg8[%swap3A_1753, %swap3A_1754], %swap3A_1757 {strides = array<i32>} : memref<18x128xi32, #tpu.memory_space<vmem>>, vector<1x16xi32>,
    %get3A_1758 = arith.constant 976 : index
    %get3A_1759 = tpu.vector_load %arg6[%get3A_1758] {strides = array<i32>} : memref<2304xi32, #tpu.memory_space<vmem>>, vector<16xi32>,
    %get3A_1760 = vector.shape_cast %get3A_1759 : vector<16xi32> to vector<16xi32>
    %get3A_1761 = arith.constant 976 : index
    %get3A_1762 = tpu.vector_load %arg7[%get3A_1761] {strides = array<i32>} : memref<2304xi32, #tpu.memory_space<vmem>>, vector<16xi32>,
    %get3A_1763 = vector.shape_cast %get3A_1762 : vector<16xi32> to vector<16xi32>
    %sub3A_1764 = vector.broadcast %mul3A_57 : i32 to vector<16xi32>
    %sub3A_1765 = arith.subi %get3A_1763, %sub3A_1764 : vector<16xi32>
    %ge3A_1766 = arith.constant 0 : i32
    %ge3A_1767 = vector.broadcast %ge3A_1766 : i32 to vector<16xi32>
    %ge3A_1768 = arith.cmpi sge, %sub3A_1765, %ge3A_1767 : vector<16xi32>
    %lt3A_1769 = arith.constant 512 : i32
    %lt3A_1770 = vector.broadcast %lt3A_1769 : i32 to vector<16xi32>
    %lt3A_1771 = arith.cmpi slt, %sub3A_1765, %lt3A_1770 : vector<16xi32>
    %and3A_1772 = arith.andi %ge3A_1768, %lt3A_1771 : vector<16xi1>
    %mul3A_1773 = arith.constant 1024 : i32
    %mul3A_1774 = vector.broadcast %mul3A_1773 : i32 to vector<16xi32>
    %mul3A_1775 = arith.muli %sub3A_1765, %mul3A_1774 : vector<16xi32>
    %add3A_1776 = arith.addi %mul3A_1775, %get3A_1760 : vector<16xi32>
    %jit3A_1777 = arith.constant 524288 : i32
    %broadcast_in_dim3A_1778 = vector.broadcast %jit3A_1777 : i32 to vector<16xi32>
    %select_n3A_1779 = arith.select %and3A_1772, %add3A_1776, %broadcast_in_dim3A_1778 : vector<16xi1>, vector<16xi32>
    %swap3A_1780 = arith.constant 7 : i32
    %swap3A_1781 = arith.index_cast %swap3A_1780 : i32 to index
    %swap3A_1782 = arith.constant 80 : index
    %swap3A_1783 = tpu.vector_load %arg8[%swap3A_1781, %swap3A_1782] {strides = array<i32>} : memref<18x128xi32, #tpu.memory_space<vmem>>, vector<1x16xi32>,
    %swap3A_1784 = vector.shape_cast %swap3A_1783 : vector<1x16xi32> to vector<16xi32>
    %swap3A_1785 = vector.shape_cast %select_n3A_1779 : vector<16xi32> to vector<1x16xi32>
    tpu.vector_store %arg8[%swap3A_1781, %swap3A_1782], %swap3A_1785 {strides = array<i32>} : memref<18x128xi32, #tpu.memory_space<vmem>>, vector<1x16xi32>,
    %get3A_1786 = arith.constant 992 : index
    %get3A_1787 = tpu.vector_load %arg6[%get3A_1786] {strides = array<i32>} : memref<2304xi32, #tpu.memory_space<vmem>>, vector<16xi32>,
    %get3A_1788 = vector.shape_cast %get3A_1787 : vector<16xi32> to vector<16xi32>
    %get3A_1789 = arith.constant 992 : index
    %get3A_1790 = tpu.vector_load %arg7[%get3A_1789] {strides = array<i32>} : memref<2304xi32, #tpu.memory_space<vmem>>, vector<16xi32>,
    %get3A_1791 = vector.shape_cast %get3A_1790 : vector<16xi32> to vector<16xi32>
    %sub3A_1792 = vector.broadcast %mul3A_57 : i32 to vector<16xi32>
    %sub3A_1793 = arith.subi %get3A_1791, %sub3A_1792 : vector<16xi32>
    %ge3A_1794 = arith.constant 0 : i32
    %ge3A_1795 = vector.broadcast %ge3A_1794 : i32 to vector<16xi32>
    %ge3A_1796 = arith.cmpi sge, %sub3A_1793, %ge3A_1795 : vector<16xi32>
    %lt3A_1797 = arith.constant 512 : i32
    %lt3A_1798 = vector.broadcast %lt3A_1797 : i32 to vector<16xi32>
    %lt3A_1799 = arith.cmpi slt, %sub3A_1793, %lt3A_1798 : vector<16xi32>
    %and3A_1800 = arith.andi %ge3A_1796, %lt3A_1799 : vector<16xi1>
    %mul3A_1801 = arith.constant 1024 : i32
    %mul3A_1802 = vector.broadcast %mul3A_1801 : i32 to vector<16xi32>
    %mul3A_1803 = arith.muli %sub3A_1793, %mul3A_1802 : vector<16xi32>
    %add3A_1804 = arith.addi %mul3A_1803, %get3A_1788 : vector<16xi32>
    %jit3A_1805 = arith.constant 524288 : i32
    %broadcast_in_dim3A_1806 = vector.broadcast %jit3A_1805 : i32 to vector<16xi32>
    %select_n3A_1807 = arith.select %and3A_1800, %add3A_1804, %broadcast_in_dim3A_1806 : vector<16xi1>, vector<16xi32>
    %swap3A_1808 = arith.constant 7 : i32
    %swap3A_1809 = arith.index_cast %swap3A_1808 : i32 to index
    %swap3A_1810 = arith.constant 96 : index
    %swap3A_1811 = tpu.vector_load %arg8[%swap3A_1809, %swap3A_1810] {strides = array<i32>} : memref<18x128xi32, #tpu.memory_space<vmem>>, vector<1x16xi32>,
    %swap3A_1812 = vector.shape_cast %swap3A_1811 : vector<1x16xi32> to vector<16xi32>
    %swap3A_1813 = vector.shape_cast %select_n3A_1807 : vector<16xi32> to vector<1x16xi32>
    tpu.vector_store %arg8[%swap3A_1809, %swap3A_1810], %swap3A_1813 {strides = array<i32>} : memref<18x128xi32, #tpu.memory_space<vmem>>, vector<1x16xi32>,
    %get3A_1814 = arith.constant 1008 : index
    %get3A_1815 = tpu.vector_load %arg6[%get3A_1814] {strides = array<i32>} : memref<2304xi32, #tpu.memory_space<vmem>>, vector<16xi32>,
    %get3A_1816 = vector.shape_cast %get3A_1815 : vector<16xi32> to vector<16xi32>
    %get3A_1817 = arith.constant 1008 : index
    %get3A_1818 = tpu.vector_load %arg7[%get3A_1817] {strides = array<i32>} : memref<2304xi32, #tpu.memory_space<vmem>>, vector<16xi32>,
    %get3A_1819 = vector.shape_cast %get3A_1818 : vector<16xi32> to vector<16xi32>
    %sub3A_1820 = vector.broadcast %mul3A_57 : i32 to vector<16xi32>
    %sub3A_1821 = arith.subi %get3A_1819, %sub3A_1820 : vector<16xi32>
    %ge3A_1822 = arith.constant 0 : i32
    %ge3A_1823 = vector.broadcast %ge3A_1822 : i32 to vector<16xi32>
    %ge3A_1824 = arith.cmpi sge, %sub3A_1821, %ge3A_1823 : vector<16xi32>
    %lt3A_1825 = arith.constant 512 : i32
    %lt3A_1826 = vector.broadcast %lt3A_1825 : i32 to vector<16xi32>
    %lt3A_1827 = arith.cmpi slt, %sub3A_1821, %lt3A_1826 : vector<16xi32>
    %and3A_1828 = arith.andi %ge3A_1824, %lt3A_1827 : vector<16xi1>
    %mul3A_1829 = arith.constant 1024 : i32
    %mul3A_1830 = vector.broadcast %mul3A_1829 : i32 to vector<16xi32>
    %mul3A_1831 = arith.muli %sub3A_1821, %mul3A_1830 : vector<16xi32>
    %add3A_1832 = arith.addi %mul3A_1831, %get3A_1816 : vector<16xi32>
    %jit3A_1833 = arith.constant 524288 : i32
    %broadcast_in_dim3A_1834 = vector.broadcast %jit3A_1833 : i32 to vector<16xi32>
    %select_n3A_1835 = arith.select %and3A_1828, %add3A_1832, %broadcast_in_dim3A_1834 : vector<16xi1>, vector<16xi32>
    %swap3A_1836 = arith.constant 7 : i32
    %swap3A_1837 = arith.index_cast %swap3A_1836 : i32 to index
    %swap3A_1838 = arith.constant 112 : index
    %swap3A_1839 = tpu.vector_load %arg8[%swap3A_1837, %swap3A_1838] {strides = array<i32>} : memref<18x128xi32, #tpu.memory_space<vmem>>, vector<1x16xi32>,
    %swap3A_1840 = vector.shape_cast %swap3A_1839 : vector<1x16xi32> to vector<16xi32>
    %swap3A_1841 = vector.shape_cast %select_n3A_1835 : vector<16xi32> to vector<1x16xi32>
    tpu.vector_store %arg8[%swap3A_1837, %swap3A_1838], %swap3A_1841 {strides = array<i32>} : memref<18x128xi32, #tpu.memory_space<vmem>>, vector<1x16xi32>,
    %get3A_1842 = arith.constant 1024 : index
    %get3A_1843 = tpu.vector_load %arg6[%get3A_1842] {strides = array<i32>} : memref<2304xi32, #tpu.memory_space<vmem>>, vector<16xi32>,
    %get3A_1844 = vector.shape_cast %get3A_1843 : vector<16xi32> to vector<16xi32>
    %get3A_1845 = arith.constant 1024 : index
    %get3A_1846 = tpu.vector_load %arg7[%get3A_1845] {strides = array<i32>} : memref<2304xi32, #tpu.memory_space<vmem>>, vector<16xi32>,
    %get3A_1847 = vector.shape_cast %get3A_1846 : vector<16xi32> to vector<16xi32>
    %sub3A_1848 = vector.broadcast %mul3A_57 : i32 to vector<16xi32>
    %sub3A_1849 = arith.subi %get3A_1847, %sub3A_1848 : vector<16xi32>
    %ge3A_1850 = arith.constant 0 : i32
    %ge3A_1851 = vector.broadcast %ge3A_1850 : i32 to vector<16xi32>
    %ge3A_1852 = arith.cmpi sge, %sub3A_1849, %ge3A_1851 : vector<16xi32>
    %lt3A_1853 = arith.constant 512 : i32
    %lt3A_1854 = vector.broadcast %lt3A_1853 : i32 to vector<16xi32>
    %lt3A_1855 = arith.cmpi slt, %sub3A_1849, %lt3A_1854 : vector<16xi32>
    %and3A_1856 = arith.andi %ge3A_1852, %lt3A_1855 : vector<16xi1>
    %mul3A_1857 = arith.constant 1024 : i32
    %mul3A_1858 = vector.broadcast %mul3A_1857 : i32 to vector<16xi32>
    %mul3A_1859 = arith.muli %sub3A_1849, %mul3A_1858 : vector<16xi32>
    %add3A_1860 = arith.addi %mul3A_1859, %get3A_1844 : vector<16xi32>
    %jit3A_1861 = arith.constant 524288 : i32
    %broadcast_in_dim3A_1862 = vector.broadcast %jit3A_1861 : i32 to vector<16xi32>
    %select_n3A_1863 = arith.select %and3A_1856, %add3A_1860, %broadcast_in_dim3A_1862 : vector<16xi1>, vector<16xi32>
    %swap3A_1864 = arith.constant 8 : i32
    %swap3A_1865 = arith.index_cast %swap3A_1864 : i32 to index
    %swap3A_1866 = arith.constant 0 : index
    %swap3A_1867 = tpu.vector_load %arg8[%swap3A_1865, %swap3A_1866] {strides = array<i32>} : memref<18x128xi32, #tpu.memory_space<vmem>>, vector<1x16xi32>,
    %swap3A_1868 = vector.shape_cast %swap3A_1867 : vector<1x16xi32> to vector<16xi32>
    %swap3A_1869 = vector.shape_cast %select_n3A_1863 : vector<16xi32> to vector<1x16xi32>
    tpu.vector_store %arg8[%swap3A_1865, %swap3A_1866], %swap3A_1869 {strides = array<i32>} : memref<18x128xi32, #tpu.memory_space<vmem>>, vector<1x16xi32>,
    %get3A_1870 = arith.constant 1040 : index
    %get3A_1871 = tpu.vector_load %arg6[%get3A_1870] {strides = array<i32>} : memref<2304xi32, #tpu.memory_space<vmem>>, vector<16xi32>,
    %get3A_1872 = vector.shape_cast %get3A_1871 : vector<16xi32> to vector<16xi32>
    %get3A_1873 = arith.constant 1040 : index
    %get3A_1874 = tpu.vector_load %arg7[%get3A_1873] {strides = array<i32>} : memref<2304xi32, #tpu.memory_space<vmem>>, vector<16xi32>,
    %get3A_1875 = vector.shape_cast %get3A_1874 : vector<16xi32> to vector<16xi32>
    %sub3A_1876 = vector.broadcast %mul3A_57 : i32 to vector<16xi32>
    %sub3A_1877 = arith.subi %get3A_1875, %sub3A_1876 : vector<16xi32>
    %ge3A_1878 = arith.constant 0 : i32
    %ge3A_1879 = vector.broadcast %ge3A_1878 : i32 to vector<16xi32>
    %ge3A_1880 = arith.cmpi sge, %sub3A_1877, %ge3A_1879 : vector<16xi32>
    %lt3A_1881 = arith.constant 512 : i32
    %lt3A_1882 = vector.broadcast %lt3A_1881 : i32 to vector<16xi32>
    %lt3A_1883 = arith.cmpi slt, %sub3A_1877, %lt3A_1882 : vector<16xi32>
    %and3A_1884 = arith.andi %ge3A_1880, %lt3A_1883 : vector<16xi1>
    %mul3A_1885 = arith.constant 1024 : i32
    %mul3A_1886 = vector.broadcast %mul3A_1885 : i32 to vector<16xi32>
    %mul3A_1887 = arith.muli %sub3A_1877, %mul3A_1886 : vector<16xi32>
    %add3A_1888 = arith.addi %mul3A_1887, %get3A_1872 : vector<16xi32>
    %jit3A_1889 = arith.constant 524288 : i32
    %broadcast_in_dim3A_1890 = vector.broadcast %jit3A_1889 : i32 to vector<16xi32>
    %select_n3A_1891 = arith.select %and3A_1884, %add3A_1888, %broadcast_in_dim3A_1890 : vector<16xi1>, vector<16xi32>
    %swap3A_1892 = arith.constant 8 : i32
    %swap3A_1893 = arith.index_cast %swap3A_1892 : i32 to index
    %swap3A_1894 = arith.constant 16 : index
    %swap3A_1895 = tpu.vector_load %arg8[%swap3A_1893, %swap3A_1894] {strides = array<i32>} : memref<18x128xi32, #tpu.memory_space<vmem>>, vector<1x16xi32>,
    %swap3A_1896 = vector.shape_cast %swap3A_1895 : vector<1x16xi32> to vector<16xi32>
    %swap3A_1897 = vector.shape_cast %select_n3A_1891 : vector<16xi32> to vector<1x16xi32>
    tpu.vector_store %arg8[%swap3A_1893, %swap3A_1894], %swap3A_1897 {strides = array<i32>} : memref<18x128xi32, #tpu.memory_space<vmem>>, vector<1x16xi32>,
    %get3A_1898 = arith.constant 1056 : index
    %get3A_1899 = tpu.vector_load %arg6[%get3A_1898] {strides = array<i32>} : memref<2304xi32, #tpu.memory_space<vmem>>, vector<16xi32>,
    %get3A_1900 = vector.shape_cast %get3A_1899 : vector<16xi32> to vector<16xi32>
    %get3A_1901 = arith.constant 1056 : index
    %get3A_1902 = tpu.vector_load %arg7[%get3A_1901] {strides = array<i32>} : memref<2304xi32, #tpu.memory_space<vmem>>, vector<16xi32>,
    %get3A_1903 = vector.shape_cast %get3A_1902 : vector<16xi32> to vector<16xi32>
    %sub3A_1904 = vector.broadcast %mul3A_57 : i32 to vector<16xi32>
    %sub3A_1905 = arith.subi %get3A_1903, %sub3A_1904 : vector<16xi32>
    %ge3A_1906 = arith.constant 0 : i32
    %ge3A_1907 = vector.broadcast %ge3A_1906 : i32 to vector<16xi32>
    %ge3A_1908 = arith.cmpi sge, %sub3A_1905, %ge3A_1907 : vector<16xi32>
    %lt3A_1909 = arith.constant 512 : i32
    %lt3A_1910 = vector.broadcast %lt3A_1909 : i32 to vector<16xi32>
    %lt3A_1911 = arith.cmpi slt, %sub3A_1905, %lt3A_1910 : vector<16xi32>
    %and3A_1912 = arith.andi %ge3A_1908, %lt3A_1911 : vector<16xi1>
    %mul3A_1913 = arith.constant 1024 : i32
    %mul3A_1914 = vector.broadcast %mul3A_1913 : i32 to vector<16xi32>
    %mul3A_1915 = arith.muli %sub3A_1905, %mul3A_1914 : vector<16xi32>
    %add3A_1916 = arith.addi %mul3A_1915, %get3A_1900 : vector<16xi32>
    %jit3A_1917 = arith.constant 524288 : i32
    %broadcast_in_dim3A_1918 = vector.broadcast %jit3A_1917 : i32 to vector<16xi32>
    %select_n3A_1919 = arith.select %and3A_1912, %add3A_1916, %broadcast_in_dim3A_1918 : vector<16xi1>, vector<16xi32>
    %swap3A_1920 = arith.constant 8 : i32
    %swap3A_1921 = arith.index_cast %swap3A_1920 : i32 to index
    %swap3A_1922 = arith.constant 32 : index
    %swap3A_1923 = tpu.vector_load %arg8[%swap3A_1921, %swap3A_1922] {strides = array<i32>} : memref<18x128xi32, #tpu.memory_space<vmem>>, vector<1x16xi32>,
    %swap3A_1924 = vector.shape_cast %swap3A_1923 : vector<1x16xi32> to vector<16xi32>
    %swap3A_1925 = vector.shape_cast %select_n3A_1919 : vector<16xi32> to vector<1x16xi32>
    tpu.vector_store %arg8[%swap3A_1921, %swap3A_1922], %swap3A_1925 {strides = array<i32>} : memref<18x128xi32, #tpu.memory_space<vmem>>, vector<1x16xi32>,
    %get3A_1926 = arith.constant 1072 : index
    %get3A_1927 = tpu.vector_load %arg6[%get3A_1926] {strides = array<i32>} : memref<2304xi32, #tpu.memory_space<vmem>>, vector<16xi32>,
    %get3A_1928 = vector.shape_cast %get3A_1927 : vector<16xi32> to vector<16xi32>
    %get3A_1929 = arith.constant 1072 : index
    %get3A_1930 = tpu.vector_load %arg7[%get3A_1929] {strides = array<i32>} : memref<2304xi32, #tpu.memory_space<vmem>>, vector<16xi32>,
    %get3A_1931 = vector.shape_cast %get3A_1930 : vector<16xi32> to vector<16xi32>
    %sub3A_1932 = vector.broadcast %mul3A_57 : i32 to vector<16xi32>
    %sub3A_1933 = arith.subi %get3A_1931, %sub3A_1932 : vector<16xi32>
    %ge3A_1934 = arith.constant 0 : i32
    %ge3A_1935 = vector.broadcast %ge3A_1934 : i32 to vector<16xi32>
    %ge3A_1936 = arith.cmpi sge, %sub3A_1933, %ge3A_1935 : vector<16xi32>
    %lt3A_1937 = arith.constant 512 : i32
    %lt3A_1938 = vector.broadcast %lt3A_1937 : i32 to vector<16xi32>
    %lt3A_1939 = arith.cmpi slt, %sub3A_1933, %lt3A_1938 : vector<16xi32>
    %and3A_1940 = arith.andi %ge3A_1936, %lt3A_1939 : vector<16xi1>
    %mul3A_1941 = arith.constant 1024 : i32
    %mul3A_1942 = vector.broadcast %mul3A_1941 : i32 to vector<16xi32>
    %mul3A_1943 = arith.muli %sub3A_1933, %mul3A_1942 : vector<16xi32>
    %add3A_1944 = arith.addi %mul3A_1943, %get3A_1928 : vector<16xi32>
    %jit3A_1945 = arith.constant 524288 : i32
    %broadcast_in_dim3A_1946 = vector.broadcast %jit3A_1945 : i32 to vector<16xi32>
    %select_n3A_1947 = arith.select %and3A_1940, %add3A_1944, %broadcast_in_dim3A_1946 : vector<16xi1>, vector<16xi32>
    %swap3A_1948 = arith.constant 8 : i32
    %swap3A_1949 = arith.index_cast %swap3A_1948 : i32 to index
    %swap3A_1950 = arith.constant 48 : index
    %swap3A_1951 = tpu.vector_load %arg8[%swap3A_1949, %swap3A_1950] {strides = array<i32>} : memref<18x128xi32, #tpu.memory_space<vmem>>, vector<1x16xi32>,
    %swap3A_1952 = vector.shape_cast %swap3A_1951 : vector<1x16xi32> to vector<16xi32>
    %swap3A_1953 = vector.shape_cast %select_n3A_1947 : vector<16xi32> to vector<1x16xi32>
    tpu.vector_store %arg8[%swap3A_1949, %swap3A_1950], %swap3A_1953 {strides = array<i32>} : memref<18x128xi32, #tpu.memory_space<vmem>>, vector<1x16xi32>,
    %get3A_1954 = arith.constant 1088 : index
    %get3A_1955 = tpu.vector_load %arg6[%get3A_1954] {strides = array<i32>} : memref<2304xi32, #tpu.memory_space<vmem>>, vector<16xi32>,
    %get3A_1956 = vector.shape_cast %get3A_1955 : vector<16xi32> to vector<16xi32>
    %get3A_1957 = arith.constant 1088 : index
    %get3A_1958 = tpu.vector_load %arg7[%get3A_1957] {strides = array<i32>} : memref<2304xi32, #tpu.memory_space<vmem>>, vector<16xi32>,
    %get3A_1959 = vector.shape_cast %get3A_1958 : vector<16xi32> to vector<16xi32>
    %sub3A_1960 = vector.broadcast %mul3A_57 : i32 to vector<16xi32>
    %sub3A_1961 = arith.subi %get3A_1959, %sub3A_1960 : vector<16xi32>
    %ge3A_1962 = arith.constant 0 : i32
    %ge3A_1963 = vector.broadcast %ge3A_1962 : i32 to vector<16xi32>
    %ge3A_1964 = arith.cmpi sge, %sub3A_1961, %ge3A_1963 : vector<16xi32>
    %lt3A_1965 = arith.constant 512 : i32
    %lt3A_1966 = vector.broadcast %lt3A_1965 : i32 to vector<16xi32>
    %lt3A_1967 = arith.cmpi slt, %sub3A_1961, %lt3A_1966 : vector<16xi32>
    %and3A_1968 = arith.andi %ge3A_1964, %lt3A_1967 : vector<16xi1>
    %mul3A_1969 = arith.constant 1024 : i32
    %mul3A_1970 = vector.broadcast %mul3A_1969 : i32 to vector<16xi32>
    %mul3A_1971 = arith.muli %sub3A_1961, %mul3A_1970 : vector<16xi32>
    %add3A_1972 = arith.addi %mul3A_1971, %get3A_1956 : vector<16xi32>
    %jit3A_1973 = arith.constant 524288 : i32
    %broadcast_in_dim3A_1974 = vector.broadcast %jit3A_1973 : i32 to vector<16xi32>
    %select_n3A_1975 = arith.select %and3A_1968, %add3A_1972, %broadcast_in_dim3A_1974 : vector<16xi1>, vector<16xi32>
    %swap3A_1976 = arith.constant 8 : i32
    %swap3A_1977 = arith.index_cast %swap3A_1976 : i32 to index
    %swap3A_1978 = arith.constant 64 : index
    %swap3A_1979 = tpu.vector_load %arg8[%swap3A_1977, %swap3A_1978] {strides = array<i32>} : memref<18x128xi32, #tpu.memory_space<vmem>>, vector<1x16xi32>,
    %swap3A_1980 = vector.shape_cast %swap3A_1979 : vector<1x16xi32> to vector<16xi32>
    %swap3A_1981 = vector.shape_cast %select_n3A_1975 : vector<16xi32> to vector<1x16xi32>
    tpu.vector_store %arg8[%swap3A_1977, %swap3A_1978], %swap3A_1981 {strides = array<i32>} : memref<18x128xi32, #tpu.memory_space<vmem>>, vector<1x16xi32>,
    %get3A_1982 = arith.constant 1104 : index
    %get3A_1983 = tpu.vector_load %arg6[%get3A_1982] {strides = array<i32>} : memref<2304xi32, #tpu.memory_space<vmem>>, vector<16xi32>,
    %get3A_1984 = vector.shape_cast %get3A_1983 : vector<16xi32> to vector<16xi32>
    %get3A_1985 = arith.constant 1104 : index
    %get3A_1986 = tpu.vector_load %arg7[%get3A_1985] {strides = array<i32>} : memref<2304xi32, #tpu.memory_space<vmem>>, vector<16xi32>,
    %get3A_1987 = vector.shape_cast %get3A_1986 : vector<16xi32> to vector<16xi32>
    %sub3A_1988 = vector.broadcast %mul3A_57 : i32 to vector<16xi32>
    %sub3A_1989 = arith.subi %get3A_1987, %sub3A_1988 : vector<16xi32>
    %ge3A_1990 = arith.constant 0 : i32
    %ge3A_1991 = vector.broadcast %ge3A_1990 : i32 to vector<16xi32>
    %ge3A_1992 = arith.cmpi sge, %sub3A_1989, %ge3A_1991 : vector<16xi32>
    %lt3A_1993 = arith.constant 512 : i32
    %lt3A_1994 = vector.broadcast %lt3A_1993 : i32 to vector<16xi32>
    %lt3A_1995 = arith.cmpi slt, %sub3A_1989, %lt3A_1994 : vector<16xi32>
    %and3A_1996 = arith.andi %ge3A_1992, %lt3A_1995 : vector<16xi1>
    %mul3A_1997 = arith.constant 1024 : i32
    %mul3A_1998 = vector.broadcast %mul3A_1997 : i32 to vector<16xi32>
    %mul3A_1999 = arith.muli %sub3A_1989, %mul3A_1998 : vector<16xi32>
    %add3A_2000 = arith.addi %mul3A_1999, %get3A_1984 : vector<16xi32>
    %jit3A_2001 = arith.constant 524288 : i32
    %broadcast_in_dim3A_2002 = vector.broadcast %jit3A_2001 : i32 to vector<16xi32>
    %select_n3A_2003 = arith.select %and3A_1996, %add3A_2000, %broadcast_in_dim3A_2002 : vector<16xi1>, vector<16xi32>
    %swap3A_2004 = arith.constant 8 : i32
    %swap3A_2005 = arith.index_cast %swap3A_2004 : i32 to index
    %swap3A_2006 = arith.constant 80 : index
    %swap3A_2007 = tpu.vector_load %arg8[%swap3A_2005, %swap3A_2006] {strides = array<i32>} : memref<18x128xi32, #tpu.memory_space<vmem>>, vector<1x16xi32>,
    %swap3A_2008 = vector.shape_cast %swap3A_2007 : vector<1x16xi32> to vector<16xi32>
    %swap3A_2009 = vector.shape_cast %select_n3A_2003 : vector<16xi32> to vector<1x16xi32>
    tpu.vector_store %arg8[%swap3A_2005, %swap3A_2006], %swap3A_2009 {strides = array<i32>} : memref<18x128xi32, #tpu.memory_space<vmem>>, vector<1x16xi32>,
    %get3A_2010 = arith.constant 1120 : index
    %get3A_2011 = tpu.vector_load %arg6[%get3A_2010] {strides = array<i32>} : memref<2304xi32, #tpu.memory_space<vmem>>, vector<16xi32>,
    %get3A_2012 = vector.shape_cast %get3A_2011 : vector<16xi32> to vector<16xi32>
    %get3A_2013 = arith.constant 1120 : index
    %get3A_2014 = tpu.vector_load %arg7[%get3A_2013] {strides = array<i32>} : memref<2304xi32, #tpu.memory_space<vmem>>, vector<16xi32>,
    %get3A_2015 = vector.shape_cast %get3A_2014 : vector<16xi32> to vector<16xi32>
    %sub3A_2016 = vector.broadcast %mul3A_57 : i32 to vector<16xi32>
    %sub3A_2017 = arith.subi %get3A_2015, %sub3A_2016 : vector<16xi32>
    %ge3A_2018 = arith.constant 0 : i32
    %ge3A_2019 = vector.broadcast %ge3A_2018 : i32 to vector<16xi32>
    %ge3A_2020 = arith.cmpi sge, %sub3A_2017, %ge3A_2019 : vector<16xi32>
    %lt3A_2021 = arith.constant 512 : i32
    %lt3A_2022 = vector.broadcast %lt3A_2021 : i32 to vector<16xi32>
    %lt3A_2023 = arith.cmpi slt, %sub3A_2017, %lt3A_2022 : vector<16xi32>
    %and3A_2024 = arith.andi %ge3A_2020, %lt3A_2023 : vector<16xi1>
    %mul3A_2025 = arith.constant 1024 : i32
    %mul3A_2026 = vector.broadcast %mul3A_2025 : i32 to vector<16xi32>
    %mul3A_2027 = arith.muli %sub3A_2017, %mul3A_2026 : vector<16xi32>
    %add3A_2028 = arith.addi %mul3A_2027, %get3A_2012 : vector<16xi32>
    %jit3A_2029 = arith.constant 524288 : i32
    %broadcast_in_dim3A_2030 = vector.broadcast %jit3A_2029 : i32 to vector<16xi32>
    %select_n3A_2031 = arith.select %and3A_2024, %add3A_2028, %broadcast_in_dim3A_2030 : vector<16xi1>, vector<16xi32>
    %swap3A_2032 = arith.constant 8 : i32
    %swap3A_2033 = arith.index_cast %swap3A_2032 : i32 to index
    %swap3A_2034 = arith.constant 96 : index
    %swap3A_2035 = tpu.vector_load %arg8[%swap3A_2033, %swap3A_2034] {strides = array<i32>} : memref<18x128xi32, #tpu.memory_space<vmem>>, vector<1x16xi32>,
    %swap3A_2036 = vector.shape_cast %swap3A_2035 : vector<1x16xi32> to vector<16xi32>
    %swap3A_2037 = vector.shape_cast %select_n3A_2031 : vector<16xi32> to vector<1x16xi32>
    tpu.vector_store %arg8[%swap3A_2033, %swap3A_2034], %swap3A_2037 {strides = array<i32>} : memref<18x128xi32, #tpu.memory_space<vmem>>, vector<1x16xi32>,
    %get3A_2038 = arith.constant 1136 : index
    %get3A_2039 = tpu.vector_load %arg6[%get3A_2038] {strides = array<i32>} : memref<2304xi32, #tpu.memory_space<vmem>>, vector<16xi32>,
    %get3A_2040 = vector.shape_cast %get3A_2039 : vector<16xi32> to vector<16xi32>
    %get3A_2041 = arith.constant 1136 : index
    %get3A_2042 = tpu.vector_load %arg7[%get3A_2041] {strides = array<i32>} : memref<2304xi32, #tpu.memory_space<vmem>>, vector<16xi32>,
    %get3A_2043 = vector.shape_cast %get3A_2042 : vector<16xi32> to vector<16xi32>
    %sub3A_2044 = vector.broadcast %mul3A_57 : i32 to vector<16xi32>
    %sub3A_2045 = arith.subi %get3A_2043, %sub3A_2044 : vector<16xi32>
    %ge3A_2046 = arith.constant 0 : i32
    %ge3A_2047 = vector.broadcast %ge3A_2046 : i32 to vector<16xi32>
    %ge3A_2048 = arith.cmpi sge, %sub3A_2045, %ge3A_2047 : vector<16xi32>
    %lt3A_2049 = arith.constant 512 : i32
    %lt3A_2050 = vector.broadcast %lt3A_2049 : i32 to vector<16xi32>
    %lt3A_2051 = arith.cmpi slt, %sub3A_2045, %lt3A_2050 : vector<16xi32>
    %and3A_2052 = arith.andi %ge3A_2048, %lt3A_2051 : vector<16xi1>
    %mul3A_2053 = arith.constant 1024 : i32
    %mul3A_2054 = vector.broadcast %mul3A_2053 : i32 to vector<16xi32>
    %mul3A_2055 = arith.muli %sub3A_2045, %mul3A_2054 : vector<16xi32>
    %add3A_2056 = arith.addi %mul3A_2055, %get3A_2040 : vector<16xi32>
    %jit3A_2057 = arith.constant 524288 : i32
    %broadcast_in_dim3A_2058 = vector.broadcast %jit3A_2057 : i32 to vector<16xi32>
    %select_n3A_2059 = arith.select %and3A_2052, %add3A_2056, %broadcast_in_dim3A_2058 : vector<16xi1>, vector<16xi32>
    %swap3A_2060 = arith.constant 8 : i32
    %swap3A_2061 = arith.index_cast %swap3A_2060 : i32 to index
    %swap3A_2062 = arith.constant 112 : index
    %swap3A_2063 = tpu.vector_load %arg8[%swap3A_2061, %swap3A_2062] {strides = array<i32>} : memref<18x128xi32, #tpu.memory_space<vmem>>, vector<1x16xi32>,
    %swap3A_2064 = vector.shape_cast %swap3A_2063 : vector<1x16xi32> to vector<16xi32>
    %swap3A_2065 = vector.shape_cast %select_n3A_2059 : vector<16xi32> to vector<1x16xi32>
    tpu.vector_store %arg8[%swap3A_2061, %swap3A_2062], %swap3A_2065 {strides = array<i32>} : memref<18x128xi32, #tpu.memory_space<vmem>>, vector<1x16xi32>,
    %get3A_2066 = arith.constant 1152 : index
    %get3A_2067 = tpu.vector_load %arg6[%get3A_2066] {strides = array<i32>} : memref<2304xi32, #tpu.memory_space<vmem>>, vector<16xi32>,
    %get3A_2068 = vector.shape_cast %get3A_2067 : vector<16xi32> to vector<16xi32>
    %get3A_2069 = arith.constant 1152 : index
    %get3A_2070 = tpu.vector_load %arg7[%get3A_2069] {strides = array<i32>} : memref<2304xi32, #tpu.memory_space<vmem>>, vector<16xi32>,
    %get3A_2071 = vector.shape_cast %get3A_2070 : vector<16xi32> to vector<16xi32>
    %sub3A_2072 = vector.broadcast %mul3A_57 : i32 to vector<16xi32>
    %sub3A_2073 = arith.subi %get3A_2071, %sub3A_2072 : vector<16xi32>
    %ge3A_2074 = arith.constant 0 : i32
    %ge3A_2075 = vector.broadcast %ge3A_2074 : i32 to vector<16xi32>
    %ge3A_2076 = arith.cmpi sge, %sub3A_2073, %ge3A_2075 : vector<16xi32>
    %lt3A_2077 = arith.constant 512 : i32
    %lt3A_2078 = vector.broadcast %lt3A_2077 : i32 to vector<16xi32>
    %lt3A_2079 = arith.cmpi slt, %sub3A_2073, %lt3A_2078 : vector<16xi32>
    %and3A_2080 = arith.andi %ge3A_2076, %lt3A_2079 : vector<16xi1>
    %mul3A_2081 = arith.constant 1024 : i32
    %mul3A_2082 = vector.broadcast %mul3A_2081 : i32 to vector<16xi32>
    %mul3A_2083 = arith.muli %sub3A_2073, %mul3A_2082 : vector<16xi32>
    %add3A_2084 = arith.addi %mul3A_2083, %get3A_2068 : vector<16xi32>
    %jit3A_2085 = arith.constant 524288 : i32
    %broadcast_in_dim3A_2086 = vector.broadcast %jit3A_2085 : i32 to vector<16xi32>
    %select_n3A_2087 = arith.select %and3A_2080, %add3A_2084, %broadcast_in_dim3A_2086 : vector<16xi1>, vector<16xi32>
    %swap3A_2088 = arith.constant 9 : i32
    %swap3A_2089 = arith.index_cast %swap3A_2088 : i32 to index
    %swap3A_2090 = arith.constant 0 : index
    %swap3A_2091 = tpu.vector_load %arg8[%swap3A_2089, %swap3A_2090] {strides = array<i32>} : memref<18x128xi32, #tpu.memory_space<vmem>>, vector<1x16xi32>,
    %swap3A_2092 = vector.shape_cast %swap3A_2091 : vector<1x16xi32> to vector<16xi32>
    %swap3A_2093 = vector.shape_cast %select_n3A_2087 : vector<16xi32> to vector<1x16xi32>
    tpu.vector_store %arg8[%swap3A_2089, %swap3A_2090], %swap3A_2093 {strides = array<i32>} : memref<18x128xi32, #tpu.memory_space<vmem>>, vector<1x16xi32>,
    %get3A_2094 = arith.constant 1168 : index
    %get3A_2095 = tpu.vector_load %arg6[%get3A_2094] {strides = array<i32>} : memref<2304xi32, #tpu.memory_space<vmem>>, vector<16xi32>,
    %get3A_2096 = vector.shape_cast %get3A_2095 : vector<16xi32> to vector<16xi32>
    %get3A_2097 = arith.constant 1168 : index
    %get3A_2098 = tpu.vector_load %arg7[%get3A_2097] {strides = array<i32>} : memref<2304xi32, #tpu.memory_space<vmem>>, vector<16xi32>,
    %get3A_2099 = vector.shape_cast %get3A_2098 : vector<16xi32> to vector<16xi32>
    %sub3A_2100 = vector.broadcast %mul3A_57 : i32 to vector<16xi32>
    %sub3A_2101 = arith.subi %get3A_2099, %sub3A_2100 : vector<16xi32>
    %ge3A_2102 = arith.constant 0 : i32
    %ge3A_2103 = vector.broadcast %ge3A_2102 : i32 to vector<16xi32>
    %ge3A_2104 = arith.cmpi sge, %sub3A_2101, %ge3A_2103 : vector<16xi32>
    %lt3A_2105 = arith.constant 512 : i32
    %lt3A_2106 = vector.broadcast %lt3A_2105 : i32 to vector<16xi32>
    %lt3A_2107 = arith.cmpi slt, %sub3A_2101, %lt3A_2106 : vector<16xi32>
    %and3A_2108 = arith.andi %ge3A_2104, %lt3A_2107 : vector<16xi1>
    %mul3A_2109 = arith.constant 1024 : i32
    %mul3A_2110 = vector.broadcast %mul3A_2109 : i32 to vector<16xi32>
    %mul3A_2111 = arith.muli %sub3A_2101, %mul3A_2110 : vector<16xi32>
    %add3A_2112 = arith.addi %mul3A_2111, %get3A_2096 : vector<16xi32>
    %jit3A_2113 = arith.constant 524288 : i32
    %broadcast_in_dim3A_2114 = vector.broadcast %jit3A_2113 : i32 to vector<16xi32>
    %select_n3A_2115 = arith.select %and3A_2108, %add3A_2112, %broadcast_in_dim3A_2114 : vector<16xi1>, vector<16xi32>
    %swap3A_2116 = arith.constant 9 : i32
    %swap3A_2117 = arith.index_cast %swap3A_2116 : i32 to index
    %swap3A_2118 = arith.constant 16 : index
    %swap3A_2119 = tpu.vector_load %arg8[%swap3A_2117, %swap3A_2118] {strides = array<i32>} : memref<18x128xi32, #tpu.memory_space<vmem>>, vector<1x16xi32>,
    %swap3A_2120 = vector.shape_cast %swap3A_2119 : vector<1x16xi32> to vector<16xi32>
    %swap3A_2121 = vector.shape_cast %select_n3A_2115 : vector<16xi32> to vector<1x16xi32>
    tpu.vector_store %arg8[%swap3A_2117, %swap3A_2118], %swap3A_2121 {strides = array<i32>} : memref<18x128xi32, #tpu.memory_space<vmem>>, vector<1x16xi32>,
    %get3A_2122 = arith.constant 1184 : index
    %get3A_2123 = tpu.vector_load %arg6[%get3A_2122] {strides = array<i32>} : memref<2304xi32, #tpu.memory_space<vmem>>, vector<16xi32>,
    %get3A_2124 = vector.shape_cast %get3A_2123 : vector<16xi32> to vector<16xi32>
    %get3A_2125 = arith.constant 1184 : index
    %get3A_2126 = tpu.vector_load %arg7[%get3A_2125] {strides = array<i32>} : memref<2304xi32, #tpu.memory_space<vmem>>, vector<16xi32>,
    %get3A_2127 = vector.shape_cast %get3A_2126 : vector<16xi32> to vector<16xi32>
    %sub3A_2128 = vector.broadcast %mul3A_57 : i32 to vector<16xi32>
    %sub3A_2129 = arith.subi %get3A_2127, %sub3A_2128 : vector<16xi32>
    %ge3A_2130 = arith.constant 0 : i32
    %ge3A_2131 = vector.broadcast %ge3A_2130 : i32 to vector<16xi32>
    %ge3A_2132 = arith.cmpi sge, %sub3A_2129, %ge3A_2131 : vector<16xi32>
    %lt3A_2133 = arith.constant 512 : i32
    %lt3A_2134 = vector.broadcast %lt3A_2133 : i32 to vector<16xi32>
    %lt3A_2135 = arith.cmpi slt, %sub3A_2129, %lt3A_2134 : vector<16xi32>
    %and3A_2136 = arith.andi %ge3A_2132, %lt3A_2135 : vector<16xi1>
    %mul3A_2137 = arith.constant 1024 : i32
    %mul3A_2138 = vector.broadcast %mul3A_2137 : i32 to vector<16xi32>
    %mul3A_2139 = arith.muli %sub3A_2129, %mul3A_2138 : vector<16xi32>
    %add3A_2140 = arith.addi %mul3A_2139, %get3A_2124 : vector<16xi32>
    %jit3A_2141 = arith.constant 524288 : i32
    %broadcast_in_dim3A_2142 = vector.broadcast %jit3A_2141 : i32 to vector<16xi32>
    %select_n3A_2143 = arith.select %and3A_2136, %add3A_2140, %broadcast_in_dim3A_2142 : vector<16xi1>, vector<16xi32>
    %swap3A_2144 = arith.constant 9 : i32
    %swap3A_2145 = arith.index_cast %swap3A_2144 : i32 to index
    %swap3A_2146 = arith.constant 32 : index
    %swap3A_2147 = tpu.vector_load %arg8[%swap3A_2145, %swap3A_2146] {strides = array<i32>} : memref<18x128xi32, #tpu.memory_space<vmem>>, vector<1x16xi32>,
    %swap3A_2148 = vector.shape_cast %swap3A_2147 : vector<1x16xi32> to vector<16xi32>
    %swap3A_2149 = vector.shape_cast %select_n3A_2143 : vector<16xi32> to vector<1x16xi32>
    tpu.vector_store %arg8[%swap3A_2145, %swap3A_2146], %swap3A_2149 {strides = array<i32>} : memref<18x128xi32, #tpu.memory_space<vmem>>, vector<1x16xi32>,
    %get3A_2150 = arith.constant 1200 : index
    %get3A_2151 = tpu.vector_load %arg6[%get3A_2150] {strides = array<i32>} : memref<2304xi32, #tpu.memory_space<vmem>>, vector<16xi32>,
    %get3A_2152 = vector.shape_cast %get3A_2151 : vector<16xi32> to vector<16xi32>
    %get3A_2153 = arith.constant 1200 : index
    %get3A_2154 = tpu.vector_load %arg7[%get3A_2153] {strides = array<i32>} : memref<2304xi32, #tpu.memory_space<vmem>>, vector<16xi32>,
    %get3A_2155 = vector.shape_cast %get3A_2154 : vector<16xi32> to vector<16xi32>
    %sub3A_2156 = vector.broadcast %mul3A_57 : i32 to vector<16xi32>
    %sub3A_2157 = arith.subi %get3A_2155, %sub3A_2156 : vector<16xi32>
    %ge3A_2158 = arith.constant 0 : i32
    %ge3A_2159 = vector.broadcast %ge3A_2158 : i32 to vector<16xi32>
    %ge3A_2160 = arith.cmpi sge, %sub3A_2157, %ge3A_2159 : vector<16xi32>
    %lt3A_2161 = arith.constant 512 : i32
    %lt3A_2162 = vector.broadcast %lt3A_2161 : i32 to vector<16xi32>
    %lt3A_2163 = arith.cmpi slt, %sub3A_2157, %lt3A_2162 : vector<16xi32>
    %and3A_2164 = arith.andi %ge3A_2160, %lt3A_2163 : vector<16xi1>
    %mul3A_2165 = arith.constant 1024 : i32
    %mul3A_2166 = vector.broadcast %mul3A_2165 : i32 to vector<16xi32>
    %mul3A_2167 = arith.muli %sub3A_2157, %mul3A_2166 : vector<16xi32>
    %add3A_2168 = arith.addi %mul3A_2167, %get3A_2152 : vector<16xi32>
    %jit3A_2169 = arith.constant 524288 : i32
    %broadcast_in_dim3A_2170 = vector.broadcast %jit3A_2169 : i32 to vector<16xi32>
    %select_n3A_2171 = arith.select %and3A_2164, %add3A_2168, %broadcast_in_dim3A_2170 : vector<16xi1>, vector<16xi32>
    %swap3A_2172 = arith.constant 9 : i32
    %swap3A_2173 = arith.index_cast %swap3A_2172 : i32 to index
    %swap3A_2174 = arith.constant 48 : index
    %swap3A_2175 = tpu.vector_load %arg8[%swap3A_2173, %swap3A_2174] {strides = array<i32>} : memref<18x128xi32, #tpu.memory_space<vmem>>, vector<1x16xi32>,
    %swap3A_2176 = vector.shape_cast %swap3A_2175 : vector<1x16xi32> to vector<16xi32>
    %swap3A_2177 = vector.shape_cast %select_n3A_2171 : vector<16xi32> to vector<1x16xi32>
    tpu.vector_store %arg8[%swap3A_2173, %swap3A_2174], %swap3A_2177 {strides = array<i32>} : memref<18x128xi32, #tpu.memory_space<vmem>>, vector<1x16xi32>,
    %get3A_2178 = arith.constant 1216 : index
    %get3A_2179 = tpu.vector_load %arg6[%get3A_2178] {strides = array<i32>} : memref<2304xi32, #tpu.memory_space<vmem>>, vector<16xi32>,
    %get3A_2180 = vector.shape_cast %get3A_2179 : vector<16xi32> to vector<16xi32>
    %get3A_2181 = arith.constant 1216 : index
    %get3A_2182 = tpu.vector_load %arg7[%get3A_2181] {strides = array<i32>} : memref<2304xi32, #tpu.memory_space<vmem>>, vector<16xi32>,
    %get3A_2183 = vector.shape_cast %get3A_2182 : vector<16xi32> to vector<16xi32>
    %sub3A_2184 = vector.broadcast %mul3A_57 : i32 to vector<16xi32>
    %sub3A_2185 = arith.subi %get3A_2183, %sub3A_2184 : vector<16xi32>
    %ge3A_2186 = arith.constant 0 : i32
    %ge3A_2187 = vector.broadcast %ge3A_2186 : i32 to vector<16xi32>
    %ge3A_2188 = arith.cmpi sge, %sub3A_2185, %ge3A_2187 : vector<16xi32>
    %lt3A_2189 = arith.constant 512 : i32
    %lt3A_2190 = vector.broadcast %lt3A_2189 : i32 to vector<16xi32>
    %lt3A_2191 = arith.cmpi slt, %sub3A_2185, %lt3A_2190 : vector<16xi32>
    %and3A_2192 = arith.andi %ge3A_2188, %lt3A_2191 : vector<16xi1>
    %mul3A_2193 = arith.constant 1024 : i32
    %mul3A_2194 = vector.broadcast %mul3A_2193 : i32 to vector<16xi32>
    %mul3A_2195 = arith.muli %sub3A_2185, %mul3A_2194 : vector<16xi32>
    %add3A_2196 = arith.addi %mul3A_2195, %get3A_2180 : vector<16xi32>
    %jit3A_2197 = arith.constant 524288 : i32
    %broadcast_in_dim3A_2198 = vector.broadcast %jit3A_2197 : i32 to vector<16xi32>
    %select_n3A_2199 = arith.select %and3A_2192, %add3A_2196, %broadcast_in_dim3A_2198 : vector<16xi1>, vector<16xi32>
    %swap3A_2200 = arith.constant 9 : i32
    %swap3A_2201 = arith.index_cast %swap3A_2200 : i32 to index
    %swap3A_2202 = arith.constant 64 : index
    %swap3A_2203 = tpu.vector_load %arg8[%swap3A_2201, %swap3A_2202] {strides = array<i32>} : memref<18x128xi32, #tpu.memory_space<vmem>>, vector<1x16xi32>,
    %swap3A_2204 = vector.shape_cast %swap3A_2203 : vector<1x16xi32> to vector<16xi32>
    %swap3A_2205 = vector.shape_cast %select_n3A_2199 : vector<16xi32> to vector<1x16xi32>
    tpu.vector_store %arg8[%swap3A_2201, %swap3A_2202], %swap3A_2205 {strides = array<i32>} : memref<18x128xi32, #tpu.memory_space<vmem>>, vector<1x16xi32>,
    %get3A_2206 = arith.constant 1232 : index
    %get3A_2207 = tpu.vector_load %arg6[%get3A_2206] {strides = array<i32>} : memref<2304xi32, #tpu.memory_space<vmem>>, vector<16xi32>,
    %get3A_2208 = vector.shape_cast %get3A_2207 : vector<16xi32> to vector<16xi32>
    %get3A_2209 = arith.constant 1232 : index
    %get3A_2210 = tpu.vector_load %arg7[%get3A_2209] {strides = array<i32>} : memref<2304xi32, #tpu.memory_space<vmem>>, vector<16xi32>,
    %get3A_2211 = vector.shape_cast %get3A_2210 : vector<16xi32> to vector<16xi32>
    %sub3A_2212 = vector.broadcast %mul3A_57 : i32 to vector<16xi32>
    %sub3A_2213 = arith.subi %get3A_2211, %sub3A_2212 : vector<16xi32>
    %ge3A_2214 = arith.constant 0 : i32
    %ge3A_2215 = vector.broadcast %ge3A_2214 : i32 to vector<16xi32>
    %ge3A_2216 = arith.cmpi sge, %sub3A_2213, %ge3A_2215 : vector<16xi32>
    %lt3A_2217 = arith.constant 512 : i32
    %lt3A_2218 = vector.broadcast %lt3A_2217 : i32 to vector<16xi32>
    %lt3A_2219 = arith.cmpi slt, %sub3A_2213, %lt3A_2218 : vector<16xi32>
    %and3A_2220 = arith.andi %ge3A_2216, %lt3A_2219 : vector<16xi1>
    %mul3A_2221 = arith.constant 1024 : i32
    %mul3A_2222 = vector.broadcast %mul3A_2221 : i32 to vector<16xi32>
    %mul3A_2223 = arith.muli %sub3A_2213, %mul3A_2222 : vector<16xi32>
    %add3A_2224 = arith.addi %mul3A_2223, %get3A_2208 : vector<16xi32>
    %jit3A_2225 = arith.constant 524288 : i32
    %broadcast_in_dim3A_2226 = vector.broadcast %jit3A_2225 : i32 to vector<16xi32>
    %select_n3A_2227 = arith.select %and3A_2220, %add3A_2224, %broadcast_in_dim3A_2226 : vector<16xi1>, vector<16xi32>
    %swap3A_2228 = arith.constant 9 : i32
    %swap3A_2229 = arith.index_cast %swap3A_2228 : i32 to index
    %swap3A_2230 = arith.constant 80 : index
    %swap3A_2231 = tpu.vector_load %arg8[%swap3A_2229, %swap3A_2230] {strides = array<i32>} : memref<18x128xi32, #tpu.memory_space<vmem>>, vector<1x16xi32>,
    %swap3A_2232 = vector.shape_cast %swap3A_2231 : vector<1x16xi32> to vector<16xi32>
    %swap3A_2233 = vector.shape_cast %select_n3A_2227 : vector<16xi32> to vector<1x16xi32>
    tpu.vector_store %arg8[%swap3A_2229, %swap3A_2230], %swap3A_2233 {strides = array<i32>} : memref<18x128xi32, #tpu.memory_space<vmem>>, vector<1x16xi32>,
    %get3A_2234 = arith.constant 1248 : index
    %get3A_2235 = tpu.vector_load %arg6[%get3A_2234] {strides = array<i32>} : memref<2304xi32, #tpu.memory_space<vmem>>, vector<16xi32>,
    %get3A_2236 = vector.shape_cast %get3A_2235 : vector<16xi32> to vector<16xi32>
    %get3A_2237 = arith.constant 1248 : index
    %get3A_2238 = tpu.vector_load %arg7[%get3A_2237] {strides = array<i32>} : memref<2304xi32, #tpu.memory_space<vmem>>, vector<16xi32>,
    %get3A_2239 = vector.shape_cast %get3A_2238 : vector<16xi32> to vector<16xi32>
    %sub3A_2240 = vector.broadcast %mul3A_57 : i32 to vector<16xi32>
    %sub3A_2241 = arith.subi %get3A_2239, %sub3A_2240 : vector<16xi32>
    %ge3A_2242 = arith.constant 0 : i32
    %ge3A_2243 = vector.broadcast %ge3A_2242 : i32 to vector<16xi32>
    %ge3A_2244 = arith.cmpi sge, %sub3A_2241, %ge3A_2243 : vector<16xi32>
    %lt3A_2245 = arith.constant 512 : i32
    %lt3A_2246 = vector.broadcast %lt3A_2245 : i32 to vector<16xi32>
    %lt3A_2247 = arith.cmpi slt, %sub3A_2241, %lt3A_2246 : vector<16xi32>
    %and3A_2248 = arith.andi %ge3A_2244, %lt3A_2247 : vector<16xi1>
    %mul3A_2249 = arith.constant 1024 : i32
    %mul3A_2250 = vector.broadcast %mul3A_2249 : i32 to vector<16xi32>
    %mul3A_2251 = arith.muli %sub3A_2241, %mul3A_2250 : vector<16xi32>
    %add3A_2252 = arith.addi %mul3A_2251, %get3A_2236 : vector<16xi32>
    %jit3A_2253 = arith.constant 524288 : i32
    %broadcast_in_dim3A_2254 = vector.broadcast %jit3A_2253 : i32 to vector<16xi32>
    %select_n3A_2255 = arith.select %and3A_2248, %add3A_2252, %broadcast_in_dim3A_2254 : vector<16xi1>, vector<16xi32>
    %swap3A_2256 = arith.constant 9 : i32
    %swap3A_2257 = arith.index_cast %swap3A_2256 : i32 to index
    %swap3A_2258 = arith.constant 96 : index
    %swap3A_2259 = tpu.vector_load %arg8[%swap3A_2257, %swap3A_2258] {strides = array<i32>} : memref<18x128xi32, #tpu.memory_space<vmem>>, vector<1x16xi32>,
    %swap3A_2260 = vector.shape_cast %swap3A_2259 : vector<1x16xi32> to vector<16xi32>
    %swap3A_2261 = vector.shape_cast %select_n3A_2255 : vector<16xi32> to vector<1x16xi32>
    tpu.vector_store %arg8[%swap3A_2257, %swap3A_2258], %swap3A_2261 {strides = array<i32>} : memref<18x128xi32, #tpu.memory_space<vmem>>, vector<1x16xi32>,
    %get3A_2262 = arith.constant 1264 : index
    %get3A_2263 = tpu.vector_load %arg6[%get3A_2262] {strides = array<i32>} : memref<2304xi32, #tpu.memory_space<vmem>>, vector<16xi32>,
    %get3A_2264 = vector.shape_cast %get3A_2263 : vector<16xi32> to vector<16xi32>
    %get3A_2265 = arith.constant 1264 : index
    %get3A_2266 = tpu.vector_load %arg7[%get3A_2265] {strides = array<i32>} : memref<2304xi32, #tpu.memory_space<vmem>>, vector<16xi32>,
    %get3A_2267 = vector.shape_cast %get3A_2266 : vector<16xi32> to vector<16xi32>
    %sub3A_2268 = vector.broadcast %mul3A_57 : i32 to vector<16xi32>
    %sub3A_2269 = arith.subi %get3A_2267, %sub3A_2268 : vector<16xi32>
    %ge3A_2270 = arith.constant 0 : i32
    %ge3A_2271 = vector.broadcast %ge3A_2270 : i32 to vector<16xi32>
    %ge3A_2272 = arith.cmpi sge, %sub3A_2269, %ge3A_2271 : vector<16xi32>
    %lt3A_2273 = arith.constant 512 : i32
    %lt3A_2274 = vector.broadcast %lt3A_2273 : i32 to vector<16xi32>
    %lt3A_2275 = arith.cmpi slt, %sub3A_2269, %lt3A_2274 : vector<16xi32>
    %and3A_2276 = arith.andi %ge3A_2272, %lt3A_2275 : vector<16xi1>
    %mul3A_2277 = arith.constant 1024 : i32
    %mul3A_2278 = vector.broadcast %mul3A_2277 : i32 to vector<16xi32>
    %mul3A_2279 = arith.muli %sub3A_2269, %mul3A_2278 : vector<16xi32>
    %add3A_2280 = arith.addi %mul3A_2279, %get3A_2264 : vector<16xi32>
    %jit3A_2281 = arith.constant 524288 : i32
    %broadcast_in_dim3A_2282 = vector.broadcast %jit3A_2281 : i32 to vector<16xi32>
    %select_n3A_2283 = arith.select %and3A_2276, %add3A_2280, %broadcast_in_dim3A_2282 : vector<16xi1>, vector<16xi32>
    %swap3A_2284 = arith.constant 9 : i32
    %swap3A_2285 = arith.index_cast %swap3A_2284 : i32 to index
    %swap3A_2286 = arith.constant 112 : index
    %swap3A_2287 = tpu.vector_load %arg8[%swap3A_2285, %swap3A_2286] {strides = array<i32>} : memref<18x128xi32, #tpu.memory_space<vmem>>, vector<1x16xi32>,
    %swap3A_2288 = vector.shape_cast %swap3A_2287 : vector<1x16xi32> to vector<16xi32>
    %swap3A_2289 = vector.shape_cast %select_n3A_2283 : vector<16xi32> to vector<1x16xi32>
    tpu.vector_store %arg8[%swap3A_2285, %swap3A_2286], %swap3A_2289 {strides = array<i32>} : memref<18x128xi32, #tpu.memory_space<vmem>>, vector<1x16xi32>,
    %get3A_2290 = arith.constant 1280 : index
    %get3A_2291 = tpu.vector_load %arg6[%get3A_2290] {strides = array<i32>} : memref<2304xi32, #tpu.memory_space<vmem>>, vector<16xi32>,
    %get3A_2292 = vector.shape_cast %get3A_2291 : vector<16xi32> to vector<16xi32>
    %get3A_2293 = arith.constant 1280 : index
    %get3A_2294 = tpu.vector_load %arg7[%get3A_2293] {strides = array<i32>} : memref<2304xi32, #tpu.memory_space<vmem>>, vector<16xi32>,
    %get3A_2295 = vector.shape_cast %get3A_2294 : vector<16xi32> to vector<16xi32>
    %sub3A_2296 = vector.broadcast %mul3A_57 : i32 to vector<16xi32>
    %sub3A_2297 = arith.subi %get3A_2295, %sub3A_2296 : vector<16xi32>
    %ge3A_2298 = arith.constant 0 : i32
    %ge3A_2299 = vector.broadcast %ge3A_2298 : i32 to vector<16xi32>
    %ge3A_2300 = arith.cmpi sge, %sub3A_2297, %ge3A_2299 : vector<16xi32>
    %lt3A_2301 = arith.constant 512 : i32
    %lt3A_2302 = vector.broadcast %lt3A_2301 : i32 to vector<16xi32>
    %lt3A_2303 = arith.cmpi slt, %sub3A_2297, %lt3A_2302 : vector<16xi32>
    %and3A_2304 = arith.andi %ge3A_2300, %lt3A_2303 : vector<16xi1>
    %mul3A_2305 = arith.constant 1024 : i32
    %mul3A_2306 = vector.broadcast %mul3A_2305 : i32 to vector<16xi32>
    %mul3A_2307 = arith.muli %sub3A_2297, %mul3A_2306 : vector<16xi32>
    %add3A_2308 = arith.addi %mul3A_2307, %get3A_2292 : vector<16xi32>
    %jit3A_2309 = arith.constant 524288 : i32
    %broadcast_in_dim3A_2310 = vector.broadcast %jit3A_2309 : i32 to vector<16xi32>
    %select_n3A_2311 = arith.select %and3A_2304, %add3A_2308, %broadcast_in_dim3A_2310 : vector<16xi1>, vector<16xi32>
    %swap3A_2312 = arith.constant 10 : i32
    %swap3A_2313 = arith.index_cast %swap3A_2312 : i32 to index
    %swap3A_2314 = arith.constant 0 : index
    %swap3A_2315 = tpu.vector_load %arg8[%swap3A_2313, %swap3A_2314] {strides = array<i32>} : memref<18x128xi32, #tpu.memory_space<vmem>>, vector<1x16xi32>,
    %swap3A_2316 = vector.shape_cast %swap3A_2315 : vector<1x16xi32> to vector<16xi32>
    %swap3A_2317 = vector.shape_cast %select_n3A_2311 : vector<16xi32> to vector<1x16xi32>
    tpu.vector_store %arg8[%swap3A_2313, %swap3A_2314], %swap3A_2317 {strides = array<i32>} : memref<18x128xi32, #tpu.memory_space<vmem>>, vector<1x16xi32>,
    %get3A_2318 = arith.constant 1296 : index
    %get3A_2319 = tpu.vector_load %arg6[%get3A_2318] {strides = array<i32>} : memref<2304xi32, #tpu.memory_space<vmem>>, vector<16xi32>,
    %get3A_2320 = vector.shape_cast %get3A_2319 : vector<16xi32> to vector<16xi32>
    %get3A_2321 = arith.constant 1296 : index
    %get3A_2322 = tpu.vector_load %arg7[%get3A_2321] {strides = array<i32>} : memref<2304xi32, #tpu.memory_space<vmem>>, vector<16xi32>,
    %get3A_2323 = vector.shape_cast %get3A_2322 : vector<16xi32> to vector<16xi32>
    %sub3A_2324 = vector.broadcast %mul3A_57 : i32 to vector<16xi32>
    %sub3A_2325 = arith.subi %get3A_2323, %sub3A_2324 : vector<16xi32>
    %ge3A_2326 = arith.constant 0 : i32
    %ge3A_2327 = vector.broadcast %ge3A_2326 : i32 to vector<16xi32>
    %ge3A_2328 = arith.cmpi sge, %sub3A_2325, %ge3A_2327 : vector<16xi32>
    %lt3A_2329 = arith.constant 512 : i32
    %lt3A_2330 = vector.broadcast %lt3A_2329 : i32 to vector<16xi32>
    %lt3A_2331 = arith.cmpi slt, %sub3A_2325, %lt3A_2330 : vector<16xi32>
    %and3A_2332 = arith.andi %ge3A_2328, %lt3A_2331 : vector<16xi1>
    %mul3A_2333 = arith.constant 1024 : i32
    %mul3A_2334 = vector.broadcast %mul3A_2333 : i32 to vector<16xi32>
    %mul3A_2335 = arith.muli %sub3A_2325, %mul3A_2334 : vector<16xi32>
    %add3A_2336 = arith.addi %mul3A_2335, %get3A_2320 : vector<16xi32>
    %jit3A_2337 = arith.constant 524288 : i32
    %broadcast_in_dim3A_2338 = vector.broadcast %jit3A_2337 : i32 to vector<16xi32>
    %select_n3A_2339 = arith.select %and3A_2332, %add3A_2336, %broadcast_in_dim3A_2338 : vector<16xi1>, vector<16xi32>
    %swap3A_2340 = arith.constant 10 : i32
    %swap3A_2341 = arith.index_cast %swap3A_2340 : i32 to index
    %swap3A_2342 = arith.constant 16 : index
    %swap3A_2343 = tpu.vector_load %arg8[%swap3A_2341, %swap3A_2342] {strides = array<i32>} : memref<18x128xi32, #tpu.memory_space<vmem>>, vector<1x16xi32>,
    %swap3A_2344 = vector.shape_cast %swap3A_2343 : vector<1x16xi32> to vector<16xi32>
    %swap3A_2345 = vector.shape_cast %select_n3A_2339 : vector<16xi32> to vector<1x16xi32>
    tpu.vector_store %arg8[%swap3A_2341, %swap3A_2342], %swap3A_2345 {strides = array<i32>} : memref<18x128xi32, #tpu.memory_space<vmem>>, vector<1x16xi32>,
    %get3A_2346 = arith.constant 1312 : index
    %get3A_2347 = tpu.vector_load %arg6[%get3A_2346] {strides = array<i32>} : memref<2304xi32, #tpu.memory_space<vmem>>, vector<16xi32>,
    %get3A_2348 = vector.shape_cast %get3A_2347 : vector<16xi32> to vector<16xi32>
    %get3A_2349 = arith.constant 1312 : index
    %get3A_2350 = tpu.vector_load %arg7[%get3A_2349] {strides = array<i32>} : memref<2304xi32, #tpu.memory_space<vmem>>, vector<16xi32>,
    %get3A_2351 = vector.shape_cast %get3A_2350 : vector<16xi32> to vector<16xi32>
    %sub3A_2352 = vector.broadcast %mul3A_57 : i32 to vector<16xi32>
    %sub3A_2353 = arith.subi %get3A_2351, %sub3A_2352 : vector<16xi32>
    %ge3A_2354 = arith.constant 0 : i32
    %ge3A_2355 = vector.broadcast %ge3A_2354 : i32 to vector<16xi32>
    %ge3A_2356 = arith.cmpi sge, %sub3A_2353, %ge3A_2355 : vector<16xi32>
    %lt3A_2357 = arith.constant 512 : i32
    %lt3A_2358 = vector.broadcast %lt3A_2357 : i32 to vector<16xi32>
    %lt3A_2359 = arith.cmpi slt, %sub3A_2353, %lt3A_2358 : vector<16xi32>
    %and3A_2360 = arith.andi %ge3A_2356, %lt3A_2359 : vector<16xi1>
    %mul3A_2361 = arith.constant 1024 : i32
    %mul3A_2362 = vector.broadcast %mul3A_2361 : i32 to vector<16xi32>
    %mul3A_2363 = arith.muli %sub3A_2353, %mul3A_2362 : vector<16xi32>
    %add3A_2364 = arith.addi %mul3A_2363, %get3A_2348 : vector<16xi32>
    %jit3A_2365 = arith.constant 524288 : i32
    %broadcast_in_dim3A_2366 = vector.broadcast %jit3A_2365 : i32 to vector<16xi32>
    %select_n3A_2367 = arith.select %and3A_2360, %add3A_2364, %broadcast_in_dim3A_2366 : vector<16xi1>, vector<16xi32>
    %swap3A_2368 = arith.constant 10 : i32
    %swap3A_2369 = arith.index_cast %swap3A_2368 : i32 to index
    %swap3A_2370 = arith.constant 32 : index
    %swap3A_2371 = tpu.vector_load %arg8[%swap3A_2369, %swap3A_2370] {strides = array<i32>} : memref<18x128xi32, #tpu.memory_space<vmem>>, vector<1x16xi32>,
    %swap3A_2372 = vector.shape_cast %swap3A_2371 : vector<1x16xi32> to vector<16xi32>
    %swap3A_2373 = vector.shape_cast %select_n3A_2367 : vector<16xi32> to vector<1x16xi32>
    tpu.vector_store %arg8[%swap3A_2369, %swap3A_2370], %swap3A_2373 {strides = array<i32>} : memref<18x128xi32, #tpu.memory_space<vmem>>, vector<1x16xi32>,
    %get3A_2374 = arith.constant 1328 : index
    %get3A_2375 = tpu.vector_load %arg6[%get3A_2374] {strides = array<i32>} : memref<2304xi32, #tpu.memory_space<vmem>>, vector<16xi32>,
    %get3A_2376 = vector.shape_cast %get3A_2375 : vector<16xi32> to vector<16xi32>
    %get3A_2377 = arith.constant 1328 : index
    %get3A_2378 = tpu.vector_load %arg7[%get3A_2377] {strides = array<i32>} : memref<2304xi32, #tpu.memory_space<vmem>>, vector<16xi32>,
    %get3A_2379 = vector.shape_cast %get3A_2378 : vector<16xi32> to vector<16xi32>
    %sub3A_2380 = vector.broadcast %mul3A_57 : i32 to vector<16xi32>
    %sub3A_2381 = arith.subi %get3A_2379, %sub3A_2380 : vector<16xi32>
    %ge3A_2382 = arith.constant 0 : i32
    %ge3A_2383 = vector.broadcast %ge3A_2382 : i32 to vector<16xi32>
    %ge3A_2384 = arith.cmpi sge, %sub3A_2381, %ge3A_2383 : vector<16xi32>
    %lt3A_2385 = arith.constant 512 : i32
    %lt3A_2386 = vector.broadcast %lt3A_2385 : i32 to vector<16xi32>
    %lt3A_2387 = arith.cmpi slt, %sub3A_2381, %lt3A_2386 : vector<16xi32>
    %and3A_2388 = arith.andi %ge3A_2384, %lt3A_2387 : vector<16xi1>
    %mul3A_2389 = arith.constant 1024 : i32
    %mul3A_2390 = vector.broadcast %mul3A_2389 : i32 to vector<16xi32>
    %mul3A_2391 = arith.muli %sub3A_2381, %mul3A_2390 : vector<16xi32>
    %add3A_2392 = arith.addi %mul3A_2391, %get3A_2376 : vector<16xi32>
    %jit3A_2393 = arith.constant 524288 : i32
    %broadcast_in_dim3A_2394 = vector.broadcast %jit3A_2393 : i32 to vector<16xi32>
    %select_n3A_2395 = arith.select %and3A_2388, %add3A_2392, %broadcast_in_dim3A_2394 : vector<16xi1>, vector<16xi32>
    %swap3A_2396 = arith.constant 10 : i32
    %swap3A_2397 = arith.index_cast %swap3A_2396 : i32 to index
    %swap3A_2398 = arith.constant 48 : index
    %swap3A_2399 = tpu.vector_load %arg8[%swap3A_2397, %swap3A_2398] {strides = array<i32>} : memref<18x128xi32, #tpu.memory_space<vmem>>, vector<1x16xi32>,
    %swap3A_2400 = vector.shape_cast %swap3A_2399 : vector<1x16xi32> to vector<16xi32>
    %swap3A_2401 = vector.shape_cast %select_n3A_2395 : vector<16xi32> to vector<1x16xi32>
    tpu.vector_store %arg8[%swap3A_2397, %swap3A_2398], %swap3A_2401 {strides = array<i32>} : memref<18x128xi32, #tpu.memory_space<vmem>>, vector<1x16xi32>,
    %get3A_2402 = arith.constant 1344 : index
    %get3A_2403 = tpu.vector_load %arg6[%get3A_2402] {strides = array<i32>} : memref<2304xi32, #tpu.memory_space<vmem>>, vector<16xi32>,
    %get3A_2404 = vector.shape_cast %get3A_2403 : vector<16xi32> to vector<16xi32>
    %get3A_2405 = arith.constant 1344 : index
    %get3A_2406 = tpu.vector_load %arg7[%get3A_2405] {strides = array<i32>} : memref<2304xi32, #tpu.memory_space<vmem>>, vector<16xi32>,
    %get3A_2407 = vector.shape_cast %get3A_2406 : vector<16xi32> to vector<16xi32>
    %sub3A_2408 = vector.broadcast %mul3A_57 : i32 to vector<16xi32>
    %sub3A_2409 = arith.subi %get3A_2407, %sub3A_2408 : vector<16xi32>
    %ge3A_2410 = arith.constant 0 : i32
    %ge3A_2411 = vector.broadcast %ge3A_2410 : i32 to vector<16xi32>
    %ge3A_2412 = arith.cmpi sge, %sub3A_2409, %ge3A_2411 : vector<16xi32>
    %lt3A_2413 = arith.constant 512 : i32
    %lt3A_2414 = vector.broadcast %lt3A_2413 : i32 to vector<16xi32>
    %lt3A_2415 = arith.cmpi slt, %sub3A_2409, %lt3A_2414 : vector<16xi32>
    %and3A_2416 = arith.andi %ge3A_2412, %lt3A_2415 : vector<16xi1>
    %mul3A_2417 = arith.constant 1024 : i32
    %mul3A_2418 = vector.broadcast %mul3A_2417 : i32 to vector<16xi32>
    %mul3A_2419 = arith.muli %sub3A_2409, %mul3A_2418 : vector<16xi32>
    %add3A_2420 = arith.addi %mul3A_2419, %get3A_2404 : vector<16xi32>
    %jit3A_2421 = arith.constant 524288 : i32
    %broadcast_in_dim3A_2422 = vector.broadcast %jit3A_2421 : i32 to vector<16xi32>
    %select_n3A_2423 = arith.select %and3A_2416, %add3A_2420, %broadcast_in_dim3A_2422 : vector<16xi1>, vector<16xi32>
    %swap3A_2424 = arith.constant 10 : i32
    %swap3A_2425 = arith.index_cast %swap3A_2424 : i32 to index
    %swap3A_2426 = arith.constant 64 : index
    %swap3A_2427 = tpu.vector_load %arg8[%swap3A_2425, %swap3A_2426] {strides = array<i32>} : memref<18x128xi32, #tpu.memory_space<vmem>>, vector<1x16xi32>,
    %swap3A_2428 = vector.shape_cast %swap3A_2427 : vector<1x16xi32> to vector<16xi32>
    %swap3A_2429 = vector.shape_cast %select_n3A_2423 : vector<16xi32> to vector<1x16xi32>
    tpu.vector_store %arg8[%swap3A_2425, %swap3A_2426], %swap3A_2429 {strides = array<i32>} : memref<18x128xi32, #tpu.memory_space<vmem>>, vector<1x16xi32>,
    %get3A_2430 = arith.constant 1360 : index
    %get3A_2431 = tpu.vector_load %arg6[%get3A_2430] {strides = array<i32>} : memref<2304xi32, #tpu.memory_space<vmem>>, vector<16xi32>,
    %get3A_2432 = vector.shape_cast %get3A_2431 : vector<16xi32> to vector<16xi32>
    %get3A_2433 = arith.constant 1360 : index
    %get3A_2434 = tpu.vector_load %arg7[%get3A_2433] {strides = array<i32>} : memref<2304xi32, #tpu.memory_space<vmem>>, vector<16xi32>,
    %get3A_2435 = vector.shape_cast %get3A_2434 : vector<16xi32> to vector<16xi32>
    %sub3A_2436 = vector.broadcast %mul3A_57 : i32 to vector<16xi32>
    %sub3A_2437 = arith.subi %get3A_2435, %sub3A_2436 : vector<16xi32>
    %ge3A_2438 = arith.constant 0 : i32
    %ge3A_2439 = vector.broadcast %ge3A_2438 : i32 to vector<16xi32>
    %ge3A_2440 = arith.cmpi sge, %sub3A_2437, %ge3A_2439 : vector<16xi32>
    %lt3A_2441 = arith.constant 512 : i32
    %lt3A_2442 = vector.broadcast %lt3A_2441 : i32 to vector<16xi32>
    %lt3A_2443 = arith.cmpi slt, %sub3A_2437, %lt3A_2442 : vector<16xi32>
    %and3A_2444 = arith.andi %ge3A_2440, %lt3A_2443 : vector<16xi1>
    %mul3A_2445 = arith.constant 1024 : i32
    %mul3A_2446 = vector.broadcast %mul3A_2445 : i32 to vector<16xi32>
    %mul3A_2447 = arith.muli %sub3A_2437, %mul3A_2446 : vector<16xi32>
    %add3A_2448 = arith.addi %mul3A_2447, %get3A_2432 : vector<16xi32>
    %jit3A_2449 = arith.constant 524288 : i32
    %broadcast_in_dim3A_2450 = vector.broadcast %jit3A_2449 : i32 to vector<16xi32>
    %select_n3A_2451 = arith.select %and3A_2444, %add3A_2448, %broadcast_in_dim3A_2450 : vector<16xi1>, vector<16xi32>
    %swap3A_2452 = arith.constant 10 : i32
    %swap3A_2453 = arith.index_cast %swap3A_2452 : i32 to index
    %swap3A_2454 = arith.constant 80 : index
    %swap3A_2455 = tpu.vector_load %arg8[%swap3A_2453, %swap3A_2454] {strides = array<i32>} : memref<18x128xi32, #tpu.memory_space<vmem>>, vector<1x16xi32>,
    %swap3A_2456 = vector.shape_cast %swap3A_2455 : vector<1x16xi32> to vector<16xi32>
    %swap3A_2457 = vector.shape_cast %select_n3A_2451 : vector<16xi32> to vector<1x16xi32>
    tpu.vector_store %arg8[%swap3A_2453, %swap3A_2454], %swap3A_2457 {strides = array<i32>} : memref<18x128xi32, #tpu.memory_space<vmem>>, vector<1x16xi32>,
    %get3A_2458 = arith.constant 1376 : index
    %get3A_2459 = tpu.vector_load %arg6[%get3A_2458] {strides = array<i32>} : memref<2304xi32, #tpu.memory_space<vmem>>, vector<16xi32>,
    %get3A_2460 = vector.shape_cast %get3A_2459 : vector<16xi32> to vector<16xi32>
    %get3A_2461 = arith.constant 1376 : index
    %get3A_2462 = tpu.vector_load %arg7[%get3A_2461] {strides = array<i32>} : memref<2304xi32, #tpu.memory_space<vmem>>, vector<16xi32>,
    %get3A_2463 = vector.shape_cast %get3A_2462 : vector<16xi32> to vector<16xi32>
    %sub3A_2464 = vector.broadcast %mul3A_57 : i32 to vector<16xi32>
    %sub3A_2465 = arith.subi %get3A_2463, %sub3A_2464 : vector<16xi32>
    %ge3A_2466 = arith.constant 0 : i32
    %ge3A_2467 = vector.broadcast %ge3A_2466 : i32 to vector<16xi32>
    %ge3A_2468 = arith.cmpi sge, %sub3A_2465, %ge3A_2467 : vector<16xi32>
    %lt3A_2469 = arith.constant 512 : i32
    %lt3A_2470 = vector.broadcast %lt3A_2469 : i32 to vector<16xi32>
    %lt3A_2471 = arith.cmpi slt, %sub3A_2465, %lt3A_2470 : vector<16xi32>
    %and3A_2472 = arith.andi %ge3A_2468, %lt3A_2471 : vector<16xi1>
    %mul3A_2473 = arith.constant 1024 : i32
    %mul3A_2474 = vector.broadcast %mul3A_2473 : i32 to vector<16xi32>
    %mul3A_2475 = arith.muli %sub3A_2465, %mul3A_2474 : vector<16xi32>
    %add3A_2476 = arith.addi %mul3A_2475, %get3A_2460 : vector<16xi32>
    %jit3A_2477 = arith.constant 524288 : i32
    %broadcast_in_dim3A_2478 = vector.broadcast %jit3A_2477 : i32 to vector<16xi32>
    %select_n3A_2479 = arith.select %and3A_2472, %add3A_2476, %broadcast_in_dim3A_2478 : vector<16xi1>, vector<16xi32>
    %swap3A_2480 = arith.constant 10 : i32
    %swap3A_2481 = arith.index_cast %swap3A_2480 : i32 to index
    %swap3A_2482 = arith.constant 96 : index
    %swap3A_2483 = tpu.vector_load %arg8[%swap3A_2481, %swap3A_2482] {strides = array<i32>} : memref<18x128xi32, #tpu.memory_space<vmem>>, vector<1x16xi32>,
    %swap3A_2484 = vector.shape_cast %swap3A_2483 : vector<1x16xi32> to vector<16xi32>
    %swap3A_2485 = vector.shape_cast %select_n3A_2479 : vector<16xi32> to vector<1x16xi32>
    tpu.vector_store %arg8[%swap3A_2481, %swap3A_2482], %swap3A_2485 {strides = array<i32>} : memref<18x128xi32, #tpu.memory_space<vmem>>, vector<1x16xi32>,
    %get3A_2486 = arith.constant 1392 : index
    %get3A_2487 = tpu.vector_load %arg6[%get3A_2486] {strides = array<i32>} : memref<2304xi32, #tpu.memory_space<vmem>>, vector<16xi32>,
    %get3A_2488 = vector.shape_cast %get3A_2487 : vector<16xi32> to vector<16xi32>
    %get3A_2489 = arith.constant 1392 : index
    %get3A_2490 = tpu.vector_load %arg7[%get3A_2489] {strides = array<i32>} : memref<2304xi32, #tpu.memory_space<vmem>>, vector<16xi32>,
    %get3A_2491 = vector.shape_cast %get3A_2490 : vector<16xi32> to vector<16xi32>
    %sub3A_2492 = vector.broadcast %mul3A_57 : i32 to vector<16xi32>
    %sub3A_2493 = arith.subi %get3A_2491, %sub3A_2492 : vector<16xi32>
    %ge3A_2494 = arith.constant 0 : i32
    %ge3A_2495 = vector.broadcast %ge3A_2494 : i32 to vector<16xi32>
    %ge3A_2496 = arith.cmpi sge, %sub3A_2493, %ge3A_2495 : vector<16xi32>
    %lt3A_2497 = arith.constant 512 : i32
    %lt3A_2498 = vector.broadcast %lt3A_2497 : i32 to vector<16xi32>
    %lt3A_2499 = arith.cmpi slt, %sub3A_2493, %lt3A_2498 : vector<16xi32>
    %and3A_2500 = arith.andi %ge3A_2496, %lt3A_2499 : vector<16xi1>
    %mul3A_2501 = arith.constant 1024 : i32
    %mul3A_2502 = vector.broadcast %mul3A_2501 : i32 to vector<16xi32>
    %mul3A_2503 = arith.muli %sub3A_2493, %mul3A_2502 : vector<16xi32>
    %add3A_2504 = arith.addi %mul3A_2503, %get3A_2488 : vector<16xi32>
    %jit3A_2505 = arith.constant 524288 : i32
    %broadcast_in_dim3A_2506 = vector.broadcast %jit3A_2505 : i32 to vector<16xi32>
    %select_n3A_2507 = arith.select %and3A_2500, %add3A_2504, %broadcast_in_dim3A_2506 : vector<16xi1>, vector<16xi32>
    %swap3A_2508 = arith.constant 10 : i32
    %swap3A_2509 = arith.index_cast %swap3A_2508 : i32 to index
    %swap3A_2510 = arith.constant 112 : index
    %swap3A_2511 = tpu.vector_load %arg8[%swap3A_2509, %swap3A_2510] {strides = array<i32>} : memref<18x128xi32, #tpu.memory_space<vmem>>, vector<1x16xi32>,
    %swap3A_2512 = vector.shape_cast %swap3A_2511 : vector<1x16xi32> to vector<16xi32>
    %swap3A_2513 = vector.shape_cast %select_n3A_2507 : vector<16xi32> to vector<1x16xi32>
    tpu.vector_store %arg8[%swap3A_2509, %swap3A_2510], %swap3A_2513 {strides = array<i32>} : memref<18x128xi32, #tpu.memory_space<vmem>>, vector<1x16xi32>,
    %get3A_2514 = arith.constant 1408 : index
    %get3A_2515 = tpu.vector_load %arg6[%get3A_2514] {strides = array<i32>} : memref<2304xi32, #tpu.memory_space<vmem>>, vector<16xi32>,
    %get3A_2516 = vector.shape_cast %get3A_2515 : vector<16xi32> to vector<16xi32>
    %get3A_2517 = arith.constant 1408 : index
    %get3A_2518 = tpu.vector_load %arg7[%get3A_2517] {strides = array<i32>} : memref<2304xi32, #tpu.memory_space<vmem>>, vector<16xi32>,
    %get3A_2519 = vector.shape_cast %get3A_2518 : vector<16xi32> to vector<16xi32>
    %sub3A_2520 = vector.broadcast %mul3A_57 : i32 to vector<16xi32>
    %sub3A_2521 = arith.subi %get3A_2519, %sub3A_2520 : vector<16xi32>
    %ge3A_2522 = arith.constant 0 : i32
    %ge3A_2523 = vector.broadcast %ge3A_2522 : i32 to vector<16xi32>
    %ge3A_2524 = arith.cmpi sge, %sub3A_2521, %ge3A_2523 : vector<16xi32>
    %lt3A_2525 = arith.constant 512 : i32
    %lt3A_2526 = vector.broadcast %lt3A_2525 : i32 to vector<16xi32>
    %lt3A_2527 = arith.cmpi slt, %sub3A_2521, %lt3A_2526 : vector<16xi32>
    %and3A_2528 = arith.andi %ge3A_2524, %lt3A_2527 : vector<16xi1>
    %mul3A_2529 = arith.constant 1024 : i32
    %mul3A_2530 = vector.broadcast %mul3A_2529 : i32 to vector<16xi32>
    %mul3A_2531 = arith.muli %sub3A_2521, %mul3A_2530 : vector<16xi32>
    %add3A_2532 = arith.addi %mul3A_2531, %get3A_2516 : vector<16xi32>
    %jit3A_2533 = arith.constant 524288 : i32
    %broadcast_in_dim3A_2534 = vector.broadcast %jit3A_2533 : i32 to vector<16xi32>
    %select_n3A_2535 = arith.select %and3A_2528, %add3A_2532, %broadcast_in_dim3A_2534 : vector<16xi1>, vector<16xi32>
    %swap3A_2536 = arith.constant 11 : i32
    %swap3A_2537 = arith.index_cast %swap3A_2536 : i32 to index
    %swap3A_2538 = arith.constant 0 : index
    %swap3A_2539 = tpu.vector_load %arg8[%swap3A_2537, %swap3A_2538] {strides = array<i32>} : memref<18x128xi32, #tpu.memory_space<vmem>>, vector<1x16xi32>,
    %swap3A_2540 = vector.shape_cast %swap3A_2539 : vector<1x16xi32> to vector<16xi32>
    %swap3A_2541 = vector.shape_cast %select_n3A_2535 : vector<16xi32> to vector<1x16xi32>
    tpu.vector_store %arg8[%swap3A_2537, %swap3A_2538], %swap3A_2541 {strides = array<i32>} : memref<18x128xi32, #tpu.memory_space<vmem>>, vector<1x16xi32>,
    %get3A_2542 = arith.constant 1424 : index
    %get3A_2543 = tpu.vector_load %arg6[%get3A_2542] {strides = array<i32>} : memref<2304xi32, #tpu.memory_space<vmem>>, vector<16xi32>,
    %get3A_2544 = vector.shape_cast %get3A_2543 : vector<16xi32> to vector<16xi32>
    %get3A_2545 = arith.constant 1424 : index
    %get3A_2546 = tpu.vector_load %arg7[%get3A_2545] {strides = array<i32>} : memref<2304xi32, #tpu.memory_space<vmem>>, vector<16xi32>,
    %get3A_2547 = vector.shape_cast %get3A_2546 : vector<16xi32> to vector<16xi32>
    %sub3A_2548 = vector.broadcast %mul3A_57 : i32 to vector<16xi32>
    %sub3A_2549 = arith.subi %get3A_2547, %sub3A_2548 : vector<16xi32>
    %ge3A_2550 = arith.constant 0 : i32
    %ge3A_2551 = vector.broadcast %ge3A_2550 : i32 to vector<16xi32>
    %ge3A_2552 = arith.cmpi sge, %sub3A_2549, %ge3A_2551 : vector<16xi32>
    %lt3A_2553 = arith.constant 512 : i32
    %lt3A_2554 = vector.broadcast %lt3A_2553 : i32 to vector<16xi32>
    %lt3A_2555 = arith.cmpi slt, %sub3A_2549, %lt3A_2554 : vector<16xi32>
    %and3A_2556 = arith.andi %ge3A_2552, %lt3A_2555 : vector<16xi1>
    %mul3A_2557 = arith.constant 1024 : i32
    %mul3A_2558 = vector.broadcast %mul3A_2557 : i32 to vector<16xi32>
    %mul3A_2559 = arith.muli %sub3A_2549, %mul3A_2558 : vector<16xi32>
    %add3A_2560 = arith.addi %mul3A_2559, %get3A_2544 : vector<16xi32>
    %jit3A_2561 = arith.constant 524288 : i32
    %broadcast_in_dim3A_2562 = vector.broadcast %jit3A_2561 : i32 to vector<16xi32>
    %select_n3A_2563 = arith.select %and3A_2556, %add3A_2560, %broadcast_in_dim3A_2562 : vector<16xi1>, vector<16xi32>
    %swap3A_2564 = arith.constant 11 : i32
    %swap3A_2565 = arith.index_cast %swap3A_2564 : i32 to index
    %swap3A_2566 = arith.constant 16 : index
    %swap3A_2567 = tpu.vector_load %arg8[%swap3A_2565, %swap3A_2566] {strides = array<i32>} : memref<18x128xi32, #tpu.memory_space<vmem>>, vector<1x16xi32>,
    %swap3A_2568 = vector.shape_cast %swap3A_2567 : vector<1x16xi32> to vector<16xi32>
    %swap3A_2569 = vector.shape_cast %select_n3A_2563 : vector<16xi32> to vector<1x16xi32>
    tpu.vector_store %arg8[%swap3A_2565, %swap3A_2566], %swap3A_2569 {strides = array<i32>} : memref<18x128xi32, #tpu.memory_space<vmem>>, vector<1x16xi32>,
    %get3A_2570 = arith.constant 1440 : index
    %get3A_2571 = tpu.vector_load %arg6[%get3A_2570] {strides = array<i32>} : memref<2304xi32, #tpu.memory_space<vmem>>, vector<16xi32>,
    %get3A_2572 = vector.shape_cast %get3A_2571 : vector<16xi32> to vector<16xi32>
    %get3A_2573 = arith.constant 1440 : index
    %get3A_2574 = tpu.vector_load %arg7[%get3A_2573] {strides = array<i32>} : memref<2304xi32, #tpu.memory_space<vmem>>, vector<16xi32>,
    %get3A_2575 = vector.shape_cast %get3A_2574 : vector<16xi32> to vector<16xi32>
    %sub3A_2576 = vector.broadcast %mul3A_57 : i32 to vector<16xi32>
    %sub3A_2577 = arith.subi %get3A_2575, %sub3A_2576 : vector<16xi32>
    %ge3A_2578 = arith.constant 0 : i32
    %ge3A_2579 = vector.broadcast %ge3A_2578 : i32 to vector<16xi32>
    %ge3A_2580 = arith.cmpi sge, %sub3A_2577, %ge3A_2579 : vector<16xi32>
    %lt3A_2581 = arith.constant 512 : i32
    %lt3A_2582 = vector.broadcast %lt3A_2581 : i32 to vector<16xi32>
    %lt3A_2583 = arith.cmpi slt, %sub3A_2577, %lt3A_2582 : vector<16xi32>
    %and3A_2584 = arith.andi %ge3A_2580, %lt3A_2583 : vector<16xi1>
    %mul3A_2585 = arith.constant 1024 : i32
    %mul3A_2586 = vector.broadcast %mul3A_2585 : i32 to vector<16xi32>
    %mul3A_2587 = arith.muli %sub3A_2577, %mul3A_2586 : vector<16xi32>
    %add3A_2588 = arith.addi %mul3A_2587, %get3A_2572 : vector<16xi32>
    %jit3A_2589 = arith.constant 524288 : i32
    %broadcast_in_dim3A_2590 = vector.broadcast %jit3A_2589 : i32 to vector<16xi32>
    %select_n3A_2591 = arith.select %and3A_2584, %add3A_2588, %broadcast_in_dim3A_2590 : vector<16xi1>, vector<16xi32>
    %swap3A_2592 = arith.constant 11 : i32
    %swap3A_2593 = arith.index_cast %swap3A_2592 : i32 to index
    %swap3A_2594 = arith.constant 32 : index
    %swap3A_2595 = tpu.vector_load %arg8[%swap3A_2593, %swap3A_2594] {strides = array<i32>} : memref<18x128xi32, #tpu.memory_space<vmem>>, vector<1x16xi32>,
    %swap3A_2596 = vector.shape_cast %swap3A_2595 : vector<1x16xi32> to vector<16xi32>
    %swap3A_2597 = vector.shape_cast %select_n3A_2591 : vector<16xi32> to vector<1x16xi32>
    tpu.vector_store %arg8[%swap3A_2593, %swap3A_2594], %swap3A_2597 {strides = array<i32>} : memref<18x128xi32, #tpu.memory_space<vmem>>, vector<1x16xi32>,
    %get3A_2598 = arith.constant 1456 : index
    %get3A_2599 = tpu.vector_load %arg6[%get3A_2598] {strides = array<i32>} : memref<2304xi32, #tpu.memory_space<vmem>>, vector<16xi32>,
    %get3A_2600 = vector.shape_cast %get3A_2599 : vector<16xi32> to vector<16xi32>
    %get3A_2601 = arith.constant 1456 : index
    %get3A_2602 = tpu.vector_load %arg7[%get3A_2601] {strides = array<i32>} : memref<2304xi32, #tpu.memory_space<vmem>>, vector<16xi32>,
    %get3A_2603 = vector.shape_cast %get3A_2602 : vector<16xi32> to vector<16xi32>
    %sub3A_2604 = vector.broadcast %mul3A_57 : i32 to vector<16xi32>
    %sub3A_2605 = arith.subi %get3A_2603, %sub3A_2604 : vector<16xi32>
    %ge3A_2606 = arith.constant 0 : i32
    %ge3A_2607 = vector.broadcast %ge3A_2606 : i32 to vector<16xi32>
    %ge3A_2608 = arith.cmpi sge, %sub3A_2605, %ge3A_2607 : vector<16xi32>
    %lt3A_2609 = arith.constant 512 : i32
    %lt3A_2610 = vector.broadcast %lt3A_2609 : i32 to vector<16xi32>
    %lt3A_2611 = arith.cmpi slt, %sub3A_2605, %lt3A_2610 : vector<16xi32>
    %and3A_2612 = arith.andi %ge3A_2608, %lt3A_2611 : vector<16xi1>
    %mul3A_2613 = arith.constant 1024 : i32
    %mul3A_2614 = vector.broadcast %mul3A_2613 : i32 to vector<16xi32>
    %mul3A_2615 = arith.muli %sub3A_2605, %mul3A_2614 : vector<16xi32>
    %add3A_2616 = arith.addi %mul3A_2615, %get3A_2600 : vector<16xi32>
    %jit3A_2617 = arith.constant 524288 : i32
    %broadcast_in_dim3A_2618 = vector.broadcast %jit3A_2617 : i32 to vector<16xi32>
    %select_n3A_2619 = arith.select %and3A_2612, %add3A_2616, %broadcast_in_dim3A_2618 : vector<16xi1>, vector<16xi32>
    %swap3A_2620 = arith.constant 11 : i32
    %swap3A_2621 = arith.index_cast %swap3A_2620 : i32 to index
    %swap3A_2622 = arith.constant 48 : index
    %swap3A_2623 = tpu.vector_load %arg8[%swap3A_2621, %swap3A_2622] {strides = array<i32>} : memref<18x128xi32, #tpu.memory_space<vmem>>, vector<1x16xi32>,
    %swap3A_2624 = vector.shape_cast %swap3A_2623 : vector<1x16xi32> to vector<16xi32>
    %swap3A_2625 = vector.shape_cast %select_n3A_2619 : vector<16xi32> to vector<1x16xi32>
    tpu.vector_store %arg8[%swap3A_2621, %swap3A_2622], %swap3A_2625 {strides = array<i32>} : memref<18x128xi32, #tpu.memory_space<vmem>>, vector<1x16xi32>,
    %get3A_2626 = arith.constant 1472 : index
    %get3A_2627 = tpu.vector_load %arg6[%get3A_2626] {strides = array<i32>} : memref<2304xi32, #tpu.memory_space<vmem>>, vector<16xi32>,
    %get3A_2628 = vector.shape_cast %get3A_2627 : vector<16xi32> to vector<16xi32>
    %get3A_2629 = arith.constant 1472 : index
    %get3A_2630 = tpu.vector_load %arg7[%get3A_2629] {strides = array<i32>} : memref<2304xi32, #tpu.memory_space<vmem>>, vector<16xi32>,
    %get3A_2631 = vector.shape_cast %get3A_2630 : vector<16xi32> to vector<16xi32>
    %sub3A_2632 = vector.broadcast %mul3A_57 : i32 to vector<16xi32>
    %sub3A_2633 = arith.subi %get3A_2631, %sub3A_2632 : vector<16xi32>
    %ge3A_2634 = arith.constant 0 : i32
    %ge3A_2635 = vector.broadcast %ge3A_2634 : i32 to vector<16xi32>
    %ge3A_2636 = arith.cmpi sge, %sub3A_2633, %ge3A_2635 : vector<16xi32>
    %lt3A_2637 = arith.constant 512 : i32
    %lt3A_2638 = vector.broadcast %lt3A_2637 : i32 to vector<16xi32>
    %lt3A_2639 = arith.cmpi slt, %sub3A_2633, %lt3A_2638 : vector<16xi32>
    %and3A_2640 = arith.andi %ge3A_2636, %lt3A_2639 : vector<16xi1>
    %mul3A_2641 = arith.constant 1024 : i32
    %mul3A_2642 = vector.broadcast %mul3A_2641 : i32 to vector<16xi32>
    %mul3A_2643 = arith.muli %sub3A_2633, %mul3A_2642 : vector<16xi32>
    %add3A_2644 = arith.addi %mul3A_2643, %get3A_2628 : vector<16xi32>
    %jit3A_2645 = arith.constant 524288 : i32
    %broadcast_in_dim3A_2646 = vector.broadcast %jit3A_2645 : i32 to vector<16xi32>
    %select_n3A_2647 = arith.select %and3A_2640, %add3A_2644, %broadcast_in_dim3A_2646 : vector<16xi1>, vector<16xi32>
    %swap3A_2648 = arith.constant 11 : i32
    %swap3A_2649 = arith.index_cast %swap3A_2648 : i32 to index
    %swap3A_2650 = arith.constant 64 : index
    %swap3A_2651 = tpu.vector_load %arg8[%swap3A_2649, %swap3A_2650] {strides = array<i32>} : memref<18x128xi32, #tpu.memory_space<vmem>>, vector<1x16xi32>,
    %swap3A_2652 = vector.shape_cast %swap3A_2651 : vector<1x16xi32> to vector<16xi32>
    %swap3A_2653 = vector.shape_cast %select_n3A_2647 : vector<16xi32> to vector<1x16xi32>
    tpu.vector_store %arg8[%swap3A_2649, %swap3A_2650], %swap3A_2653 {strides = array<i32>} : memref<18x128xi32, #tpu.memory_space<vmem>>, vector<1x16xi32>,
    %get3A_2654 = arith.constant 1488 : index
    %get3A_2655 = tpu.vector_load %arg6[%get3A_2654] {strides = array<i32>} : memref<2304xi32, #tpu.memory_space<vmem>>, vector<16xi32>,
    %get3A_2656 = vector.shape_cast %get3A_2655 : vector<16xi32> to vector<16xi32>
    %get3A_2657 = arith.constant 1488 : index
    %get3A_2658 = tpu.vector_load %arg7[%get3A_2657] {strides = array<i32>} : memref<2304xi32, #tpu.memory_space<vmem>>, vector<16xi32>,
    %get3A_2659 = vector.shape_cast %get3A_2658 : vector<16xi32> to vector<16xi32>
    %sub3A_2660 = vector.broadcast %mul3A_57 : i32 to vector<16xi32>
    %sub3A_2661 = arith.subi %get3A_2659, %sub3A_2660 : vector<16xi32>
    %ge3A_2662 = arith.constant 0 : i32
    %ge3A_2663 = vector.broadcast %ge3A_2662 : i32 to vector<16xi32>
    %ge3A_2664 = arith.cmpi sge, %sub3A_2661, %ge3A_2663 : vector<16xi32>
    %lt3A_2665 = arith.constant 512 : i32
    %lt3A_2666 = vector.broadcast %lt3A_2665 : i32 to vector<16xi32>
    %lt3A_2667 = arith.cmpi slt, %sub3A_2661, %lt3A_2666 : vector<16xi32>
    %and3A_2668 = arith.andi %ge3A_2664, %lt3A_2667 : vector<16xi1>
    %mul3A_2669 = arith.constant 1024 : i32
    %mul3A_2670 = vector.broadcast %mul3A_2669 : i32 to vector<16xi32>
    %mul3A_2671 = arith.muli %sub3A_2661, %mul3A_2670 : vector<16xi32>
    %add3A_2672 = arith.addi %mul3A_2671, %get3A_2656 : vector<16xi32>
    %jit3A_2673 = arith.constant 524288 : i32
    %broadcast_in_dim3A_2674 = vector.broadcast %jit3A_2673 : i32 to vector<16xi32>
    %select_n3A_2675 = arith.select %and3A_2668, %add3A_2672, %broadcast_in_dim3A_2674 : vector<16xi1>, vector<16xi32>
    %swap3A_2676 = arith.constant 11 : i32
    %swap3A_2677 = arith.index_cast %swap3A_2676 : i32 to index
    %swap3A_2678 = arith.constant 80 : index
    %swap3A_2679 = tpu.vector_load %arg8[%swap3A_2677, %swap3A_2678] {strides = array<i32>} : memref<18x128xi32, #tpu.memory_space<vmem>>, vector<1x16xi32>,
    %swap3A_2680 = vector.shape_cast %swap3A_2679 : vector<1x16xi32> to vector<16xi32>
    %swap3A_2681 = vector.shape_cast %select_n3A_2675 : vector<16xi32> to vector<1x16xi32>
    tpu.vector_store %arg8[%swap3A_2677, %swap3A_2678], %swap3A_2681 {strides = array<i32>} : memref<18x128xi32, #tpu.memory_space<vmem>>, vector<1x16xi32>,
    %get3A_2682 = arith.constant 1504 : index
    %get3A_2683 = tpu.vector_load %arg6[%get3A_2682] {strides = array<i32>} : memref<2304xi32, #tpu.memory_space<vmem>>, vector<16xi32>,
    %get3A_2684 = vector.shape_cast %get3A_2683 : vector<16xi32> to vector<16xi32>
    %get3A_2685 = arith.constant 1504 : index
    %get3A_2686 = tpu.vector_load %arg7[%get3A_2685] {strides = array<i32>} : memref<2304xi32, #tpu.memory_space<vmem>>, vector<16xi32>,
    %get3A_2687 = vector.shape_cast %get3A_2686 : vector<16xi32> to vector<16xi32>
    %sub3A_2688 = vector.broadcast %mul3A_57 : i32 to vector<16xi32>
    %sub3A_2689 = arith.subi %get3A_2687, %sub3A_2688 : vector<16xi32>
    %ge3A_2690 = arith.constant 0 : i32
    %ge3A_2691 = vector.broadcast %ge3A_2690 : i32 to vector<16xi32>
    %ge3A_2692 = arith.cmpi sge, %sub3A_2689, %ge3A_2691 : vector<16xi32>
    %lt3A_2693 = arith.constant 512 : i32
    %lt3A_2694 = vector.broadcast %lt3A_2693 : i32 to vector<16xi32>
    %lt3A_2695 = arith.cmpi slt, %sub3A_2689, %lt3A_2694 : vector<16xi32>
    %and3A_2696 = arith.andi %ge3A_2692, %lt3A_2695 : vector<16xi1>
    %mul3A_2697 = arith.constant 1024 : i32
    %mul3A_2698 = vector.broadcast %mul3A_2697 : i32 to vector<16xi32>
    %mul3A_2699 = arith.muli %sub3A_2689, %mul3A_2698 : vector<16xi32>
    %add3A_2700 = arith.addi %mul3A_2699, %get3A_2684 : vector<16xi32>
    %jit3A_2701 = arith.constant 524288 : i32
    %broadcast_in_dim3A_2702 = vector.broadcast %jit3A_2701 : i32 to vector<16xi32>
    %select_n3A_2703 = arith.select %and3A_2696, %add3A_2700, %broadcast_in_dim3A_2702 : vector<16xi1>, vector<16xi32>
    %swap3A_2704 = arith.constant 11 : i32
    %swap3A_2705 = arith.index_cast %swap3A_2704 : i32 to index
    %swap3A_2706 = arith.constant 96 : index
    %swap3A_2707 = tpu.vector_load %arg8[%swap3A_2705, %swap3A_2706] {strides = array<i32>} : memref<18x128xi32, #tpu.memory_space<vmem>>, vector<1x16xi32>,
    %swap3A_2708 = vector.shape_cast %swap3A_2707 : vector<1x16xi32> to vector<16xi32>
    %swap3A_2709 = vector.shape_cast %select_n3A_2703 : vector<16xi32> to vector<1x16xi32>
    tpu.vector_store %arg8[%swap3A_2705, %swap3A_2706], %swap3A_2709 {strides = array<i32>} : memref<18x128xi32, #tpu.memory_space<vmem>>, vector<1x16xi32>,
    %get3A_2710 = arith.constant 1520 : index
    %get3A_2711 = tpu.vector_load %arg6[%get3A_2710] {strides = array<i32>} : memref<2304xi32, #tpu.memory_space<vmem>>, vector<16xi32>,
    %get3A_2712 = vector.shape_cast %get3A_2711 : vector<16xi32> to vector<16xi32>
    %get3A_2713 = arith.constant 1520 : index
    %get3A_2714 = tpu.vector_load %arg7[%get3A_2713] {strides = array<i32>} : memref<2304xi32, #tpu.memory_space<vmem>>, vector<16xi32>,
    %get3A_2715 = vector.shape_cast %get3A_2714 : vector<16xi32> to vector<16xi32>
    %sub3A_2716 = vector.broadcast %mul3A_57 : i32 to vector<16xi32>
    %sub3A_2717 = arith.subi %get3A_2715, %sub3A_2716 : vector<16xi32>
    %ge3A_2718 = arith.constant 0 : i32
    %ge3A_2719 = vector.broadcast %ge3A_2718 : i32 to vector<16xi32>
    %ge3A_2720 = arith.cmpi sge, %sub3A_2717, %ge3A_2719 : vector<16xi32>
    %lt3A_2721 = arith.constant 512 : i32
    %lt3A_2722 = vector.broadcast %lt3A_2721 : i32 to vector<16xi32>
    %lt3A_2723 = arith.cmpi slt, %sub3A_2717, %lt3A_2722 : vector<16xi32>
    %and3A_2724 = arith.andi %ge3A_2720, %lt3A_2723 : vector<16xi1>
    %mul3A_2725 = arith.constant 1024 : i32
    %mul3A_2726 = vector.broadcast %mul3A_2725 : i32 to vector<16xi32>
    %mul3A_2727 = arith.muli %sub3A_2717, %mul3A_2726 : vector<16xi32>
    %add3A_2728 = arith.addi %mul3A_2727, %get3A_2712 : vector<16xi32>
    %jit3A_2729 = arith.constant 524288 : i32
    %broadcast_in_dim3A_2730 = vector.broadcast %jit3A_2729 : i32 to vector<16xi32>
    %select_n3A_2731 = arith.select %and3A_2724, %add3A_2728, %broadcast_in_dim3A_2730 : vector<16xi1>, vector<16xi32>
    %swap3A_2732 = arith.constant 11 : i32
    %swap3A_2733 = arith.index_cast %swap3A_2732 : i32 to index
    %swap3A_2734 = arith.constant 112 : index
    %swap3A_2735 = tpu.vector_load %arg8[%swap3A_2733, %swap3A_2734] {strides = array<i32>} : memref<18x128xi32, #tpu.memory_space<vmem>>, vector<1x16xi32>,
    %swap3A_2736 = vector.shape_cast %swap3A_2735 : vector<1x16xi32> to vector<16xi32>
    %swap3A_2737 = vector.shape_cast %select_n3A_2731 : vector<16xi32> to vector<1x16xi32>
    tpu.vector_store %arg8[%swap3A_2733, %swap3A_2734], %swap3A_2737 {strides = array<i32>} : memref<18x128xi32, #tpu.memory_space<vmem>>, vector<1x16xi32>,
    %get3A_2738 = arith.constant 1536 : index
    %get3A_2739 = tpu.vector_load %arg6[%get3A_2738] {strides = array<i32>} : memref<2304xi32, #tpu.memory_space<vmem>>, vector<16xi32>,
    %get3A_2740 = vector.shape_cast %get3A_2739 : vector<16xi32> to vector<16xi32>
    %get3A_2741 = arith.constant 1536 : index
    %get3A_2742 = tpu.vector_load %arg7[%get3A_2741] {strides = array<i32>} : memref<2304xi32, #tpu.memory_space<vmem>>, vector<16xi32>,
    %get3A_2743 = vector.shape_cast %get3A_2742 : vector<16xi32> to vector<16xi32>
    %sub3A_2744 = vector.broadcast %mul3A_57 : i32 to vector<16xi32>
    %sub3A_2745 = arith.subi %get3A_2743, %sub3A_2744 : vector<16xi32>
    %ge3A_2746 = arith.constant 0 : i32
    %ge3A_2747 = vector.broadcast %ge3A_2746 : i32 to vector<16xi32>
    %ge3A_2748 = arith.cmpi sge, %sub3A_2745, %ge3A_2747 : vector<16xi32>
    %lt3A_2749 = arith.constant 512 : i32
    %lt3A_2750 = vector.broadcast %lt3A_2749 : i32 to vector<16xi32>
    %lt3A_2751 = arith.cmpi slt, %sub3A_2745, %lt3A_2750 : vector<16xi32>
    %and3A_2752 = arith.andi %ge3A_2748, %lt3A_2751 : vector<16xi1>
    %mul3A_2753 = arith.constant 1024 : i32
    %mul3A_2754 = vector.broadcast %mul3A_2753 : i32 to vector<16xi32>
    %mul3A_2755 = arith.muli %sub3A_2745, %mul3A_2754 : vector<16xi32>
    %add3A_2756 = arith.addi %mul3A_2755, %get3A_2740 : vector<16xi32>
    %jit3A_2757 = arith.constant 524288 : i32
    %broadcast_in_dim3A_2758 = vector.broadcast %jit3A_2757 : i32 to vector<16xi32>
    %select_n3A_2759 = arith.select %and3A_2752, %add3A_2756, %broadcast_in_dim3A_2758 : vector<16xi1>, vector<16xi32>
    %swap3A_2760 = arith.constant 12 : i32
    %swap3A_2761 = arith.index_cast %swap3A_2760 : i32 to index
    %swap3A_2762 = arith.constant 0 : index
    %swap3A_2763 = tpu.vector_load %arg8[%swap3A_2761, %swap3A_2762] {strides = array<i32>} : memref<18x128xi32, #tpu.memory_space<vmem>>, vector<1x16xi32>,
    %swap3A_2764 = vector.shape_cast %swap3A_2763 : vector<1x16xi32> to vector<16xi32>
    %swap3A_2765 = vector.shape_cast %select_n3A_2759 : vector<16xi32> to vector<1x16xi32>
    tpu.vector_store %arg8[%swap3A_2761, %swap3A_2762], %swap3A_2765 {strides = array<i32>} : memref<18x128xi32, #tpu.memory_space<vmem>>, vector<1x16xi32>,
    %get3A_2766 = arith.constant 1552 : index
    %get3A_2767 = tpu.vector_load %arg6[%get3A_2766] {strides = array<i32>} : memref<2304xi32, #tpu.memory_space<vmem>>, vector<16xi32>,
    %get3A_2768 = vector.shape_cast %get3A_2767 : vector<16xi32> to vector<16xi32>
    %get3A_2769 = arith.constant 1552 : index
    %get3A_2770 = tpu.vector_load %arg7[%get3A_2769] {strides = array<i32>} : memref<2304xi32, #tpu.memory_space<vmem>>, vector<16xi32>,
    %get3A_2771 = vector.shape_cast %get3A_2770 : vector<16xi32> to vector<16xi32>
    %sub3A_2772 = vector.broadcast %mul3A_57 : i32 to vector<16xi32>
    %sub3A_2773 = arith.subi %get3A_2771, %sub3A_2772 : vector<16xi32>
    %ge3A_2774 = arith.constant 0 : i32
    %ge3A_2775 = vector.broadcast %ge3A_2774 : i32 to vector<16xi32>
    %ge3A_2776 = arith.cmpi sge, %sub3A_2773, %ge3A_2775 : vector<16xi32>
    %lt3A_2777 = arith.constant 512 : i32
    %lt3A_2778 = vector.broadcast %lt3A_2777 : i32 to vector<16xi32>
    %lt3A_2779 = arith.cmpi slt, %sub3A_2773, %lt3A_2778 : vector<16xi32>
    %and3A_2780 = arith.andi %ge3A_2776, %lt3A_2779 : vector<16xi1>
    %mul3A_2781 = arith.constant 1024 : i32
    %mul3A_2782 = vector.broadcast %mul3A_2781 : i32 to vector<16xi32>
    %mul3A_2783 = arith.muli %sub3A_2773, %mul3A_2782 : vector<16xi32>
    %add3A_2784 = arith.addi %mul3A_2783, %get3A_2768 : vector<16xi32>
    %jit3A_2785 = arith.constant 524288 : i32
    %broadcast_in_dim3A_2786 = vector.broadcast %jit3A_2785 : i32 to vector<16xi32>
    %select_n3A_2787 = arith.select %and3A_2780, %add3A_2784, %broadcast_in_dim3A_2786 : vector<16xi1>, vector<16xi32>
    %swap3A_2788 = arith.constant 12 : i32
    %swap3A_2789 = arith.index_cast %swap3A_2788 : i32 to index
    %swap3A_2790 = arith.constant 16 : index
    %swap3A_2791 = tpu.vector_load %arg8[%swap3A_2789, %swap3A_2790] {strides = array<i32>} : memref<18x128xi32, #tpu.memory_space<vmem>>, vector<1x16xi32>,
    %swap3A_2792 = vector.shape_cast %swap3A_2791 : vector<1x16xi32> to vector<16xi32>
    %swap3A_2793 = vector.shape_cast %select_n3A_2787 : vector<16xi32> to vector<1x16xi32>
    tpu.vector_store %arg8[%swap3A_2789, %swap3A_2790], %swap3A_2793 {strides = array<i32>} : memref<18x128xi32, #tpu.memory_space<vmem>>, vector<1x16xi32>,
    %get3A_2794 = arith.constant 1568 : index
    %get3A_2795 = tpu.vector_load %arg6[%get3A_2794] {strides = array<i32>} : memref<2304xi32, #tpu.memory_space<vmem>>, vector<16xi32>,
    %get3A_2796 = vector.shape_cast %get3A_2795 : vector<16xi32> to vector<16xi32>
    %get3A_2797 = arith.constant 1568 : index
    %get3A_2798 = tpu.vector_load %arg7[%get3A_2797] {strides = array<i32>} : memref<2304xi32, #tpu.memory_space<vmem>>, vector<16xi32>,
    %get3A_2799 = vector.shape_cast %get3A_2798 : vector<16xi32> to vector<16xi32>
    %sub3A_2800 = vector.broadcast %mul3A_57 : i32 to vector<16xi32>
    %sub3A_2801 = arith.subi %get3A_2799, %sub3A_2800 : vector<16xi32>
    %ge3A_2802 = arith.constant 0 : i32
    %ge3A_2803 = vector.broadcast %ge3A_2802 : i32 to vector<16xi32>
    %ge3A_2804 = arith.cmpi sge, %sub3A_2801, %ge3A_2803 : vector<16xi32>
    %lt3A_2805 = arith.constant 512 : i32
    %lt3A_2806 = vector.broadcast %lt3A_2805 : i32 to vector<16xi32>
    %lt3A_2807 = arith.cmpi slt, %sub3A_2801, %lt3A_2806 : vector<16xi32>
    %and3A_2808 = arith.andi %ge3A_2804, %lt3A_2807 : vector<16xi1>
    %mul3A_2809 = arith.constant 1024 : i32
    %mul3A_2810 = vector.broadcast %mul3A_2809 : i32 to vector<16xi32>
    %mul3A_2811 = arith.muli %sub3A_2801, %mul3A_2810 : vector<16xi32>
    %add3A_2812 = arith.addi %mul3A_2811, %get3A_2796 : vector<16xi32>
    %jit3A_2813 = arith.constant 524288 : i32
    %broadcast_in_dim3A_2814 = vector.broadcast %jit3A_2813 : i32 to vector<16xi32>
    %select_n3A_2815 = arith.select %and3A_2808, %add3A_2812, %broadcast_in_dim3A_2814 : vector<16xi1>, vector<16xi32>
    %swap3A_2816 = arith.constant 12 : i32
    %swap3A_2817 = arith.index_cast %swap3A_2816 : i32 to index
    %swap3A_2818 = arith.constant 32 : index
    %swap3A_2819 = tpu.vector_load %arg8[%swap3A_2817, %swap3A_2818] {strides = array<i32>} : memref<18x128xi32, #tpu.memory_space<vmem>>, vector<1x16xi32>,
    %swap3A_2820 = vector.shape_cast %swap3A_2819 : vector<1x16xi32> to vector<16xi32>
    %swap3A_2821 = vector.shape_cast %select_n3A_2815 : vector<16xi32> to vector<1x16xi32>
    tpu.vector_store %arg8[%swap3A_2817, %swap3A_2818], %swap3A_2821 {strides = array<i32>} : memref<18x128xi32, #tpu.memory_space<vmem>>, vector<1x16xi32>,
    %get3A_2822 = arith.constant 1584 : index
    %get3A_2823 = tpu.vector_load %arg6[%get3A_2822] {strides = array<i32>} : memref<2304xi32, #tpu.memory_space<vmem>>, vector<16xi32>,
    %get3A_2824 = vector.shape_cast %get3A_2823 : vector<16xi32> to vector<16xi32>
    %get3A_2825 = arith.constant 1584 : index
    %get3A_2826 = tpu.vector_load %arg7[%get3A_2825] {strides = array<i32>} : memref<2304xi32, #tpu.memory_space<vmem>>, vector<16xi32>,
    %get3A_2827 = vector.shape_cast %get3A_2826 : vector<16xi32> to vector<16xi32>
    %sub3A_2828 = vector.broadcast %mul3A_57 : i32 to vector<16xi32>
    %sub3A_2829 = arith.subi %get3A_2827, %sub3A_2828 : vector<16xi32>
    %ge3A_2830 = arith.constant 0 : i32
    %ge3A_2831 = vector.broadcast %ge3A_2830 : i32 to vector<16xi32>
    %ge3A_2832 = arith.cmpi sge, %sub3A_2829, %ge3A_2831 : vector<16xi32>
    %lt3A_2833 = arith.constant 512 : i32
    %lt3A_2834 = vector.broadcast %lt3A_2833 : i32 to vector<16xi32>
    %lt3A_2835 = arith.cmpi slt, %sub3A_2829, %lt3A_2834 : vector<16xi32>
    %and3A_2836 = arith.andi %ge3A_2832, %lt3A_2835 : vector<16xi1>
    %mul3A_2837 = arith.constant 1024 : i32
    %mul3A_2838 = vector.broadcast %mul3A_2837 : i32 to vector<16xi32>
    %mul3A_2839 = arith.muli %sub3A_2829, %mul3A_2838 : vector<16xi32>
    %add3A_2840 = arith.addi %mul3A_2839, %get3A_2824 : vector<16xi32>
    %jit3A_2841 = arith.constant 524288 : i32
    %broadcast_in_dim3A_2842 = vector.broadcast %jit3A_2841 : i32 to vector<16xi32>
    %select_n3A_2843 = arith.select %and3A_2836, %add3A_2840, %broadcast_in_dim3A_2842 : vector<16xi1>, vector<16xi32>
    %swap3A_2844 = arith.constant 12 : i32
    %swap3A_2845 = arith.index_cast %swap3A_2844 : i32 to index
    %swap3A_2846 = arith.constant 48 : index
    %swap3A_2847 = tpu.vector_load %arg8[%swap3A_2845, %swap3A_2846] {strides = array<i32>} : memref<18x128xi32, #tpu.memory_space<vmem>>, vector<1x16xi32>,
    %swap3A_2848 = vector.shape_cast %swap3A_2847 : vector<1x16xi32> to vector<16xi32>
    %swap3A_2849 = vector.shape_cast %select_n3A_2843 : vector<16xi32> to vector<1x16xi32>
    tpu.vector_store %arg8[%swap3A_2845, %swap3A_2846], %swap3A_2849 {strides = array<i32>} : memref<18x128xi32, #tpu.memory_space<vmem>>, vector<1x16xi32>,
    %get3A_2850 = arith.constant 1600 : index
    %get3A_2851 = tpu.vector_load %arg6[%get3A_2850] {strides = array<i32>} : memref<2304xi32, #tpu.memory_space<vmem>>, vector<16xi32>,
    %get3A_2852 = vector.shape_cast %get3A_2851 : vector<16xi32> to vector<16xi32>
    %get3A_2853 = arith.constant 1600 : index
    %get3A_2854 = tpu.vector_load %arg7[%get3A_2853] {strides = array<i32>} : memref<2304xi32, #tpu.memory_space<vmem>>, vector<16xi32>,
    %get3A_2855 = vector.shape_cast %get3A_2854 : vector<16xi32> to vector<16xi32>
    %sub3A_2856 = vector.broadcast %mul3A_57 : i32 to vector<16xi32>
    %sub3A_2857 = arith.subi %get3A_2855, %sub3A_2856 : vector<16xi32>
    %ge3A_2858 = arith.constant 0 : i32
    %ge3A_2859 = vector.broadcast %ge3A_2858 : i32 to vector<16xi32>
    %ge3A_2860 = arith.cmpi sge, %sub3A_2857, %ge3A_2859 : vector<16xi32>
    %lt3A_2861 = arith.constant 512 : i32
    %lt3A_2862 = vector.broadcast %lt3A_2861 : i32 to vector<16xi32>
    %lt3A_2863 = arith.cmpi slt, %sub3A_2857, %lt3A_2862 : vector<16xi32>
    %and3A_2864 = arith.andi %ge3A_2860, %lt3A_2863 : vector<16xi1>
    %mul3A_2865 = arith.constant 1024 : i32
    %mul3A_2866 = vector.broadcast %mul3A_2865 : i32 to vector<16xi32>
    %mul3A_2867 = arith.muli %sub3A_2857, %mul3A_2866 : vector<16xi32>
    %add3A_2868 = arith.addi %mul3A_2867, %get3A_2852 : vector<16xi32>
    %jit3A_2869 = arith.constant 524288 : i32
    %broadcast_in_dim3A_2870 = vector.broadcast %jit3A_2869 : i32 to vector<16xi32>
    %select_n3A_2871 = arith.select %and3A_2864, %add3A_2868, %broadcast_in_dim3A_2870 : vector<16xi1>, vector<16xi32>
    %swap3A_2872 = arith.constant 12 : i32
    %swap3A_2873 = arith.index_cast %swap3A_2872 : i32 to index
    %swap3A_2874 = arith.constant 64 : index
    %swap3A_2875 = tpu.vector_load %arg8[%swap3A_2873, %swap3A_2874] {strides = array<i32>} : memref<18x128xi32, #tpu.memory_space<vmem>>, vector<1x16xi32>,
    %swap3A_2876 = vector.shape_cast %swap3A_2875 : vector<1x16xi32> to vector<16xi32>
    %swap3A_2877 = vector.shape_cast %select_n3A_2871 : vector<16xi32> to vector<1x16xi32>
    tpu.vector_store %arg8[%swap3A_2873, %swap3A_2874], %swap3A_2877 {strides = array<i32>} : memref<18x128xi32, #tpu.memory_space<vmem>>, vector<1x16xi32>,
    %get3A_2878 = arith.constant 1616 : index
    %get3A_2879 = tpu.vector_load %arg6[%get3A_2878] {strides = array<i32>} : memref<2304xi32, #tpu.memory_space<vmem>>, vector<16xi32>,
    %get3A_2880 = vector.shape_cast %get3A_2879 : vector<16xi32> to vector<16xi32>
    %get3A_2881 = arith.constant 1616 : index
    %get3A_2882 = tpu.vector_load %arg7[%get3A_2881] {strides = array<i32>} : memref<2304xi32, #tpu.memory_space<vmem>>, vector<16xi32>,
    %get3A_2883 = vector.shape_cast %get3A_2882 : vector<16xi32> to vector<16xi32>
    %sub3A_2884 = vector.broadcast %mul3A_57 : i32 to vector<16xi32>
    %sub3A_2885 = arith.subi %get3A_2883, %sub3A_2884 : vector<16xi32>
    %ge3A_2886 = arith.constant 0 : i32
    %ge3A_2887 = vector.broadcast %ge3A_2886 : i32 to vector<16xi32>
    %ge3A_2888 = arith.cmpi sge, %sub3A_2885, %ge3A_2887 : vector<16xi32>
    %lt3A_2889 = arith.constant 512 : i32
    %lt3A_2890 = vector.broadcast %lt3A_2889 : i32 to vector<16xi32>
    %lt3A_2891 = arith.cmpi slt, %sub3A_2885, %lt3A_2890 : vector<16xi32>
    %and3A_2892 = arith.andi %ge3A_2888, %lt3A_2891 : vector<16xi1>
    %mul3A_2893 = arith.constant 1024 : i32
    %mul3A_2894 = vector.broadcast %mul3A_2893 : i32 to vector<16xi32>
    %mul3A_2895 = arith.muli %sub3A_2885, %mul3A_2894 : vector<16xi32>
    %add3A_2896 = arith.addi %mul3A_2895, %get3A_2880 : vector<16xi32>
    %jit3A_2897 = arith.constant 524288 : i32
    %broadcast_in_dim3A_2898 = vector.broadcast %jit3A_2897 : i32 to vector<16xi32>
    %select_n3A_2899 = arith.select %and3A_2892, %add3A_2896, %broadcast_in_dim3A_2898 : vector<16xi1>, vector<16xi32>
    %swap3A_2900 = arith.constant 12 : i32
    %swap3A_2901 = arith.index_cast %swap3A_2900 : i32 to index
    %swap3A_2902 = arith.constant 80 : index
    %swap3A_2903 = tpu.vector_load %arg8[%swap3A_2901, %swap3A_2902] {strides = array<i32>} : memref<18x128xi32, #tpu.memory_space<vmem>>, vector<1x16xi32>,
    %swap3A_2904 = vector.shape_cast %swap3A_2903 : vector<1x16xi32> to vector<16xi32>
    %swap3A_2905 = vector.shape_cast %select_n3A_2899 : vector<16xi32> to vector<1x16xi32>
    tpu.vector_store %arg8[%swap3A_2901, %swap3A_2902], %swap3A_2905 {strides = array<i32>} : memref<18x128xi32, #tpu.memory_space<vmem>>, vector<1x16xi32>,
    %get3A_2906 = arith.constant 1632 : index
    %get3A_2907 = tpu.vector_load %arg6[%get3A_2906] {strides = array<i32>} : memref<2304xi32, #tpu.memory_space<vmem>>, vector<16xi32>,
    %get3A_2908 = vector.shape_cast %get3A_2907 : vector<16xi32> to vector<16xi32>
    %get3A_2909 = arith.constant 1632 : index
    %get3A_2910 = tpu.vector_load %arg7[%get3A_2909] {strides = array<i32>} : memref<2304xi32, #tpu.memory_space<vmem>>, vector<16xi32>,
    %get3A_2911 = vector.shape_cast %get3A_2910 : vector<16xi32> to vector<16xi32>
    %sub3A_2912 = vector.broadcast %mul3A_57 : i32 to vector<16xi32>
    %sub3A_2913 = arith.subi %get3A_2911, %sub3A_2912 : vector<16xi32>
    %ge3A_2914 = arith.constant 0 : i32
    %ge3A_2915 = vector.broadcast %ge3A_2914 : i32 to vector<16xi32>
    %ge3A_2916 = arith.cmpi sge, %sub3A_2913, %ge3A_2915 : vector<16xi32>
    %lt3A_2917 = arith.constant 512 : i32
    %lt3A_2918 = vector.broadcast %lt3A_2917 : i32 to vector<16xi32>
    %lt3A_2919 = arith.cmpi slt, %sub3A_2913, %lt3A_2918 : vector<16xi32>
    %and3A_2920 = arith.andi %ge3A_2916, %lt3A_2919 : vector<16xi1>
    %mul3A_2921 = arith.constant 1024 : i32
    %mul3A_2922 = vector.broadcast %mul3A_2921 : i32 to vector<16xi32>
    %mul3A_2923 = arith.muli %sub3A_2913, %mul3A_2922 : vector<16xi32>
    %add3A_2924 = arith.addi %mul3A_2923, %get3A_2908 : vector<16xi32>
    %jit3A_2925 = arith.constant 524288 : i32
    %broadcast_in_dim3A_2926 = vector.broadcast %jit3A_2925 : i32 to vector<16xi32>
    %select_n3A_2927 = arith.select %and3A_2920, %add3A_2924, %broadcast_in_dim3A_2926 : vector<16xi1>, vector<16xi32>
    %swap3A_2928 = arith.constant 12 : i32
    %swap3A_2929 = arith.index_cast %swap3A_2928 : i32 to index
    %swap3A_2930 = arith.constant 96 : index
    %swap3A_2931 = tpu.vector_load %arg8[%swap3A_2929, %swap3A_2930] {strides = array<i32>} : memref<18x128xi32, #tpu.memory_space<vmem>>, vector<1x16xi32>,
    %swap3A_2932 = vector.shape_cast %swap3A_2931 : vector<1x16xi32> to vector<16xi32>
    %swap3A_2933 = vector.shape_cast %select_n3A_2927 : vector<16xi32> to vector<1x16xi32>
    tpu.vector_store %arg8[%swap3A_2929, %swap3A_2930], %swap3A_2933 {strides = array<i32>} : memref<18x128xi32, #tpu.memory_space<vmem>>, vector<1x16xi32>,
    %get3A_2934 = arith.constant 1648 : index
    %get3A_2935 = tpu.vector_load %arg6[%get3A_2934] {strides = array<i32>} : memref<2304xi32, #tpu.memory_space<vmem>>, vector<16xi32>,
    %get3A_2936 = vector.shape_cast %get3A_2935 : vector<16xi32> to vector<16xi32>
    %get3A_2937 = arith.constant 1648 : index
    %get3A_2938 = tpu.vector_load %arg7[%get3A_2937] {strides = array<i32>} : memref<2304xi32, #tpu.memory_space<vmem>>, vector<16xi32>,
    %get3A_2939 = vector.shape_cast %get3A_2938 : vector<16xi32> to vector<16xi32>
    %sub3A_2940 = vector.broadcast %mul3A_57 : i32 to vector<16xi32>
    %sub3A_2941 = arith.subi %get3A_2939, %sub3A_2940 : vector<16xi32>
    %ge3A_2942 = arith.constant 0 : i32
    %ge3A_2943 = vector.broadcast %ge3A_2942 : i32 to vector<16xi32>
    %ge3A_2944 = arith.cmpi sge, %sub3A_2941, %ge3A_2943 : vector<16xi32>
    %lt3A_2945 = arith.constant 512 : i32
    %lt3A_2946 = vector.broadcast %lt3A_2945 : i32 to vector<16xi32>
    %lt3A_2947 = arith.cmpi slt, %sub3A_2941, %lt3A_2946 : vector<16xi32>
    %and3A_2948 = arith.andi %ge3A_2944, %lt3A_2947 : vector<16xi1>
    %mul3A_2949 = arith.constant 1024 : i32
    %mul3A_2950 = vector.broadcast %mul3A_2949 : i32 to vector<16xi32>
    %mul3A_2951 = arith.muli %sub3A_2941, %mul3A_2950 : vector<16xi32>
    %add3A_2952 = arith.addi %mul3A_2951, %get3A_2936 : vector<16xi32>
    %jit3A_2953 = arith.constant 524288 : i32
    %broadcast_in_dim3A_2954 = vector.broadcast %jit3A_2953 : i32 to vector<16xi32>
    %select_n3A_2955 = arith.select %and3A_2948, %add3A_2952, %broadcast_in_dim3A_2954 : vector<16xi1>, vector<16xi32>
    %swap3A_2956 = arith.constant 12 : i32
    %swap3A_2957 = arith.index_cast %swap3A_2956 : i32 to index
    %swap3A_2958 = arith.constant 112 : index
    %swap3A_2959 = tpu.vector_load %arg8[%swap3A_2957, %swap3A_2958] {strides = array<i32>} : memref<18x128xi32, #tpu.memory_space<vmem>>, vector<1x16xi32>,
    %swap3A_2960 = vector.shape_cast %swap3A_2959 : vector<1x16xi32> to vector<16xi32>
    %swap3A_2961 = vector.shape_cast %select_n3A_2955 : vector<16xi32> to vector<1x16xi32>
    tpu.vector_store %arg8[%swap3A_2957, %swap3A_2958], %swap3A_2961 {strides = array<i32>} : memref<18x128xi32, #tpu.memory_space<vmem>>, vector<1x16xi32>,
    %get3A_2962 = arith.constant 1664 : index
    %get3A_2963 = tpu.vector_load %arg6[%get3A_2962] {strides = array<i32>} : memref<2304xi32, #tpu.memory_space<vmem>>, vector<16xi32>,
    %get3A_2964 = vector.shape_cast %get3A_2963 : vector<16xi32> to vector<16xi32>
    %get3A_2965 = arith.constant 1664 : index
    %get3A_2966 = tpu.vector_load %arg7[%get3A_2965] {strides = array<i32>} : memref<2304xi32, #tpu.memory_space<vmem>>, vector<16xi32>,
    %get3A_2967 = vector.shape_cast %get3A_2966 : vector<16xi32> to vector<16xi32>
    %sub3A_2968 = vector.broadcast %mul3A_57 : i32 to vector<16xi32>
    %sub3A_2969 = arith.subi %get3A_2967, %sub3A_2968 : vector<16xi32>
    %ge3A_2970 = arith.constant 0 : i32
    %ge3A_2971 = vector.broadcast %ge3A_2970 : i32 to vector<16xi32>
    %ge3A_2972 = arith.cmpi sge, %sub3A_2969, %ge3A_2971 : vector<16xi32>
    %lt3A_2973 = arith.constant 512 : i32
    %lt3A_2974 = vector.broadcast %lt3A_2973 : i32 to vector<16xi32>
    %lt3A_2975 = arith.cmpi slt, %sub3A_2969, %lt3A_2974 : vector<16xi32>
    %and3A_2976 = arith.andi %ge3A_2972, %lt3A_2975 : vector<16xi1>
    %mul3A_2977 = arith.constant 1024 : i32
    %mul3A_2978 = vector.broadcast %mul3A_2977 : i32 to vector<16xi32>
    %mul3A_2979 = arith.muli %sub3A_2969, %mul3A_2978 : vector<16xi32>
    %add3A_2980 = arith.addi %mul3A_2979, %get3A_2964 : vector<16xi32>
    %jit3A_2981 = arith.constant 524288 : i32
    %broadcast_in_dim3A_2982 = vector.broadcast %jit3A_2981 : i32 to vector<16xi32>
    %select_n3A_2983 = arith.select %and3A_2976, %add3A_2980, %broadcast_in_dim3A_2982 : vector<16xi1>, vector<16xi32>
    %swap3A_2984 = arith.constant 13 : i32
    %swap3A_2985 = arith.index_cast %swap3A_2984 : i32 to index
    %swap3A_2986 = arith.constant 0 : index
    %swap3A_2987 = tpu.vector_load %arg8[%swap3A_2985, %swap3A_2986] {strides = array<i32>} : memref<18x128xi32, #tpu.memory_space<vmem>>, vector<1x16xi32>,
    %swap3A_2988 = vector.shape_cast %swap3A_2987 : vector<1x16xi32> to vector<16xi32>
    %swap3A_2989 = vector.shape_cast %select_n3A_2983 : vector<16xi32> to vector<1x16xi32>
    tpu.vector_store %arg8[%swap3A_2985, %swap3A_2986], %swap3A_2989 {strides = array<i32>} : memref<18x128xi32, #tpu.memory_space<vmem>>, vector<1x16xi32>,
    %get3A_2990 = arith.constant 1680 : index
    %get3A_2991 = tpu.vector_load %arg6[%get3A_2990] {strides = array<i32>} : memref<2304xi32, #tpu.memory_space<vmem>>, vector<16xi32>,
    %get3A_2992 = vector.shape_cast %get3A_2991 : vector<16xi32> to vector<16xi32>
    %get3A_2993 = arith.constant 1680 : index
    %get3A_2994 = tpu.vector_load %arg7[%get3A_2993] {strides = array<i32>} : memref<2304xi32, #tpu.memory_space<vmem>>, vector<16xi32>,
    %get3A_2995 = vector.shape_cast %get3A_2994 : vector<16xi32> to vector<16xi32>
    %sub3A_2996 = vector.broadcast %mul3A_57 : i32 to vector<16xi32>
    %sub3A_2997 = arith.subi %get3A_2995, %sub3A_2996 : vector<16xi32>
    %ge3A_2998 = arith.constant 0 : i32
    %ge3A_2999 = vector.broadcast %ge3A_2998 : i32 to vector<16xi32>
    %ge3A_3000 = arith.cmpi sge, %sub3A_2997, %ge3A_2999 : vector<16xi32>
    %lt3A_3001 = arith.constant 512 : i32
    %lt3A_3002 = vector.broadcast %lt3A_3001 : i32 to vector<16xi32>
    %lt3A_3003 = arith.cmpi slt, %sub3A_2997, %lt3A_3002 : vector<16xi32>
    %and3A_3004 = arith.andi %ge3A_3000, %lt3A_3003 : vector<16xi1>
    %mul3A_3005 = arith.constant 1024 : i32
    %mul3A_3006 = vector.broadcast %mul3A_3005 : i32 to vector<16xi32>
    %mul3A_3007 = arith.muli %sub3A_2997, %mul3A_3006 : vector<16xi32>
    %add3A_3008 = arith.addi %mul3A_3007, %get3A_2992 : vector<16xi32>
    %jit3A_3009 = arith.constant 524288 : i32
    %broadcast_in_dim3A_3010 = vector.broadcast %jit3A_3009 : i32 to vector<16xi32>
    %select_n3A_3011 = arith.select %and3A_3004, %add3A_3008, %broadcast_in_dim3A_3010 : vector<16xi1>, vector<16xi32>
    %swap3A_3012 = arith.constant 13 : i32
    %swap3A_3013 = arith.index_cast %swap3A_3012 : i32 to index
    %swap3A_3014 = arith.constant 16 : index
    %swap3A_3015 = tpu.vector_load %arg8[%swap3A_3013, %swap3A_3014] {strides = array<i32>} : memref<18x128xi32, #tpu.memory_space<vmem>>, vector<1x16xi32>,
    %swap3A_3016 = vector.shape_cast %swap3A_3015 : vector<1x16xi32> to vector<16xi32>
    %swap3A_3017 = vector.shape_cast %select_n3A_3011 : vector<16xi32> to vector<1x16xi32>
    tpu.vector_store %arg8[%swap3A_3013, %swap3A_3014], %swap3A_3017 {strides = array<i32>} : memref<18x128xi32, #tpu.memory_space<vmem>>, vector<1x16xi32>,
    %get3A_3018 = arith.constant 1696 : index
    %get3A_3019 = tpu.vector_load %arg6[%get3A_3018] {strides = array<i32>} : memref<2304xi32, #tpu.memory_space<vmem>>, vector<16xi32>,
    %get3A_3020 = vector.shape_cast %get3A_3019 : vector<16xi32> to vector<16xi32>
    %get3A_3021 = arith.constant 1696 : index
    %get3A_3022 = tpu.vector_load %arg7[%get3A_3021] {strides = array<i32>} : memref<2304xi32, #tpu.memory_space<vmem>>, vector<16xi32>,
    %get3A_3023 = vector.shape_cast %get3A_3022 : vector<16xi32> to vector<16xi32>
    %sub3A_3024 = vector.broadcast %mul3A_57 : i32 to vector<16xi32>
    %sub3A_3025 = arith.subi %get3A_3023, %sub3A_3024 : vector<16xi32>
    %ge3A_3026 = arith.constant 0 : i32
    %ge3A_3027 = vector.broadcast %ge3A_3026 : i32 to vector<16xi32>
    %ge3A_3028 = arith.cmpi sge, %sub3A_3025, %ge3A_3027 : vector<16xi32>
    %lt3A_3029 = arith.constant 512 : i32
    %lt3A_3030 = vector.broadcast %lt3A_3029 : i32 to vector<16xi32>
    %lt3A_3031 = arith.cmpi slt, %sub3A_3025, %lt3A_3030 : vector<16xi32>
    %and3A_3032 = arith.andi %ge3A_3028, %lt3A_3031 : vector<16xi1>
    %mul3A_3033 = arith.constant 1024 : i32
    %mul3A_3034 = vector.broadcast %mul3A_3033 : i32 to vector<16xi32>
    %mul3A_3035 = arith.muli %sub3A_3025, %mul3A_3034 : vector<16xi32>
    %add3A_3036 = arith.addi %mul3A_3035, %get3A_3020 : vector<16xi32>
    %jit3A_3037 = arith.constant 524288 : i32
    %broadcast_in_dim3A_3038 = vector.broadcast %jit3A_3037 : i32 to vector<16xi32>
    %select_n3A_3039 = arith.select %and3A_3032, %add3A_3036, %broadcast_in_dim3A_3038 : vector<16xi1>, vector<16xi32>
    %swap3A_3040 = arith.constant 13 : i32
    %swap3A_3041 = arith.index_cast %swap3A_3040 : i32 to index
    %swap3A_3042 = arith.constant 32 : index
    %swap3A_3043 = tpu.vector_load %arg8[%swap3A_3041, %swap3A_3042] {strides = array<i32>} : memref<18x128xi32, #tpu.memory_space<vmem>>, vector<1x16xi32>,
    %swap3A_3044 = vector.shape_cast %swap3A_3043 : vector<1x16xi32> to vector<16xi32>
    %swap3A_3045 = vector.shape_cast %select_n3A_3039 : vector<16xi32> to vector<1x16xi32>
    tpu.vector_store %arg8[%swap3A_3041, %swap3A_3042], %swap3A_3045 {strides = array<i32>} : memref<18x128xi32, #tpu.memory_space<vmem>>, vector<1x16xi32>,
    %get3A_3046 = arith.constant 1712 : index
    %get3A_3047 = tpu.vector_load %arg6[%get3A_3046] {strides = array<i32>} : memref<2304xi32, #tpu.memory_space<vmem>>, vector<16xi32>,
    %get3A_3048 = vector.shape_cast %get3A_3047 : vector<16xi32> to vector<16xi32>
    %get3A_3049 = arith.constant 1712 : index
    %get3A_3050 = tpu.vector_load %arg7[%get3A_3049] {strides = array<i32>} : memref<2304xi32, #tpu.memory_space<vmem>>, vector<16xi32>,
    %get3A_3051 = vector.shape_cast %get3A_3050 : vector<16xi32> to vector<16xi32>
    %sub3A_3052 = vector.broadcast %mul3A_57 : i32 to vector<16xi32>
    %sub3A_3053 = arith.subi %get3A_3051, %sub3A_3052 : vector<16xi32>
    %ge3A_3054 = arith.constant 0 : i32
    %ge3A_3055 = vector.broadcast %ge3A_3054 : i32 to vector<16xi32>
    %ge3A_3056 = arith.cmpi sge, %sub3A_3053, %ge3A_3055 : vector<16xi32>
    %lt3A_3057 = arith.constant 512 : i32
    %lt3A_3058 = vector.broadcast %lt3A_3057 : i32 to vector<16xi32>
    %lt3A_3059 = arith.cmpi slt, %sub3A_3053, %lt3A_3058 : vector<16xi32>
    %and3A_3060 = arith.andi %ge3A_3056, %lt3A_3059 : vector<16xi1>
    %mul3A_3061 = arith.constant 1024 : i32
    %mul3A_3062 = vector.broadcast %mul3A_3061 : i32 to vector<16xi32>
    %mul3A_3063 = arith.muli %sub3A_3053, %mul3A_3062 : vector<16xi32>
    %add3A_3064 = arith.addi %mul3A_3063, %get3A_3048 : vector<16xi32>
    %jit3A_3065 = arith.constant 524288 : i32
    %broadcast_in_dim3A_3066 = vector.broadcast %jit3A_3065 : i32 to vector<16xi32>
    %select_n3A_3067 = arith.select %and3A_3060, %add3A_3064, %broadcast_in_dim3A_3066 : vector<16xi1>, vector<16xi32>
    %swap3A_3068 = arith.constant 13 : i32
    %swap3A_3069 = arith.index_cast %swap3A_3068 : i32 to index
    %swap3A_3070 = arith.constant 48 : index
    %swap3A_3071 = tpu.vector_load %arg8[%swap3A_3069, %swap3A_3070] {strides = array<i32>} : memref<18x128xi32, #tpu.memory_space<vmem>>, vector<1x16xi32>,
    %swap3A_3072 = vector.shape_cast %swap3A_3071 : vector<1x16xi32> to vector<16xi32>
    %swap3A_3073 = vector.shape_cast %select_n3A_3067 : vector<16xi32> to vector<1x16xi32>
    tpu.vector_store %arg8[%swap3A_3069, %swap3A_3070], %swap3A_3073 {strides = array<i32>} : memref<18x128xi32, #tpu.memory_space<vmem>>, vector<1x16xi32>,
    %get3A_3074 = arith.constant 1728 : index
    %get3A_3075 = tpu.vector_load %arg6[%get3A_3074] {strides = array<i32>} : memref<2304xi32, #tpu.memory_space<vmem>>, vector<16xi32>,
    %get3A_3076 = vector.shape_cast %get3A_3075 : vector<16xi32> to vector<16xi32>
    %get3A_3077 = arith.constant 1728 : index
    %get3A_3078 = tpu.vector_load %arg7[%get3A_3077] {strides = array<i32>} : memref<2304xi32, #tpu.memory_space<vmem>>, vector<16xi32>,
    %get3A_3079 = vector.shape_cast %get3A_3078 : vector<16xi32> to vector<16xi32>
    %sub3A_3080 = vector.broadcast %mul3A_57 : i32 to vector<16xi32>
    %sub3A_3081 = arith.subi %get3A_3079, %sub3A_3080 : vector<16xi32>
    %ge3A_3082 = arith.constant 0 : i32
    %ge3A_3083 = vector.broadcast %ge3A_3082 : i32 to vector<16xi32>
    %ge3A_3084 = arith.cmpi sge, %sub3A_3081, %ge3A_3083 : vector<16xi32>
    %lt3A_3085 = arith.constant 512 : i32
    %lt3A_3086 = vector.broadcast %lt3A_3085 : i32 to vector<16xi32>
    %lt3A_3087 = arith.cmpi slt, %sub3A_3081, %lt3A_3086 : vector<16xi32>
    %and3A_3088 = arith.andi %ge3A_3084, %lt3A_3087 : vector<16xi1>
    %mul3A_3089 = arith.constant 1024 : i32
    %mul3A_3090 = vector.broadcast %mul3A_3089 : i32 to vector<16xi32>
    %mul3A_3091 = arith.muli %sub3A_3081, %mul3A_3090 : vector<16xi32>
    %add3A_3092 = arith.addi %mul3A_3091, %get3A_3076 : vector<16xi32>
    %jit3A_3093 = arith.constant 524288 : i32
    %broadcast_in_dim3A_3094 = vector.broadcast %jit3A_3093 : i32 to vector<16xi32>
    %select_n3A_3095 = arith.select %and3A_3088, %add3A_3092, %broadcast_in_dim3A_3094 : vector<16xi1>, vector<16xi32>
    %swap3A_3096 = arith.constant 13 : i32
    %swap3A_3097 = arith.index_cast %swap3A_3096 : i32 to index
    %swap3A_3098 = arith.constant 64 : index
    %swap3A_3099 = tpu.vector_load %arg8[%swap3A_3097, %swap3A_3098] {strides = array<i32>} : memref<18x128xi32, #tpu.memory_space<vmem>>, vector<1x16xi32>,
    %swap3A_3100 = vector.shape_cast %swap3A_3099 : vector<1x16xi32> to vector<16xi32>
    %swap3A_3101 = vector.shape_cast %select_n3A_3095 : vector<16xi32> to vector<1x16xi32>
    tpu.vector_store %arg8[%swap3A_3097, %swap3A_3098], %swap3A_3101 {strides = array<i32>} : memref<18x128xi32, #tpu.memory_space<vmem>>, vector<1x16xi32>,
    %get3A_3102 = arith.constant 1744 : index
    %get3A_3103 = tpu.vector_load %arg6[%get3A_3102] {strides = array<i32>} : memref<2304xi32, #tpu.memory_space<vmem>>, vector<16xi32>,
    %get3A_3104 = vector.shape_cast %get3A_3103 : vector<16xi32> to vector<16xi32>
    %get3A_3105 = arith.constant 1744 : index
    %get3A_3106 = tpu.vector_load %arg7[%get3A_3105] {strides = array<i32>} : memref<2304xi32, #tpu.memory_space<vmem>>, vector<16xi32>,
    %get3A_3107 = vector.shape_cast %get3A_3106 : vector<16xi32> to vector<16xi32>
    %sub3A_3108 = vector.broadcast %mul3A_57 : i32 to vector<16xi32>
    %sub3A_3109 = arith.subi %get3A_3107, %sub3A_3108 : vector<16xi32>
    %ge3A_3110 = arith.constant 0 : i32
    %ge3A_3111 = vector.broadcast %ge3A_3110 : i32 to vector<16xi32>
    %ge3A_3112 = arith.cmpi sge, %sub3A_3109, %ge3A_3111 : vector<16xi32>
    %lt3A_3113 = arith.constant 512 : i32
    %lt3A_3114 = vector.broadcast %lt3A_3113 : i32 to vector<16xi32>
    %lt3A_3115 = arith.cmpi slt, %sub3A_3109, %lt3A_3114 : vector<16xi32>
    %and3A_3116 = arith.andi %ge3A_3112, %lt3A_3115 : vector<16xi1>
    %mul3A_3117 = arith.constant 1024 : i32
    %mul3A_3118 = vector.broadcast %mul3A_3117 : i32 to vector<16xi32>
    %mul3A_3119 = arith.muli %sub3A_3109, %mul3A_3118 : vector<16xi32>
    %add3A_3120 = arith.addi %mul3A_3119, %get3A_3104 : vector<16xi32>
    %jit3A_3121 = arith.constant 524288 : i32
    %broadcast_in_dim3A_3122 = vector.broadcast %jit3A_3121 : i32 to vector<16xi32>
    %select_n3A_3123 = arith.select %and3A_3116, %add3A_3120, %broadcast_in_dim3A_3122 : vector<16xi1>, vector<16xi32>
    %swap3A_3124 = arith.constant 13 : i32
    %swap3A_3125 = arith.index_cast %swap3A_3124 : i32 to index
    %swap3A_3126 = arith.constant 80 : index
    %swap3A_3127 = tpu.vector_load %arg8[%swap3A_3125, %swap3A_3126] {strides = array<i32>} : memref<18x128xi32, #tpu.memory_space<vmem>>, vector<1x16xi32>,
    %swap3A_3128 = vector.shape_cast %swap3A_3127 : vector<1x16xi32> to vector<16xi32>
    %swap3A_3129 = vector.shape_cast %select_n3A_3123 : vector<16xi32> to vector<1x16xi32>
    tpu.vector_store %arg8[%swap3A_3125, %swap3A_3126], %swap3A_3129 {strides = array<i32>} : memref<18x128xi32, #tpu.memory_space<vmem>>, vector<1x16xi32>,
    %get3A_3130 = arith.constant 1760 : index
    %get3A_3131 = tpu.vector_load %arg6[%get3A_3130] {strides = array<i32>} : memref<2304xi32, #tpu.memory_space<vmem>>, vector<16xi32>,
    %get3A_3132 = vector.shape_cast %get3A_3131 : vector<16xi32> to vector<16xi32>
    %get3A_3133 = arith.constant 1760 : index
    %get3A_3134 = tpu.vector_load %arg7[%get3A_3133] {strides = array<i32>} : memref<2304xi32, #tpu.memory_space<vmem>>, vector<16xi32>,
    %get3A_3135 = vector.shape_cast %get3A_3134 : vector<16xi32> to vector<16xi32>
    %sub3A_3136 = vector.broadcast %mul3A_57 : i32 to vector<16xi32>
    %sub3A_3137 = arith.subi %get3A_3135, %sub3A_3136 : vector<16xi32>
    %ge3A_3138 = arith.constant 0 : i32
    %ge3A_3139 = vector.broadcast %ge3A_3138 : i32 to vector<16xi32>
    %ge3A_3140 = arith.cmpi sge, %sub3A_3137, %ge3A_3139 : vector<16xi32>
    %lt3A_3141 = arith.constant 512 : i32
    %lt3A_3142 = vector.broadcast %lt3A_3141 : i32 to vector<16xi32>
    %lt3A_3143 = arith.cmpi slt, %sub3A_3137, %lt3A_3142 : vector<16xi32>
    %and3A_3144 = arith.andi %ge3A_3140, %lt3A_3143 : vector<16xi1>
    %mul3A_3145 = arith.constant 1024 : i32
    %mul3A_3146 = vector.broadcast %mul3A_3145 : i32 to vector<16xi32>
    %mul3A_3147 = arith.muli %sub3A_3137, %mul3A_3146 : vector<16xi32>
    %add3A_3148 = arith.addi %mul3A_3147, %get3A_3132 : vector<16xi32>
    %jit3A_3149 = arith.constant 524288 : i32
    %broadcast_in_dim3A_3150 = vector.broadcast %jit3A_3149 : i32 to vector<16xi32>
    %select_n3A_3151 = arith.select %and3A_3144, %add3A_3148, %broadcast_in_dim3A_3150 : vector<16xi1>, vector<16xi32>
    %swap3A_3152 = arith.constant 13 : i32
    %swap3A_3153 = arith.index_cast %swap3A_3152 : i32 to index
    %swap3A_3154 = arith.constant 96 : index
    %swap3A_3155 = tpu.vector_load %arg8[%swap3A_3153, %swap3A_3154] {strides = array<i32>} : memref<18x128xi32, #tpu.memory_space<vmem>>, vector<1x16xi32>,
    %swap3A_3156 = vector.shape_cast %swap3A_3155 : vector<1x16xi32> to vector<16xi32>
    %swap3A_3157 = vector.shape_cast %select_n3A_3151 : vector<16xi32> to vector<1x16xi32>
    tpu.vector_store %arg8[%swap3A_3153, %swap3A_3154], %swap3A_3157 {strides = array<i32>} : memref<18x128xi32, #tpu.memory_space<vmem>>, vector<1x16xi32>,
    %get3A_3158 = arith.constant 1776 : index
    %get3A_3159 = tpu.vector_load %arg6[%get3A_3158] {strides = array<i32>} : memref<2304xi32, #tpu.memory_space<vmem>>, vector<16xi32>,
    %get3A_3160 = vector.shape_cast %get3A_3159 : vector<16xi32> to vector<16xi32>
    %get3A_3161 = arith.constant 1776 : index
    %get3A_3162 = tpu.vector_load %arg7[%get3A_3161] {strides = array<i32>} : memref<2304xi32, #tpu.memory_space<vmem>>, vector<16xi32>,
    %get3A_3163 = vector.shape_cast %get3A_3162 : vector<16xi32> to vector<16xi32>
    %sub3A_3164 = vector.broadcast %mul3A_57 : i32 to vector<16xi32>
    %sub3A_3165 = arith.subi %get3A_3163, %sub3A_3164 : vector<16xi32>
    %ge3A_3166 = arith.constant 0 : i32
    %ge3A_3167 = vector.broadcast %ge3A_3166 : i32 to vector<16xi32>
    %ge3A_3168 = arith.cmpi sge, %sub3A_3165, %ge3A_3167 : vector<16xi32>
    %lt3A_3169 = arith.constant 512 : i32
    %lt3A_3170 = vector.broadcast %lt3A_3169 : i32 to vector<16xi32>
    %lt3A_3171 = arith.cmpi slt, %sub3A_3165, %lt3A_3170 : vector<16xi32>
    %and3A_3172 = arith.andi %ge3A_3168, %lt3A_3171 : vector<16xi1>
    %mul3A_3173 = arith.constant 1024 : i32
    %mul3A_3174 = vector.broadcast %mul3A_3173 : i32 to vector<16xi32>
    %mul3A_3175 = arith.muli %sub3A_3165, %mul3A_3174 : vector<16xi32>
    %add3A_3176 = arith.addi %mul3A_3175, %get3A_3160 : vector<16xi32>
    %jit3A_3177 = arith.constant 524288 : i32
    %broadcast_in_dim3A_3178 = vector.broadcast %jit3A_3177 : i32 to vector<16xi32>
    %select_n3A_3179 = arith.select %and3A_3172, %add3A_3176, %broadcast_in_dim3A_3178 : vector<16xi1>, vector<16xi32>
    %swap3A_3180 = arith.constant 13 : i32
    %swap3A_3181 = arith.index_cast %swap3A_3180 : i32 to index
    %swap3A_3182 = arith.constant 112 : index
    %swap3A_3183 = tpu.vector_load %arg8[%swap3A_3181, %swap3A_3182] {strides = array<i32>} : memref<18x128xi32, #tpu.memory_space<vmem>>, vector<1x16xi32>,
    %swap3A_3184 = vector.shape_cast %swap3A_3183 : vector<1x16xi32> to vector<16xi32>
    %swap3A_3185 = vector.shape_cast %select_n3A_3179 : vector<16xi32> to vector<1x16xi32>
    tpu.vector_store %arg8[%swap3A_3181, %swap3A_3182], %swap3A_3185 {strides = array<i32>} : memref<18x128xi32, #tpu.memory_space<vmem>>, vector<1x16xi32>,
    %get3A_3186 = arith.constant 1792 : index
    %get3A_3187 = tpu.vector_load %arg6[%get3A_3186] {strides = array<i32>} : memref<2304xi32, #tpu.memory_space<vmem>>, vector<16xi32>,
    %get3A_3188 = vector.shape_cast %get3A_3187 : vector<16xi32> to vector<16xi32>
    %get3A_3189 = arith.constant 1792 : index
    %get3A_3190 = tpu.vector_load %arg7[%get3A_3189] {strides = array<i32>} : memref<2304xi32, #tpu.memory_space<vmem>>, vector<16xi32>,
    %get3A_3191 = vector.shape_cast %get3A_3190 : vector<16xi32> to vector<16xi32>
    %sub3A_3192 = vector.broadcast %mul3A_57 : i32 to vector<16xi32>
    %sub3A_3193 = arith.subi %get3A_3191, %sub3A_3192 : vector<16xi32>
    %ge3A_3194 = arith.constant 0 : i32
    %ge3A_3195 = vector.broadcast %ge3A_3194 : i32 to vector<16xi32>
    %ge3A_3196 = arith.cmpi sge, %sub3A_3193, %ge3A_3195 : vector<16xi32>
    %lt3A_3197 = arith.constant 512 : i32
    %lt3A_3198 = vector.broadcast %lt3A_3197 : i32 to vector<16xi32>
    %lt3A_3199 = arith.cmpi slt, %sub3A_3193, %lt3A_3198 : vector<16xi32>
    %and3A_3200 = arith.andi %ge3A_3196, %lt3A_3199 : vector<16xi1>
    %mul3A_3201 = arith.constant 1024 : i32
    %mul3A_3202 = vector.broadcast %mul3A_3201 : i32 to vector<16xi32>
    %mul3A_3203 = arith.muli %sub3A_3193, %mul3A_3202 : vector<16xi32>
    %add3A_3204 = arith.addi %mul3A_3203, %get3A_3188 : vector<16xi32>
    %jit3A_3205 = arith.constant 524288 : i32
    %broadcast_in_dim3A_3206 = vector.broadcast %jit3A_3205 : i32 to vector<16xi32>
    %select_n3A_3207 = arith.select %and3A_3200, %add3A_3204, %broadcast_in_dim3A_3206 : vector<16xi1>, vector<16xi32>
    %swap3A_3208 = arith.constant 14 : i32
    %swap3A_3209 = arith.index_cast %swap3A_3208 : i32 to index
    %swap3A_3210 = arith.constant 0 : index
    %swap3A_3211 = tpu.vector_load %arg8[%swap3A_3209, %swap3A_3210] {strides = array<i32>} : memref<18x128xi32, #tpu.memory_space<vmem>>, vector<1x16xi32>,
    %swap3A_3212 = vector.shape_cast %swap3A_3211 : vector<1x16xi32> to vector<16xi32>
    %swap3A_3213 = vector.shape_cast %select_n3A_3207 : vector<16xi32> to vector<1x16xi32>
    tpu.vector_store %arg8[%swap3A_3209, %swap3A_3210], %swap3A_3213 {strides = array<i32>} : memref<18x128xi32, #tpu.memory_space<vmem>>, vector<1x16xi32>,
    %get3A_3214 = arith.constant 1808 : index
    %get3A_3215 = tpu.vector_load %arg6[%get3A_3214] {strides = array<i32>} : memref<2304xi32, #tpu.memory_space<vmem>>, vector<16xi32>,
    %get3A_3216 = vector.shape_cast %get3A_3215 : vector<16xi32> to vector<16xi32>
    %get3A_3217 = arith.constant 1808 : index
    %get3A_3218 = tpu.vector_load %arg7[%get3A_3217] {strides = array<i32>} : memref<2304xi32, #tpu.memory_space<vmem>>, vector<16xi32>,
    %get3A_3219 = vector.shape_cast %get3A_3218 : vector<16xi32> to vector<16xi32>
    %sub3A_3220 = vector.broadcast %mul3A_57 : i32 to vector<16xi32>
    %sub3A_3221 = arith.subi %get3A_3219, %sub3A_3220 : vector<16xi32>
    %ge3A_3222 = arith.constant 0 : i32
    %ge3A_3223 = vector.broadcast %ge3A_3222 : i32 to vector<16xi32>
    %ge3A_3224 = arith.cmpi sge, %sub3A_3221, %ge3A_3223 : vector<16xi32>
    %lt3A_3225 = arith.constant 512 : i32
    %lt3A_3226 = vector.broadcast %lt3A_3225 : i32 to vector<16xi32>
    %lt3A_3227 = arith.cmpi slt, %sub3A_3221, %lt3A_3226 : vector<16xi32>
    %and3A_3228 = arith.andi %ge3A_3224, %lt3A_3227 : vector<16xi1>
    %mul3A_3229 = arith.constant 1024 : i32
    %mul3A_3230 = vector.broadcast %mul3A_3229 : i32 to vector<16xi32>
    %mul3A_3231 = arith.muli %sub3A_3221, %mul3A_3230 : vector<16xi32>
    %add3A_3232 = arith.addi %mul3A_3231, %get3A_3216 : vector<16xi32>
    %jit3A_3233 = arith.constant 524288 : i32
    %broadcast_in_dim3A_3234 = vector.broadcast %jit3A_3233 : i32 to vector<16xi32>
    %select_n3A_3235 = arith.select %and3A_3228, %add3A_3232, %broadcast_in_dim3A_3234 : vector<16xi1>, vector<16xi32>
    %swap3A_3236 = arith.constant 14 : i32
    %swap3A_3237 = arith.index_cast %swap3A_3236 : i32 to index
    %swap3A_3238 = arith.constant 16 : index
    %swap3A_3239 = tpu.vector_load %arg8[%swap3A_3237, %swap3A_3238] {strides = array<i32>} : memref<18x128xi32, #tpu.memory_space<vmem>>, vector<1x16xi32>,
    %swap3A_3240 = vector.shape_cast %swap3A_3239 : vector<1x16xi32> to vector<16xi32>
    %swap3A_3241 = vector.shape_cast %select_n3A_3235 : vector<16xi32> to vector<1x16xi32>
    tpu.vector_store %arg8[%swap3A_3237, %swap3A_3238], %swap3A_3241 {strides = array<i32>} : memref<18x128xi32, #tpu.memory_space<vmem>>, vector<1x16xi32>,
    %get3A_3242 = arith.constant 1824 : index
    %get3A_3243 = tpu.vector_load %arg6[%get3A_3242] {strides = array<i32>} : memref<2304xi32, #tpu.memory_space<vmem>>, vector<16xi32>,
    %get3A_3244 = vector.shape_cast %get3A_3243 : vector<16xi32> to vector<16xi32>
    %get3A_3245 = arith.constant 1824 : index
    %get3A_3246 = tpu.vector_load %arg7[%get3A_3245] {strides = array<i32>} : memref<2304xi32, #tpu.memory_space<vmem>>, vector<16xi32>,
    %get3A_3247 = vector.shape_cast %get3A_3246 : vector<16xi32> to vector<16xi32>
    %sub3A_3248 = vector.broadcast %mul3A_57 : i32 to vector<16xi32>
    %sub3A_3249 = arith.subi %get3A_3247, %sub3A_3248 : vector<16xi32>
    %ge3A_3250 = arith.constant 0 : i32
    %ge3A_3251 = vector.broadcast %ge3A_3250 : i32 to vector<16xi32>
    %ge3A_3252 = arith.cmpi sge, %sub3A_3249, %ge3A_3251 : vector<16xi32>
    %lt3A_3253 = arith.constant 512 : i32
    %lt3A_3254 = vector.broadcast %lt3A_3253 : i32 to vector<16xi32>
    %lt3A_3255 = arith.cmpi slt, %sub3A_3249, %lt3A_3254 : vector<16xi32>
    %and3A_3256 = arith.andi %ge3A_3252, %lt3A_3255 : vector<16xi1>
    %mul3A_3257 = arith.constant 1024 : i32
    %mul3A_3258 = vector.broadcast %mul3A_3257 : i32 to vector<16xi32>
    %mul3A_3259 = arith.muli %sub3A_3249, %mul3A_3258 : vector<16xi32>
    %add3A_3260 = arith.addi %mul3A_3259, %get3A_3244 : vector<16xi32>
    %jit3A_3261 = arith.constant 524288 : i32
    %broadcast_in_dim3A_3262 = vector.broadcast %jit3A_3261 : i32 to vector<16xi32>
    %select_n3A_3263 = arith.select %and3A_3256, %add3A_3260, %broadcast_in_dim3A_3262 : vector<16xi1>, vector<16xi32>
    %swap3A_3264 = arith.constant 14 : i32
    %swap3A_3265 = arith.index_cast %swap3A_3264 : i32 to index
    %swap3A_3266 = arith.constant 32 : index
    %swap3A_3267 = tpu.vector_load %arg8[%swap3A_3265, %swap3A_3266] {strides = array<i32>} : memref<18x128xi32, #tpu.memory_space<vmem>>, vector<1x16xi32>,
    %swap3A_3268 = vector.shape_cast %swap3A_3267 : vector<1x16xi32> to vector<16xi32>
    %swap3A_3269 = vector.shape_cast %select_n3A_3263 : vector<16xi32> to vector<1x16xi32>
    tpu.vector_store %arg8[%swap3A_3265, %swap3A_3266], %swap3A_3269 {strides = array<i32>} : memref<18x128xi32, #tpu.memory_space<vmem>>, vector<1x16xi32>,
    %get3A_3270 = arith.constant 1840 : index
    %get3A_3271 = tpu.vector_load %arg6[%get3A_3270] {strides = array<i32>} : memref<2304xi32, #tpu.memory_space<vmem>>, vector<16xi32>,
    %get3A_3272 = vector.shape_cast %get3A_3271 : vector<16xi32> to vector<16xi32>
    %get3A_3273 = arith.constant 1840 : index
    %get3A_3274 = tpu.vector_load %arg7[%get3A_3273] {strides = array<i32>} : memref<2304xi32, #tpu.memory_space<vmem>>, vector<16xi32>,
    %get3A_3275 = vector.shape_cast %get3A_3274 : vector<16xi32> to vector<16xi32>
    %sub3A_3276 = vector.broadcast %mul3A_57 : i32 to vector<16xi32>
    %sub3A_3277 = arith.subi %get3A_3275, %sub3A_3276 : vector<16xi32>
    %ge3A_3278 = arith.constant 0 : i32
    %ge3A_3279 = vector.broadcast %ge3A_3278 : i32 to vector<16xi32>
    %ge3A_3280 = arith.cmpi sge, %sub3A_3277, %ge3A_3279 : vector<16xi32>
    %lt3A_3281 = arith.constant 512 : i32
    %lt3A_3282 = vector.broadcast %lt3A_3281 : i32 to vector<16xi32>
    %lt3A_3283 = arith.cmpi slt, %sub3A_3277, %lt3A_3282 : vector<16xi32>
    %and3A_3284 = arith.andi %ge3A_3280, %lt3A_3283 : vector<16xi1>
    %mul3A_3285 = arith.constant 1024 : i32
    %mul3A_3286 = vector.broadcast %mul3A_3285 : i32 to vector<16xi32>
    %mul3A_3287 = arith.muli %sub3A_3277, %mul3A_3286 : vector<16xi32>
    %add3A_3288 = arith.addi %mul3A_3287, %get3A_3272 : vector<16xi32>
    %jit3A_3289 = arith.constant 524288 : i32
    %broadcast_in_dim3A_3290 = vector.broadcast %jit3A_3289 : i32 to vector<16xi32>
    %select_n3A_3291 = arith.select %and3A_3284, %add3A_3288, %broadcast_in_dim3A_3290 : vector<16xi1>, vector<16xi32>
    %swap3A_3292 = arith.constant 14 : i32
    %swap3A_3293 = arith.index_cast %swap3A_3292 : i32 to index
    %swap3A_3294 = arith.constant 48 : index
    %swap3A_3295 = tpu.vector_load %arg8[%swap3A_3293, %swap3A_3294] {strides = array<i32>} : memref<18x128xi32, #tpu.memory_space<vmem>>, vector<1x16xi32>,
    %swap3A_3296 = vector.shape_cast %swap3A_3295 : vector<1x16xi32> to vector<16xi32>
    %swap3A_3297 = vector.shape_cast %select_n3A_3291 : vector<16xi32> to vector<1x16xi32>
    tpu.vector_store %arg8[%swap3A_3293, %swap3A_3294], %swap3A_3297 {strides = array<i32>} : memref<18x128xi32, #tpu.memory_space<vmem>>, vector<1x16xi32>,
    %get3A_3298 = arith.constant 1856 : index
    %get3A_3299 = tpu.vector_load %arg6[%get3A_3298] {strides = array<i32>} : memref<2304xi32, #tpu.memory_space<vmem>>, vector<16xi32>,
    %get3A_3300 = vector.shape_cast %get3A_3299 : vector<16xi32> to vector<16xi32>
    %get3A_3301 = arith.constant 1856 : index
    %get3A_3302 = tpu.vector_load %arg7[%get3A_3301] {strides = array<i32>} : memref<2304xi32, #tpu.memory_space<vmem>>, vector<16xi32>,
    %get3A_3303 = vector.shape_cast %get3A_3302 : vector<16xi32> to vector<16xi32>
    %sub3A_3304 = vector.broadcast %mul3A_57 : i32 to vector<16xi32>
    %sub3A_3305 = arith.subi %get3A_3303, %sub3A_3304 : vector<16xi32>
    %ge3A_3306 = arith.constant 0 : i32
    %ge3A_3307 = vector.broadcast %ge3A_3306 : i32 to vector<16xi32>
    %ge3A_3308 = arith.cmpi sge, %sub3A_3305, %ge3A_3307 : vector<16xi32>
    %lt3A_3309 = arith.constant 512 : i32
    %lt3A_3310 = vector.broadcast %lt3A_3309 : i32 to vector<16xi32>
    %lt3A_3311 = arith.cmpi slt, %sub3A_3305, %lt3A_3310 : vector<16xi32>
    %and3A_3312 = arith.andi %ge3A_3308, %lt3A_3311 : vector<16xi1>
    %mul3A_3313 = arith.constant 1024 : i32
    %mul3A_3314 = vector.broadcast %mul3A_3313 : i32 to vector<16xi32>
    %mul3A_3315 = arith.muli %sub3A_3305, %mul3A_3314 : vector<16xi32>
    %add3A_3316 = arith.addi %mul3A_3315, %get3A_3300 : vector<16xi32>
    %jit3A_3317 = arith.constant 524288 : i32
    %broadcast_in_dim3A_3318 = vector.broadcast %jit3A_3317 : i32 to vector<16xi32>
    %select_n3A_3319 = arith.select %and3A_3312, %add3A_3316, %broadcast_in_dim3A_3318 : vector<16xi1>, vector<16xi32>
    %swap3A_3320 = arith.constant 14 : i32
    %swap3A_3321 = arith.index_cast %swap3A_3320 : i32 to index
    %swap3A_3322 = arith.constant 64 : index
    %swap3A_3323 = tpu.vector_load %arg8[%swap3A_3321, %swap3A_3322] {strides = array<i32>} : memref<18x128xi32, #tpu.memory_space<vmem>>, vector<1x16xi32>,
    %swap3A_3324 = vector.shape_cast %swap3A_3323 : vector<1x16xi32> to vector<16xi32>
    %swap3A_3325 = vector.shape_cast %select_n3A_3319 : vector<16xi32> to vector<1x16xi32>
    tpu.vector_store %arg8[%swap3A_3321, %swap3A_3322], %swap3A_3325 {strides = array<i32>} : memref<18x128xi32, #tpu.memory_space<vmem>>, vector<1x16xi32>,
    %get3A_3326 = arith.constant 1872 : index
    %get3A_3327 = tpu.vector_load %arg6[%get3A_3326] {strides = array<i32>} : memref<2304xi32, #tpu.memory_space<vmem>>, vector<16xi32>,
    %get3A_3328 = vector.shape_cast %get3A_3327 : vector<16xi32> to vector<16xi32>
    %get3A_3329 = arith.constant 1872 : index
    %get3A_3330 = tpu.vector_load %arg7[%get3A_3329] {strides = array<i32>} : memref<2304xi32, #tpu.memory_space<vmem>>, vector<16xi32>,
    %get3A_3331 = vector.shape_cast %get3A_3330 : vector<16xi32> to vector<16xi32>
    %sub3A_3332 = vector.broadcast %mul3A_57 : i32 to vector<16xi32>
    %sub3A_3333 = arith.subi %get3A_3331, %sub3A_3332 : vector<16xi32>
    %ge3A_3334 = arith.constant 0 : i32
    %ge3A_3335 = vector.broadcast %ge3A_3334 : i32 to vector<16xi32>
    %ge3A_3336 = arith.cmpi sge, %sub3A_3333, %ge3A_3335 : vector<16xi32>
    %lt3A_3337 = arith.constant 512 : i32
    %lt3A_3338 = vector.broadcast %lt3A_3337 : i32 to vector<16xi32>
    %lt3A_3339 = arith.cmpi slt, %sub3A_3333, %lt3A_3338 : vector<16xi32>
    %and3A_3340 = arith.andi %ge3A_3336, %lt3A_3339 : vector<16xi1>
    %mul3A_3341 = arith.constant 1024 : i32
    %mul3A_3342 = vector.broadcast %mul3A_3341 : i32 to vector<16xi32>
    %mul3A_3343 = arith.muli %sub3A_3333, %mul3A_3342 : vector<16xi32>
    %add3A_3344 = arith.addi %mul3A_3343, %get3A_3328 : vector<16xi32>
    %jit3A_3345 = arith.constant 524288 : i32
    %broadcast_in_dim3A_3346 = vector.broadcast %jit3A_3345 : i32 to vector<16xi32>
    %select_n3A_3347 = arith.select %and3A_3340, %add3A_3344, %broadcast_in_dim3A_3346 : vector<16xi1>, vector<16xi32>
    %swap3A_3348 = arith.constant 14 : i32
    %swap3A_3349 = arith.index_cast %swap3A_3348 : i32 to index
    %swap3A_3350 = arith.constant 80 : index
    %swap3A_3351 = tpu.vector_load %arg8[%swap3A_3349, %swap3A_3350] {strides = array<i32>} : memref<18x128xi32, #tpu.memory_space<vmem>>, vector<1x16xi32>,
    %swap3A_3352 = vector.shape_cast %swap3A_3351 : vector<1x16xi32> to vector<16xi32>
    %swap3A_3353 = vector.shape_cast %select_n3A_3347 : vector<16xi32> to vector<1x16xi32>
    tpu.vector_store %arg8[%swap3A_3349, %swap3A_3350], %swap3A_3353 {strides = array<i32>} : memref<18x128xi32, #tpu.memory_space<vmem>>, vector<1x16xi32>,
    %get3A_3354 = arith.constant 1888 : index
    %get3A_3355 = tpu.vector_load %arg6[%get3A_3354] {strides = array<i32>} : memref<2304xi32, #tpu.memory_space<vmem>>, vector<16xi32>,
    %get3A_3356 = vector.shape_cast %get3A_3355 : vector<16xi32> to vector<16xi32>
    %get3A_3357 = arith.constant 1888 : index
    %get3A_3358 = tpu.vector_load %arg7[%get3A_3357] {strides = array<i32>} : memref<2304xi32, #tpu.memory_space<vmem>>, vector<16xi32>,
    %get3A_3359 = vector.shape_cast %get3A_3358 : vector<16xi32> to vector<16xi32>
    %sub3A_3360 = vector.broadcast %mul3A_57 : i32 to vector<16xi32>
    %sub3A_3361 = arith.subi %get3A_3359, %sub3A_3360 : vector<16xi32>
    %ge3A_3362 = arith.constant 0 : i32
    %ge3A_3363 = vector.broadcast %ge3A_3362 : i32 to vector<16xi32>
    %ge3A_3364 = arith.cmpi sge, %sub3A_3361, %ge3A_3363 : vector<16xi32>
    %lt3A_3365 = arith.constant 512 : i32
    %lt3A_3366 = vector.broadcast %lt3A_3365 : i32 to vector<16xi32>
    %lt3A_3367 = arith.cmpi slt, %sub3A_3361, %lt3A_3366 : vector<16xi32>
    %and3A_3368 = arith.andi %ge3A_3364, %lt3A_3367 : vector<16xi1>
    %mul3A_3369 = arith.constant 1024 : i32
    %mul3A_3370 = vector.broadcast %mul3A_3369 : i32 to vector<16xi32>
    %mul3A_3371 = arith.muli %sub3A_3361, %mul3A_3370 : vector<16xi32>
    %add3A_3372 = arith.addi %mul3A_3371, %get3A_3356 : vector<16xi32>
    %jit3A_3373 = arith.constant 524288 : i32
    %broadcast_in_dim3A_3374 = vector.broadcast %jit3A_3373 : i32 to vector<16xi32>
    %select_n3A_3375 = arith.select %and3A_3368, %add3A_3372, %broadcast_in_dim3A_3374 : vector<16xi1>, vector<16xi32>
    %swap3A_3376 = arith.constant 14 : i32
    %swap3A_3377 = arith.index_cast %swap3A_3376 : i32 to index
    %swap3A_3378 = arith.constant 96 : index
    %swap3A_3379 = tpu.vector_load %arg8[%swap3A_3377, %swap3A_3378] {strides = array<i32>} : memref<18x128xi32, #tpu.memory_space<vmem>>, vector<1x16xi32>,
    %swap3A_3380 = vector.shape_cast %swap3A_3379 : vector<1x16xi32> to vector<16xi32>
    %swap3A_3381 = vector.shape_cast %select_n3A_3375 : vector<16xi32> to vector<1x16xi32>
    tpu.vector_store %arg8[%swap3A_3377, %swap3A_3378], %swap3A_3381 {strides = array<i32>} : memref<18x128xi32, #tpu.memory_space<vmem>>, vector<1x16xi32>,
    %get3A_3382 = arith.constant 1904 : index
    %get3A_3383 = tpu.vector_load %arg6[%get3A_3382] {strides = array<i32>} : memref<2304xi32, #tpu.memory_space<vmem>>, vector<16xi32>,
    %get3A_3384 = vector.shape_cast %get3A_3383 : vector<16xi32> to vector<16xi32>
    %get3A_3385 = arith.constant 1904 : index
    %get3A_3386 = tpu.vector_load %arg7[%get3A_3385] {strides = array<i32>} : memref<2304xi32, #tpu.memory_space<vmem>>, vector<16xi32>,
    %get3A_3387 = vector.shape_cast %get3A_3386 : vector<16xi32> to vector<16xi32>
    %sub3A_3388 = vector.broadcast %mul3A_57 : i32 to vector<16xi32>
    %sub3A_3389 = arith.subi %get3A_3387, %sub3A_3388 : vector<16xi32>
    %ge3A_3390 = arith.constant 0 : i32
    %ge3A_3391 = vector.broadcast %ge3A_3390 : i32 to vector<16xi32>
    %ge3A_3392 = arith.cmpi sge, %sub3A_3389, %ge3A_3391 : vector<16xi32>
    %lt3A_3393 = arith.constant 512 : i32
    %lt3A_3394 = vector.broadcast %lt3A_3393 : i32 to vector<16xi32>
    %lt3A_3395 = arith.cmpi slt, %sub3A_3389, %lt3A_3394 : vector<16xi32>
    %and3A_3396 = arith.andi %ge3A_3392, %lt3A_3395 : vector<16xi1>
    %mul3A_3397 = arith.constant 1024 : i32
    %mul3A_3398 = vector.broadcast %mul3A_3397 : i32 to vector<16xi32>
    %mul3A_3399 = arith.muli %sub3A_3389, %mul3A_3398 : vector<16xi32>
    %add3A_3400 = arith.addi %mul3A_3399, %get3A_3384 : vector<16xi32>
    %jit3A_3401 = arith.constant 524288 : i32
    %broadcast_in_dim3A_3402 = vector.broadcast %jit3A_3401 : i32 to vector<16xi32>
    %select_n3A_3403 = arith.select %and3A_3396, %add3A_3400, %broadcast_in_dim3A_3402 : vector<16xi1>, vector<16xi32>
    %swap3A_3404 = arith.constant 14 : i32
    %swap3A_3405 = arith.index_cast %swap3A_3404 : i32 to index
    %swap3A_3406 = arith.constant 112 : index
    %swap3A_3407 = tpu.vector_load %arg8[%swap3A_3405, %swap3A_3406] {strides = array<i32>} : memref<18x128xi32, #tpu.memory_space<vmem>>, vector<1x16xi32>,
    %swap3A_3408 = vector.shape_cast %swap3A_3407 : vector<1x16xi32> to vector<16xi32>
    %swap3A_3409 = vector.shape_cast %select_n3A_3403 : vector<16xi32> to vector<1x16xi32>
    tpu.vector_store %arg8[%swap3A_3405, %swap3A_3406], %swap3A_3409 {strides = array<i32>} : memref<18x128xi32, #tpu.memory_space<vmem>>, vector<1x16xi32>,
    %get3A_3410 = arith.constant 1920 : index
    %get3A_3411 = tpu.vector_load %arg6[%get3A_3410] {strides = array<i32>} : memref<2304xi32, #tpu.memory_space<vmem>>, vector<16xi32>,
    %get3A_3412 = vector.shape_cast %get3A_3411 : vector<16xi32> to vector<16xi32>
    %get3A_3413 = arith.constant 1920 : index
    %get3A_3414 = tpu.vector_load %arg7[%get3A_3413] {strides = array<i32>} : memref<2304xi32, #tpu.memory_space<vmem>>, vector<16xi32>,
    %get3A_3415 = vector.shape_cast %get3A_3414 : vector<16xi32> to vector<16xi32>
    %sub3A_3416 = vector.broadcast %mul3A_57 : i32 to vector<16xi32>
    %sub3A_3417 = arith.subi %get3A_3415, %sub3A_3416 : vector<16xi32>
    %ge3A_3418 = arith.constant 0 : i32
    %ge3A_3419 = vector.broadcast %ge3A_3418 : i32 to vector<16xi32>
    %ge3A_3420 = arith.cmpi sge, %sub3A_3417, %ge3A_3419 : vector<16xi32>
    %lt3A_3421 = arith.constant 512 : i32
    %lt3A_3422 = vector.broadcast %lt3A_3421 : i32 to vector<16xi32>
    %lt3A_3423 = arith.cmpi slt, %sub3A_3417, %lt3A_3422 : vector<16xi32>
    %and3A_3424 = arith.andi %ge3A_3420, %lt3A_3423 : vector<16xi1>
    %mul3A_3425 = arith.constant 1024 : i32
    %mul3A_3426 = vector.broadcast %mul3A_3425 : i32 to vector<16xi32>
    %mul3A_3427 = arith.muli %sub3A_3417, %mul3A_3426 : vector<16xi32>
    %add3A_3428 = arith.addi %mul3A_3427, %get3A_3412 : vector<16xi32>
    %jit3A_3429 = arith.constant 524288 : i32
    %broadcast_in_dim3A_3430 = vector.broadcast %jit3A_3429 : i32 to vector<16xi32>
    %select_n3A_3431 = arith.select %and3A_3424, %add3A_3428, %broadcast_in_dim3A_3430 : vector<16xi1>, vector<16xi32>
    %swap3A_3432 = arith.constant 15 : i32
    %swap3A_3433 = arith.index_cast %swap3A_3432 : i32 to index
    %swap3A_3434 = arith.constant 0 : index
    %swap3A_3435 = tpu.vector_load %arg8[%swap3A_3433, %swap3A_3434] {strides = array<i32>} : memref<18x128xi32, #tpu.memory_space<vmem>>, vector<1x16xi32>,
    %swap3A_3436 = vector.shape_cast %swap3A_3435 : vector<1x16xi32> to vector<16xi32>
    %swap3A_3437 = vector.shape_cast %select_n3A_3431 : vector<16xi32> to vector<1x16xi32>
    tpu.vector_store %arg8[%swap3A_3433, %swap3A_3434], %swap3A_3437 {strides = array<i32>} : memref<18x128xi32, #tpu.memory_space<vmem>>, vector<1x16xi32>,
    %get3A_3438 = arith.constant 1936 : index
    %get3A_3439 = tpu.vector_load %arg6[%get3A_3438] {strides = array<i32>} : memref<2304xi32, #tpu.memory_space<vmem>>, vector<16xi32>,
    %get3A_3440 = vector.shape_cast %get3A_3439 : vector<16xi32> to vector<16xi32>
    %get3A_3441 = arith.constant 1936 : index
    %get3A_3442 = tpu.vector_load %arg7[%get3A_3441] {strides = array<i32>} : memref<2304xi32, #tpu.memory_space<vmem>>, vector<16xi32>,
    %get3A_3443 = vector.shape_cast %get3A_3442 : vector<16xi32> to vector<16xi32>
    %sub3A_3444 = vector.broadcast %mul3A_57 : i32 to vector<16xi32>
    %sub3A_3445 = arith.subi %get3A_3443, %sub3A_3444 : vector<16xi32>
    %ge3A_3446 = arith.constant 0 : i32
    %ge3A_3447 = vector.broadcast %ge3A_3446 : i32 to vector<16xi32>
    %ge3A_3448 = arith.cmpi sge, %sub3A_3445, %ge3A_3447 : vector<16xi32>
    %lt3A_3449 = arith.constant 512 : i32
    %lt3A_3450 = vector.broadcast %lt3A_3449 : i32 to vector<16xi32>
    %lt3A_3451 = arith.cmpi slt, %sub3A_3445, %lt3A_3450 : vector<16xi32>
    %and3A_3452 = arith.andi %ge3A_3448, %lt3A_3451 : vector<16xi1>
    %mul3A_3453 = arith.constant 1024 : i32
    %mul3A_3454 = vector.broadcast %mul3A_3453 : i32 to vector<16xi32>
    %mul3A_3455 = arith.muli %sub3A_3445, %mul3A_3454 : vector<16xi32>
    %add3A_3456 = arith.addi %mul3A_3455, %get3A_3440 : vector<16xi32>
    %jit3A_3457 = arith.constant 524288 : i32
    %broadcast_in_dim3A_3458 = vector.broadcast %jit3A_3457 : i32 to vector<16xi32>
    %select_n3A_3459 = arith.select %and3A_3452, %add3A_3456, %broadcast_in_dim3A_3458 : vector<16xi1>, vector<16xi32>
    %swap3A_3460 = arith.constant 15 : i32
    %swap3A_3461 = arith.index_cast %swap3A_3460 : i32 to index
    %swap3A_3462 = arith.constant 16 : index
    %swap3A_3463 = tpu.vector_load %arg8[%swap3A_3461, %swap3A_3462] {strides = array<i32>} : memref<18x128xi32, #tpu.memory_space<vmem>>, vector<1x16xi32>,
    %swap3A_3464 = vector.shape_cast %swap3A_3463 : vector<1x16xi32> to vector<16xi32>
    %swap3A_3465 = vector.shape_cast %select_n3A_3459 : vector<16xi32> to vector<1x16xi32>
    tpu.vector_store %arg8[%swap3A_3461, %swap3A_3462], %swap3A_3465 {strides = array<i32>} : memref<18x128xi32, #tpu.memory_space<vmem>>, vector<1x16xi32>,
    %get3A_3466 = arith.constant 1952 : index
    %get3A_3467 = tpu.vector_load %arg6[%get3A_3466] {strides = array<i32>} : memref<2304xi32, #tpu.memory_space<vmem>>, vector<16xi32>,
    %get3A_3468 = vector.shape_cast %get3A_3467 : vector<16xi32> to vector<16xi32>
    %get3A_3469 = arith.constant 1952 : index
    %get3A_3470 = tpu.vector_load %arg7[%get3A_3469] {strides = array<i32>} : memref<2304xi32, #tpu.memory_space<vmem>>, vector<16xi32>,
    %get3A_3471 = vector.shape_cast %get3A_3470 : vector<16xi32> to vector<16xi32>
    %sub3A_3472 = vector.broadcast %mul3A_57 : i32 to vector<16xi32>
    %sub3A_3473 = arith.subi %get3A_3471, %sub3A_3472 : vector<16xi32>
    %ge3A_3474 = arith.constant 0 : i32
    %ge3A_3475 = vector.broadcast %ge3A_3474 : i32 to vector<16xi32>
    %ge3A_3476 = arith.cmpi sge, %sub3A_3473, %ge3A_3475 : vector<16xi32>
    %lt3A_3477 = arith.constant 512 : i32
    %lt3A_3478 = vector.broadcast %lt3A_3477 : i32 to vector<16xi32>
    %lt3A_3479 = arith.cmpi slt, %sub3A_3473, %lt3A_3478 : vector<16xi32>
    %and3A_3480 = arith.andi %ge3A_3476, %lt3A_3479 : vector<16xi1>
    %mul3A_3481 = arith.constant 1024 : i32
    %mul3A_3482 = vector.broadcast %mul3A_3481 : i32 to vector<16xi32>
    %mul3A_3483 = arith.muli %sub3A_3473, %mul3A_3482 : vector<16xi32>
    %add3A_3484 = arith.addi %mul3A_3483, %get3A_3468 : vector<16xi32>
    %jit3A_3485 = arith.constant 524288 : i32
    %broadcast_in_dim3A_3486 = vector.broadcast %jit3A_3485 : i32 to vector<16xi32>
    %select_n3A_3487 = arith.select %and3A_3480, %add3A_3484, %broadcast_in_dim3A_3486 : vector<16xi1>, vector<16xi32>
    %swap3A_3488 = arith.constant 15 : i32
    %swap3A_3489 = arith.index_cast %swap3A_3488 : i32 to index
    %swap3A_3490 = arith.constant 32 : index
    %swap3A_3491 = tpu.vector_load %arg8[%swap3A_3489, %swap3A_3490] {strides = array<i32>} : memref<18x128xi32, #tpu.memory_space<vmem>>, vector<1x16xi32>,
    %swap3A_3492 = vector.shape_cast %swap3A_3491 : vector<1x16xi32> to vector<16xi32>
    %swap3A_3493 = vector.shape_cast %select_n3A_3487 : vector<16xi32> to vector<1x16xi32>
    tpu.vector_store %arg8[%swap3A_3489, %swap3A_3490], %swap3A_3493 {strides = array<i32>} : memref<18x128xi32, #tpu.memory_space<vmem>>, vector<1x16xi32>,
    %get3A_3494 = arith.constant 1968 : index
    %get3A_3495 = tpu.vector_load %arg6[%get3A_3494] {strides = array<i32>} : memref<2304xi32, #tpu.memory_space<vmem>>, vector<16xi32>,
    %get3A_3496 = vector.shape_cast %get3A_3495 : vector<16xi32> to vector<16xi32>
    %get3A_3497 = arith.constant 1968 : index
    %get3A_3498 = tpu.vector_load %arg7[%get3A_3497] {strides = array<i32>} : memref<2304xi32, #tpu.memory_space<vmem>>, vector<16xi32>,
    %get3A_3499 = vector.shape_cast %get3A_3498 : vector<16xi32> to vector<16xi32>
    %sub3A_3500 = vector.broadcast %mul3A_57 : i32 to vector<16xi32>
    %sub3A_3501 = arith.subi %get3A_3499, %sub3A_3500 : vector<16xi32>
    %ge3A_3502 = arith.constant 0 : i32
    %ge3A_3503 = vector.broadcast %ge3A_3502 : i32 to vector<16xi32>
    %ge3A_3504 = arith.cmpi sge, %sub3A_3501, %ge3A_3503 : vector<16xi32>
    %lt3A_3505 = arith.constant 512 : i32
    %lt3A_3506 = vector.broadcast %lt3A_3505 : i32 to vector<16xi32>
    %lt3A_3507 = arith.cmpi slt, %sub3A_3501, %lt3A_3506 : vector<16xi32>
    %and3A_3508 = arith.andi %ge3A_3504, %lt3A_3507 : vector<16xi1>
    %mul3A_3509 = arith.constant 1024 : i32
    %mul3A_3510 = vector.broadcast %mul3A_3509 : i32 to vector<16xi32>
    %mul3A_3511 = arith.muli %sub3A_3501, %mul3A_3510 : vector<16xi32>
    %add3A_3512 = arith.addi %mul3A_3511, %get3A_3496 : vector<16xi32>
    %jit3A_3513 = arith.constant 524288 : i32
    %broadcast_in_dim3A_3514 = vector.broadcast %jit3A_3513 : i32 to vector<16xi32>
    %select_n3A_3515 = arith.select %and3A_3508, %add3A_3512, %broadcast_in_dim3A_3514 : vector<16xi1>, vector<16xi32>
    %swap3A_3516 = arith.constant 15 : i32
    %swap3A_3517 = arith.index_cast %swap3A_3516 : i32 to index
    %swap3A_3518 = arith.constant 48 : index
    %swap3A_3519 = tpu.vector_load %arg8[%swap3A_3517, %swap3A_3518] {strides = array<i32>} : memref<18x128xi32, #tpu.memory_space<vmem>>, vector<1x16xi32>,
    %swap3A_3520 = vector.shape_cast %swap3A_3519 : vector<1x16xi32> to vector<16xi32>
    %swap3A_3521 = vector.shape_cast %select_n3A_3515 : vector<16xi32> to vector<1x16xi32>
    tpu.vector_store %arg8[%swap3A_3517, %swap3A_3518], %swap3A_3521 {strides = array<i32>} : memref<18x128xi32, #tpu.memory_space<vmem>>, vector<1x16xi32>,
    %get3A_3522 = arith.constant 1984 : index
    %get3A_3523 = tpu.vector_load %arg6[%get3A_3522] {strides = array<i32>} : memref<2304xi32, #tpu.memory_space<vmem>>, vector<16xi32>,
    %get3A_3524 = vector.shape_cast %get3A_3523 : vector<16xi32> to vector<16xi32>
    %get3A_3525 = arith.constant 1984 : index
    %get3A_3526 = tpu.vector_load %arg7[%get3A_3525] {strides = array<i32>} : memref<2304xi32, #tpu.memory_space<vmem>>, vector<16xi32>,
    %get3A_3527 = vector.shape_cast %get3A_3526 : vector<16xi32> to vector<16xi32>
    %sub3A_3528 = vector.broadcast %mul3A_57 : i32 to vector<16xi32>
    %sub3A_3529 = arith.subi %get3A_3527, %sub3A_3528 : vector<16xi32>
    %ge3A_3530 = arith.constant 0 : i32
    %ge3A_3531 = vector.broadcast %ge3A_3530 : i32 to vector<16xi32>
    %ge3A_3532 = arith.cmpi sge, %sub3A_3529, %ge3A_3531 : vector<16xi32>
    %lt3A_3533 = arith.constant 512 : i32
    %lt3A_3534 = vector.broadcast %lt3A_3533 : i32 to vector<16xi32>
    %lt3A_3535 = arith.cmpi slt, %sub3A_3529, %lt3A_3534 : vector<16xi32>
    %and3A_3536 = arith.andi %ge3A_3532, %lt3A_3535 : vector<16xi1>
    %mul3A_3537 = arith.constant 1024 : i32
    %mul3A_3538 = vector.broadcast %mul3A_3537 : i32 to vector<16xi32>
    %mul3A_3539 = arith.muli %sub3A_3529, %mul3A_3538 : vector<16xi32>
    %add3A_3540 = arith.addi %mul3A_3539, %get3A_3524 : vector<16xi32>
    %jit3A_3541 = arith.constant 524288 : i32
    %broadcast_in_dim3A_3542 = vector.broadcast %jit3A_3541 : i32 to vector<16xi32>
    %select_n3A_3543 = arith.select %and3A_3536, %add3A_3540, %broadcast_in_dim3A_3542 : vector<16xi1>, vector<16xi32>
    %swap3A_3544 = arith.constant 15 : i32
    %swap3A_3545 = arith.index_cast %swap3A_3544 : i32 to index
    %swap3A_3546 = arith.constant 64 : index
    %swap3A_3547 = tpu.vector_load %arg8[%swap3A_3545, %swap3A_3546] {strides = array<i32>} : memref<18x128xi32, #tpu.memory_space<vmem>>, vector<1x16xi32>,
    %swap3A_3548 = vector.shape_cast %swap3A_3547 : vector<1x16xi32> to vector<16xi32>
    %swap3A_3549 = vector.shape_cast %select_n3A_3543 : vector<16xi32> to vector<1x16xi32>
    tpu.vector_store %arg8[%swap3A_3545, %swap3A_3546], %swap3A_3549 {strides = array<i32>} : memref<18x128xi32, #tpu.memory_space<vmem>>, vector<1x16xi32>,
    %get3A_3550 = arith.constant 2000 : index
    %get3A_3551 = tpu.vector_load %arg6[%get3A_3550] {strides = array<i32>} : memref<2304xi32, #tpu.memory_space<vmem>>, vector<16xi32>,
    %get3A_3552 = vector.shape_cast %get3A_3551 : vector<16xi32> to vector<16xi32>
    %get3A_3553 = arith.constant 2000 : index
    %get3A_3554 = tpu.vector_load %arg7[%get3A_3553] {strides = array<i32>} : memref<2304xi32, #tpu.memory_space<vmem>>, vector<16xi32>,
    %get3A_3555 = vector.shape_cast %get3A_3554 : vector<16xi32> to vector<16xi32>
    %sub3A_3556 = vector.broadcast %mul3A_57 : i32 to vector<16xi32>
    %sub3A_3557 = arith.subi %get3A_3555, %sub3A_3556 : vector<16xi32>
    %ge3A_3558 = arith.constant 0 : i32
    %ge3A_3559 = vector.broadcast %ge3A_3558 : i32 to vector<16xi32>
    %ge3A_3560 = arith.cmpi sge, %sub3A_3557, %ge3A_3559 : vector<16xi32>
    %lt3A_3561 = arith.constant 512 : i32
    %lt3A_3562 = vector.broadcast %lt3A_3561 : i32 to vector<16xi32>
    %lt3A_3563 = arith.cmpi slt, %sub3A_3557, %lt3A_3562 : vector<16xi32>
    %and3A_3564 = arith.andi %ge3A_3560, %lt3A_3563 : vector<16xi1>
    %mul3A_3565 = arith.constant 1024 : i32
    %mul3A_3566 = vector.broadcast %mul3A_3565 : i32 to vector<16xi32>
    %mul3A_3567 = arith.muli %sub3A_3557, %mul3A_3566 : vector<16xi32>
    %add3A_3568 = arith.addi %mul3A_3567, %get3A_3552 : vector<16xi32>
    %jit3A_3569 = arith.constant 524288 : i32
    %broadcast_in_dim3A_3570 = vector.broadcast %jit3A_3569 : i32 to vector<16xi32>
    %select_n3A_3571 = arith.select %and3A_3564, %add3A_3568, %broadcast_in_dim3A_3570 : vector<16xi1>, vector<16xi32>
    %swap3A_3572 = arith.constant 15 : i32
    %swap3A_3573 = arith.index_cast %swap3A_3572 : i32 to index
    %swap3A_3574 = arith.constant 80 : index
    %swap3A_3575 = tpu.vector_load %arg8[%swap3A_3573, %swap3A_3574] {strides = array<i32>} : memref<18x128xi32, #tpu.memory_space<vmem>>, vector<1x16xi32>,
    %swap3A_3576 = vector.shape_cast %swap3A_3575 : vector<1x16xi32> to vector<16xi32>
    %swap3A_3577 = vector.shape_cast %select_n3A_3571 : vector<16xi32> to vector<1x16xi32>
    tpu.vector_store %arg8[%swap3A_3573, %swap3A_3574], %swap3A_3577 {strides = array<i32>} : memref<18x128xi32, #tpu.memory_space<vmem>>, vector<1x16xi32>,
    %get3A_3578 = arith.constant 2016 : index
    %get3A_3579 = tpu.vector_load %arg6[%get3A_3578] {strides = array<i32>} : memref<2304xi32, #tpu.memory_space<vmem>>, vector<16xi32>,
    %get3A_3580 = vector.shape_cast %get3A_3579 : vector<16xi32> to vector<16xi32>
    %get3A_3581 = arith.constant 2016 : index
    %get3A_3582 = tpu.vector_load %arg7[%get3A_3581] {strides = array<i32>} : memref<2304xi32, #tpu.memory_space<vmem>>, vector<16xi32>,
    %get3A_3583 = vector.shape_cast %get3A_3582 : vector<16xi32> to vector<16xi32>
    %sub3A_3584 = vector.broadcast %mul3A_57 : i32 to vector<16xi32>
    %sub3A_3585 = arith.subi %get3A_3583, %sub3A_3584 : vector<16xi32>
    %ge3A_3586 = arith.constant 0 : i32
    %ge3A_3587 = vector.broadcast %ge3A_3586 : i32 to vector<16xi32>
    %ge3A_3588 = arith.cmpi sge, %sub3A_3585, %ge3A_3587 : vector<16xi32>
    %lt3A_3589 = arith.constant 512 : i32
    %lt3A_3590 = vector.broadcast %lt3A_3589 : i32 to vector<16xi32>
    %lt3A_3591 = arith.cmpi slt, %sub3A_3585, %lt3A_3590 : vector<16xi32>
    %and3A_3592 = arith.andi %ge3A_3588, %lt3A_3591 : vector<16xi1>
    %mul3A_3593 = arith.constant 1024 : i32
    %mul3A_3594 = vector.broadcast %mul3A_3593 : i32 to vector<16xi32>
    %mul3A_3595 = arith.muli %sub3A_3585, %mul3A_3594 : vector<16xi32>
    %add3A_3596 = arith.addi %mul3A_3595, %get3A_3580 : vector<16xi32>
    %jit3A_3597 = arith.constant 524288 : i32
    %broadcast_in_dim3A_3598 = vector.broadcast %jit3A_3597 : i32 to vector<16xi32>
    %select_n3A_3599 = arith.select %and3A_3592, %add3A_3596, %broadcast_in_dim3A_3598 : vector<16xi1>, vector<16xi32>
    %swap3A_3600 = arith.constant 15 : i32
    %swap3A_3601 = arith.index_cast %swap3A_3600 : i32 to index
    %swap3A_3602 = arith.constant 96 : index
    %swap3A_3603 = tpu.vector_load %arg8[%swap3A_3601, %swap3A_3602] {strides = array<i32>} : memref<18x128xi32, #tpu.memory_space<vmem>>, vector<1x16xi32>,
    %swap3A_3604 = vector.shape_cast %swap3A_3603 : vector<1x16xi32> to vector<16xi32>
    %swap3A_3605 = vector.shape_cast %select_n3A_3599 : vector<16xi32> to vector<1x16xi32>
    tpu.vector_store %arg8[%swap3A_3601, %swap3A_3602], %swap3A_3605 {strides = array<i32>} : memref<18x128xi32, #tpu.memory_space<vmem>>, vector<1x16xi32>,
    %get3A_3606 = arith.constant 2032 : index
    %get3A_3607 = tpu.vector_load %arg6[%get3A_3606] {strides = array<i32>} : memref<2304xi32, #tpu.memory_space<vmem>>, vector<16xi32>,
    %get3A_3608 = vector.shape_cast %get3A_3607 : vector<16xi32> to vector<16xi32>
    %get3A_3609 = arith.constant 2032 : index
    %get3A_3610 = tpu.vector_load %arg7[%get3A_3609] {strides = array<i32>} : memref<2304xi32, #tpu.memory_space<vmem>>, vector<16xi32>,
    %get3A_3611 = vector.shape_cast %get3A_3610 : vector<16xi32> to vector<16xi32>
    %sub3A_3612 = vector.broadcast %mul3A_57 : i32 to vector<16xi32>
    %sub3A_3613 = arith.subi %get3A_3611, %sub3A_3612 : vector<16xi32>
    %ge3A_3614 = arith.constant 0 : i32
    %ge3A_3615 = vector.broadcast %ge3A_3614 : i32 to vector<16xi32>
    %ge3A_3616 = arith.cmpi sge, %sub3A_3613, %ge3A_3615 : vector<16xi32>
    %lt3A_3617 = arith.constant 512 : i32
    %lt3A_3618 = vector.broadcast %lt3A_3617 : i32 to vector<16xi32>
    %lt3A_3619 = arith.cmpi slt, %sub3A_3613, %lt3A_3618 : vector<16xi32>
    %and3A_3620 = arith.andi %ge3A_3616, %lt3A_3619 : vector<16xi1>
    %mul3A_3621 = arith.constant 1024 : i32
    %mul3A_3622 = vector.broadcast %mul3A_3621 : i32 to vector<16xi32>
    %mul3A_3623 = arith.muli %sub3A_3613, %mul3A_3622 : vector<16xi32>
    %add3A_3624 = arith.addi %mul3A_3623, %get3A_3608 : vector<16xi32>
    %jit3A_3625 = arith.constant 524288 : i32
    %broadcast_in_dim3A_3626 = vector.broadcast %jit3A_3625 : i32 to vector<16xi32>
    %select_n3A_3627 = arith.select %and3A_3620, %add3A_3624, %broadcast_in_dim3A_3626 : vector<16xi1>, vector<16xi32>
    %swap3A_3628 = arith.constant 15 : i32
    %swap3A_3629 = arith.index_cast %swap3A_3628 : i32 to index
    %swap3A_3630 = arith.constant 112 : index
    %swap3A_3631 = tpu.vector_load %arg8[%swap3A_3629, %swap3A_3630] {strides = array<i32>} : memref<18x128xi32, #tpu.memory_space<vmem>>, vector<1x16xi32>,
    %swap3A_3632 = vector.shape_cast %swap3A_3631 : vector<1x16xi32> to vector<16xi32>
    %swap3A_3633 = vector.shape_cast %select_n3A_3627 : vector<16xi32> to vector<1x16xi32>
    tpu.vector_store %arg8[%swap3A_3629, %swap3A_3630], %swap3A_3633 {strides = array<i32>} : memref<18x128xi32, #tpu.memory_space<vmem>>, vector<1x16xi32>,
    %get3A_3634 = arith.constant 2048 : index
    %get3A_3635 = tpu.vector_load %arg6[%get3A_3634] {strides = array<i32>} : memref<2304xi32, #tpu.memory_space<vmem>>, vector<16xi32>,
    %get3A_3636 = vector.shape_cast %get3A_3635 : vector<16xi32> to vector<16xi32>
    %get3A_3637 = arith.constant 2048 : index
    %get3A_3638 = tpu.vector_load %arg7[%get3A_3637] {strides = array<i32>} : memref<2304xi32, #tpu.memory_space<vmem>>, vector<16xi32>,
    %get3A_3639 = vector.shape_cast %get3A_3638 : vector<16xi32> to vector<16xi32>
    %sub3A_3640 = vector.broadcast %mul3A_57 : i32 to vector<16xi32>
    %sub3A_3641 = arith.subi %get3A_3639, %sub3A_3640 : vector<16xi32>
    %ge3A_3642 = arith.constant 0 : i32
    %ge3A_3643 = vector.broadcast %ge3A_3642 : i32 to vector<16xi32>
    %ge3A_3644 = arith.cmpi sge, %sub3A_3641, %ge3A_3643 : vector<16xi32>
    %lt3A_3645 = arith.constant 512 : i32
    %lt3A_3646 = vector.broadcast %lt3A_3645 : i32 to vector<16xi32>
    %lt3A_3647 = arith.cmpi slt, %sub3A_3641, %lt3A_3646 : vector<16xi32>
    %and3A_3648 = arith.andi %ge3A_3644, %lt3A_3647 : vector<16xi1>
    %mul3A_3649 = arith.constant 1024 : i32
    %mul3A_3650 = vector.broadcast %mul3A_3649 : i32 to vector<16xi32>
    %mul3A_3651 = arith.muli %sub3A_3641, %mul3A_3650 : vector<16xi32>
    %add3A_3652 = arith.addi %mul3A_3651, %get3A_3636 : vector<16xi32>
    %jit3A_3653 = arith.constant 524288 : i32
    %broadcast_in_dim3A_3654 = vector.broadcast %jit3A_3653 : i32 to vector<16xi32>
    %select_n3A_3655 = arith.select %and3A_3648, %add3A_3652, %broadcast_in_dim3A_3654 : vector<16xi1>, vector<16xi32>
    %swap3A_3656 = arith.constant 16 : i32
    %swap3A_3657 = arith.index_cast %swap3A_3656 : i32 to index
    %swap3A_3658 = arith.constant 0 : index
    %swap3A_3659 = tpu.vector_load %arg8[%swap3A_3657, %swap3A_3658] {strides = array<i32>} : memref<18x128xi32, #tpu.memory_space<vmem>>, vector<1x16xi32>,
    %swap3A_3660 = vector.shape_cast %swap3A_3659 : vector<1x16xi32> to vector<16xi32>
    %swap3A_3661 = vector.shape_cast %select_n3A_3655 : vector<16xi32> to vector<1x16xi32>
    tpu.vector_store %arg8[%swap3A_3657, %swap3A_3658], %swap3A_3661 {strides = array<i32>} : memref<18x128xi32, #tpu.memory_space<vmem>>, vector<1x16xi32>,
    %get3A_3662 = arith.constant 2064 : index
    %get3A_3663 = tpu.vector_load %arg6[%get3A_3662] {strides = array<i32>} : memref<2304xi32, #tpu.memory_space<vmem>>, vector<16xi32>,
    %get3A_3664 = vector.shape_cast %get3A_3663 : vector<16xi32> to vector<16xi32>
    %get3A_3665 = arith.constant 2064 : index
    %get3A_3666 = tpu.vector_load %arg7[%get3A_3665] {strides = array<i32>} : memref<2304xi32, #tpu.memory_space<vmem>>, vector<16xi32>,
    %get3A_3667 = vector.shape_cast %get3A_3666 : vector<16xi32> to vector<16xi32>
    %sub3A_3668 = vector.broadcast %mul3A_57 : i32 to vector<16xi32>
    %sub3A_3669 = arith.subi %get3A_3667, %sub3A_3668 : vector<16xi32>
    %ge3A_3670 = arith.constant 0 : i32
    %ge3A_3671 = vector.broadcast %ge3A_3670 : i32 to vector<16xi32>
    %ge3A_3672 = arith.cmpi sge, %sub3A_3669, %ge3A_3671 : vector<16xi32>
    %lt3A_3673 = arith.constant 512 : i32
    %lt3A_3674 = vector.broadcast %lt3A_3673 : i32 to vector<16xi32>
    %lt3A_3675 = arith.cmpi slt, %sub3A_3669, %lt3A_3674 : vector<16xi32>
    %and3A_3676 = arith.andi %ge3A_3672, %lt3A_3675 : vector<16xi1>
    %mul3A_3677 = arith.constant 1024 : i32
    %mul3A_3678 = vector.broadcast %mul3A_3677 : i32 to vector<16xi32>
    %mul3A_3679 = arith.muli %sub3A_3669, %mul3A_3678 : vector<16xi32>
    %add3A_3680 = arith.addi %mul3A_3679, %get3A_3664 : vector<16xi32>
    %jit3A_3681 = arith.constant 524288 : i32
    %broadcast_in_dim3A_3682 = vector.broadcast %jit3A_3681 : i32 to vector<16xi32>
    %select_n3A_3683 = arith.select %and3A_3676, %add3A_3680, %broadcast_in_dim3A_3682 : vector<16xi1>, vector<16xi32>
    %swap3A_3684 = arith.constant 16 : i32
    %swap3A_3685 = arith.index_cast %swap3A_3684 : i32 to index
    %swap3A_3686 = arith.constant 16 : index
    %swap3A_3687 = tpu.vector_load %arg8[%swap3A_3685, %swap3A_3686] {strides = array<i32>} : memref<18x128xi32, #tpu.memory_space<vmem>>, vector<1x16xi32>,
    %swap3A_3688 = vector.shape_cast %swap3A_3687 : vector<1x16xi32> to vector<16xi32>
    %swap3A_3689 = vector.shape_cast %select_n3A_3683 : vector<16xi32> to vector<1x16xi32>
    tpu.vector_store %arg8[%swap3A_3685, %swap3A_3686], %swap3A_3689 {strides = array<i32>} : memref<18x128xi32, #tpu.memory_space<vmem>>, vector<1x16xi32>,
    %get3A_3690 = arith.constant 2080 : index
    %get3A_3691 = tpu.vector_load %arg6[%get3A_3690] {strides = array<i32>} : memref<2304xi32, #tpu.memory_space<vmem>>, vector<16xi32>,
    %get3A_3692 = vector.shape_cast %get3A_3691 : vector<16xi32> to vector<16xi32>
    %get3A_3693 = arith.constant 2080 : index
    %get3A_3694 = tpu.vector_load %arg7[%get3A_3693] {strides = array<i32>} : memref<2304xi32, #tpu.memory_space<vmem>>, vector<16xi32>,
    %get3A_3695 = vector.shape_cast %get3A_3694 : vector<16xi32> to vector<16xi32>
    %sub3A_3696 = vector.broadcast %mul3A_57 : i32 to vector<16xi32>
    %sub3A_3697 = arith.subi %get3A_3695, %sub3A_3696 : vector<16xi32>
    %ge3A_3698 = arith.constant 0 : i32
    %ge3A_3699 = vector.broadcast %ge3A_3698 : i32 to vector<16xi32>
    %ge3A_3700 = arith.cmpi sge, %sub3A_3697, %ge3A_3699 : vector<16xi32>
    %lt3A_3701 = arith.constant 512 : i32
    %lt3A_3702 = vector.broadcast %lt3A_3701 : i32 to vector<16xi32>
    %lt3A_3703 = arith.cmpi slt, %sub3A_3697, %lt3A_3702 : vector<16xi32>
    %and3A_3704 = arith.andi %ge3A_3700, %lt3A_3703 : vector<16xi1>
    %mul3A_3705 = arith.constant 1024 : i32
    %mul3A_3706 = vector.broadcast %mul3A_3705 : i32 to vector<16xi32>
    %mul3A_3707 = arith.muli %sub3A_3697, %mul3A_3706 : vector<16xi32>
    %add3A_3708 = arith.addi %mul3A_3707, %get3A_3692 : vector<16xi32>
    %jit3A_3709 = arith.constant 524288 : i32
    %broadcast_in_dim3A_3710 = vector.broadcast %jit3A_3709 : i32 to vector<16xi32>
    %select_n3A_3711 = arith.select %and3A_3704, %add3A_3708, %broadcast_in_dim3A_3710 : vector<16xi1>, vector<16xi32>
    %swap3A_3712 = arith.constant 16 : i32
    %swap3A_3713 = arith.index_cast %swap3A_3712 : i32 to index
    %swap3A_3714 = arith.constant 32 : index
    %swap3A_3715 = tpu.vector_load %arg8[%swap3A_3713, %swap3A_3714] {strides = array<i32>} : memref<18x128xi32, #tpu.memory_space<vmem>>, vector<1x16xi32>,
    %swap3A_3716 = vector.shape_cast %swap3A_3715 : vector<1x16xi32> to vector<16xi32>
    %swap3A_3717 = vector.shape_cast %select_n3A_3711 : vector<16xi32> to vector<1x16xi32>
    tpu.vector_store %arg8[%swap3A_3713, %swap3A_3714], %swap3A_3717 {strides = array<i32>} : memref<18x128xi32, #tpu.memory_space<vmem>>, vector<1x16xi32>,
    %get3A_3718 = arith.constant 2096 : index
    %get3A_3719 = tpu.vector_load %arg6[%get3A_3718] {strides = array<i32>} : memref<2304xi32, #tpu.memory_space<vmem>>, vector<16xi32>,
    %get3A_3720 = vector.shape_cast %get3A_3719 : vector<16xi32> to vector<16xi32>
    %get3A_3721 = arith.constant 2096 : index
    %get3A_3722 = tpu.vector_load %arg7[%get3A_3721] {strides = array<i32>} : memref<2304xi32, #tpu.memory_space<vmem>>, vector<16xi32>,
    %get3A_3723 = vector.shape_cast %get3A_3722 : vector<16xi32> to vector<16xi32>
    %sub3A_3724 = vector.broadcast %mul3A_57 : i32 to vector<16xi32>
    %sub3A_3725 = arith.subi %get3A_3723, %sub3A_3724 : vector<16xi32>
    %ge3A_3726 = arith.constant 0 : i32
    %ge3A_3727 = vector.broadcast %ge3A_3726 : i32 to vector<16xi32>
    %ge3A_3728 = arith.cmpi sge, %sub3A_3725, %ge3A_3727 : vector<16xi32>
    %lt3A_3729 = arith.constant 512 : i32
    %lt3A_3730 = vector.broadcast %lt3A_3729 : i32 to vector<16xi32>
    %lt3A_3731 = arith.cmpi slt, %sub3A_3725, %lt3A_3730 : vector<16xi32>
    %and3A_3732 = arith.andi %ge3A_3728, %lt3A_3731 : vector<16xi1>
    %mul3A_3733 = arith.constant 1024 : i32
    %mul3A_3734 = vector.broadcast %mul3A_3733 : i32 to vector<16xi32>
    %mul3A_3735 = arith.muli %sub3A_3725, %mul3A_3734 : vector<16xi32>
    %add3A_3736 = arith.addi %mul3A_3735, %get3A_3720 : vector<16xi32>
    %jit3A_3737 = arith.constant 524288 : i32
    %broadcast_in_dim3A_3738 = vector.broadcast %jit3A_3737 : i32 to vector<16xi32>
    %select_n3A_3739 = arith.select %and3A_3732, %add3A_3736, %broadcast_in_dim3A_3738 : vector<16xi1>, vector<16xi32>
    %swap3A_3740 = arith.constant 16 : i32
    %swap3A_3741 = arith.index_cast %swap3A_3740 : i32 to index
    %swap3A_3742 = arith.constant 48 : index
    %swap3A_3743 = tpu.vector_load %arg8[%swap3A_3741, %swap3A_3742] {strides = array<i32>} : memref<18x128xi32, #tpu.memory_space<vmem>>, vector<1x16xi32>,
    %swap3A_3744 = vector.shape_cast %swap3A_3743 : vector<1x16xi32> to vector<16xi32>
    %swap3A_3745 = vector.shape_cast %select_n3A_3739 : vector<16xi32> to vector<1x16xi32>
    tpu.vector_store %arg8[%swap3A_3741, %swap3A_3742], %swap3A_3745 {strides = array<i32>} : memref<18x128xi32, #tpu.memory_space<vmem>>, vector<1x16xi32>,
    %get3A_3746 = arith.constant 2112 : index
    %get3A_3747 = tpu.vector_load %arg6[%get3A_3746] {strides = array<i32>} : memref<2304xi32, #tpu.memory_space<vmem>>, vector<16xi32>,
    %get3A_3748 = vector.shape_cast %get3A_3747 : vector<16xi32> to vector<16xi32>
    %get3A_3749 = arith.constant 2112 : index
    %get3A_3750 = tpu.vector_load %arg7[%get3A_3749] {strides = array<i32>} : memref<2304xi32, #tpu.memory_space<vmem>>, vector<16xi32>,
    %get3A_3751 = vector.shape_cast %get3A_3750 : vector<16xi32> to vector<16xi32>
    %sub3A_3752 = vector.broadcast %mul3A_57 : i32 to vector<16xi32>
    %sub3A_3753 = arith.subi %get3A_3751, %sub3A_3752 : vector<16xi32>
    %ge3A_3754 = arith.constant 0 : i32
    %ge3A_3755 = vector.broadcast %ge3A_3754 : i32 to vector<16xi32>
    %ge3A_3756 = arith.cmpi sge, %sub3A_3753, %ge3A_3755 : vector<16xi32>
    %lt3A_3757 = arith.constant 512 : i32
    %lt3A_3758 = vector.broadcast %lt3A_3757 : i32 to vector<16xi32>
    %lt3A_3759 = arith.cmpi slt, %sub3A_3753, %lt3A_3758 : vector<16xi32>
    %and3A_3760 = arith.andi %ge3A_3756, %lt3A_3759 : vector<16xi1>
    %mul3A_3761 = arith.constant 1024 : i32
    %mul3A_3762 = vector.broadcast %mul3A_3761 : i32 to vector<16xi32>
    %mul3A_3763 = arith.muli %sub3A_3753, %mul3A_3762 : vector<16xi32>
    %add3A_3764 = arith.addi %mul3A_3763, %get3A_3748 : vector<16xi32>
    %jit3A_3765 = arith.constant 524288 : i32
    %broadcast_in_dim3A_3766 = vector.broadcast %jit3A_3765 : i32 to vector<16xi32>
    %select_n3A_3767 = arith.select %and3A_3760, %add3A_3764, %broadcast_in_dim3A_3766 : vector<16xi1>, vector<16xi32>
    %swap3A_3768 = arith.constant 16 : i32
    %swap3A_3769 = arith.index_cast %swap3A_3768 : i32 to index
    %swap3A_3770 = arith.constant 64 : index
    %swap3A_3771 = tpu.vector_load %arg8[%swap3A_3769, %swap3A_3770] {strides = array<i32>} : memref<18x128xi32, #tpu.memory_space<vmem>>, vector<1x16xi32>,
    %swap3A_3772 = vector.shape_cast %swap3A_3771 : vector<1x16xi32> to vector<16xi32>
    %swap3A_3773 = vector.shape_cast %select_n3A_3767 : vector<16xi32> to vector<1x16xi32>
    tpu.vector_store %arg8[%swap3A_3769, %swap3A_3770], %swap3A_3773 {strides = array<i32>} : memref<18x128xi32, #tpu.memory_space<vmem>>, vector<1x16xi32>,
    %get3A_3774 = arith.constant 2128 : index
    %get3A_3775 = tpu.vector_load %arg6[%get3A_3774] {strides = array<i32>} : memref<2304xi32, #tpu.memory_space<vmem>>, vector<16xi32>,
    %get3A_3776 = vector.shape_cast %get3A_3775 : vector<16xi32> to vector<16xi32>
    %get3A_3777 = arith.constant 2128 : index
    %get3A_3778 = tpu.vector_load %arg7[%get3A_3777] {strides = array<i32>} : memref<2304xi32, #tpu.memory_space<vmem>>, vector<16xi32>,
    %get3A_3779 = vector.shape_cast %get3A_3778 : vector<16xi32> to vector<16xi32>
    %sub3A_3780 = vector.broadcast %mul3A_57 : i32 to vector<16xi32>
    %sub3A_3781 = arith.subi %get3A_3779, %sub3A_3780 : vector<16xi32>
    %ge3A_3782 = arith.constant 0 : i32
    %ge3A_3783 = vector.broadcast %ge3A_3782 : i32 to vector<16xi32>
    %ge3A_3784 = arith.cmpi sge, %sub3A_3781, %ge3A_3783 : vector<16xi32>
    %lt3A_3785 = arith.constant 512 : i32
    %lt3A_3786 = vector.broadcast %lt3A_3785 : i32 to vector<16xi32>
    %lt3A_3787 = arith.cmpi slt, %sub3A_3781, %lt3A_3786 : vector<16xi32>
    %and3A_3788 = arith.andi %ge3A_3784, %lt3A_3787 : vector<16xi1>
    %mul3A_3789 = arith.constant 1024 : i32
    %mul3A_3790 = vector.broadcast %mul3A_3789 : i32 to vector<16xi32>
    %mul3A_3791 = arith.muli %sub3A_3781, %mul3A_3790 : vector<16xi32>
    %add3A_3792 = arith.addi %mul3A_3791, %get3A_3776 : vector<16xi32>
    %jit3A_3793 = arith.constant 524288 : i32
    %broadcast_in_dim3A_3794 = vector.broadcast %jit3A_3793 : i32 to vector<16xi32>
    %select_n3A_3795 = arith.select %and3A_3788, %add3A_3792, %broadcast_in_dim3A_3794 : vector<16xi1>, vector<16xi32>
    %swap3A_3796 = arith.constant 16 : i32
    %swap3A_3797 = arith.index_cast %swap3A_3796 : i32 to index
    %swap3A_3798 = arith.constant 80 : index
    %swap3A_3799 = tpu.vector_load %arg8[%swap3A_3797, %swap3A_3798] {strides = array<i32>} : memref<18x128xi32, #tpu.memory_space<vmem>>, vector<1x16xi32>,
    %swap3A_3800 = vector.shape_cast %swap3A_3799 : vector<1x16xi32> to vector<16xi32>
    %swap3A_3801 = vector.shape_cast %select_n3A_3795 : vector<16xi32> to vector<1x16xi32>
    tpu.vector_store %arg8[%swap3A_3797, %swap3A_3798], %swap3A_3801 {strides = array<i32>} : memref<18x128xi32, #tpu.memory_space<vmem>>, vector<1x16xi32>,
    %get3A_3802 = arith.constant 2144 : index
    %get3A_3803 = tpu.vector_load %arg6[%get3A_3802] {strides = array<i32>} : memref<2304xi32, #tpu.memory_space<vmem>>, vector<16xi32>,
    %get3A_3804 = vector.shape_cast %get3A_3803 : vector<16xi32> to vector<16xi32>
    %get3A_3805 = arith.constant 2144 : index
    %get3A_3806 = tpu.vector_load %arg7[%get3A_3805] {strides = array<i32>} : memref<2304xi32, #tpu.memory_space<vmem>>, vector<16xi32>,
    %get3A_3807 = vector.shape_cast %get3A_3806 : vector<16xi32> to vector<16xi32>
    %sub3A_3808 = vector.broadcast %mul3A_57 : i32 to vector<16xi32>
    %sub3A_3809 = arith.subi %get3A_3807, %sub3A_3808 : vector<16xi32>
    %ge3A_3810 = arith.constant 0 : i32
    %ge3A_3811 = vector.broadcast %ge3A_3810 : i32 to vector<16xi32>
    %ge3A_3812 = arith.cmpi sge, %sub3A_3809, %ge3A_3811 : vector<16xi32>
    %lt3A_3813 = arith.constant 512 : i32
    %lt3A_3814 = vector.broadcast %lt3A_3813 : i32 to vector<16xi32>
    %lt3A_3815 = arith.cmpi slt, %sub3A_3809, %lt3A_3814 : vector<16xi32>
    %and3A_3816 = arith.andi %ge3A_3812, %lt3A_3815 : vector<16xi1>
    %mul3A_3817 = arith.constant 1024 : i32
    %mul3A_3818 = vector.broadcast %mul3A_3817 : i32 to vector<16xi32>
    %mul3A_3819 = arith.muli %sub3A_3809, %mul3A_3818 : vector<16xi32>
    %add3A_3820 = arith.addi %mul3A_3819, %get3A_3804 : vector<16xi32>
    %jit3A_3821 = arith.constant 524288 : i32
    %broadcast_in_dim3A_3822 = vector.broadcast %jit3A_3821 : i32 to vector<16xi32>
    %select_n3A_3823 = arith.select %and3A_3816, %add3A_3820, %broadcast_in_dim3A_3822 : vector<16xi1>, vector<16xi32>
    %swap3A_3824 = arith.constant 16 : i32
    %swap3A_3825 = arith.index_cast %swap3A_3824 : i32 to index
    %swap3A_3826 = arith.constant 96 : index
    %swap3A_3827 = tpu.vector_load %arg8[%swap3A_3825, %swap3A_3826] {strides = array<i32>} : memref<18x128xi32, #tpu.memory_space<vmem>>, vector<1x16xi32>,
    %swap3A_3828 = vector.shape_cast %swap3A_3827 : vector<1x16xi32> to vector<16xi32>
    %swap3A_3829 = vector.shape_cast %select_n3A_3823 : vector<16xi32> to vector<1x16xi32>
    tpu.vector_store %arg8[%swap3A_3825, %swap3A_3826], %swap3A_3829 {strides = array<i32>} : memref<18x128xi32, #tpu.memory_space<vmem>>, vector<1x16xi32>,
    %get3A_3830 = arith.constant 2160 : index
    %get3A_3831 = tpu.vector_load %arg6[%get3A_3830] {strides = array<i32>} : memref<2304xi32, #tpu.memory_space<vmem>>, vector<16xi32>,
    %get3A_3832 = vector.shape_cast %get3A_3831 : vector<16xi32> to vector<16xi32>
    %get3A_3833 = arith.constant 2160 : index
    %get3A_3834 = tpu.vector_load %arg7[%get3A_3833] {strides = array<i32>} : memref<2304xi32, #tpu.memory_space<vmem>>, vector<16xi32>,
    %get3A_3835 = vector.shape_cast %get3A_3834 : vector<16xi32> to vector<16xi32>
    %sub3A_3836 = vector.broadcast %mul3A_57 : i32 to vector<16xi32>
    %sub3A_3837 = arith.subi %get3A_3835, %sub3A_3836 : vector<16xi32>
    %ge3A_3838 = arith.constant 0 : i32
    %ge3A_3839 = vector.broadcast %ge3A_3838 : i32 to vector<16xi32>
    %ge3A_3840 = arith.cmpi sge, %sub3A_3837, %ge3A_3839 : vector<16xi32>
    %lt3A_3841 = arith.constant 512 : i32
    %lt3A_3842 = vector.broadcast %lt3A_3841 : i32 to vector<16xi32>
    %lt3A_3843 = arith.cmpi slt, %sub3A_3837, %lt3A_3842 : vector<16xi32>
    %and3A_3844 = arith.andi %ge3A_3840, %lt3A_3843 : vector<16xi1>
    %mul3A_3845 = arith.constant 1024 : i32
    %mul3A_3846 = vector.broadcast %mul3A_3845 : i32 to vector<16xi32>
    %mul3A_3847 = arith.muli %sub3A_3837, %mul3A_3846 : vector<16xi32>
    %add3A_3848 = arith.addi %mul3A_3847, %get3A_3832 : vector<16xi32>
    %jit3A_3849 = arith.constant 524288 : i32
    %broadcast_in_dim3A_3850 = vector.broadcast %jit3A_3849 : i32 to vector<16xi32>
    %select_n3A_3851 = arith.select %and3A_3844, %add3A_3848, %broadcast_in_dim3A_3850 : vector<16xi1>, vector<16xi32>
    %swap3A_3852 = arith.constant 16 : i32
    %swap3A_3853 = arith.index_cast %swap3A_3852 : i32 to index
    %swap3A_3854 = arith.constant 112 : index
    %swap3A_3855 = tpu.vector_load %arg8[%swap3A_3853, %swap3A_3854] {strides = array<i32>} : memref<18x128xi32, #tpu.memory_space<vmem>>, vector<1x16xi32>,
    %swap3A_3856 = vector.shape_cast %swap3A_3855 : vector<1x16xi32> to vector<16xi32>
    %swap3A_3857 = vector.shape_cast %select_n3A_3851 : vector<16xi32> to vector<1x16xi32>
    tpu.vector_store %arg8[%swap3A_3853, %swap3A_3854], %swap3A_3857 {strides = array<i32>} : memref<18x128xi32, #tpu.memory_space<vmem>>, vector<1x16xi32>,
    %get3A_3858 = arith.constant 2176 : index
    %get3A_3859 = tpu.vector_load %arg6[%get3A_3858] {strides = array<i32>} : memref<2304xi32, #tpu.memory_space<vmem>>, vector<16xi32>,
    %get3A_3860 = vector.shape_cast %get3A_3859 : vector<16xi32> to vector<16xi32>
    %get3A_3861 = arith.constant 2176 : index
    %get3A_3862 = tpu.vector_load %arg7[%get3A_3861] {strides = array<i32>} : memref<2304xi32, #tpu.memory_space<vmem>>, vector<16xi32>,
    %get3A_3863 = vector.shape_cast %get3A_3862 : vector<16xi32> to vector<16xi32>
    %sub3A_3864 = vector.broadcast %mul3A_57 : i32 to vector<16xi32>
    %sub3A_3865 = arith.subi %get3A_3863, %sub3A_3864 : vector<16xi32>
    %ge3A_3866 = arith.constant 0 : i32
    %ge3A_3867 = vector.broadcast %ge3A_3866 : i32 to vector<16xi32>
    %ge3A_3868 = arith.cmpi sge, %sub3A_3865, %ge3A_3867 : vector<16xi32>
    %lt3A_3869 = arith.constant 512 : i32
    %lt3A_3870 = vector.broadcast %lt3A_3869 : i32 to vector<16xi32>
    %lt3A_3871 = arith.cmpi slt, %sub3A_3865, %lt3A_3870 : vector<16xi32>
    %and3A_3872 = arith.andi %ge3A_3868, %lt3A_3871 : vector<16xi1>
    %mul3A_3873 = arith.constant 1024 : i32
    %mul3A_3874 = vector.broadcast %mul3A_3873 : i32 to vector<16xi32>
    %mul3A_3875 = arith.muli %sub3A_3865, %mul3A_3874 : vector<16xi32>
    %add3A_3876 = arith.addi %mul3A_3875, %get3A_3860 : vector<16xi32>
    %jit3A_3877 = arith.constant 524288 : i32
    %broadcast_in_dim3A_3878 = vector.broadcast %jit3A_3877 : i32 to vector<16xi32>
    %select_n3A_3879 = arith.select %and3A_3872, %add3A_3876, %broadcast_in_dim3A_3878 : vector<16xi1>, vector<16xi32>
    %swap3A_3880 = arith.constant 17 : i32
    %swap3A_3881 = arith.index_cast %swap3A_3880 : i32 to index
    %swap3A_3882 = arith.constant 0 : index
    %swap3A_3883 = tpu.vector_load %arg8[%swap3A_3881, %swap3A_3882] {strides = array<i32>} : memref<18x128xi32, #tpu.memory_space<vmem>>, vector<1x16xi32>,
    %swap3A_3884 = vector.shape_cast %swap3A_3883 : vector<1x16xi32> to vector<16xi32>
    %swap3A_3885 = vector.shape_cast %select_n3A_3879 : vector<16xi32> to vector<1x16xi32>
    tpu.vector_store %arg8[%swap3A_3881, %swap3A_3882], %swap3A_3885 {strides = array<i32>} : memref<18x128xi32, #tpu.memory_space<vmem>>, vector<1x16xi32>,
    %get3A_3886 = arith.constant 2192 : index
    %get3A_3887 = tpu.vector_load %arg6[%get3A_3886] {strides = array<i32>} : memref<2304xi32, #tpu.memory_space<vmem>>, vector<16xi32>,
    %get3A_3888 = vector.shape_cast %get3A_3887 : vector<16xi32> to vector<16xi32>
    %get3A_3889 = arith.constant 2192 : index
    %get3A_3890 = tpu.vector_load %arg7[%get3A_3889] {strides = array<i32>} : memref<2304xi32, #tpu.memory_space<vmem>>, vector<16xi32>,
    %get3A_3891 = vector.shape_cast %get3A_3890 : vector<16xi32> to vector<16xi32>
    %sub3A_3892 = vector.broadcast %mul3A_57 : i32 to vector<16xi32>
    %sub3A_3893 = arith.subi %get3A_3891, %sub3A_3892 : vector<16xi32>
    %ge3A_3894 = arith.constant 0 : i32
    %ge3A_3895 = vector.broadcast %ge3A_3894 : i32 to vector<16xi32>
    %ge3A_3896 = arith.cmpi sge, %sub3A_3893, %ge3A_3895 : vector<16xi32>
    %lt3A_3897 = arith.constant 512 : i32
    %lt3A_3898 = vector.broadcast %lt3A_3897 : i32 to vector<16xi32>
    %lt3A_3899 = arith.cmpi slt, %sub3A_3893, %lt3A_3898 : vector<16xi32>
    %and3A_3900 = arith.andi %ge3A_3896, %lt3A_3899 : vector<16xi1>
    %mul3A_3901 = arith.constant 1024 : i32
    %mul3A_3902 = vector.broadcast %mul3A_3901 : i32 to vector<16xi32>
    %mul3A_3903 = arith.muli %sub3A_3893, %mul3A_3902 : vector<16xi32>
    %add3A_3904 = arith.addi %mul3A_3903, %get3A_3888 : vector<16xi32>
    %jit3A_3905 = arith.constant 524288 : i32
    %broadcast_in_dim3A_3906 = vector.broadcast %jit3A_3905 : i32 to vector<16xi32>
    %select_n3A_3907 = arith.select %and3A_3900, %add3A_3904, %broadcast_in_dim3A_3906 : vector<16xi1>, vector<16xi32>
    %swap3A_3908 = arith.constant 17 : i32
    %swap3A_3909 = arith.index_cast %swap3A_3908 : i32 to index
    %swap3A_3910 = arith.constant 16 : index
    %swap3A_3911 = tpu.vector_load %arg8[%swap3A_3909, %swap3A_3910] {strides = array<i32>} : memref<18x128xi32, #tpu.memory_space<vmem>>, vector<1x16xi32>,
    %swap3A_3912 = vector.shape_cast %swap3A_3911 : vector<1x16xi32> to vector<16xi32>
    %swap3A_3913 = vector.shape_cast %select_n3A_3907 : vector<16xi32> to vector<1x16xi32>
    tpu.vector_store %arg8[%swap3A_3909, %swap3A_3910], %swap3A_3913 {strides = array<i32>} : memref<18x128xi32, #tpu.memory_space<vmem>>, vector<1x16xi32>,
    %get3A_3914 = arith.constant 2208 : index
    %get3A_3915 = tpu.vector_load %arg6[%get3A_3914] {strides = array<i32>} : memref<2304xi32, #tpu.memory_space<vmem>>, vector<16xi32>,
    %get3A_3916 = vector.shape_cast %get3A_3915 : vector<16xi32> to vector<16xi32>
    %get3A_3917 = arith.constant 2208 : index
    %get3A_3918 = tpu.vector_load %arg7[%get3A_3917] {strides = array<i32>} : memref<2304xi32, #tpu.memory_space<vmem>>, vector<16xi32>,
    %get3A_3919 = vector.shape_cast %get3A_3918 : vector<16xi32> to vector<16xi32>
    %sub3A_3920 = vector.broadcast %mul3A_57 : i32 to vector<16xi32>
    %sub3A_3921 = arith.subi %get3A_3919, %sub3A_3920 : vector<16xi32>
    %ge3A_3922 = arith.constant 0 : i32
    %ge3A_3923 = vector.broadcast %ge3A_3922 : i32 to vector<16xi32>
    %ge3A_3924 = arith.cmpi sge, %sub3A_3921, %ge3A_3923 : vector<16xi32>
    %lt3A_3925 = arith.constant 512 : i32
    %lt3A_3926 = vector.broadcast %lt3A_3925 : i32 to vector<16xi32>
    %lt3A_3927 = arith.cmpi slt, %sub3A_3921, %lt3A_3926 : vector<16xi32>
    %and3A_3928 = arith.andi %ge3A_3924, %lt3A_3927 : vector<16xi1>
    %mul3A_3929 = arith.constant 1024 : i32
    %mul3A_3930 = vector.broadcast %mul3A_3929 : i32 to vector<16xi32>
    %mul3A_3931 = arith.muli %sub3A_3921, %mul3A_3930 : vector<16xi32>
    %add3A_3932 = arith.addi %mul3A_3931, %get3A_3916 : vector<16xi32>
    %jit3A_3933 = arith.constant 524288 : i32
    %broadcast_in_dim3A_3934 = vector.broadcast %jit3A_3933 : i32 to vector<16xi32>
    %select_n3A_3935 = arith.select %and3A_3928, %add3A_3932, %broadcast_in_dim3A_3934 : vector<16xi1>, vector<16xi32>
    %swap3A_3936 = arith.constant 17 : i32
    %swap3A_3937 = arith.index_cast %swap3A_3936 : i32 to index
    %swap3A_3938 = arith.constant 32 : index
    %swap3A_3939 = tpu.vector_load %arg8[%swap3A_3937, %swap3A_3938] {strides = array<i32>} : memref<18x128xi32, #tpu.memory_space<vmem>>, vector<1x16xi32>,
    %swap3A_3940 = vector.shape_cast %swap3A_3939 : vector<1x16xi32> to vector<16xi32>
    %swap3A_3941 = vector.shape_cast %select_n3A_3935 : vector<16xi32> to vector<1x16xi32>
    tpu.vector_store %arg8[%swap3A_3937, %swap3A_3938], %swap3A_3941 {strides = array<i32>} : memref<18x128xi32, #tpu.memory_space<vmem>>, vector<1x16xi32>,
    %get3A_3942 = arith.constant 2224 : index
    %get3A_3943 = tpu.vector_load %arg6[%get3A_3942] {strides = array<i32>} : memref<2304xi32, #tpu.memory_space<vmem>>, vector<16xi32>,
    %get3A_3944 = vector.shape_cast %get3A_3943 : vector<16xi32> to vector<16xi32>
    %get3A_3945 = arith.constant 2224 : index
    %get3A_3946 = tpu.vector_load %arg7[%get3A_3945] {strides = array<i32>} : memref<2304xi32, #tpu.memory_space<vmem>>, vector<16xi32>,
    %get3A_3947 = vector.shape_cast %get3A_3946 : vector<16xi32> to vector<16xi32>
    %sub3A_3948 = vector.broadcast %mul3A_57 : i32 to vector<16xi32>
    %sub3A_3949 = arith.subi %get3A_3947, %sub3A_3948 : vector<16xi32>
    %ge3A_3950 = arith.constant 0 : i32
    %ge3A_3951 = vector.broadcast %ge3A_3950 : i32 to vector<16xi32>
    %ge3A_3952 = arith.cmpi sge, %sub3A_3949, %ge3A_3951 : vector<16xi32>
    %lt3A_3953 = arith.constant 512 : i32
    %lt3A_3954 = vector.broadcast %lt3A_3953 : i32 to vector<16xi32>
    %lt3A_3955 = arith.cmpi slt, %sub3A_3949, %lt3A_3954 : vector<16xi32>
    %and3A_3956 = arith.andi %ge3A_3952, %lt3A_3955 : vector<16xi1>
    %mul3A_3957 = arith.constant 1024 : i32
    %mul3A_3958 = vector.broadcast %mul3A_3957 : i32 to vector<16xi32>
    %mul3A_3959 = arith.muli %sub3A_3949, %mul3A_3958 : vector<16xi32>
    %add3A_3960 = arith.addi %mul3A_3959, %get3A_3944 : vector<16xi32>
    %jit3A_3961 = arith.constant 524288 : i32
    %broadcast_in_dim3A_3962 = vector.broadcast %jit3A_3961 : i32 to vector<16xi32>
    %select_n3A_3963 = arith.select %and3A_3956, %add3A_3960, %broadcast_in_dim3A_3962 : vector<16xi1>, vector<16xi32>
    %swap3A_3964 = arith.constant 17 : i32
    %swap3A_3965 = arith.index_cast %swap3A_3964 : i32 to index
    %swap3A_3966 = arith.constant 48 : index
    %swap3A_3967 = tpu.vector_load %arg8[%swap3A_3965, %swap3A_3966] {strides = array<i32>} : memref<18x128xi32, #tpu.memory_space<vmem>>, vector<1x16xi32>,
    %swap3A_3968 = vector.shape_cast %swap3A_3967 : vector<1x16xi32> to vector<16xi32>
    %swap3A_3969 = vector.shape_cast %select_n3A_3963 : vector<16xi32> to vector<1x16xi32>
    tpu.vector_store %arg8[%swap3A_3965, %swap3A_3966], %swap3A_3969 {strides = array<i32>} : memref<18x128xi32, #tpu.memory_space<vmem>>, vector<1x16xi32>,
    %get3A_3970 = arith.constant 2240 : index
    %get3A_3971 = tpu.vector_load %arg6[%get3A_3970] {strides = array<i32>} : memref<2304xi32, #tpu.memory_space<vmem>>, vector<16xi32>,
    %get3A_3972 = vector.shape_cast %get3A_3971 : vector<16xi32> to vector<16xi32>
    %get3A_3973 = arith.constant 2240 : index
    %get3A_3974 = tpu.vector_load %arg7[%get3A_3973] {strides = array<i32>} : memref<2304xi32, #tpu.memory_space<vmem>>, vector<16xi32>,
    %get3A_3975 = vector.shape_cast %get3A_3974 : vector<16xi32> to vector<16xi32>
    %sub3A_3976 = vector.broadcast %mul3A_57 : i32 to vector<16xi32>
    %sub3A_3977 = arith.subi %get3A_3975, %sub3A_3976 : vector<16xi32>
    %ge3A_3978 = arith.constant 0 : i32
    %ge3A_3979 = vector.broadcast %ge3A_3978 : i32 to vector<16xi32>
    %ge3A_3980 = arith.cmpi sge, %sub3A_3977, %ge3A_3979 : vector<16xi32>
    %lt3A_3981 = arith.constant 512 : i32
    %lt3A_3982 = vector.broadcast %lt3A_3981 : i32 to vector<16xi32>
    %lt3A_3983 = arith.cmpi slt, %sub3A_3977, %lt3A_3982 : vector<16xi32>
    %and3A_3984 = arith.andi %ge3A_3980, %lt3A_3983 : vector<16xi1>
    %mul3A_3985 = arith.constant 1024 : i32
    %mul3A_3986 = vector.broadcast %mul3A_3985 : i32 to vector<16xi32>
    %mul3A_3987 = arith.muli %sub3A_3977, %mul3A_3986 : vector<16xi32>
    %add3A_3988 = arith.addi %mul3A_3987, %get3A_3972 : vector<16xi32>
    %jit3A_3989 = arith.constant 524288 : i32
    %broadcast_in_dim3A_3990 = vector.broadcast %jit3A_3989 : i32 to vector<16xi32>
    %select_n3A_3991 = arith.select %and3A_3984, %add3A_3988, %broadcast_in_dim3A_3990 : vector<16xi1>, vector<16xi32>
    %swap3A_3992 = arith.constant 17 : i32
    %swap3A_3993 = arith.index_cast %swap3A_3992 : i32 to index
    %swap3A_3994 = arith.constant 64 : index
    %swap3A_3995 = tpu.vector_load %arg8[%swap3A_3993, %swap3A_3994] {strides = array<i32>} : memref<18x128xi32, #tpu.memory_space<vmem>>, vector<1x16xi32>,
    %swap3A_3996 = vector.shape_cast %swap3A_3995 : vector<1x16xi32> to vector<16xi32>
    %swap3A_3997 = vector.shape_cast %select_n3A_3991 : vector<16xi32> to vector<1x16xi32>
    tpu.vector_store %arg8[%swap3A_3993, %swap3A_3994], %swap3A_3997 {strides = array<i32>} : memref<18x128xi32, #tpu.memory_space<vmem>>, vector<1x16xi32>,
    %get3A_3998 = arith.constant 2256 : index
    %get3A_3999 = tpu.vector_load %arg6[%get3A_3998] {strides = array<i32>} : memref<2304xi32, #tpu.memory_space<vmem>>, vector<16xi32>,
    %get3A_4000 = vector.shape_cast %get3A_3999 : vector<16xi32> to vector<16xi32>
    %get3A_4001 = arith.constant 2256 : index
    %get3A_4002 = tpu.vector_load %arg7[%get3A_4001] {strides = array<i32>} : memref<2304xi32, #tpu.memory_space<vmem>>, vector<16xi32>,
    %get3A_4003 = vector.shape_cast %get3A_4002 : vector<16xi32> to vector<16xi32>
    %sub3A_4004 = vector.broadcast %mul3A_57 : i32 to vector<16xi32>
    %sub3A_4005 = arith.subi %get3A_4003, %sub3A_4004 : vector<16xi32>
    %ge3A_4006 = arith.constant 0 : i32
    %ge3A_4007 = vector.broadcast %ge3A_4006 : i32 to vector<16xi32>
    %ge3A_4008 = arith.cmpi sge, %sub3A_4005, %ge3A_4007 : vector<16xi32>
    %lt3A_4009 = arith.constant 512 : i32
    %lt3A_4010 = vector.broadcast %lt3A_4009 : i32 to vector<16xi32>
    %lt3A_4011 = arith.cmpi slt, %sub3A_4005, %lt3A_4010 : vector<16xi32>
    %and3A_4012 = arith.andi %ge3A_4008, %lt3A_4011 : vector<16xi1>
    %mul3A_4013 = arith.constant 1024 : i32
    %mul3A_4014 = vector.broadcast %mul3A_4013 : i32 to vector<16xi32>
    %mul3A_4015 = arith.muli %sub3A_4005, %mul3A_4014 : vector<16xi32>
    %add3A_4016 = arith.addi %mul3A_4015, %get3A_4000 : vector<16xi32>
    %jit3A_4017 = arith.constant 524288 : i32
    %broadcast_in_dim3A_4018 = vector.broadcast %jit3A_4017 : i32 to vector<16xi32>
    %select_n3A_4019 = arith.select %and3A_4012, %add3A_4016, %broadcast_in_dim3A_4018 : vector<16xi1>, vector<16xi32>
    %swap3A_4020 = arith.constant 17 : i32
    %swap3A_4021 = arith.index_cast %swap3A_4020 : i32 to index
    %swap3A_4022 = arith.constant 80 : index
    %swap3A_4023 = tpu.vector_load %arg8[%swap3A_4021, %swap3A_4022] {strides = array<i32>} : memref<18x128xi32, #tpu.memory_space<vmem>>, vector<1x16xi32>,
    %swap3A_4024 = vector.shape_cast %swap3A_4023 : vector<1x16xi32> to vector<16xi32>
    %swap3A_4025 = vector.shape_cast %select_n3A_4019 : vector<16xi32> to vector<1x16xi32>
    tpu.vector_store %arg8[%swap3A_4021, %swap3A_4022], %swap3A_4025 {strides = array<i32>} : memref<18x128xi32, #tpu.memory_space<vmem>>, vector<1x16xi32>,
    %get3A_4026 = arith.constant 2272 : index
    %get3A_4027 = tpu.vector_load %arg6[%get3A_4026] {strides = array<i32>} : memref<2304xi32, #tpu.memory_space<vmem>>, vector<16xi32>,
    %get3A_4028 = vector.shape_cast %get3A_4027 : vector<16xi32> to vector<16xi32>
    %get3A_4029 = arith.constant 2272 : index
    %get3A_4030 = tpu.vector_load %arg7[%get3A_4029] {strides = array<i32>} : memref<2304xi32, #tpu.memory_space<vmem>>, vector<16xi32>,
    %get3A_4031 = vector.shape_cast %get3A_4030 : vector<16xi32> to vector<16xi32>
    %sub3A_4032 = vector.broadcast %mul3A_57 : i32 to vector<16xi32>
    %sub3A_4033 = arith.subi %get3A_4031, %sub3A_4032 : vector<16xi32>
    %ge3A_4034 = arith.constant 0 : i32
    %ge3A_4035 = vector.broadcast %ge3A_4034 : i32 to vector<16xi32>
    %ge3A_4036 = arith.cmpi sge, %sub3A_4033, %ge3A_4035 : vector<16xi32>
    %lt3A_4037 = arith.constant 512 : i32
    %lt3A_4038 = vector.broadcast %lt3A_4037 : i32 to vector<16xi32>
    %lt3A_4039 = arith.cmpi slt, %sub3A_4033, %lt3A_4038 : vector<16xi32>
    %and3A_4040 = arith.andi %ge3A_4036, %lt3A_4039 : vector<16xi1>
    %mul3A_4041 = arith.constant 1024 : i32
    %mul3A_4042 = vector.broadcast %mul3A_4041 : i32 to vector<16xi32>
    %mul3A_4043 = arith.muli %sub3A_4033, %mul3A_4042 : vector<16xi32>
    %add3A_4044 = arith.addi %mul3A_4043, %get3A_4028 : vector<16xi32>
    %jit3A_4045 = arith.constant 524288 : i32
    %broadcast_in_dim3A_4046 = vector.broadcast %jit3A_4045 : i32 to vector<16xi32>
    %select_n3A_4047 = arith.select %and3A_4040, %add3A_4044, %broadcast_in_dim3A_4046 : vector<16xi1>, vector<16xi32>
    %swap3A_4048 = arith.constant 17 : i32
    %swap3A_4049 = arith.index_cast %swap3A_4048 : i32 to index
    %swap3A_4050 = arith.constant 96 : index
    %swap3A_4051 = tpu.vector_load %arg8[%swap3A_4049, %swap3A_4050] {strides = array<i32>} : memref<18x128xi32, #tpu.memory_space<vmem>>, vector<1x16xi32>,
    %swap3A_4052 = vector.shape_cast %swap3A_4051 : vector<1x16xi32> to vector<16xi32>
    %swap3A_4053 = vector.shape_cast %select_n3A_4047 : vector<16xi32> to vector<1x16xi32>
    tpu.vector_store %arg8[%swap3A_4049, %swap3A_4050], %swap3A_4053 {strides = array<i32>} : memref<18x128xi32, #tpu.memory_space<vmem>>, vector<1x16xi32>,
    %get3A_4054 = arith.constant 2288 : index
    %get3A_4055 = tpu.vector_load %arg6[%get3A_4054] {strides = array<i32>} : memref<2304xi32, #tpu.memory_space<vmem>>, vector<16xi32>,
    %get3A_4056 = vector.shape_cast %get3A_4055 : vector<16xi32> to vector<16xi32>
    %get3A_4057 = arith.constant 2288 : index
    %get3A_4058 = tpu.vector_load %arg7[%get3A_4057] {strides = array<i32>} : memref<2304xi32, #tpu.memory_space<vmem>>, vector<16xi32>,
    %get3A_4059 = vector.shape_cast %get3A_4058 : vector<16xi32> to vector<16xi32>
    %sub3A_4060 = vector.broadcast %mul3A_57 : i32 to vector<16xi32>
    %sub3A_4061 = arith.subi %get3A_4059, %sub3A_4060 : vector<16xi32>
    %ge3A_4062 = arith.constant 0 : i32
    %ge3A_4063 = vector.broadcast %ge3A_4062 : i32 to vector<16xi32>
    %ge3A_4064 = arith.cmpi sge, %sub3A_4061, %ge3A_4063 : vector<16xi32>
    %lt3A_4065 = arith.constant 512 : i32
    %lt3A_4066 = vector.broadcast %lt3A_4065 : i32 to vector<16xi32>
    %lt3A_4067 = arith.cmpi slt, %sub3A_4061, %lt3A_4066 : vector<16xi32>
    %and3A_4068 = arith.andi %ge3A_4064, %lt3A_4067 : vector<16xi1>
    %mul3A_4069 = arith.constant 1024 : i32
    %mul3A_4070 = vector.broadcast %mul3A_4069 : i32 to vector<16xi32>
    %mul3A_4071 = arith.muli %sub3A_4061, %mul3A_4070 : vector<16xi32>
    %add3A_4072 = arith.addi %mul3A_4071, %get3A_4056 : vector<16xi32>
    %jit3A_4073 = arith.constant 524288 : i32
    %broadcast_in_dim3A_4074 = vector.broadcast %jit3A_4073 : i32 to vector<16xi32>
    %select_n3A_4075 = arith.select %and3A_4068, %add3A_4072, %broadcast_in_dim3A_4074 : vector<16xi1>, vector<16xi32>
    %swap3A_4076 = arith.constant 17 : i32
    %swap3A_4077 = arith.index_cast %swap3A_4076 : i32 to index
    %swap3A_4078 = arith.constant 112 : index
    %swap3A_4079 = tpu.vector_load %arg8[%swap3A_4077, %swap3A_4078] {strides = array<i32>} : memref<18x128xi32, #tpu.memory_space<vmem>>, vector<1x16xi32>,
    %swap3A_4080 = vector.shape_cast %swap3A_4079 : vector<1x16xi32> to vector<16xi32>
    %swap3A_4081 = vector.shape_cast %select_n3A_4075 : vector<16xi32> to vector<1x16xi32>
    tpu.vector_store %arg8[%swap3A_4077, %swap3A_4078], %swap3A_4081 {strides = array<i32>} : memref<18x128xi32, #tpu.memory_space<vmem>>, vector<1x16xi32>,
    %dma_wait3A_4082 = tpu.memref_slice %arg10[%mul3A_2] : memref<525312xf32, #tpu.memory_space<vmem_shared>> -> memref<32768xf32, #tpu.memory_space<vmem_shared>>
    tpu.wait_dma2 semaphore(%arg11 : memref<!tpu.dma_semaphore, #tpu.memory_space<semaphore_mem>>) src(%arg4 : memref<32768xf32, #tpu.memory_space<hbm>>) dst(%dma_wait3A_4082 : memref<32768xf32, #tpu.memory_space<vmem_shared>>)
    %barrier3A = arith.constant 0 : index
    tpu.barrier barrier_id(%barrier3A)
    %dma_start3A_4083 = arith.constant 0 : i32
    %dma_start3A_4084 = arith.constant 0 : i32
    %dma_start3A_4085 = tpu.memref_slice %arg8[%dma_start3A_4083, %dma_start3A_4084] : memref<18x128xi32, #tpu.memory_space<vmem>> -> memref<1x128xi32, #tpu.memory_space<vmem>>
    %dma_start3A_4086 = tpu.memref_squeeze %dma_start3A_4085 : memref<1x128xi32, #tpu.memory_space<vmem>> -> memref<128xi32, #tpu.memory_space<vmem>>
    %dma_start3A_4087 = arith.constant 0 : i32
    %dma_start3A_4088 = tpu.memref_slice %arg10[%dma_start3A_4087] : memref<525312xf32, #tpu.memory_space<vmem_shared>> -> memref<525312xf32, #tpu.memory_space<vmem_shared>>
    tpu.enqueue_indirect_dma source(%arg9 : memref<128xf32, #tpu.memory_space<vmem>>) target(%dma_start3A_4088 : memref<525312xf32, #tpu.memory_space<vmem_shared>>) offsets(%dma_start3A_4086 : memref<128xi32, #tpu.memory_space<vmem>>) semaphore(%arg13 : memref<!tpu.dma_semaphore, #tpu.memory_space<semaphore_mem>>) {add = true}
    %dma_start3A_4089 = arith.constant 1 : i32
    %dma_start3A_4090 = arith.constant 0 : i32
    %dma_start3A_4091 = tpu.memref_slice %arg8[%dma_start3A_4089, %dma_start3A_4090] : memref<18x128xi32, #tpu.memory_space<vmem>> -> memref<1x128xi32, #tpu.memory_space<vmem>>
    %dma_start3A_4092 = tpu.memref_squeeze %dma_start3A_4091 : memref<1x128xi32, #tpu.memory_space<vmem>> -> memref<128xi32, #tpu.memory_space<vmem>>
    %dma_start3A_4093 = arith.constant 0 : i32
    %dma_start3A_4094 = tpu.memref_slice %arg10[%dma_start3A_4093] : memref<525312xf32, #tpu.memory_space<vmem_shared>> -> memref<525312xf32, #tpu.memory_space<vmem_shared>>
    tpu.enqueue_indirect_dma source(%arg9 : memref<128xf32, #tpu.memory_space<vmem>>) target(%dma_start3A_4094 : memref<525312xf32, #tpu.memory_space<vmem_shared>>) offsets(%dma_start3A_4092 : memref<128xi32, #tpu.memory_space<vmem>>) semaphore(%arg13 : memref<!tpu.dma_semaphore, #tpu.memory_space<semaphore_mem>>) {add = true}
    %dma_start3A_4095 = arith.constant 2 : i32
    %dma_start3A_4096 = arith.constant 0 : i32
    %dma_start3A_4097 = tpu.memref_slice %arg8[%dma_start3A_4095, %dma_start3A_4096] : memref<18x128xi32, #tpu.memory_space<vmem>> -> memref<1x128xi32, #tpu.memory_space<vmem>>
    %dma_start3A_4098 = tpu.memref_squeeze %dma_start3A_4097 : memref<1x128xi32, #tpu.memory_space<vmem>> -> memref<128xi32, #tpu.memory_space<vmem>>
    %dma_start3A_4099 = arith.constant 0 : i32
    %dma_start3A_4100 = tpu.memref_slice %arg10[%dma_start3A_4099] : memref<525312xf32, #tpu.memory_space<vmem_shared>> -> memref<525312xf32, #tpu.memory_space<vmem_shared>>
    tpu.enqueue_indirect_dma source(%arg9 : memref<128xf32, #tpu.memory_space<vmem>>) target(%dma_start3A_4100 : memref<525312xf32, #tpu.memory_space<vmem_shared>>) offsets(%dma_start3A_4098 : memref<128xi32, #tpu.memory_space<vmem>>) semaphore(%arg13 : memref<!tpu.dma_semaphore, #tpu.memory_space<semaphore_mem>>) {add = true}
    %dma_start3A_4101 = arith.constant 3 : i32
    %dma_start3A_4102 = arith.constant 0 : i32
    %dma_start3A_4103 = tpu.memref_slice %arg8[%dma_start3A_4101, %dma_start3A_4102] : memref<18x128xi32, #tpu.memory_space<vmem>> -> memref<1x128xi32, #tpu.memory_space<vmem>>
    %dma_start3A_4104 = tpu.memref_squeeze %dma_start3A_4103 : memref<1x128xi32, #tpu.memory_space<vmem>> -> memref<128xi32, #tpu.memory_space<vmem>>
    %dma_start3A_4105 = arith.constant 0 : i32
    %dma_start3A_4106 = tpu.memref_slice %arg10[%dma_start3A_4105] : memref<525312xf32, #tpu.memory_space<vmem_shared>> -> memref<525312xf32, #tpu.memory_space<vmem_shared>>
    tpu.enqueue_indirect_dma source(%arg9 : memref<128xf32, #tpu.memory_space<vmem>>) target(%dma_start3A_4106 : memref<525312xf32, #tpu.memory_space<vmem_shared>>) offsets(%dma_start3A_4104 : memref<128xi32, #tpu.memory_space<vmem>>) semaphore(%arg13 : memref<!tpu.dma_semaphore, #tpu.memory_space<semaphore_mem>>) {add = true}
    %dma_start3A_4107 = arith.constant 4 : i32
    %dma_start3A_4108 = arith.constant 0 : i32
    %dma_start3A_4109 = tpu.memref_slice %arg8[%dma_start3A_4107, %dma_start3A_4108] : memref<18x128xi32, #tpu.memory_space<vmem>> -> memref<1x128xi32, #tpu.memory_space<vmem>>
    %dma_start3A_4110 = tpu.memref_squeeze %dma_start3A_4109 : memref<1x128xi32, #tpu.memory_space<vmem>> -> memref<128xi32, #tpu.memory_space<vmem>>
    %dma_start3A_4111 = arith.constant 0 : i32
    %dma_start3A_4112 = tpu.memref_slice %arg10[%dma_start3A_4111] : memref<525312xf32, #tpu.memory_space<vmem_shared>> -> memref<525312xf32, #tpu.memory_space<vmem_shared>>
    tpu.enqueue_indirect_dma source(%arg9 : memref<128xf32, #tpu.memory_space<vmem>>) target(%dma_start3A_4112 : memref<525312xf32, #tpu.memory_space<vmem_shared>>) offsets(%dma_start3A_4110 : memref<128xi32, #tpu.memory_space<vmem>>) semaphore(%arg13 : memref<!tpu.dma_semaphore, #tpu.memory_space<semaphore_mem>>) {add = true}
    %dma_start3A_4113 = arith.constant 5 : i32
    %dma_start3A_4114 = arith.constant 0 : i32
    %dma_start3A_4115 = tpu.memref_slice %arg8[%dma_start3A_4113, %dma_start3A_4114] : memref<18x128xi32, #tpu.memory_space<vmem>> -> memref<1x128xi32, #tpu.memory_space<vmem>>
    %dma_start3A_4116 = tpu.memref_squeeze %dma_start3A_4115 : memref<1x128xi32, #tpu.memory_space<vmem>> -> memref<128xi32, #tpu.memory_space<vmem>>
    %dma_start3A_4117 = arith.constant 0 : i32
    %dma_start3A_4118 = tpu.memref_slice %arg10[%dma_start3A_4117] : memref<525312xf32, #tpu.memory_space<vmem_shared>> -> memref<525312xf32, #tpu.memory_space<vmem_shared>>
    tpu.enqueue_indirect_dma source(%arg9 : memref<128xf32, #tpu.memory_space<vmem>>) target(%dma_start3A_4118 : memref<525312xf32, #tpu.memory_space<vmem_shared>>) offsets(%dma_start3A_4116 : memref<128xi32, #tpu.memory_space<vmem>>) semaphore(%arg13 : memref<!tpu.dma_semaphore, #tpu.memory_space<semaphore_mem>>) {add = true}
    %dma_start3A_4119 = arith.constant 6 : i32
    %dma_start3A_4120 = arith.constant 0 : i32
    %dma_start3A_4121 = tpu.memref_slice %arg8[%dma_start3A_4119, %dma_start3A_4120] : memref<18x128xi32, #tpu.memory_space<vmem>> -> memref<1x128xi32, #tpu.memory_space<vmem>>
    %dma_start3A_4122 = tpu.memref_squeeze %dma_start3A_4121 : memref<1x128xi32, #tpu.memory_space<vmem>> -> memref<128xi32, #tpu.memory_space<vmem>>
    %dma_start3A_4123 = arith.constant 0 : i32
    %dma_start3A_4124 = tpu.memref_slice %arg10[%dma_start3A_4123] : memref<525312xf32, #tpu.memory_space<vmem_shared>> -> memref<525312xf32, #tpu.memory_space<vmem_shared>>
    tpu.enqueue_indirect_dma source(%arg9 : memref<128xf32, #tpu.memory_space<vmem>>) target(%dma_start3A_4124 : memref<525312xf32, #tpu.memory_space<vmem_shared>>) offsets(%dma_start3A_4122 : memref<128xi32, #tpu.memory_space<vmem>>) semaphore(%arg13 : memref<!tpu.dma_semaphore, #tpu.memory_space<semaphore_mem>>) {add = true}
    %dma_start3A_4125 = arith.constant 7 : i32
    %dma_start3A_4126 = arith.constant 0 : i32
    %dma_start3A_4127 = tpu.memref_slice %arg8[%dma_start3A_4125, %dma_start3A_4126] : memref<18x128xi32, #tpu.memory_space<vmem>> -> memref<1x128xi32, #tpu.memory_space<vmem>>
    %dma_start3A_4128 = tpu.memref_squeeze %dma_start3A_4127 : memref<1x128xi32, #tpu.memory_space<vmem>> -> memref<128xi32, #tpu.memory_space<vmem>>
    %dma_start3A_4129 = arith.constant 0 : i32
    %dma_start3A_4130 = tpu.memref_slice %arg10[%dma_start3A_4129] : memref<525312xf32, #tpu.memory_space<vmem_shared>> -> memref<525312xf32, #tpu.memory_space<vmem_shared>>
    tpu.enqueue_indirect_dma source(%arg9 : memref<128xf32, #tpu.memory_space<vmem>>) target(%dma_start3A_4130 : memref<525312xf32, #tpu.memory_space<vmem_shared>>) offsets(%dma_start3A_4128 : memref<128xi32, #tpu.memory_space<vmem>>) semaphore(%arg13 : memref<!tpu.dma_semaphore, #tpu.memory_space<semaphore_mem>>) {add = true}
    %dma_start3A_4131 = arith.constant 8 : i32
    %dma_start3A_4132 = arith.constant 0 : i32
    %dma_start3A_4133 = tpu.memref_slice %arg8[%dma_start3A_4131, %dma_start3A_4132] : memref<18x128xi32, #tpu.memory_space<vmem>> -> memref<1x128xi32, #tpu.memory_space<vmem>>
    %dma_start3A_4134 = tpu.memref_squeeze %dma_start3A_4133 : memref<1x128xi32, #tpu.memory_space<vmem>> -> memref<128xi32, #tpu.memory_space<vmem>>
    %dma_start3A_4135 = arith.constant 0 : i32
    %dma_start3A_4136 = tpu.memref_slice %arg10[%dma_start3A_4135] : memref<525312xf32, #tpu.memory_space<vmem_shared>> -> memref<525312xf32, #tpu.memory_space<vmem_shared>>
    tpu.enqueue_indirect_dma source(%arg9 : memref<128xf32, #tpu.memory_space<vmem>>) target(%dma_start3A_4136 : memref<525312xf32, #tpu.memory_space<vmem_shared>>) offsets(%dma_start3A_4134 : memref<128xi32, #tpu.memory_space<vmem>>) semaphore(%arg13 : memref<!tpu.dma_semaphore, #tpu.memory_space<semaphore_mem>>) {add = true}
    %dma_start3A_4137 = arith.constant 9 : i32
    %dma_start3A_4138 = arith.constant 0 : i32
    %dma_start3A_4139 = tpu.memref_slice %arg8[%dma_start3A_4137, %dma_start3A_4138] : memref<18x128xi32, #tpu.memory_space<vmem>> -> memref<1x128xi32, #tpu.memory_space<vmem>>
    %dma_start3A_4140 = tpu.memref_squeeze %dma_start3A_4139 : memref<1x128xi32, #tpu.memory_space<vmem>> -> memref<128xi32, #tpu.memory_space<vmem>>
    %dma_start3A_4141 = arith.constant 0 : i32
    %dma_start3A_4142 = tpu.memref_slice %arg10[%dma_start3A_4141] : memref<525312xf32, #tpu.memory_space<vmem_shared>> -> memref<525312xf32, #tpu.memory_space<vmem_shared>>
    tpu.enqueue_indirect_dma source(%arg9 : memref<128xf32, #tpu.memory_space<vmem>>) target(%dma_start3A_4142 : memref<525312xf32, #tpu.memory_space<vmem_shared>>) offsets(%dma_start3A_4140 : memref<128xi32, #tpu.memory_space<vmem>>) semaphore(%arg13 : memref<!tpu.dma_semaphore, #tpu.memory_space<semaphore_mem>>) {add = true}
    %dma_start3A_4143 = arith.constant 10 : i32
    %dma_start3A_4144 = arith.constant 0 : i32
    %dma_start3A_4145 = tpu.memref_slice %arg8[%dma_start3A_4143, %dma_start3A_4144] : memref<18x128xi32, #tpu.memory_space<vmem>> -> memref<1x128xi32, #tpu.memory_space<vmem>>
    %dma_start3A_4146 = tpu.memref_squeeze %dma_start3A_4145 : memref<1x128xi32, #tpu.memory_space<vmem>> -> memref<128xi32, #tpu.memory_space<vmem>>
    %dma_start3A_4147 = arith.constant 0 : i32
    %dma_start3A_4148 = tpu.memref_slice %arg10[%dma_start3A_4147] : memref<525312xf32, #tpu.memory_space<vmem_shared>> -> memref<525312xf32, #tpu.memory_space<vmem_shared>>
    tpu.enqueue_indirect_dma source(%arg9 : memref<128xf32, #tpu.memory_space<vmem>>) target(%dma_start3A_4148 : memref<525312xf32, #tpu.memory_space<vmem_shared>>) offsets(%dma_start3A_4146 : memref<128xi32, #tpu.memory_space<vmem>>) semaphore(%arg13 : memref<!tpu.dma_semaphore, #tpu.memory_space<semaphore_mem>>) {add = true}
    %dma_start3A_4149 = arith.constant 11 : i32
    %dma_start3A_4150 = arith.constant 0 : i32
    %dma_start3A_4151 = tpu.memref_slice %arg8[%dma_start3A_4149, %dma_start3A_4150] : memref<18x128xi32, #tpu.memory_space<vmem>> -> memref<1x128xi32, #tpu.memory_space<vmem>>
    %dma_start3A_4152 = tpu.memref_squeeze %dma_start3A_4151 : memref<1x128xi32, #tpu.memory_space<vmem>> -> memref<128xi32, #tpu.memory_space<vmem>>
    %dma_start3A_4153 = arith.constant 0 : i32
    %dma_start3A_4154 = tpu.memref_slice %arg10[%dma_start3A_4153] : memref<525312xf32, #tpu.memory_space<vmem_shared>> -> memref<525312xf32, #tpu.memory_space<vmem_shared>>
    tpu.enqueue_indirect_dma source(%arg9 : memref<128xf32, #tpu.memory_space<vmem>>) target(%dma_start3A_4154 : memref<525312xf32, #tpu.memory_space<vmem_shared>>) offsets(%dma_start3A_4152 : memref<128xi32, #tpu.memory_space<vmem>>) semaphore(%arg13 : memref<!tpu.dma_semaphore, #tpu.memory_space<semaphore_mem>>) {add = true}
    %dma_start3A_4155 = arith.constant 12 : i32
    %dma_start3A_4156 = arith.constant 0 : i32
    %dma_start3A_4157 = tpu.memref_slice %arg8[%dma_start3A_4155, %dma_start3A_4156] : memref<18x128xi32, #tpu.memory_space<vmem>> -> memref<1x128xi32, #tpu.memory_space<vmem>>
    %dma_start3A_4158 = tpu.memref_squeeze %dma_start3A_4157 : memref<1x128xi32, #tpu.memory_space<vmem>> -> memref<128xi32, #tpu.memory_space<vmem>>
    %dma_start3A_4159 = arith.constant 0 : i32
    %dma_start3A_4160 = tpu.memref_slice %arg10[%dma_start3A_4159] : memref<525312xf32, #tpu.memory_space<vmem_shared>> -> memref<525312xf32, #tpu.memory_space<vmem_shared>>
    tpu.enqueue_indirect_dma source(%arg9 : memref<128xf32, #tpu.memory_space<vmem>>) target(%dma_start3A_4160 : memref<525312xf32, #tpu.memory_space<vmem_shared>>) offsets(%dma_start3A_4158 : memref<128xi32, #tpu.memory_space<vmem>>) semaphore(%arg13 : memref<!tpu.dma_semaphore, #tpu.memory_space<semaphore_mem>>) {add = true}
    %dma_start3A_4161 = arith.constant 13 : i32
    %dma_start3A_4162 = arith.constant 0 : i32
    %dma_start3A_4163 = tpu.memref_slice %arg8[%dma_start3A_4161, %dma_start3A_4162] : memref<18x128xi32, #tpu.memory_space<vmem>> -> memref<1x128xi32, #tpu.memory_space<vmem>>
    %dma_start3A_4164 = tpu.memref_squeeze %dma_start3A_4163 : memref<1x128xi32, #tpu.memory_space<vmem>> -> memref<128xi32, #tpu.memory_space<vmem>>
    %dma_start3A_4165 = arith.constant 0 : i32
    %dma_start3A_4166 = tpu.memref_slice %arg10[%dma_start3A_4165] : memref<525312xf32, #tpu.memory_space<vmem_shared>> -> memref<525312xf32, #tpu.memory_space<vmem_shared>>
    tpu.enqueue_indirect_dma source(%arg9 : memref<128xf32, #tpu.memory_space<vmem>>) target(%dma_start3A_4166 : memref<525312xf32, #tpu.memory_space<vmem_shared>>) offsets(%dma_start3A_4164 : memref<128xi32, #tpu.memory_space<vmem>>) semaphore(%arg13 : memref<!tpu.dma_semaphore, #tpu.memory_space<semaphore_mem>>) {add = true}
    %dma_start3A_4167 = arith.constant 14 : i32
    %dma_start3A_4168 = arith.constant 0 : i32
    %dma_start3A_4169 = tpu.memref_slice %arg8[%dma_start3A_4167, %dma_start3A_4168] : memref<18x128xi32, #tpu.memory_space<vmem>> -> memref<1x128xi32, #tpu.memory_space<vmem>>
    %dma_start3A_4170 = tpu.memref_squeeze %dma_start3A_4169 : memref<1x128xi32, #tpu.memory_space<vmem>> -> memref<128xi32, #tpu.memory_space<vmem>>
    %dma_start3A_4171 = arith.constant 0 : i32
    %dma_start3A_4172 = tpu.memref_slice %arg10[%dma_start3A_4171] : memref<525312xf32, #tpu.memory_space<vmem_shared>> -> memref<525312xf32, #tpu.memory_space<vmem_shared>>
    tpu.enqueue_indirect_dma source(%arg9 : memref<128xf32, #tpu.memory_space<vmem>>) target(%dma_start3A_4172 : memref<525312xf32, #tpu.memory_space<vmem_shared>>) offsets(%dma_start3A_4170 : memref<128xi32, #tpu.memory_space<vmem>>) semaphore(%arg13 : memref<!tpu.dma_semaphore, #tpu.memory_space<semaphore_mem>>) {add = true}
    %dma_start3A_4173 = arith.constant 15 : i32
    %dma_start3A_4174 = arith.constant 0 : i32
    %dma_start3A_4175 = tpu.memref_slice %arg8[%dma_start3A_4173, %dma_start3A_4174] : memref<18x128xi32, #tpu.memory_space<vmem>> -> memref<1x128xi32, #tpu.memory_space<vmem>>
    %dma_start3A_4176 = tpu.memref_squeeze %dma_start3A_4175 : memref<1x128xi32, #tpu.memory_space<vmem>> -> memref<128xi32, #tpu.memory_space<vmem>>
    %dma_start3A_4177 = arith.constant 0 : i32
    %dma_start3A_4178 = tpu.memref_slice %arg10[%dma_start3A_4177] : memref<525312xf32, #tpu.memory_space<vmem_shared>> -> memref<525312xf32, #tpu.memory_space<vmem_shared>>
    tpu.enqueue_indirect_dma source(%arg9 : memref<128xf32, #tpu.memory_space<vmem>>) target(%dma_start3A_4178 : memref<525312xf32, #tpu.memory_space<vmem_shared>>) offsets(%dma_start3A_4176 : memref<128xi32, #tpu.memory_space<vmem>>) semaphore(%arg13 : memref<!tpu.dma_semaphore, #tpu.memory_space<semaphore_mem>>) {add = true}
    %dma_start3A_4179 = arith.constant 16 : i32
    %dma_start3A_4180 = arith.constant 0 : i32
    %dma_start3A_4181 = tpu.memref_slice %arg8[%dma_start3A_4179, %dma_start3A_4180] : memref<18x128xi32, #tpu.memory_space<vmem>> -> memref<1x128xi32, #tpu.memory_space<vmem>>
    %dma_start3A_4182 = tpu.memref_squeeze %dma_start3A_4181 : memref<1x128xi32, #tpu.memory_space<vmem>> -> memref<128xi32, #tpu.memory_space<vmem>>
    %dma_start3A_4183 = arith.constant 0 : i32
    %dma_start3A_4184 = tpu.memref_slice %arg10[%dma_start3A_4183] : memref<525312xf32, #tpu.memory_space<vmem_shared>> -> memref<525312xf32, #tpu.memory_space<vmem_shared>>
    tpu.enqueue_indirect_dma source(%arg9 : memref<128xf32, #tpu.memory_space<vmem>>) target(%dma_start3A_4184 : memref<525312xf32, #tpu.memory_space<vmem_shared>>) offsets(%dma_start3A_4182 : memref<128xi32, #tpu.memory_space<vmem>>) semaphore(%arg13 : memref<!tpu.dma_semaphore, #tpu.memory_space<semaphore_mem>>) {add = true}
    %dma_start3A_4185 = arith.constant 17 : i32
    %dma_start3A_4186 = arith.constant 0 : i32
    %dma_start3A_4187 = tpu.memref_slice %arg8[%dma_start3A_4185, %dma_start3A_4186] : memref<18x128xi32, #tpu.memory_space<vmem>> -> memref<1x128xi32, #tpu.memory_space<vmem>>
    %dma_start3A_4188 = tpu.memref_squeeze %dma_start3A_4187 : memref<1x128xi32, #tpu.memory_space<vmem>> -> memref<128xi32, #tpu.memory_space<vmem>>
    %dma_start3A_4189 = arith.constant 0 : i32
    %dma_start3A_4190 = tpu.memref_slice %arg10[%dma_start3A_4189] : memref<525312xf32, #tpu.memory_space<vmem_shared>> -> memref<525312xf32, #tpu.memory_space<vmem_shared>>
    tpu.enqueue_indirect_dma source(%arg9 : memref<128xf32, #tpu.memory_space<vmem>>) target(%dma_start3A_4190 : memref<525312xf32, #tpu.memory_space<vmem_shared>>) offsets(%dma_start3A_4188 : memref<128xi32, #tpu.memory_space<vmem>>) semaphore(%arg13 : memref<!tpu.dma_semaphore, #tpu.memory_space<semaphore_mem>>) {add = true}
    %dma_wait3A_4191 = arith.constant 0 : i32
    %dma_wait3A_4192 = arith.constant 0 : i32
    %dma_wait3A_4193 = tpu.memref_slice %arg8[%dma_wait3A_4191, %dma_wait3A_4192] : memref<18x128xi32, #tpu.memory_space<vmem>> -> memref<1x128xi32, #tpu.memory_space<vmem>>
    %dma_wait3A_4194 = tpu.memref_squeeze %dma_wait3A_4193 : memref<1x128xi32, #tpu.memory_space<vmem>> -> memref<128xi32, #tpu.memory_space<vmem>>
    %dma_wait3A_4195 = arith.constant 0 : i32
    %dma_wait3A_4196 = tpu.memref_slice %arg10[%dma_wait3A_4195] : memref<525312xf32, #tpu.memory_space<vmem_shared>> -> memref<525312xf32, #tpu.memory_space<vmem_shared>>
    tpu.wait_indirect_dma semaphore(%arg13 : memref<!tpu.dma_semaphore, #tpu.memory_space<semaphore_mem>>) src(%arg9 : memref<128xf32, #tpu.memory_space<vmem>>) dst(%dma_wait3A_4196 : memref<525312xf32, #tpu.memory_space<vmem_shared>>)
    %dma_wait3A_4197 = arith.constant 1 : i32
    %dma_wait3A_4198 = arith.constant 0 : i32
    %dma_wait3A_4199 = tpu.memref_slice %arg8[%dma_wait3A_4197, %dma_wait3A_4198] : memref<18x128xi32, #tpu.memory_space<vmem>> -> memref<1x128xi32, #tpu.memory_space<vmem>>
    %dma_wait3A_4200 = tpu.memref_squeeze %dma_wait3A_4199 : memref<1x128xi32, #tpu.memory_space<vmem>> -> memref<128xi32, #tpu.memory_space<vmem>>
    %dma_wait3A_4201 = arith.constant 0 : i32
    %dma_wait3A_4202 = tpu.memref_slice %arg10[%dma_wait3A_4201] : memref<525312xf32, #tpu.memory_space<vmem_shared>> -> memref<525312xf32, #tpu.memory_space<vmem_shared>>
    tpu.wait_indirect_dma semaphore(%arg13 : memref<!tpu.dma_semaphore, #tpu.memory_space<semaphore_mem>>) src(%arg9 : memref<128xf32, #tpu.memory_space<vmem>>) dst(%dma_wait3A_4202 : memref<525312xf32, #tpu.memory_space<vmem_shared>>)
    %dma_wait3A_4203 = arith.constant 2 : i32
    %dma_wait3A_4204 = arith.constant 0 : i32
    %dma_wait3A_4205 = tpu.memref_slice %arg8[%dma_wait3A_4203, %dma_wait3A_4204] : memref<18x128xi32, #tpu.memory_space<vmem>> -> memref<1x128xi32, #tpu.memory_space<vmem>>
    %dma_wait3A_4206 = tpu.memref_squeeze %dma_wait3A_4205 : memref<1x128xi32, #tpu.memory_space<vmem>> -> memref<128xi32, #tpu.memory_space<vmem>>
    %dma_wait3A_4207 = arith.constant 0 : i32
    %dma_wait3A_4208 = tpu.memref_slice %arg10[%dma_wait3A_4207] : memref<525312xf32, #tpu.memory_space<vmem_shared>> -> memref<525312xf32, #tpu.memory_space<vmem_shared>>
    tpu.wait_indirect_dma semaphore(%arg13 : memref<!tpu.dma_semaphore, #tpu.memory_space<semaphore_mem>>) src(%arg9 : memref<128xf32, #tpu.memory_space<vmem>>) dst(%dma_wait3A_4208 : memref<525312xf32, #tpu.memory_space<vmem_shared>>)
    %dma_wait3A_4209 = arith.constant 3 : i32
    %dma_wait3A_4210 = arith.constant 0 : i32
    %dma_wait3A_4211 = tpu.memref_slice %arg8[%dma_wait3A_4209, %dma_wait3A_4210] : memref<18x128xi32, #tpu.memory_space<vmem>> -> memref<1x128xi32, #tpu.memory_space<vmem>>
    %dma_wait3A_4212 = tpu.memref_squeeze %dma_wait3A_4211 : memref<1x128xi32, #tpu.memory_space<vmem>> -> memref<128xi32, #tpu.memory_space<vmem>>
    %dma_wait3A_4213 = arith.constant 0 : i32
    %dma_wait3A_4214 = tpu.memref_slice %arg10[%dma_wait3A_4213] : memref<525312xf32, #tpu.memory_space<vmem_shared>> -> memref<525312xf32, #tpu.memory_space<vmem_shared>>
    tpu.wait_indirect_dma semaphore(%arg13 : memref<!tpu.dma_semaphore, #tpu.memory_space<semaphore_mem>>) src(%arg9 : memref<128xf32, #tpu.memory_space<vmem>>) dst(%dma_wait3A_4214 : memref<525312xf32, #tpu.memory_space<vmem_shared>>)
    %dma_wait3A_4215 = arith.constant 4 : i32
    %dma_wait3A_4216 = arith.constant 0 : i32
    %dma_wait3A_4217 = tpu.memref_slice %arg8[%dma_wait3A_4215, %dma_wait3A_4216] : memref<18x128xi32, #tpu.memory_space<vmem>> -> memref<1x128xi32, #tpu.memory_space<vmem>>
    %dma_wait3A_4218 = tpu.memref_squeeze %dma_wait3A_4217 : memref<1x128xi32, #tpu.memory_space<vmem>> -> memref<128xi32, #tpu.memory_space<vmem>>
    %dma_wait3A_4219 = arith.constant 0 : i32
    %dma_wait3A_4220 = tpu.memref_slice %arg10[%dma_wait3A_4219] : memref<525312xf32, #tpu.memory_space<vmem_shared>> -> memref<525312xf32, #tpu.memory_space<vmem_shared>>
    tpu.wait_indirect_dma semaphore(%arg13 : memref<!tpu.dma_semaphore, #tpu.memory_space<semaphore_mem>>) src(%arg9 : memref<128xf32, #tpu.memory_space<vmem>>) dst(%dma_wait3A_4220 : memref<525312xf32, #tpu.memory_space<vmem_shared>>)
    %dma_wait3A_4221 = arith.constant 5 : i32
    %dma_wait3A_4222 = arith.constant 0 : i32
    %dma_wait3A_4223 = tpu.memref_slice %arg8[%dma_wait3A_4221, %dma_wait3A_4222] : memref<18x128xi32, #tpu.memory_space<vmem>> -> memref<1x128xi32, #tpu.memory_space<vmem>>
    %dma_wait3A_4224 = tpu.memref_squeeze %dma_wait3A_4223 : memref<1x128xi32, #tpu.memory_space<vmem>> -> memref<128xi32, #tpu.memory_space<vmem>>
    %dma_wait3A_4225 = arith.constant 0 : i32
    %dma_wait3A_4226 = tpu.memref_slice %arg10[%dma_wait3A_4225] : memref<525312xf32, #tpu.memory_space<vmem_shared>> -> memref<525312xf32, #tpu.memory_space<vmem_shared>>
    tpu.wait_indirect_dma semaphore(%arg13 : memref<!tpu.dma_semaphore, #tpu.memory_space<semaphore_mem>>) src(%arg9 : memref<128xf32, #tpu.memory_space<vmem>>) dst(%dma_wait3A_4226 : memref<525312xf32, #tpu.memory_space<vmem_shared>>)
    %dma_wait3A_4227 = arith.constant 6 : i32
    %dma_wait3A_4228 = arith.constant 0 : i32
    %dma_wait3A_4229 = tpu.memref_slice %arg8[%dma_wait3A_4227, %dma_wait3A_4228] : memref<18x128xi32, #tpu.memory_space<vmem>> -> memref<1x128xi32, #tpu.memory_space<vmem>>
    %dma_wait3A_4230 = tpu.memref_squeeze %dma_wait3A_4229 : memref<1x128xi32, #tpu.memory_space<vmem>> -> memref<128xi32, #tpu.memory_space<vmem>>
    %dma_wait3A_4231 = arith.constant 0 : i32
    %dma_wait3A_4232 = tpu.memref_slice %arg10[%dma_wait3A_4231] : memref<525312xf32, #tpu.memory_space<vmem_shared>> -> memref<525312xf32, #tpu.memory_space<vmem_shared>>
    tpu.wait_indirect_dma semaphore(%arg13 : memref<!tpu.dma_semaphore, #tpu.memory_space<semaphore_mem>>) src(%arg9 : memref<128xf32, #tpu.memory_space<vmem>>) dst(%dma_wait3A_4232 : memref<525312xf32, #tpu.memory_space<vmem_shared>>)
    %dma_wait3A_4233 = arith.constant 7 : i32
    %dma_wait3A_4234 = arith.constant 0 : i32
    %dma_wait3A_4235 = tpu.memref_slice %arg8[%dma_wait3A_4233, %dma_wait3A_4234] : memref<18x128xi32, #tpu.memory_space<vmem>> -> memref<1x128xi32, #tpu.memory_space<vmem>>
    %dma_wait3A_4236 = tpu.memref_squeeze %dma_wait3A_4235 : memref<1x128xi32, #tpu.memory_space<vmem>> -> memref<128xi32, #tpu.memory_space<vmem>>
    %dma_wait3A_4237 = arith.constant 0 : i32
    %dma_wait3A_4238 = tpu.memref_slice %arg10[%dma_wait3A_4237] : memref<525312xf32, #tpu.memory_space<vmem_shared>> -> memref<525312xf32, #tpu.memory_space<vmem_shared>>
    tpu.wait_indirect_dma semaphore(%arg13 : memref<!tpu.dma_semaphore, #tpu.memory_space<semaphore_mem>>) src(%arg9 : memref<128xf32, #tpu.memory_space<vmem>>) dst(%dma_wait3A_4238 : memref<525312xf32, #tpu.memory_space<vmem_shared>>)
    %dma_wait3A_4239 = arith.constant 8 : i32
    %dma_wait3A_4240 = arith.constant 0 : i32
    %dma_wait3A_4241 = tpu.memref_slice %arg8[%dma_wait3A_4239, %dma_wait3A_4240] : memref<18x128xi32, #tpu.memory_space<vmem>> -> memref<1x128xi32, #tpu.memory_space<vmem>>
    %dma_wait3A_4242 = tpu.memref_squeeze %dma_wait3A_4241 : memref<1x128xi32, #tpu.memory_space<vmem>> -> memref<128xi32, #tpu.memory_space<vmem>>
    %dma_wait3A_4243 = arith.constant 0 : i32
    %dma_wait3A_4244 = tpu.memref_slice %arg10[%dma_wait3A_4243] : memref<525312xf32, #tpu.memory_space<vmem_shared>> -> memref<525312xf32, #tpu.memory_space<vmem_shared>>
    tpu.wait_indirect_dma semaphore(%arg13 : memref<!tpu.dma_semaphore, #tpu.memory_space<semaphore_mem>>) src(%arg9 : memref<128xf32, #tpu.memory_space<vmem>>) dst(%dma_wait3A_4244 : memref<525312xf32, #tpu.memory_space<vmem_shared>>)
    %dma_wait3A_4245 = arith.constant 9 : i32
    %dma_wait3A_4246 = arith.constant 0 : i32
    %dma_wait3A_4247 = tpu.memref_slice %arg8[%dma_wait3A_4245, %dma_wait3A_4246] : memref<18x128xi32, #tpu.memory_space<vmem>> -> memref<1x128xi32, #tpu.memory_space<vmem>>
    %dma_wait3A_4248 = tpu.memref_squeeze %dma_wait3A_4247 : memref<1x128xi32, #tpu.memory_space<vmem>> -> memref<128xi32, #tpu.memory_space<vmem>>
    %dma_wait3A_4249 = arith.constant 0 : i32
    %dma_wait3A_4250 = tpu.memref_slice %arg10[%dma_wait3A_4249] : memref<525312xf32, #tpu.memory_space<vmem_shared>> -> memref<525312xf32, #tpu.memory_space<vmem_shared>>
    tpu.wait_indirect_dma semaphore(%arg13 : memref<!tpu.dma_semaphore, #tpu.memory_space<semaphore_mem>>) src(%arg9 : memref<128xf32, #tpu.memory_space<vmem>>) dst(%dma_wait3A_4250 : memref<525312xf32, #tpu.memory_space<vmem_shared>>)
    %dma_wait3A_4251 = arith.constant 10 : i32
    %dma_wait3A_4252 = arith.constant 0 : i32
    %dma_wait3A_4253 = tpu.memref_slice %arg8[%dma_wait3A_4251, %dma_wait3A_4252] : memref<18x128xi32, #tpu.memory_space<vmem>> -> memref<1x128xi32, #tpu.memory_space<vmem>>
    %dma_wait3A_4254 = tpu.memref_squeeze %dma_wait3A_4253 : memref<1x128xi32, #tpu.memory_space<vmem>> -> memref<128xi32, #tpu.memory_space<vmem>>
    %dma_wait3A_4255 = arith.constant 0 : i32
    %dma_wait3A_4256 = tpu.memref_slice %arg10[%dma_wait3A_4255] : memref<525312xf32, #tpu.memory_space<vmem_shared>> -> memref<525312xf32, #tpu.memory_space<vmem_shared>>
    tpu.wait_indirect_dma semaphore(%arg13 : memref<!tpu.dma_semaphore, #tpu.memory_space<semaphore_mem>>) src(%arg9 : memref<128xf32, #tpu.memory_space<vmem>>) dst(%dma_wait3A_4256 : memref<525312xf32, #tpu.memory_space<vmem_shared>>)
    %dma_wait3A_4257 = arith.constant 11 : i32
    %dma_wait3A_4258 = arith.constant 0 : i32
    %dma_wait3A_4259 = tpu.memref_slice %arg8[%dma_wait3A_4257, %dma_wait3A_4258] : memref<18x128xi32, #tpu.memory_space<vmem>> -> memref<1x128xi32, #tpu.memory_space<vmem>>
    %dma_wait3A_4260 = tpu.memref_squeeze %dma_wait3A_4259 : memref<1x128xi32, #tpu.memory_space<vmem>> -> memref<128xi32, #tpu.memory_space<vmem>>
    %dma_wait3A_4261 = arith.constant 0 : i32
    %dma_wait3A_4262 = tpu.memref_slice %arg10[%dma_wait3A_4261] : memref<525312xf32, #tpu.memory_space<vmem_shared>> -> memref<525312xf32, #tpu.memory_space<vmem_shared>>
    tpu.wait_indirect_dma semaphore(%arg13 : memref<!tpu.dma_semaphore, #tpu.memory_space<semaphore_mem>>) src(%arg9 : memref<128xf32, #tpu.memory_space<vmem>>) dst(%dma_wait3A_4262 : memref<525312xf32, #tpu.memory_space<vmem_shared>>)
    %dma_wait3A_4263 = arith.constant 12 : i32
    %dma_wait3A_4264 = arith.constant 0 : i32
    %dma_wait3A_4265 = tpu.memref_slice %arg8[%dma_wait3A_4263, %dma_wait3A_4264] : memref<18x128xi32, #tpu.memory_space<vmem>> -> memref<1x128xi32, #tpu.memory_space<vmem>>
    %dma_wait3A_4266 = tpu.memref_squeeze %dma_wait3A_4265 : memref<1x128xi32, #tpu.memory_space<vmem>> -> memref<128xi32, #tpu.memory_space<vmem>>
    %dma_wait3A_4267 = arith.constant 0 : i32
    %dma_wait3A_4268 = tpu.memref_slice %arg10[%dma_wait3A_4267] : memref<525312xf32, #tpu.memory_space<vmem_shared>> -> memref<525312xf32, #tpu.memory_space<vmem_shared>>
    tpu.wait_indirect_dma semaphore(%arg13 : memref<!tpu.dma_semaphore, #tpu.memory_space<semaphore_mem>>) src(%arg9 : memref<128xf32, #tpu.memory_space<vmem>>) dst(%dma_wait3A_4268 : memref<525312xf32, #tpu.memory_space<vmem_shared>>)
    %dma_wait3A_4269 = arith.constant 13 : i32
    %dma_wait3A_4270 = arith.constant 0 : i32
    %dma_wait3A_4271 = tpu.memref_slice %arg8[%dma_wait3A_4269, %dma_wait3A_4270] : memref<18x128xi32, #tpu.memory_space<vmem>> -> memref<1x128xi32, #tpu.memory_space<vmem>>
    %dma_wait3A_4272 = tpu.memref_squeeze %dma_wait3A_4271 : memref<1x128xi32, #tpu.memory_space<vmem>> -> memref<128xi32, #tpu.memory_space<vmem>>
    %dma_wait3A_4273 = arith.constant 0 : i32
    %dma_wait3A_4274 = tpu.memref_slice %arg10[%dma_wait3A_4273] : memref<525312xf32, #tpu.memory_space<vmem_shared>> -> memref<525312xf32, #tpu.memory_space<vmem_shared>>
    tpu.wait_indirect_dma semaphore(%arg13 : memref<!tpu.dma_semaphore, #tpu.memory_space<semaphore_mem>>) src(%arg9 : memref<128xf32, #tpu.memory_space<vmem>>) dst(%dma_wait3A_4274 : memref<525312xf32, #tpu.memory_space<vmem_shared>>)
    %dma_wait3A_4275 = arith.constant 14 : i32
    %dma_wait3A_4276 = arith.constant 0 : i32
    %dma_wait3A_4277 = tpu.memref_slice %arg8[%dma_wait3A_4275, %dma_wait3A_4276] : memref<18x128xi32, #tpu.memory_space<vmem>> -> memref<1x128xi32, #tpu.memory_space<vmem>>
    %dma_wait3A_4278 = tpu.memref_squeeze %dma_wait3A_4277 : memref<1x128xi32, #tpu.memory_space<vmem>> -> memref<128xi32, #tpu.memory_space<vmem>>
    %dma_wait3A_4279 = arith.constant 0 : i32
    %dma_wait3A_4280 = tpu.memref_slice %arg10[%dma_wait3A_4279] : memref<525312xf32, #tpu.memory_space<vmem_shared>> -> memref<525312xf32, #tpu.memory_space<vmem_shared>>
    tpu.wait_indirect_dma semaphore(%arg13 : memref<!tpu.dma_semaphore, #tpu.memory_space<semaphore_mem>>) src(%arg9 : memref<128xf32, #tpu.memory_space<vmem>>) dst(%dma_wait3A_4280 : memref<525312xf32, #tpu.memory_space<vmem_shared>>)
    %dma_wait3A_4281 = arith.constant 15 : i32
    %dma_wait3A_4282 = arith.constant 0 : i32
    %dma_wait3A_4283 = tpu.memref_slice %arg8[%dma_wait3A_4281, %dma_wait3A_4282] : memref<18x128xi32, #tpu.memory_space<vmem>> -> memref<1x128xi32, #tpu.memory_space<vmem>>
    %dma_wait3A_4284 = tpu.memref_squeeze %dma_wait3A_4283 : memref<1x128xi32, #tpu.memory_space<vmem>> -> memref<128xi32, #tpu.memory_space<vmem>>
    %dma_wait3A_4285 = arith.constant 0 : i32
    %dma_wait3A_4286 = tpu.memref_slice %arg10[%dma_wait3A_4285] : memref<525312xf32, #tpu.memory_space<vmem_shared>> -> memref<525312xf32, #tpu.memory_space<vmem_shared>>
    tpu.wait_indirect_dma semaphore(%arg13 : memref<!tpu.dma_semaphore, #tpu.memory_space<semaphore_mem>>) src(%arg9 : memref<128xf32, #tpu.memory_space<vmem>>) dst(%dma_wait3A_4286 : memref<525312xf32, #tpu.memory_space<vmem_shared>>)
    %dma_wait3A_4287 = arith.constant 16 : i32
    %dma_wait3A_4288 = arith.constant 0 : i32
    %dma_wait3A_4289 = tpu.memref_slice %arg8[%dma_wait3A_4287, %dma_wait3A_4288] : memref<18x128xi32, #tpu.memory_space<vmem>> -> memref<1x128xi32, #tpu.memory_space<vmem>>
    %dma_wait3A_4290 = tpu.memref_squeeze %dma_wait3A_4289 : memref<1x128xi32, #tpu.memory_space<vmem>> -> memref<128xi32, #tpu.memory_space<vmem>>
    %dma_wait3A_4291 = arith.constant 0 : i32
    %dma_wait3A_4292 = tpu.memref_slice %arg10[%dma_wait3A_4291] : memref<525312xf32, #tpu.memory_space<vmem_shared>> -> memref<525312xf32, #tpu.memory_space<vmem_shared>>
    tpu.wait_indirect_dma semaphore(%arg13 : memref<!tpu.dma_semaphore, #tpu.memory_space<semaphore_mem>>) src(%arg9 : memref<128xf32, #tpu.memory_space<vmem>>) dst(%dma_wait3A_4292 : memref<525312xf32, #tpu.memory_space<vmem_shared>>)
    %dma_wait3A_4293 = arith.constant 17 : i32
    %dma_wait3A_4294 = arith.constant 0 : i32
    %dma_wait3A_4295 = tpu.memref_slice %arg8[%dma_wait3A_4293, %dma_wait3A_4294] : memref<18x128xi32, #tpu.memory_space<vmem>> -> memref<1x128xi32, #tpu.memory_space<vmem>>
    %dma_wait3A_4296 = tpu.memref_squeeze %dma_wait3A_4295 : memref<1x128xi32, #tpu.memory_space<vmem>> -> memref<128xi32, #tpu.memory_space<vmem>>
    %dma_wait3A_4297 = arith.constant 0 : i32
    %dma_wait3A_4298 = tpu.memref_slice %arg10[%dma_wait3A_4297] : memref<525312xf32, #tpu.memory_space<vmem_shared>> -> memref<525312xf32, #tpu.memory_space<vmem_shared>>
    tpu.wait_indirect_dma semaphore(%arg13 : memref<!tpu.dma_semaphore, #tpu.memory_space<semaphore_mem>>) src(%arg9 : memref<128xf32, #tpu.memory_space<vmem>>) dst(%dma_wait3A_4298 : memref<525312xf32, #tpu.memory_space<vmem_shared>>)
    %barrier3A_4299 = arith.constant 0 : index
    tpu.barrier barrier_id(%barrier3A_4299)
    %mul3A_4300 = arith.constant 32768 : i32
    %mul3A_4301 = arith.muli %arg1, %mul3A_4300 : i32
    %mul3A_4302 = arith.constant 16 : i32
    %mul3A_4303 = arith.muli %arg0, %mul3A_4302 : i32
    %add3A_4304 = arith.addi %mul3A_4303, %arg1 : i32
    %mul3A_4305 = arith.constant 32768 : i32
    %mul3A_4306 = arith.muli %add3A_4304, %mul3A_4305 : i32
    "tpu.region"() ({
      %run_scoped3A = tpu.sem_alloc : memref<!tpu.dma_semaphore, #tpu.memory_space<semaphore_mem>>
      %dma_start3A_4307 = tpu.memref_slice %arg5[%mul3A_4306] : memref<1048576xf32, #tpu.memory_space<hbm>> -> memref<32768xf32, #tpu.memory_space<hbm>>
      %dma_start3A_4308 = tpu.memref_slice %arg10[%mul3A_4301] : memref<525312xf32, #tpu.memory_space<vmem_shared>> -> memref<32768xf32, #tpu.memory_space<vmem_shared>>
      tpu.enqueue_dma source(%dma_start3A_4308 : memref<32768xf32, #tpu.memory_space<vmem_shared>>) target(%dma_start3A_4307 : memref<32768xf32, #tpu.memory_space<hbm>>) target_semaphore(%run_scoped3A : memref<!tpu.dma_semaphore, #tpu.memory_space<semaphore_mem>>)
      %dma_wait3A_4309 = tpu.memref_slice %arg5[%mul3A_4306] : memref<1048576xf32, #tpu.memory_space<hbm>> -> memref<32768xf32, #tpu.memory_space<hbm>>
      %dma_wait3A_4310 = tpu.memref_slice %arg10[%mul3A_4301] : memref<525312xf32, #tpu.memory_space<vmem_shared>> -> memref<32768xf32, #tpu.memory_space<vmem_shared>>
      tpu.wait_dma2 semaphore(%run_scoped3A : memref<!tpu.dma_semaphore, #tpu.memory_space<semaphore_mem>>) src(%dma_wait3A_4310 : memref<32768xf32, #tpu.memory_space<vmem_shared>>) dst(%dma_wait3A_4309 : memref<32768xf32, #tpu.memory_space<hbm>>)
      tpu.yield
    }) : () -> ()
    return
  }
}

module attributes {stable_mosaic.version = 14 : i64} {
  func.func @_tc_body(%arg0: memref<1024x1024xf32, #tpu.memory_space<vmem>>, %arg1: memref<1024x8xf32, #tpu.memory_space<vmem>>, %arg2: memref<8x64xf32, #tpu.memory_space<vmem>>, %arg3: memref<64xf32, #tpu.memory_space<vmem>>, %arg4: memref<64xf32, #tpu.memory_space<vmem>>, %arg5: memref<64xf32, #tpu.memory_space<vmem>>, %arg6: memref<64x64xf32, #tpu.memory_space<vmem>>, %arg7: memref<64x4xf32, #tpu.memory_space<vmem>>, %arg8: memref<64x4xf32, #tpu.memory_space<vmem>>, %arg9: memref<64xf32, #tpu.memory_space<vmem>>, %arg10: memref<64xf32, #tpu.memory_space<vmem>>, %arg11: memref<64xf32, #tpu.memory_space<vmem>>, %arg12: memref<64x64xf32, #tpu.memory_space<vmem>>, %arg13: memref<64x4xf32, #tpu.memory_space<vmem>>, %arg14: memref<64x4xf32, #tpu.memory_space<vmem>>, %arg15: memref<64xf32, #tpu.memory_space<vmem>>, %arg16: memref<64xf32, #tpu.memory_space<vmem>>, %arg17: memref<64xf32, #tpu.memory_space<vmem>>, %arg18: memref<64x64xf32, #tpu.memory_space<vmem>>, %arg19: memref<64x4xf32, #tpu.memory_space<vmem>>, %arg20: memref<64x4xf32, #tpu.memory_space<vmem>>, %arg21: memref<64xf32, #tpu.memory_space<vmem>>, %arg22: memref<64xf32, #tpu.memory_space<vmem>>, %arg23: memref<64xf32, #tpu.memory_space<vmem>>, %arg24: memref<64x64xf32, #tpu.memory_space<vmem>>, %arg25: memref<64xf32, #tpu.memory_space<vmem>>, %arg26: memref<64x64xf32, #tpu.memory_space<vmem>>, %arg27: memref<64x64xf32, #tpu.memory_space<vmem>>, %arg28: memref<64xf32, #tpu.memory_space<vmem>>, %arg29: memref<64x5xf32, #tpu.memory_space<vmem>>, %arg30: memref<5xf32, #tpu.memory_space<vmem>>, %arg31: memref<64x64xf32, #tpu.memory_space<vmem>>, %arg32: memref<64x64xf32, #tpu.memory_space<vmem>>, %arg33: memref<64xf32, #tpu.memory_space<vmem>>, %arg34: memref<64x1xf32, #tpu.memory_space<vmem>>, %arg35: memref<1xf32, #tpu.memory_space<vmem>>, %arg36: memref<1024x5xf32, #tpu.memory_space<vmem>>, %arg37: memref<1024x1xf32, #tpu.memory_space<vmem>>) attributes {dimension_semantics = [], scalar_prefetch = 0 : i64, scratch_operands = 0 : i64, tpu.core_type = #tpu.core_type<tc>} {
    %get3A = arith.constant 0 : index
    %get3A_0 = arith.constant 0 : index
    %get3A_1 = vector.load %arg0[%get3A, %get3A_0] : memref<1024x1024xf32, #tpu.memory_space<vmem>>, vector<1024x1024xf32>
    %get3A_2 = arith.constant 0 : index
    %get3A_3 = arith.constant 0 : index
    %get3A_4 = vector.load %arg1[%get3A_2, %get3A_3] : memref<1024x8xf32, #tpu.memory_space<vmem>>, vector<1024x8xf32>
    %get3A_5 = arith.constant 0 : index
    %get3A_6 = arith.constant 0 : index
    %get3A_7 = vector.load %arg2[%get3A_5, %get3A_6] : memref<8x64xf32, #tpu.memory_space<vmem>>, vector<8x64xf32>
    %dot_general3A = arith.constant dense<0.000000e+00> : vector<1024x64xf32>
    %dot_general3A_8 = tpu.matmul %get3A_4, %get3A_7, %dot_general3A {dimension_numbers = #tpu.dot_dimension_numbers<[1], [0], [0], [1], [0, 0, 1, 1], [], []>, transpose_lhs_hint = false} : vector<1024x8xf32>, vector<8x64xf32>, vector<1024x64xf32> -> vector<1024x64xf32>
    %get3A_9 = arith.constant 0 : index
    %get3A_10 = vector.load %arg3[%get3A_9] : memref<64xf32, #tpu.memory_space<vmem>>, vector<64xf32>
    %broadcast_in_dim3A = vector.shape_cast %get3A_10 : vector<64xf32> to vector<1x64xf32>
    %add3A = vector.broadcast %broadcast_in_dim3A : vector<1x64xf32> to vector<1024x64xf32>
    %add3A_11 = arith.addf %dot_general3A_8, %add3A : vector<1024x64xf32>
    %get3A_12 = arith.constant 0 : index
    %get3A_13 = vector.load %arg4[%get3A_12] : memref<64xf32, #tpu.memory_space<vmem>>, vector<64xf32>
    %get3A_14 = arith.constant 0 : index
    %get3A_15 = vector.load %arg5[%get3A_14] : memref<64xf32, #tpu.memory_space<vmem>>, vector<64xf32>
    %reduce_sum3A = arith.constant dense<0.000000e+00> : vector<1024xf32>
    %reduce_sum3A_16 = vector.multi_reduction <add>, %add3A_11, %reduce_sum3A [1] : vector<1024x64xf32> to vector<1024xf32>
    %broadcast_in_dim3A_17 = vector.shape_cast %reduce_sum3A_16 : vector<1024xf32> to vector<1024x1xf32>
    %div3A = arith.constant 6.400000e+01 : f32
    %div3A_18 = vector.broadcast %div3A : f32 to vector<1024x1xf32>
    %div3A_19 = arith.divf %broadcast_in_dim3A_17, %div3A_18 : vector<1024x1xf32>
    %sub3A = vector.broadcast %div3A_19 : vector<1024x1xf32> to vector<1024x64xf32>
    %sub3A_20 = arith.subf %add3A_11, %sub3A : vector<1024x64xf32>
    %integer_pow3A = arith.mulf %sub3A_20, %sub3A_20 : vector<1024x64xf32>
    %reduce_sum3A_21 = arith.constant dense<0.000000e+00> : vector<1024xf32>
    %reduce_sum3A_22 = vector.multi_reduction <add>, %integer_pow3A, %reduce_sum3A_21 [1] : vector<1024x64xf32> to vector<1024xf32>
    %broadcast_in_dim3A_23 = vector.shape_cast %reduce_sum3A_22 : vector<1024xf32> to vector<1024x1xf32>
    %div3A_24 = arith.constant 6.400000e+01 : f32
    %div3A_25 = vector.broadcast %div3A_24 : f32 to vector<1024x1xf32>
    %div3A_26 = arith.divf %broadcast_in_dim3A_23, %div3A_25 : vector<1024x1xf32>
    %sub3A_27 = vector.broadcast %div3A_19 : vector<1024x1xf32> to vector<1024x64xf32>
    %sub3A_28 = arith.subf %add3A_11, %sub3A_27 : vector<1024x64xf32>
    %add3A_29 = arith.constant 9.99999974E-6 : f32
    %add3A_30 = vector.broadcast %add3A_29 : f32 to vector<1024x1xf32>
    %add3A_31 = arith.addf %div3A_26, %add3A_30 : vector<1024x1xf32>
    %sqrt3A = math.sqrt %add3A_31 : vector<1024x1xf32>
    %div3A_32 = vector.broadcast %sqrt3A : vector<1024x1xf32> to vector<1024x64xf32>
    %div3A_33 = arith.divf %sub3A_28, %div3A_32 : vector<1024x64xf32>
    %broadcast_in_dim3A_34 = vector.shape_cast %get3A_13 : vector<64xf32> to vector<1x64xf32>
    %mul3A = vector.broadcast %broadcast_in_dim3A_34 : vector<1x64xf32> to vector<1024x64xf32>
    %mul3A_35 = arith.mulf %div3A_33, %mul3A : vector<1024x64xf32>
    %broadcast_in_dim3A_36 = vector.shape_cast %get3A_15 : vector<64xf32> to vector<1x64xf32>
    %add3A_37 = vector.broadcast %broadcast_in_dim3A_36 : vector<1x64xf32> to vector<1024x64xf32>
    %add3A_38 = arith.addf %mul3A_35, %add3A_37 : vector<1024x64xf32>
    %max3A = arith.constant 0.000000e+00 : f32
    %max3A_39 = vector.broadcast %max3A : f32 to vector<1024x64xf32>
    %max3A_40 = arith.maximumf %add3A_38, %max3A_39 : vector<1024x64xf32>
    %get3A_41 = arith.constant 0 : index
    %get3A_42 = arith.constant 0 : index
    %get3A_43 = vector.load %arg6[%get3A_41, %get3A_42] : memref<64x64xf32, #tpu.memory_space<vmem>>, vector<64x64xf32>
    %dot_general3A_44 = arith.constant dense<0.000000e+00> : vector<1024x64xf32>
    %dot_general3A_45 = tpu.matmul %max3A_40, %get3A_43, %dot_general3A_44 {dimension_numbers = #tpu.dot_dimension_numbers<[1], [0], [0], [1], [0, 0, 1, 1], [], []>, transpose_lhs_hint = false} : vector<1024x64xf32>, vector<64x64xf32>, vector<1024x64xf32> -> vector<1024x64xf32>
    %get3A_46 = arith.constant 0 : index
    %get3A_47 = arith.constant 0 : index
    %get3A_48 = vector.load %arg7[%get3A_46, %get3A_47] : memref<64x4xf32, #tpu.memory_space<vmem>>, vector<64x4xf32>
    %dot_general3A_49 = arith.constant dense<0.000000e+00> : vector<1024x4xf32>
    %dot_general3A_50 = tpu.matmul %dot_general3A_45, %get3A_48, %dot_general3A_49 {dimension_numbers = #tpu.dot_dimension_numbers<[1], [0], [0], [1], [0, 0, 1, 1], [], []>, transpose_lhs_hint = false} : vector<1024x64xf32>, vector<64x4xf32>, vector<1024x4xf32> -> vector<1024x4xf32>
    %get3A_51 = arith.constant 0 : index
    %get3A_52 = arith.constant 0 : index
    %get3A_53 = vector.load %arg8[%get3A_51, %get3A_52] : memref<64x4xf32, #tpu.memory_space<vmem>>, vector<64x4xf32>
    %dot_general3A_54 = arith.constant dense<0.000000e+00> : vector<1024x4xf32>
    %dot_general3A_55 = tpu.matmul %dot_general3A_45, %get3A_53, %dot_general3A_54 {dimension_numbers = #tpu.dot_dimension_numbers<[1], [0], [0], [1], [0, 0, 1, 1], [], []>, transpose_lhs_hint = false} : vector<1024x64xf32>, vector<64x4xf32>, vector<1024x4xf32> -> vector<1024x4xf32>
    %get3A_56 = arith.constant 0 : index
    %get3A_57 = arith.constant 0 : index
    %get3A_58 = vector.load %arg7[%get3A_56, %get3A_57] : memref<64x4xf32, #tpu.memory_space<vmem>>, vector<64x4xf32>
    %dot_general3A_59 = arith.constant dense<0.000000e+00> : vector<4x1024xf32>
    %dot_general3A_60 = tpu.matmul %get3A_58, %dot_general3A_45, %dot_general3A_59 {dimension_numbers = #tpu.dot_dimension_numbers<[0], [1], [1], [0], [0, 1, 1, 0], [], []>, transpose_lhs_hint = false} : vector<64x4xf32>, vector<1024x64xf32>, vector<4x1024xf32> -> vector<4x1024xf32>
    %reduce_max3A = arith.constant dense<0xFF800000> : vector<4xf32>
    %reduce_max3A_61 = vector.multi_reduction <maximumf>, %dot_general3A_50, %reduce_max3A [0] : vector<1024x4xf32> to vector<4xf32>
    %broadcast_in_dim3A_62 = vector.shape_cast %reduce_max3A_61 : vector<4xf32> to vector<1x4xf32>
    %reduce_max3A_63 = arith.constant dense<0xFF800000> : vector<4xf32>
    %reduce_max3A_64 = vector.multi_reduction <maximumf>, %dot_general3A_60, %reduce_max3A_63 [1] : vector<4x1024xf32> to vector<4xf32>
    %broadcast_in_dim3A_65 = vector.shape_cast %reduce_max3A_64 : vector<4xf32> to vector<4x1xf32>
    %add3A_66 = vector.broadcast %broadcast_in_dim3A_62 : vector<1x4xf32> to vector<1024x4xf32>
    %add3A_67 = arith.addf %dot_general3A_55, %add3A_66 : vector<1024x4xf32>
    %mul3A_68 = arith.constant 2.000000e-01 : f32
    %mul3A_69 = vector.broadcast %mul3A_68 : f32 to vector<1024x4xf32>
    %mul3A_70 = arith.mulf %mul3A_69, %add3A_67 : vector<1024x4xf32>
    %max3A_71 = arith.maximumf %add3A_67, %mul3A_70 : vector<1024x4xf32>
    %sub3A_72 = arith.subf %add3A_67, %max3A_71 : vector<1024x4xf32>
    %exp3A = math.exp %sub3A_72 : vector<1024x4xf32>
    %mul3A_73 = arith.constant 2.000000e-01 : f32
    %mul3A_74 = vector.broadcast %mul3A_73 : f32 to vector<1024x4xf32>
    %mul3A_75 = arith.mulf %mul3A_74, %add3A_67 : vector<1024x4xf32>
    %sub3A_76 = arith.subf %mul3A_75, %max3A_71 : vector<1024x4xf32>
    %exp3A_77 = math.exp %sub3A_76 : vector<1024x4xf32>
    %sub3A_78 = vector.broadcast %broadcast_in_dim3A_65 : vector<4x1xf32> to vector<4x1024xf32>
    %sub3A_79 = arith.subf %dot_general3A_60, %sub3A_78 : vector<4x1024xf32>
    %exp3A_80 = math.exp %sub3A_79 : vector<4x1024xf32>
    %sub3A_81 = vector.broadcast %broadcast_in_dim3A_65 : vector<4x1xf32> to vector<4x1024xf32>
    %sub3A_82 = arith.subf %dot_general3A_60, %sub3A_81 : vector<4x1024xf32>
    %mul3A_83 = arith.constant 2.000000e-01 : f32
    %mul3A_84 = vector.broadcast %mul3A_83 : f32 to vector<4x1024xf32>
    %mul3A_85 = arith.mulf %mul3A_84, %sub3A_82 : vector<4x1024xf32>
    %exp3A_86 = math.exp %mul3A_85 : vector<4x1024xf32>
    %broadcast_in_dim3A_87 = arith.constant 1.000000e+00 : f32
    %broadcast_in_dim3A_88 = vector.broadcast %broadcast_in_dim3A_87 : f32 to vector<1024x1xf32>
    %slice3A = vector.extract_strided_slice %exp3A {offsets = [0, 0], sizes = [1024, 1], strides = [1, 1]} : vector<1024x4xf32> to vector<1024x1xf32>
    %slice3A_89 = vector.extract_strided_slice %exp3A_80 {offsets = [0, 0], sizes = [1, 1024], strides = [1, 1]} : vector<4x1024xf32> to vector<1x1024xf32>
    %mul3A_90 = vector.broadcast %slice3A : vector<1024x1xf32> to vector<1024x1024xf32>
    %mul3A_91 = vector.broadcast %slice3A_89 : vector<1x1024xf32> to vector<1024x1024xf32>
    %mul3A_92 = arith.mulf %mul3A_90, %mul3A_91 : vector<1024x1024xf32>
    %slice3A_93 = vector.extract_strided_slice %exp3A_77 {offsets = [0, 0], sizes = [1024, 1], strides = [1, 1]} : vector<1024x4xf32> to vector<1024x1xf32>
    %slice3A_94 = vector.extract_strided_slice %exp3A_86 {offsets = [0, 0], sizes = [1, 1024], strides = [1, 1]} : vector<4x1024xf32> to vector<1x1024xf32>
    %mul3A_95 = vector.broadcast %slice3A_93 : vector<1024x1xf32> to vector<1024x1024xf32>
    %mul3A_96 = vector.broadcast %slice3A_94 : vector<1x1024xf32> to vector<1024x1024xf32>
    %mul3A_97 = arith.mulf %mul3A_95, %mul3A_96 : vector<1024x1024xf32>
    %max3A_98 = arith.maximumf %mul3A_92, %mul3A_97 : vector<1024x1024xf32>
    %mul3A_99 = arith.mulf %get3A_1, %max3A_98 : vector<1024x1024xf32>
    %slice3A_100 = vector.extract_strided_slice %dot_general3A_45 {offsets = [0, 0], sizes = [1024, 16], strides = [1, 1]} : vector<1024x64xf32> to vector<1024x16xf32>
    %concatenate3A = tpu.concatenate %slice3A_100, %broadcast_in_dim3A_88 in 1 : vector<1024x16xf32>, vector<1024x1xf32> -> vector<1024x17xf32>
    %dot_general3A_101 = arith.constant dense<0.000000e+00> : vector<1024x17xf32>
    %dot_general3A_102 = tpu.matmul %mul3A_99, %concatenate3A, %dot_general3A_101 {dimension_numbers = #tpu.dot_dimension_numbers<[1], [0], [0], [1], [0, 0, 1, 1], [], []>, transpose_lhs_hint = false} : vector<1024x1024xf32>, vector<1024x17xf32>, vector<1024x17xf32> -> vector<1024x17xf32>
    %slice3A_103 = vector.extract_strided_slice %dot_general3A_102 {offsets = [0, 0], sizes = [1024, 16], strides = [1, 1]} : vector<1024x17xf32> to vector<1024x16xf32>
    %slice3A_104 = vector.extract_strided_slice %dot_general3A_102 {offsets = [0, 16], sizes = [1024, 1], strides = [1, 1]} : vector<1024x17xf32> to vector<1024x1xf32>
    %div3A_105 = vector.broadcast %slice3A_104 : vector<1024x1xf32> to vector<1024x16xf32>
    %div3A_106 = arith.divf %slice3A_103, %div3A_105 : vector<1024x16xf32>
    %slice3A_107 = vector.extract_strided_slice %exp3A {offsets = [0, 1], sizes = [1024, 1], strides = [1, 1]} : vector<1024x4xf32> to vector<1024x1xf32>
    %slice3A_108 = vector.extract_strided_slice %exp3A_80 {offsets = [1, 0], sizes = [1, 1024], strides = [1, 1]} : vector<4x1024xf32> to vector<1x1024xf32>
    %mul3A_109 = vector.broadcast %slice3A_107 : vector<1024x1xf32> to vector<1024x1024xf32>
    %mul3A_110 = vector.broadcast %slice3A_108 : vector<1x1024xf32> to vector<1024x1024xf32>
    %mul3A_111 = arith.mulf %mul3A_109, %mul3A_110 : vector<1024x1024xf32>
    %slice3A_112 = vector.extract_strided_slice %exp3A_77 {offsets = [0, 1], sizes = [1024, 1], strides = [1, 1]} : vector<1024x4xf32> to vector<1024x1xf32>
    %slice3A_113 = vector.extract_strided_slice %exp3A_86 {offsets = [1, 0], sizes = [1, 1024], strides = [1, 1]} : vector<4x1024xf32> to vector<1x1024xf32>
    %mul3A_114 = vector.broadcast %slice3A_112 : vector<1024x1xf32> to vector<1024x1024xf32>
    %mul3A_115 = vector.broadcast %slice3A_113 : vector<1x1024xf32> to vector<1024x1024xf32>
    %mul3A_116 = arith.mulf %mul3A_114, %mul3A_115 : vector<1024x1024xf32>
    %max3A_117 = arith.maximumf %mul3A_111, %mul3A_116 : vector<1024x1024xf32>
    %mul3A_118 = arith.mulf %get3A_1, %max3A_117 : vector<1024x1024xf32>
    %slice3A_119 = vector.extract_strided_slice %dot_general3A_45 {offsets = [0, 16], sizes = [1024, 16], strides = [1, 1]} : vector<1024x64xf32> to vector<1024x16xf32>
    %concatenate3A_120 = tpu.concatenate %slice3A_119, %broadcast_in_dim3A_88 in 1 : vector<1024x16xf32>, vector<1024x1xf32> -> vector<1024x17xf32>
    %dot_general3A_121 = arith.constant dense<0.000000e+00> : vector<1024x17xf32>
    %dot_general3A_122 = tpu.matmul %mul3A_118, %concatenate3A_120, %dot_general3A_121 {dimension_numbers = #tpu.dot_dimension_numbers<[1], [0], [0], [1], [0, 0, 1, 1], [], []>, transpose_lhs_hint = false} : vector<1024x1024xf32>, vector<1024x17xf32>, vector<1024x17xf32> -> vector<1024x17xf32>
    %slice3A_123 = vector.extract_strided_slice %dot_general3A_122 {offsets = [0, 0], sizes = [1024, 16], strides = [1, 1]} : vector<1024x17xf32> to vector<1024x16xf32>
    %slice3A_124 = vector.extract_strided_slice %dot_general3A_122 {offsets = [0, 16], sizes = [1024, 1], strides = [1, 1]} : vector<1024x17xf32> to vector<1024x1xf32>
    %div3A_125 = vector.broadcast %slice3A_124 : vector<1024x1xf32> to vector<1024x16xf32>
    %div3A_126 = arith.divf %slice3A_123, %div3A_125 : vector<1024x16xf32>
    %slice3A_127 = vector.extract_strided_slice %exp3A {offsets = [0, 2], sizes = [1024, 1], strides = [1, 1]} : vector<1024x4xf32> to vector<1024x1xf32>
    %slice3A_128 = vector.extract_strided_slice %exp3A_80 {offsets = [2, 0], sizes = [1, 1024], strides = [1, 1]} : vector<4x1024xf32> to vector<1x1024xf32>
    %mul3A_129 = vector.broadcast %slice3A_127 : vector<1024x1xf32> to vector<1024x1024xf32>
    %mul3A_130 = vector.broadcast %slice3A_128 : vector<1x1024xf32> to vector<1024x1024xf32>
    %mul3A_131 = arith.mulf %mul3A_129, %mul3A_130 : vector<1024x1024xf32>
    %slice3A_132 = vector.extract_strided_slice %exp3A_77 {offsets = [0, 2], sizes = [1024, 1], strides = [1, 1]} : vector<1024x4xf32> to vector<1024x1xf32>
    %slice3A_133 = vector.extract_strided_slice %exp3A_86 {offsets = [2, 0], sizes = [1, 1024], strides = [1, 1]} : vector<4x1024xf32> to vector<1x1024xf32>
    %mul3A_134 = vector.broadcast %slice3A_132 : vector<1024x1xf32> to vector<1024x1024xf32>
    %mul3A_135 = vector.broadcast %slice3A_133 : vector<1x1024xf32> to vector<1024x1024xf32>
    %mul3A_136 = arith.mulf %mul3A_134, %mul3A_135 : vector<1024x1024xf32>
    %max3A_137 = arith.maximumf %mul3A_131, %mul3A_136 : vector<1024x1024xf32>
    %mul3A_138 = arith.mulf %get3A_1, %max3A_137 : vector<1024x1024xf32>
    %slice3A_139 = vector.extract_strided_slice %dot_general3A_45 {offsets = [0, 32], sizes = [1024, 16], strides = [1, 1]} : vector<1024x64xf32> to vector<1024x16xf32>
    %concatenate3A_140 = tpu.concatenate %slice3A_139, %broadcast_in_dim3A_88 in 1 : vector<1024x16xf32>, vector<1024x1xf32> -> vector<1024x17xf32>
    %dot_general3A_141 = arith.constant dense<0.000000e+00> : vector<1024x17xf32>
    %dot_general3A_142 = tpu.matmul %mul3A_138, %concatenate3A_140, %dot_general3A_141 {dimension_numbers = #tpu.dot_dimension_numbers<[1], [0], [0], [1], [0, 0, 1, 1], [], []>, transpose_lhs_hint = false} : vector<1024x1024xf32>, vector<1024x17xf32>, vector<1024x17xf32> -> vector<1024x17xf32>
    %slice3A_143 = vector.extract_strided_slice %dot_general3A_142 {offsets = [0, 0], sizes = [1024, 16], strides = [1, 1]} : vector<1024x17xf32> to vector<1024x16xf32>
    %slice3A_144 = vector.extract_strided_slice %dot_general3A_142 {offsets = [0, 16], sizes = [1024, 1], strides = [1, 1]} : vector<1024x17xf32> to vector<1024x1xf32>
    %div3A_145 = vector.broadcast %slice3A_144 : vector<1024x1xf32> to vector<1024x16xf32>
    %div3A_146 = arith.divf %slice3A_143, %div3A_145 : vector<1024x16xf32>
    %slice3A_147 = vector.extract_strided_slice %exp3A {offsets = [0, 3], sizes = [1024, 1], strides = [1, 1]} : vector<1024x4xf32> to vector<1024x1xf32>
    %slice3A_148 = vector.extract_strided_slice %exp3A_80 {offsets = [3, 0], sizes = [1, 1024], strides = [1, 1]} : vector<4x1024xf32> to vector<1x1024xf32>
    %mul3A_149 = vector.broadcast %slice3A_147 : vector<1024x1xf32> to vector<1024x1024xf32>
    %mul3A_150 = vector.broadcast %slice3A_148 : vector<1x1024xf32> to vector<1024x1024xf32>
    %mul3A_151 = arith.mulf %mul3A_149, %mul3A_150 : vector<1024x1024xf32>
    %slice3A_152 = vector.extract_strided_slice %exp3A_77 {offsets = [0, 3], sizes = [1024, 1], strides = [1, 1]} : vector<1024x4xf32> to vector<1024x1xf32>
    %slice3A_153 = vector.extract_strided_slice %exp3A_86 {offsets = [3, 0], sizes = [1, 1024], strides = [1, 1]} : vector<4x1024xf32> to vector<1x1024xf32>
    %mul3A_154 = vector.broadcast %slice3A_152 : vector<1024x1xf32> to vector<1024x1024xf32>
    %mul3A_155 = vector.broadcast %slice3A_153 : vector<1x1024xf32> to vector<1024x1024xf32>
    %mul3A_156 = arith.mulf %mul3A_154, %mul3A_155 : vector<1024x1024xf32>
    %max3A_157 = arith.maximumf %mul3A_151, %mul3A_156 : vector<1024x1024xf32>
    %mul3A_158 = arith.mulf %get3A_1, %max3A_157 : vector<1024x1024xf32>
    %slice3A_159 = vector.extract_strided_slice %dot_general3A_45 {offsets = [0, 48], sizes = [1024, 16], strides = [1, 1]} : vector<1024x64xf32> to vector<1024x16xf32>
    %concatenate3A_160 = tpu.concatenate %slice3A_159, %broadcast_in_dim3A_88 in 1 : vector<1024x16xf32>, vector<1024x1xf32> -> vector<1024x17xf32>
    %dot_general3A_161 = arith.constant dense<0.000000e+00> : vector<1024x17xf32>
    %dot_general3A_162 = tpu.matmul %mul3A_158, %concatenate3A_160, %dot_general3A_161 {dimension_numbers = #tpu.dot_dimension_numbers<[1], [0], [0], [1], [0, 0, 1, 1], [], []>, transpose_lhs_hint = false} : vector<1024x1024xf32>, vector<1024x17xf32>, vector<1024x17xf32> -> vector<1024x17xf32>
    %slice3A_163 = vector.extract_strided_slice %dot_general3A_162 {offsets = [0, 0], sizes = [1024, 16], strides = [1, 1]} : vector<1024x17xf32> to vector<1024x16xf32>
    %slice3A_164 = vector.extract_strided_slice %dot_general3A_162 {offsets = [0, 16], sizes = [1024, 1], strides = [1, 1]} : vector<1024x17xf32> to vector<1024x1xf32>
    %div3A_165 = vector.broadcast %slice3A_164 : vector<1024x1xf32> to vector<1024x16xf32>
    %div3A_166 = arith.divf %slice3A_163, %div3A_165 : vector<1024x16xf32>
    %concatenate3A_167 = tpu.concatenate %div3A_106, %div3A_126, %div3A_146, %div3A_166 in 1 : vector<1024x16xf32>, vector<1024x16xf32>, vector<1024x16xf32>, vector<1024x16xf32> -> vector<1024x64xf32>
    %get3A_168 = arith.constant 0 : index
    %get3A_169 = vector.load %arg9[%get3A_168] : memref<64xf32, #tpu.memory_space<vmem>>, vector<64xf32>
    %broadcast_in_dim3A_170 = vector.shape_cast %get3A_169 : vector<64xf32> to vector<1x64xf32>
    %add3A_171 = vector.broadcast %broadcast_in_dim3A_170 : vector<1x64xf32> to vector<1024x64xf32>
    %add3A_172 = arith.addf %concatenate3A_167, %add3A_171 : vector<1024x64xf32>
    %get3A_173 = arith.constant 0 : index
    %get3A_174 = vector.load %arg10[%get3A_173] : memref<64xf32, #tpu.memory_space<vmem>>, vector<64xf32>
    %get3A_175 = arith.constant 0 : index
    %get3A_176 = vector.load %arg11[%get3A_175] : memref<64xf32, #tpu.memory_space<vmem>>, vector<64xf32>
    %reduce_sum3A_177 = arith.constant dense<0.000000e+00> : vector<1024xf32>
    %reduce_sum3A_178 = vector.multi_reduction <add>, %add3A_172, %reduce_sum3A_177 [1] : vector<1024x64xf32> to vector<1024xf32>
    %broadcast_in_dim3A_179 = vector.shape_cast %reduce_sum3A_178 : vector<1024xf32> to vector<1024x1xf32>
    %div3A_180 = arith.constant 6.400000e+01 : f32
    %div3A_181 = vector.broadcast %div3A_180 : f32 to vector<1024x1xf32>
    %div3A_182 = arith.divf %broadcast_in_dim3A_179, %div3A_181 : vector<1024x1xf32>
    %sub3A_183 = vector.broadcast %div3A_182 : vector<1024x1xf32> to vector<1024x64xf32>
    %sub3A_184 = arith.subf %add3A_172, %sub3A_183 : vector<1024x64xf32>
    %integer_pow3A_185 = arith.mulf %sub3A_184, %sub3A_184 : vector<1024x64xf32>
    %reduce_sum3A_186 = arith.constant dense<0.000000e+00> : vector<1024xf32>
    %reduce_sum3A_187 = vector.multi_reduction <add>, %integer_pow3A_185, %reduce_sum3A_186 [1] : vector<1024x64xf32> to vector<1024xf32>
    %broadcast_in_dim3A_188 = vector.shape_cast %reduce_sum3A_187 : vector<1024xf32> to vector<1024x1xf32>
    %div3A_189 = arith.constant 6.400000e+01 : f32
    %div3A_190 = vector.broadcast %div3A_189 : f32 to vector<1024x1xf32>
    %div3A_191 = arith.divf %broadcast_in_dim3A_188, %div3A_190 : vector<1024x1xf32>
    %sub3A_192 = vector.broadcast %div3A_182 : vector<1024x1xf32> to vector<1024x64xf32>
    %sub3A_193 = arith.subf %add3A_172, %sub3A_192 : vector<1024x64xf32>
    %add3A_194 = arith.constant 9.99999974E-6 : f32
    %add3A_195 = vector.broadcast %add3A_194 : f32 to vector<1024x1xf32>
    %add3A_196 = arith.addf %div3A_191, %add3A_195 : vector<1024x1xf32>
    %sqrt3A_197 = math.sqrt %add3A_196 : vector<1024x1xf32>
    %div3A_198 = vector.broadcast %sqrt3A_197 : vector<1024x1xf32> to vector<1024x64xf32>
    %div3A_199 = arith.divf %sub3A_193, %div3A_198 : vector<1024x64xf32>
    %broadcast_in_dim3A_200 = vector.shape_cast %get3A_174 : vector<64xf32> to vector<1x64xf32>
    %mul3A_201 = vector.broadcast %broadcast_in_dim3A_200 : vector<1x64xf32> to vector<1024x64xf32>
    %mul3A_202 = arith.mulf %div3A_199, %mul3A_201 : vector<1024x64xf32>
    %broadcast_in_dim3A_203 = vector.shape_cast %get3A_176 : vector<64xf32> to vector<1x64xf32>
    %add3A_204 = vector.broadcast %broadcast_in_dim3A_203 : vector<1x64xf32> to vector<1024x64xf32>
    %add3A_205 = arith.addf %mul3A_202, %add3A_204 : vector<1024x64xf32>
    %max3A_206 = arith.constant 0.000000e+00 : f32
    %max3A_207 = vector.broadcast %max3A_206 : f32 to vector<1024x64xf32>
    %max3A_208 = arith.maximumf %add3A_205, %max3A_207 : vector<1024x64xf32>
    %add3A_209 = arith.addf %max3A_208, %max3A_40 : vector<1024x64xf32>
    %get3A_210 = arith.constant 0 : index
    %get3A_211 = arith.constant 0 : index
    %get3A_212 = vector.load %arg12[%get3A_210, %get3A_211] : memref<64x64xf32, #tpu.memory_space<vmem>>, vector<64x64xf32>
    %dot_general3A_213 = arith.constant dense<0.000000e+00> : vector<1024x64xf32>
    %dot_general3A_214 = tpu.matmul %add3A_209, %get3A_212, %dot_general3A_213 {dimension_numbers = #tpu.dot_dimension_numbers<[1], [0], [0], [1], [0, 0, 1, 1], [], []>, transpose_lhs_hint = false} : vector<1024x64xf32>, vector<64x64xf32>, vector<1024x64xf32> -> vector<1024x64xf32>
    %get3A_215 = arith.constant 0 : index
    %get3A_216 = arith.constant 0 : index
    %get3A_217 = vector.load %arg13[%get3A_215, %get3A_216] : memref<64x4xf32, #tpu.memory_space<vmem>>, vector<64x4xf32>
    %dot_general3A_218 = arith.constant dense<0.000000e+00> : vector<1024x4xf32>
    %dot_general3A_219 = tpu.matmul %dot_general3A_214, %get3A_217, %dot_general3A_218 {dimension_numbers = #tpu.dot_dimension_numbers<[1], [0], [0], [1], [0, 0, 1, 1], [], []>, transpose_lhs_hint = false} : vector<1024x64xf32>, vector<64x4xf32>, vector<1024x4xf32> -> vector<1024x4xf32>
    %get3A_220 = arith.constant 0 : index
    %get3A_221 = arith.constant 0 : index
    %get3A_222 = vector.load %arg14[%get3A_220, %get3A_221] : memref<64x4xf32, #tpu.memory_space<vmem>>, vector<64x4xf32>
    %dot_general3A_223 = arith.constant dense<0.000000e+00> : vector<1024x4xf32>
    %dot_general3A_224 = tpu.matmul %dot_general3A_214, %get3A_222, %dot_general3A_223 {dimension_numbers = #tpu.dot_dimension_numbers<[1], [0], [0], [1], [0, 0, 1, 1], [], []>, transpose_lhs_hint = false} : vector<1024x64xf32>, vector<64x4xf32>, vector<1024x4xf32> -> vector<1024x4xf32>
    %get3A_225 = arith.constant 0 : index
    %get3A_226 = arith.constant 0 : index
    %get3A_227 = vector.load %arg13[%get3A_225, %get3A_226] : memref<64x4xf32, #tpu.memory_space<vmem>>, vector<64x4xf32>
    %dot_general3A_228 = arith.constant dense<0.000000e+00> : vector<4x1024xf32>
    %dot_general3A_229 = tpu.matmul %get3A_227, %dot_general3A_214, %dot_general3A_228 {dimension_numbers = #tpu.dot_dimension_numbers<[0], [1], [1], [0], [0, 1, 1, 0], [], []>, transpose_lhs_hint = false} : vector<64x4xf32>, vector<1024x64xf32>, vector<4x1024xf32> -> vector<4x1024xf32>
    %reduce_max3A_230 = arith.constant dense<0xFF800000> : vector<4xf32>
    %reduce_max3A_231 = vector.multi_reduction <maximumf>, %dot_general3A_219, %reduce_max3A_230 [0] : vector<1024x4xf32> to vector<4xf32>
    %broadcast_in_dim3A_232 = vector.shape_cast %reduce_max3A_231 : vector<4xf32> to vector<1x4xf32>
    %reduce_max3A_233 = arith.constant dense<0xFF800000> : vector<4xf32>
    %reduce_max3A_234 = vector.multi_reduction <maximumf>, %dot_general3A_229, %reduce_max3A_233 [1] : vector<4x1024xf32> to vector<4xf32>
    %broadcast_in_dim3A_235 = vector.shape_cast %reduce_max3A_234 : vector<4xf32> to vector<4x1xf32>
    %add3A_236 = vector.broadcast %broadcast_in_dim3A_232 : vector<1x4xf32> to vector<1024x4xf32>
    %add3A_237 = arith.addf %dot_general3A_224, %add3A_236 : vector<1024x4xf32>
    %mul3A_238 = arith.constant 2.000000e-01 : f32
    %mul3A_239 = vector.broadcast %mul3A_238 : f32 to vector<1024x4xf32>
    %mul3A_240 = arith.mulf %mul3A_239, %add3A_237 : vector<1024x4xf32>
    %max3A_241 = arith.maximumf %add3A_237, %mul3A_240 : vector<1024x4xf32>
    %sub3A_242 = arith.subf %add3A_237, %max3A_241 : vector<1024x4xf32>
    %exp3A_243 = math.exp %sub3A_242 : vector<1024x4xf32>
    %mul3A_244 = arith.constant 2.000000e-01 : f32
    %mul3A_245 = vector.broadcast %mul3A_244 : f32 to vector<1024x4xf32>
    %mul3A_246 = arith.mulf %mul3A_245, %add3A_237 : vector<1024x4xf32>
    %sub3A_247 = arith.subf %mul3A_246, %max3A_241 : vector<1024x4xf32>
    %exp3A_248 = math.exp %sub3A_247 : vector<1024x4xf32>
    %sub3A_249 = vector.broadcast %broadcast_in_dim3A_235 : vector<4x1xf32> to vector<4x1024xf32>
    %sub3A_250 = arith.subf %dot_general3A_229, %sub3A_249 : vector<4x1024xf32>
    %exp3A_251 = math.exp %sub3A_250 : vector<4x1024xf32>
    %sub3A_252 = vector.broadcast %broadcast_in_dim3A_235 : vector<4x1xf32> to vector<4x1024xf32>
    %sub3A_253 = arith.subf %dot_general3A_229, %sub3A_252 : vector<4x1024xf32>
    %mul3A_254 = arith.constant 2.000000e-01 : f32
    %mul3A_255 = vector.broadcast %mul3A_254 : f32 to vector<4x1024xf32>
    %mul3A_256 = arith.mulf %mul3A_255, %sub3A_253 : vector<4x1024xf32>
    %exp3A_257 = math.exp %mul3A_256 : vector<4x1024xf32>
    %broadcast_in_dim3A_258 = arith.constant 1.000000e+00 : f32
    %broadcast_in_dim3A_259 = vector.broadcast %broadcast_in_dim3A_258 : f32 to vector<1024x1xf32>
    %slice3A_260 = vector.extract_strided_slice %exp3A_243 {offsets = [0, 0], sizes = [1024, 1], strides = [1, 1]} : vector<1024x4xf32> to vector<1024x1xf32>
    %slice3A_261 = vector.extract_strided_slice %exp3A_251 {offsets = [0, 0], sizes = [1, 1024], strides = [1, 1]} : vector<4x1024xf32> to vector<1x1024xf32>
    %mul3A_262 = vector.broadcast %slice3A_260 : vector<1024x1xf32> to vector<1024x1024xf32>
    %mul3A_263 = vector.broadcast %slice3A_261 : vector<1x1024xf32> to vector<1024x1024xf32>
    %mul3A_264 = arith.mulf %mul3A_262, %mul3A_263 : vector<1024x1024xf32>
    %slice3A_265 = vector.extract_strided_slice %exp3A_248 {offsets = [0, 0], sizes = [1024, 1], strides = [1, 1]} : vector<1024x4xf32> to vector<1024x1xf32>
    %slice3A_266 = vector.extract_strided_slice %exp3A_257 {offsets = [0, 0], sizes = [1, 1024], strides = [1, 1]} : vector<4x1024xf32> to vector<1x1024xf32>
    %mul3A_267 = vector.broadcast %slice3A_265 : vector<1024x1xf32> to vector<1024x1024xf32>
    %mul3A_268 = vector.broadcast %slice3A_266 : vector<1x1024xf32> to vector<1024x1024xf32>
    %mul3A_269 = arith.mulf %mul3A_267, %mul3A_268 : vector<1024x1024xf32>
    %max3A_270 = arith.maximumf %mul3A_264, %mul3A_269 : vector<1024x1024xf32>
    %mul3A_271 = arith.mulf %get3A_1, %max3A_270 : vector<1024x1024xf32>
    %slice3A_272 = vector.extract_strided_slice %dot_general3A_214 {offsets = [0, 0], sizes = [1024, 16], strides = [1, 1]} : vector<1024x64xf32> to vector<1024x16xf32>
    %concatenate3A_273 = tpu.concatenate %slice3A_272, %broadcast_in_dim3A_259 in 1 : vector<1024x16xf32>, vector<1024x1xf32> -> vector<1024x17xf32>
    %dot_general3A_274 = arith.constant dense<0.000000e+00> : vector<1024x17xf32>
    %dot_general3A_275 = tpu.matmul %mul3A_271, %concatenate3A_273, %dot_general3A_274 {dimension_numbers = #tpu.dot_dimension_numbers<[1], [0], [0], [1], [0, 0, 1, 1], [], []>, transpose_lhs_hint = false} : vector<1024x1024xf32>, vector<1024x17xf32>, vector<1024x17xf32> -> vector<1024x17xf32>
    %slice3A_276 = vector.extract_strided_slice %dot_general3A_275 {offsets = [0, 0], sizes = [1024, 16], strides = [1, 1]} : vector<1024x17xf32> to vector<1024x16xf32>
    %slice3A_277 = vector.extract_strided_slice %dot_general3A_275 {offsets = [0, 16], sizes = [1024, 1], strides = [1, 1]} : vector<1024x17xf32> to vector<1024x1xf32>
    %div3A_278 = vector.broadcast %slice3A_277 : vector<1024x1xf32> to vector<1024x16xf32>
    %div3A_279 = arith.divf %slice3A_276, %div3A_278 : vector<1024x16xf32>
    %slice3A_280 = vector.extract_strided_slice %exp3A_243 {offsets = [0, 1], sizes = [1024, 1], strides = [1, 1]} : vector<1024x4xf32> to vector<1024x1xf32>
    %slice3A_281 = vector.extract_strided_slice %exp3A_251 {offsets = [1, 0], sizes = [1, 1024], strides = [1, 1]} : vector<4x1024xf32> to vector<1x1024xf32>
    %mul3A_282 = vector.broadcast %slice3A_280 : vector<1024x1xf32> to vector<1024x1024xf32>
    %mul3A_283 = vector.broadcast %slice3A_281 : vector<1x1024xf32> to vector<1024x1024xf32>
    %mul3A_284 = arith.mulf %mul3A_282, %mul3A_283 : vector<1024x1024xf32>
    %slice3A_285 = vector.extract_strided_slice %exp3A_248 {offsets = [0, 1], sizes = [1024, 1], strides = [1, 1]} : vector<1024x4xf32> to vector<1024x1xf32>
    %slice3A_286 = vector.extract_strided_slice %exp3A_257 {offsets = [1, 0], sizes = [1, 1024], strides = [1, 1]} : vector<4x1024xf32> to vector<1x1024xf32>
    %mul3A_287 = vector.broadcast %slice3A_285 : vector<1024x1xf32> to vector<1024x1024xf32>
    %mul3A_288 = vector.broadcast %slice3A_286 : vector<1x1024xf32> to vector<1024x1024xf32>
    %mul3A_289 = arith.mulf %mul3A_287, %mul3A_288 : vector<1024x1024xf32>
    %max3A_290 = arith.maximumf %mul3A_284, %mul3A_289 : vector<1024x1024xf32>
    %mul3A_291 = arith.mulf %get3A_1, %max3A_290 : vector<1024x1024xf32>
    %slice3A_292 = vector.extract_strided_slice %dot_general3A_214 {offsets = [0, 16], sizes = [1024, 16], strides = [1, 1]} : vector<1024x64xf32> to vector<1024x16xf32>
    %concatenate3A_293 = tpu.concatenate %slice3A_292, %broadcast_in_dim3A_259 in 1 : vector<1024x16xf32>, vector<1024x1xf32> -> vector<1024x17xf32>
    %dot_general3A_294 = arith.constant dense<0.000000e+00> : vector<1024x17xf32>
    %dot_general3A_295 = tpu.matmul %mul3A_291, %concatenate3A_293, %dot_general3A_294 {dimension_numbers = #tpu.dot_dimension_numbers<[1], [0], [0], [1], [0, 0, 1, 1], [], []>, transpose_lhs_hint = false} : vector<1024x1024xf32>, vector<1024x17xf32>, vector<1024x17xf32> -> vector<1024x17xf32>
    %slice3A_296 = vector.extract_strided_slice %dot_general3A_295 {offsets = [0, 0], sizes = [1024, 16], strides = [1, 1]} : vector<1024x17xf32> to vector<1024x16xf32>
    %slice3A_297 = vector.extract_strided_slice %dot_general3A_295 {offsets = [0, 16], sizes = [1024, 1], strides = [1, 1]} : vector<1024x17xf32> to vector<1024x1xf32>
    %div3A_298 = vector.broadcast %slice3A_297 : vector<1024x1xf32> to vector<1024x16xf32>
    %div3A_299 = arith.divf %slice3A_296, %div3A_298 : vector<1024x16xf32>
    %slice3A_300 = vector.extract_strided_slice %exp3A_243 {offsets = [0, 2], sizes = [1024, 1], strides = [1, 1]} : vector<1024x4xf32> to vector<1024x1xf32>
    %slice3A_301 = vector.extract_strided_slice %exp3A_251 {offsets = [2, 0], sizes = [1, 1024], strides = [1, 1]} : vector<4x1024xf32> to vector<1x1024xf32>
    %mul3A_302 = vector.broadcast %slice3A_300 : vector<1024x1xf32> to vector<1024x1024xf32>
    %mul3A_303 = vector.broadcast %slice3A_301 : vector<1x1024xf32> to vector<1024x1024xf32>
    %mul3A_304 = arith.mulf %mul3A_302, %mul3A_303 : vector<1024x1024xf32>
    %slice3A_305 = vector.extract_strided_slice %exp3A_248 {offsets = [0, 2], sizes = [1024, 1], strides = [1, 1]} : vector<1024x4xf32> to vector<1024x1xf32>
    %slice3A_306 = vector.extract_strided_slice %exp3A_257 {offsets = [2, 0], sizes = [1, 1024], strides = [1, 1]} : vector<4x1024xf32> to vector<1x1024xf32>
    %mul3A_307 = vector.broadcast %slice3A_305 : vector<1024x1xf32> to vector<1024x1024xf32>
    %mul3A_308 = vector.broadcast %slice3A_306 : vector<1x1024xf32> to vector<1024x1024xf32>
    %mul3A_309 = arith.mulf %mul3A_307, %mul3A_308 : vector<1024x1024xf32>
    %max3A_310 = arith.maximumf %mul3A_304, %mul3A_309 : vector<1024x1024xf32>
    %mul3A_311 = arith.mulf %get3A_1, %max3A_310 : vector<1024x1024xf32>
    %slice3A_312 = vector.extract_strided_slice %dot_general3A_214 {offsets = [0, 32], sizes = [1024, 16], strides = [1, 1]} : vector<1024x64xf32> to vector<1024x16xf32>
    %concatenate3A_313 = tpu.concatenate %slice3A_312, %broadcast_in_dim3A_259 in 1 : vector<1024x16xf32>, vector<1024x1xf32> -> vector<1024x17xf32>
    %dot_general3A_314 = arith.constant dense<0.000000e+00> : vector<1024x17xf32>
    %dot_general3A_315 = tpu.matmul %mul3A_311, %concatenate3A_313, %dot_general3A_314 {dimension_numbers = #tpu.dot_dimension_numbers<[1], [0], [0], [1], [0, 0, 1, 1], [], []>, transpose_lhs_hint = false} : vector<1024x1024xf32>, vector<1024x17xf32>, vector<1024x17xf32> -> vector<1024x17xf32>
    %slice3A_316 = vector.extract_strided_slice %dot_general3A_315 {offsets = [0, 0], sizes = [1024, 16], strides = [1, 1]} : vector<1024x17xf32> to vector<1024x16xf32>
    %slice3A_317 = vector.extract_strided_slice %dot_general3A_315 {offsets = [0, 16], sizes = [1024, 1], strides = [1, 1]} : vector<1024x17xf32> to vector<1024x1xf32>
    %div3A_318 = vector.broadcast %slice3A_317 : vector<1024x1xf32> to vector<1024x16xf32>
    %div3A_319 = arith.divf %slice3A_316, %div3A_318 : vector<1024x16xf32>
    %slice3A_320 = vector.extract_strided_slice %exp3A_243 {offsets = [0, 3], sizes = [1024, 1], strides = [1, 1]} : vector<1024x4xf32> to vector<1024x1xf32>
    %slice3A_321 = vector.extract_strided_slice %exp3A_251 {offsets = [3, 0], sizes = [1, 1024], strides = [1, 1]} : vector<4x1024xf32> to vector<1x1024xf32>
    %mul3A_322 = vector.broadcast %slice3A_320 : vector<1024x1xf32> to vector<1024x1024xf32>
    %mul3A_323 = vector.broadcast %slice3A_321 : vector<1x1024xf32> to vector<1024x1024xf32>
    %mul3A_324 = arith.mulf %mul3A_322, %mul3A_323 : vector<1024x1024xf32>
    %slice3A_325 = vector.extract_strided_slice %exp3A_248 {offsets = [0, 3], sizes = [1024, 1], strides = [1, 1]} : vector<1024x4xf32> to vector<1024x1xf32>
    %slice3A_326 = vector.extract_strided_slice %exp3A_257 {offsets = [3, 0], sizes = [1, 1024], strides = [1, 1]} : vector<4x1024xf32> to vector<1x1024xf32>
    %mul3A_327 = vector.broadcast %slice3A_325 : vector<1024x1xf32> to vector<1024x1024xf32>
    %mul3A_328 = vector.broadcast %slice3A_326 : vector<1x1024xf32> to vector<1024x1024xf32>
    %mul3A_329 = arith.mulf %mul3A_327, %mul3A_328 : vector<1024x1024xf32>
    %max3A_330 = arith.maximumf %mul3A_324, %mul3A_329 : vector<1024x1024xf32>
    %mul3A_331 = arith.mulf %get3A_1, %max3A_330 : vector<1024x1024xf32>
    %slice3A_332 = vector.extract_strided_slice %dot_general3A_214 {offsets = [0, 48], sizes = [1024, 16], strides = [1, 1]} : vector<1024x64xf32> to vector<1024x16xf32>
    %concatenate3A_333 = tpu.concatenate %slice3A_332, %broadcast_in_dim3A_259 in 1 : vector<1024x16xf32>, vector<1024x1xf32> -> vector<1024x17xf32>
    %dot_general3A_334 = arith.constant dense<0.000000e+00> : vector<1024x17xf32>
    %dot_general3A_335 = tpu.matmul %mul3A_331, %concatenate3A_333, %dot_general3A_334 {dimension_numbers = #tpu.dot_dimension_numbers<[1], [0], [0], [1], [0, 0, 1, 1], [], []>, transpose_lhs_hint = false} : vector<1024x1024xf32>, vector<1024x17xf32>, vector<1024x17xf32> -> vector<1024x17xf32>
    %slice3A_336 = vector.extract_strided_slice %dot_general3A_335 {offsets = [0, 0], sizes = [1024, 16], strides = [1, 1]} : vector<1024x17xf32> to vector<1024x16xf32>
    %slice3A_337 = vector.extract_strided_slice %dot_general3A_335 {offsets = [0, 16], sizes = [1024, 1], strides = [1, 1]} : vector<1024x17xf32> to vector<1024x1xf32>
    %div3A_338 = vector.broadcast %slice3A_337 : vector<1024x1xf32> to vector<1024x16xf32>
    %div3A_339 = arith.divf %slice3A_336, %div3A_338 : vector<1024x16xf32>
    %concatenate3A_340 = tpu.concatenate %div3A_279, %div3A_299, %div3A_319, %div3A_339 in 1 : vector<1024x16xf32>, vector<1024x16xf32>, vector<1024x16xf32>, vector<1024x16xf32> -> vector<1024x64xf32>
    %get3A_341 = arith.constant 0 : index
    %get3A_342 = vector.load %arg15[%get3A_341] : memref<64xf32, #tpu.memory_space<vmem>>, vector<64xf32>
    %broadcast_in_dim3A_343 = vector.shape_cast %get3A_342 : vector<64xf32> to vector<1x64xf32>
    %add3A_344 = vector.broadcast %broadcast_in_dim3A_343 : vector<1x64xf32> to vector<1024x64xf32>
    %add3A_345 = arith.addf %concatenate3A_340, %add3A_344 : vector<1024x64xf32>
    %get3A_346 = arith.constant 0 : index
    %get3A_347 = vector.load %arg16[%get3A_346] : memref<64xf32, #tpu.memory_space<vmem>>, vector<64xf32>
    %get3A_348 = arith.constant 0 : index
    %get3A_349 = vector.load %arg17[%get3A_348] : memref<64xf32, #tpu.memory_space<vmem>>, vector<64xf32>
    %reduce_sum3A_350 = arith.constant dense<0.000000e+00> : vector<1024xf32>
    %reduce_sum3A_351 = vector.multi_reduction <add>, %add3A_345, %reduce_sum3A_350 [1] : vector<1024x64xf32> to vector<1024xf32>
    %broadcast_in_dim3A_352 = vector.shape_cast %reduce_sum3A_351 : vector<1024xf32> to vector<1024x1xf32>
    %div3A_353 = arith.constant 6.400000e+01 : f32
    %div3A_354 = vector.broadcast %div3A_353 : f32 to vector<1024x1xf32>
    %div3A_355 = arith.divf %broadcast_in_dim3A_352, %div3A_354 : vector<1024x1xf32>
    %sub3A_356 = vector.broadcast %div3A_355 : vector<1024x1xf32> to vector<1024x64xf32>
    %sub3A_357 = arith.subf %add3A_345, %sub3A_356 : vector<1024x64xf32>
    %integer_pow3A_358 = arith.mulf %sub3A_357, %sub3A_357 : vector<1024x64xf32>
    %reduce_sum3A_359 = arith.constant dense<0.000000e+00> : vector<1024xf32>
    %reduce_sum3A_360 = vector.multi_reduction <add>, %integer_pow3A_358, %reduce_sum3A_359 [1] : vector<1024x64xf32> to vector<1024xf32>
    %broadcast_in_dim3A_361 = vector.shape_cast %reduce_sum3A_360 : vector<1024xf32> to vector<1024x1xf32>
    %div3A_362 = arith.constant 6.400000e+01 : f32
    %div3A_363 = vector.broadcast %div3A_362 : f32 to vector<1024x1xf32>
    %div3A_364 = arith.divf %broadcast_in_dim3A_361, %div3A_363 : vector<1024x1xf32>
    %sub3A_365 = vector.broadcast %div3A_355 : vector<1024x1xf32> to vector<1024x64xf32>
    %sub3A_366 = arith.subf %add3A_345, %sub3A_365 : vector<1024x64xf32>
    %add3A_367 = arith.constant 9.99999974E-6 : f32
    %add3A_368 = vector.broadcast %add3A_367 : f32 to vector<1024x1xf32>
    %add3A_369 = arith.addf %div3A_364, %add3A_368 : vector<1024x1xf32>
    %sqrt3A_370 = math.sqrt %add3A_369 : vector<1024x1xf32>
    %div3A_371 = vector.broadcast %sqrt3A_370 : vector<1024x1xf32> to vector<1024x64xf32>
    %div3A_372 = arith.divf %sub3A_366, %div3A_371 : vector<1024x64xf32>
    %broadcast_in_dim3A_373 = vector.shape_cast %get3A_347 : vector<64xf32> to vector<1x64xf32>
    %mul3A_374 = vector.broadcast %broadcast_in_dim3A_373 : vector<1x64xf32> to vector<1024x64xf32>
    %mul3A_375 = arith.mulf %div3A_372, %mul3A_374 : vector<1024x64xf32>
    %broadcast_in_dim3A_376 = vector.shape_cast %get3A_349 : vector<64xf32> to vector<1x64xf32>
    %add3A_377 = vector.broadcast %broadcast_in_dim3A_376 : vector<1x64xf32> to vector<1024x64xf32>
    %add3A_378 = arith.addf %mul3A_375, %add3A_377 : vector<1024x64xf32>
    %max3A_379 = arith.constant 0.000000e+00 : f32
    %max3A_380 = vector.broadcast %max3A_379 : f32 to vector<1024x64xf32>
    %max3A_381 = arith.maximumf %add3A_378, %max3A_380 : vector<1024x64xf32>
    %add3A_382 = arith.addf %max3A_381, %add3A_209 : vector<1024x64xf32>
    %get3A_383 = arith.constant 0 : index
    %get3A_384 = arith.constant 0 : index
    %get3A_385 = vector.load %arg18[%get3A_383, %get3A_384] : memref<64x64xf32, #tpu.memory_space<vmem>>, vector<64x64xf32>
    %dot_general3A_386 = arith.constant dense<0.000000e+00> : vector<1024x64xf32>
    %dot_general3A_387 = tpu.matmul %add3A_382, %get3A_385, %dot_general3A_386 {dimension_numbers = #tpu.dot_dimension_numbers<[1], [0], [0], [1], [0, 0, 1, 1], [], []>, transpose_lhs_hint = false} : vector<1024x64xf32>, vector<64x64xf32>, vector<1024x64xf32> -> vector<1024x64xf32>
    %get3A_388 = arith.constant 0 : index
    %get3A_389 = arith.constant 0 : index
    %get3A_390 = vector.load %arg19[%get3A_388, %get3A_389] : memref<64x4xf32, #tpu.memory_space<vmem>>, vector<64x4xf32>
    %dot_general3A_391 = arith.constant dense<0.000000e+00> : vector<1024x4xf32>
    %dot_general3A_392 = tpu.matmul %dot_general3A_387, %get3A_390, %dot_general3A_391 {dimension_numbers = #tpu.dot_dimension_numbers<[1], [0], [0], [1], [0, 0, 1, 1], [], []>, transpose_lhs_hint = false} : vector<1024x64xf32>, vector<64x4xf32>, vector<1024x4xf32> -> vector<1024x4xf32>
    %get3A_393 = arith.constant 0 : index
    %get3A_394 = arith.constant 0 : index
    %get3A_395 = vector.load %arg20[%get3A_393, %get3A_394] : memref<64x4xf32, #tpu.memory_space<vmem>>, vector<64x4xf32>
    %dot_general3A_396 = arith.constant dense<0.000000e+00> : vector<1024x4xf32>
    %dot_general3A_397 = tpu.matmul %dot_general3A_387, %get3A_395, %dot_general3A_396 {dimension_numbers = #tpu.dot_dimension_numbers<[1], [0], [0], [1], [0, 0, 1, 1], [], []>, transpose_lhs_hint = false} : vector<1024x64xf32>, vector<64x4xf32>, vector<1024x4xf32> -> vector<1024x4xf32>
    %get3A_398 = arith.constant 0 : index
    %get3A_399 = arith.constant 0 : index
    %get3A_400 = vector.load %arg19[%get3A_398, %get3A_399] : memref<64x4xf32, #tpu.memory_space<vmem>>, vector<64x4xf32>
    %dot_general3A_401 = arith.constant dense<0.000000e+00> : vector<4x1024xf32>
    %dot_general3A_402 = tpu.matmul %get3A_400, %dot_general3A_387, %dot_general3A_401 {dimension_numbers = #tpu.dot_dimension_numbers<[0], [1], [1], [0], [0, 1, 1, 0], [], []>, transpose_lhs_hint = false} : vector<64x4xf32>, vector<1024x64xf32>, vector<4x1024xf32> -> vector<4x1024xf32>
    %reduce_max3A_403 = arith.constant dense<0xFF800000> : vector<4xf32>
    %reduce_max3A_404 = vector.multi_reduction <maximumf>, %dot_general3A_392, %reduce_max3A_403 [0] : vector<1024x4xf32> to vector<4xf32>
    %broadcast_in_dim3A_405 = vector.shape_cast %reduce_max3A_404 : vector<4xf32> to vector<1x4xf32>
    %reduce_max3A_406 = arith.constant dense<0xFF800000> : vector<4xf32>
    %reduce_max3A_407 = vector.multi_reduction <maximumf>, %dot_general3A_402, %reduce_max3A_406 [1] : vector<4x1024xf32> to vector<4xf32>
    %broadcast_in_dim3A_408 = vector.shape_cast %reduce_max3A_407 : vector<4xf32> to vector<4x1xf32>
    %add3A_409 = vector.broadcast %broadcast_in_dim3A_405 : vector<1x4xf32> to vector<1024x4xf32>
    %add3A_410 = arith.addf %dot_general3A_397, %add3A_409 : vector<1024x4xf32>
    %mul3A_411 = arith.constant 2.000000e-01 : f32
    %mul3A_412 = vector.broadcast %mul3A_411 : f32 to vector<1024x4xf32>
    %mul3A_413 = arith.mulf %mul3A_412, %add3A_410 : vector<1024x4xf32>
    %max3A_414 = arith.maximumf %add3A_410, %mul3A_413 : vector<1024x4xf32>
    %sub3A_415 = arith.subf %add3A_410, %max3A_414 : vector<1024x4xf32>
    %exp3A_416 = math.exp %sub3A_415 : vector<1024x4xf32>
    %mul3A_417 = arith.constant 2.000000e-01 : f32
    %mul3A_418 = vector.broadcast %mul3A_417 : f32 to vector<1024x4xf32>
    %mul3A_419 = arith.mulf %mul3A_418, %add3A_410 : vector<1024x4xf32>
    %sub3A_420 = arith.subf %mul3A_419, %max3A_414 : vector<1024x4xf32>
    %exp3A_421 = math.exp %sub3A_420 : vector<1024x4xf32>
    %sub3A_422 = vector.broadcast %broadcast_in_dim3A_408 : vector<4x1xf32> to vector<4x1024xf32>
    %sub3A_423 = arith.subf %dot_general3A_402, %sub3A_422 : vector<4x1024xf32>
    %exp3A_424 = math.exp %sub3A_423 : vector<4x1024xf32>
    %sub3A_425 = vector.broadcast %broadcast_in_dim3A_408 : vector<4x1xf32> to vector<4x1024xf32>
    %sub3A_426 = arith.subf %dot_general3A_402, %sub3A_425 : vector<4x1024xf32>
    %mul3A_427 = arith.constant 2.000000e-01 : f32
    %mul3A_428 = vector.broadcast %mul3A_427 : f32 to vector<4x1024xf32>
    %mul3A_429 = arith.mulf %mul3A_428, %sub3A_426 : vector<4x1024xf32>
    %exp3A_430 = math.exp %mul3A_429 : vector<4x1024xf32>
    %broadcast_in_dim3A_431 = arith.constant 1.000000e+00 : f32
    %broadcast_in_dim3A_432 = vector.broadcast %broadcast_in_dim3A_431 : f32 to vector<1024x1xf32>
    %slice3A_433 = vector.extract_strided_slice %exp3A_416 {offsets = [0, 0], sizes = [1024, 1], strides = [1, 1]} : vector<1024x4xf32> to vector<1024x1xf32>
    %slice3A_434 = vector.extract_strided_slice %exp3A_424 {offsets = [0, 0], sizes = [1, 1024], strides = [1, 1]} : vector<4x1024xf32> to vector<1x1024xf32>
    %mul3A_435 = vector.broadcast %slice3A_433 : vector<1024x1xf32> to vector<1024x1024xf32>
    %mul3A_436 = vector.broadcast %slice3A_434 : vector<1x1024xf32> to vector<1024x1024xf32>
    %mul3A_437 = arith.mulf %mul3A_435, %mul3A_436 : vector<1024x1024xf32>
    %slice3A_438 = vector.extract_strided_slice %exp3A_421 {offsets = [0, 0], sizes = [1024, 1], strides = [1, 1]} : vector<1024x4xf32> to vector<1024x1xf32>
    %slice3A_439 = vector.extract_strided_slice %exp3A_430 {offsets = [0, 0], sizes = [1, 1024], strides = [1, 1]} : vector<4x1024xf32> to vector<1x1024xf32>
    %mul3A_440 = vector.broadcast %slice3A_438 : vector<1024x1xf32> to vector<1024x1024xf32>
    %mul3A_441 = vector.broadcast %slice3A_439 : vector<1x1024xf32> to vector<1024x1024xf32>
    %mul3A_442 = arith.mulf %mul3A_440, %mul3A_441 : vector<1024x1024xf32>
    %max3A_443 = arith.maximumf %mul3A_437, %mul3A_442 : vector<1024x1024xf32>
    %mul3A_444 = arith.mulf %get3A_1, %max3A_443 : vector<1024x1024xf32>
    %slice3A_445 = vector.extract_strided_slice %dot_general3A_387 {offsets = [0, 0], sizes = [1024, 16], strides = [1, 1]} : vector<1024x64xf32> to vector<1024x16xf32>
    %concatenate3A_446 = tpu.concatenate %slice3A_445, %broadcast_in_dim3A_432 in 1 : vector<1024x16xf32>, vector<1024x1xf32> -> vector<1024x17xf32>
    %dot_general3A_447 = arith.constant dense<0.000000e+00> : vector<1024x17xf32>
    %dot_general3A_448 = tpu.matmul %mul3A_444, %concatenate3A_446, %dot_general3A_447 {dimension_numbers = #tpu.dot_dimension_numbers<[1], [0], [0], [1], [0, 0, 1, 1], [], []>, transpose_lhs_hint = false} : vector<1024x1024xf32>, vector<1024x17xf32>, vector<1024x17xf32> -> vector<1024x17xf32>
    %slice3A_449 = vector.extract_strided_slice %dot_general3A_448 {offsets = [0, 0], sizes = [1024, 16], strides = [1, 1]} : vector<1024x17xf32> to vector<1024x16xf32>
    %slice3A_450 = vector.extract_strided_slice %dot_general3A_448 {offsets = [0, 16], sizes = [1024, 1], strides = [1, 1]} : vector<1024x17xf32> to vector<1024x1xf32>
    %div3A_451 = vector.broadcast %slice3A_450 : vector<1024x1xf32> to vector<1024x16xf32>
    %div3A_452 = arith.divf %slice3A_449, %div3A_451 : vector<1024x16xf32>
    %slice3A_453 = vector.extract_strided_slice %exp3A_416 {offsets = [0, 1], sizes = [1024, 1], strides = [1, 1]} : vector<1024x4xf32> to vector<1024x1xf32>
    %slice3A_454 = vector.extract_strided_slice %exp3A_424 {offsets = [1, 0], sizes = [1, 1024], strides = [1, 1]} : vector<4x1024xf32> to vector<1x1024xf32>
    %mul3A_455 = vector.broadcast %slice3A_453 : vector<1024x1xf32> to vector<1024x1024xf32>
    %mul3A_456 = vector.broadcast %slice3A_454 : vector<1x1024xf32> to vector<1024x1024xf32>
    %mul3A_457 = arith.mulf %mul3A_455, %mul3A_456 : vector<1024x1024xf32>
    %slice3A_458 = vector.extract_strided_slice %exp3A_421 {offsets = [0, 1], sizes = [1024, 1], strides = [1, 1]} : vector<1024x4xf32> to vector<1024x1xf32>
    %slice3A_459 = vector.extract_strided_slice %exp3A_430 {offsets = [1, 0], sizes = [1, 1024], strides = [1, 1]} : vector<4x1024xf32> to vector<1x1024xf32>
    %mul3A_460 = vector.broadcast %slice3A_458 : vector<1024x1xf32> to vector<1024x1024xf32>
    %mul3A_461 = vector.broadcast %slice3A_459 : vector<1x1024xf32> to vector<1024x1024xf32>
    %mul3A_462 = arith.mulf %mul3A_460, %mul3A_461 : vector<1024x1024xf32>
    %max3A_463 = arith.maximumf %mul3A_457, %mul3A_462 : vector<1024x1024xf32>
    %mul3A_464 = arith.mulf %get3A_1, %max3A_463 : vector<1024x1024xf32>
    %slice3A_465 = vector.extract_strided_slice %dot_general3A_387 {offsets = [0, 16], sizes = [1024, 16], strides = [1, 1]} : vector<1024x64xf32> to vector<1024x16xf32>
    %concatenate3A_466 = tpu.concatenate %slice3A_465, %broadcast_in_dim3A_432 in 1 : vector<1024x16xf32>, vector<1024x1xf32> -> vector<1024x17xf32>
    %dot_general3A_467 = arith.constant dense<0.000000e+00> : vector<1024x17xf32>
    %dot_general3A_468 = tpu.matmul %mul3A_464, %concatenate3A_466, %dot_general3A_467 {dimension_numbers = #tpu.dot_dimension_numbers<[1], [0], [0], [1], [0, 0, 1, 1], [], []>, transpose_lhs_hint = false} : vector<1024x1024xf32>, vector<1024x17xf32>, vector<1024x17xf32> -> vector<1024x17xf32>
    %slice3A_469 = vector.extract_strided_slice %dot_general3A_468 {offsets = [0, 0], sizes = [1024, 16], strides = [1, 1]} : vector<1024x17xf32> to vector<1024x16xf32>
    %slice3A_470 = vector.extract_strided_slice %dot_general3A_468 {offsets = [0, 16], sizes = [1024, 1], strides = [1, 1]} : vector<1024x17xf32> to vector<1024x1xf32>
    %div3A_471 = vector.broadcast %slice3A_470 : vector<1024x1xf32> to vector<1024x16xf32>
    %div3A_472 = arith.divf %slice3A_469, %div3A_471 : vector<1024x16xf32>
    %slice3A_473 = vector.extract_strided_slice %exp3A_416 {offsets = [0, 2], sizes = [1024, 1], strides = [1, 1]} : vector<1024x4xf32> to vector<1024x1xf32>
    %slice3A_474 = vector.extract_strided_slice %exp3A_424 {offsets = [2, 0], sizes = [1, 1024], strides = [1, 1]} : vector<4x1024xf32> to vector<1x1024xf32>
    %mul3A_475 = vector.broadcast %slice3A_473 : vector<1024x1xf32> to vector<1024x1024xf32>
    %mul3A_476 = vector.broadcast %slice3A_474 : vector<1x1024xf32> to vector<1024x1024xf32>
    %mul3A_477 = arith.mulf %mul3A_475, %mul3A_476 : vector<1024x1024xf32>
    %slice3A_478 = vector.extract_strided_slice %exp3A_421 {offsets = [0, 2], sizes = [1024, 1], strides = [1, 1]} : vector<1024x4xf32> to vector<1024x1xf32>
    %slice3A_479 = vector.extract_strided_slice %exp3A_430 {offsets = [2, 0], sizes = [1, 1024], strides = [1, 1]} : vector<4x1024xf32> to vector<1x1024xf32>
    %mul3A_480 = vector.broadcast %slice3A_478 : vector<1024x1xf32> to vector<1024x1024xf32>
    %mul3A_481 = vector.broadcast %slice3A_479 : vector<1x1024xf32> to vector<1024x1024xf32>
    %mul3A_482 = arith.mulf %mul3A_480, %mul3A_481 : vector<1024x1024xf32>
    %max3A_483 = arith.maximumf %mul3A_477, %mul3A_482 : vector<1024x1024xf32>
    %mul3A_484 = arith.mulf %get3A_1, %max3A_483 : vector<1024x1024xf32>
    %slice3A_485 = vector.extract_strided_slice %dot_general3A_387 {offsets = [0, 32], sizes = [1024, 16], strides = [1, 1]} : vector<1024x64xf32> to vector<1024x16xf32>
    %concatenate3A_486 = tpu.concatenate %slice3A_485, %broadcast_in_dim3A_432 in 1 : vector<1024x16xf32>, vector<1024x1xf32> -> vector<1024x17xf32>
    %dot_general3A_487 = arith.constant dense<0.000000e+00> : vector<1024x17xf32>
    %dot_general3A_488 = tpu.matmul %mul3A_484, %concatenate3A_486, %dot_general3A_487 {dimension_numbers = #tpu.dot_dimension_numbers<[1], [0], [0], [1], [0, 0, 1, 1], [], []>, transpose_lhs_hint = false} : vector<1024x1024xf32>, vector<1024x17xf32>, vector<1024x17xf32> -> vector<1024x17xf32>
    %slice3A_489 = vector.extract_strided_slice %dot_general3A_488 {offsets = [0, 0], sizes = [1024, 16], strides = [1, 1]} : vector<1024x17xf32> to vector<1024x16xf32>
    %slice3A_490 = vector.extract_strided_slice %dot_general3A_488 {offsets = [0, 16], sizes = [1024, 1], strides = [1, 1]} : vector<1024x17xf32> to vector<1024x1xf32>
    %div3A_491 = vector.broadcast %slice3A_490 : vector<1024x1xf32> to vector<1024x16xf32>
    %div3A_492 = arith.divf %slice3A_489, %div3A_491 : vector<1024x16xf32>
    %slice3A_493 = vector.extract_strided_slice %exp3A_416 {offsets = [0, 3], sizes = [1024, 1], strides = [1, 1]} : vector<1024x4xf32> to vector<1024x1xf32>
    %slice3A_494 = vector.extract_strided_slice %exp3A_424 {offsets = [3, 0], sizes = [1, 1024], strides = [1, 1]} : vector<4x1024xf32> to vector<1x1024xf32>
    %mul3A_495 = vector.broadcast %slice3A_493 : vector<1024x1xf32> to vector<1024x1024xf32>
    %mul3A_496 = vector.broadcast %slice3A_494 : vector<1x1024xf32> to vector<1024x1024xf32>
    %mul3A_497 = arith.mulf %mul3A_495, %mul3A_496 : vector<1024x1024xf32>
    %slice3A_498 = vector.extract_strided_slice %exp3A_421 {offsets = [0, 3], sizes = [1024, 1], strides = [1, 1]} : vector<1024x4xf32> to vector<1024x1xf32>
    %slice3A_499 = vector.extract_strided_slice %exp3A_430 {offsets = [3, 0], sizes = [1, 1024], strides = [1, 1]} : vector<4x1024xf32> to vector<1x1024xf32>
    %mul3A_500 = vector.broadcast %slice3A_498 : vector<1024x1xf32> to vector<1024x1024xf32>
    %mul3A_501 = vector.broadcast %slice3A_499 : vector<1x1024xf32> to vector<1024x1024xf32>
    %mul3A_502 = arith.mulf %mul3A_500, %mul3A_501 : vector<1024x1024xf32>
    %max3A_503 = arith.maximumf %mul3A_497, %mul3A_502 : vector<1024x1024xf32>
    %mul3A_504 = arith.mulf %get3A_1, %max3A_503 : vector<1024x1024xf32>
    %slice3A_505 = vector.extract_strided_slice %dot_general3A_387 {offsets = [0, 48], sizes = [1024, 16], strides = [1, 1]} : vector<1024x64xf32> to vector<1024x16xf32>
    %concatenate3A_506 = tpu.concatenate %slice3A_505, %broadcast_in_dim3A_432 in 1 : vector<1024x16xf32>, vector<1024x1xf32> -> vector<1024x17xf32>
    %dot_general3A_507 = arith.constant dense<0.000000e+00> : vector<1024x17xf32>
    %dot_general3A_508 = tpu.matmul %mul3A_504, %concatenate3A_506, %dot_general3A_507 {dimension_numbers = #tpu.dot_dimension_numbers<[1], [0], [0], [1], [0, 0, 1, 1], [], []>, transpose_lhs_hint = false} : vector<1024x1024xf32>, vector<1024x17xf32>, vector<1024x17xf32> -> vector<1024x17xf32>
    %slice3A_509 = vector.extract_strided_slice %dot_general3A_508 {offsets = [0, 0], sizes = [1024, 16], strides = [1, 1]} : vector<1024x17xf32> to vector<1024x16xf32>
    %slice3A_510 = vector.extract_strided_slice %dot_general3A_508 {offsets = [0, 16], sizes = [1024, 1], strides = [1, 1]} : vector<1024x17xf32> to vector<1024x1xf32>
    %div3A_511 = vector.broadcast %slice3A_510 : vector<1024x1xf32> to vector<1024x16xf32>
    %div3A_512 = arith.divf %slice3A_509, %div3A_511 : vector<1024x16xf32>
    %concatenate3A_513 = tpu.concatenate %div3A_452, %div3A_472, %div3A_492, %div3A_512 in 1 : vector<1024x16xf32>, vector<1024x16xf32>, vector<1024x16xf32>, vector<1024x16xf32> -> vector<1024x64xf32>
    %get3A_514 = arith.constant 0 : index
    %get3A_515 = vector.load %arg21[%get3A_514] : memref<64xf32, #tpu.memory_space<vmem>>, vector<64xf32>
    %broadcast_in_dim3A_516 = vector.shape_cast %get3A_515 : vector<64xf32> to vector<1x64xf32>
    %add3A_517 = vector.broadcast %broadcast_in_dim3A_516 : vector<1x64xf32> to vector<1024x64xf32>
    %add3A_518 = arith.addf %concatenate3A_513, %add3A_517 : vector<1024x64xf32>
    %get3A_519 = arith.constant 0 : index
    %get3A_520 = vector.load %arg22[%get3A_519] : memref<64xf32, #tpu.memory_space<vmem>>, vector<64xf32>
    %get3A_521 = arith.constant 0 : index
    %get3A_522 = vector.load %arg23[%get3A_521] : memref<64xf32, #tpu.memory_space<vmem>>, vector<64xf32>
    %reduce_sum3A_523 = arith.constant dense<0.000000e+00> : vector<1024xf32>
    %reduce_sum3A_524 = vector.multi_reduction <add>, %add3A_518, %reduce_sum3A_523 [1] : vector<1024x64xf32> to vector<1024xf32>
    %broadcast_in_dim3A_525 = vector.shape_cast %reduce_sum3A_524 : vector<1024xf32> to vector<1024x1xf32>
    %div3A_526 = arith.constant 6.400000e+01 : f32
    %div3A_527 = vector.broadcast %div3A_526 : f32 to vector<1024x1xf32>
    %div3A_528 = arith.divf %broadcast_in_dim3A_525, %div3A_527 : vector<1024x1xf32>
    %sub3A_529 = vector.broadcast %div3A_528 : vector<1024x1xf32> to vector<1024x64xf32>
    %sub3A_530 = arith.subf %add3A_518, %sub3A_529 : vector<1024x64xf32>
    %integer_pow3A_531 = arith.mulf %sub3A_530, %sub3A_530 : vector<1024x64xf32>
    %reduce_sum3A_532 = arith.constant dense<0.000000e+00> : vector<1024xf32>
    %reduce_sum3A_533 = vector.multi_reduction <add>, %integer_pow3A_531, %reduce_sum3A_532 [1] : vector<1024x64xf32> to vector<1024xf32>
    %broadcast_in_dim3A_534 = vector.shape_cast %reduce_sum3A_533 : vector<1024xf32> to vector<1024x1xf32>
    %div3A_535 = arith.constant 6.400000e+01 : f32
    %div3A_536 = vector.broadcast %div3A_535 : f32 to vector<1024x1xf32>
    %div3A_537 = arith.divf %broadcast_in_dim3A_534, %div3A_536 : vector<1024x1xf32>
    %sub3A_538 = vector.broadcast %div3A_528 : vector<1024x1xf32> to vector<1024x64xf32>
    %sub3A_539 = arith.subf %add3A_518, %sub3A_538 : vector<1024x64xf32>
    %add3A_540 = arith.constant 9.99999974E-6 : f32
    %add3A_541 = vector.broadcast %add3A_540 : f32 to vector<1024x1xf32>
    %add3A_542 = arith.addf %div3A_537, %add3A_541 : vector<1024x1xf32>
    %sqrt3A_543 = math.sqrt %add3A_542 : vector<1024x1xf32>
    %div3A_544 = vector.broadcast %sqrt3A_543 : vector<1024x1xf32> to vector<1024x64xf32>
    %div3A_545 = arith.divf %sub3A_539, %div3A_544 : vector<1024x64xf32>
    %broadcast_in_dim3A_546 = vector.shape_cast %get3A_520 : vector<64xf32> to vector<1x64xf32>
    %mul3A_547 = vector.broadcast %broadcast_in_dim3A_546 : vector<1x64xf32> to vector<1024x64xf32>
    %mul3A_548 = arith.mulf %div3A_545, %mul3A_547 : vector<1024x64xf32>
    %broadcast_in_dim3A_549 = vector.shape_cast %get3A_522 : vector<64xf32> to vector<1x64xf32>
    %add3A_550 = vector.broadcast %broadcast_in_dim3A_549 : vector<1x64xf32> to vector<1024x64xf32>
    %add3A_551 = arith.addf %mul3A_548, %add3A_550 : vector<1024x64xf32>
    %max3A_552 = arith.constant 0.000000e+00 : f32
    %max3A_553 = vector.broadcast %max3A_552 : f32 to vector<1024x64xf32>
    %max3A_554 = arith.maximumf %add3A_551, %max3A_553 : vector<1024x64xf32>
    %add3A_555 = arith.addf %max3A_554, %add3A_382 : vector<1024x64xf32>
    %get3A_556 = arith.constant 0 : index
    %get3A_557 = arith.constant 0 : index
    %get3A_558 = vector.load %arg24[%get3A_556, %get3A_557] : memref<64x64xf32, #tpu.memory_space<vmem>>, vector<64x64xf32>
    %dot_general3A_559 = arith.constant dense<0.000000e+00> : vector<1024x64xf32>
    %dot_general3A_560 = tpu.matmul %add3A_555, %get3A_558, %dot_general3A_559 {dimension_numbers = #tpu.dot_dimension_numbers<[1], [0], [0], [1], [0, 0, 1, 1], [], []>, transpose_lhs_hint = false} : vector<1024x64xf32>, vector<64x64xf32>, vector<1024x64xf32> -> vector<1024x64xf32>
    %get3A_561 = arith.constant 0 : index
    %get3A_562 = vector.load %arg25[%get3A_561] : memref<64xf32, #tpu.memory_space<vmem>>, vector<64xf32>
    %broadcast_in_dim3A_563 = vector.shape_cast %get3A_562 : vector<64xf32> to vector<1x64xf32>
    %add3A_564 = vector.broadcast %broadcast_in_dim3A_563 : vector<1x64xf32> to vector<1024x64xf32>
    %add3A_565 = arith.addf %dot_general3A_560, %add3A_564 : vector<1024x64xf32>
    %reduce_sum3A_566 = arith.constant dense<0.000000e+00> : vector<64xf32>
    %reduce_sum3A_567 = vector.multi_reduction <add>, %add3A_565, %reduce_sum3A_566 [0] : vector<1024x64xf32> to vector<64xf32>
    %broadcast_in_dim3A_568 = vector.shape_cast %reduce_sum3A_567 : vector<64xf32> to vector<1x64xf32>
    %div3A_569 = arith.constant 1.024000e+03 : f32
    %div3A_570 = vector.broadcast %div3A_569 : f32 to vector<1x64xf32>
    %div3A_571 = arith.divf %broadcast_in_dim3A_568, %div3A_570 : vector<1x64xf32>
    %get3A_572 = arith.constant 0 : index
    %get3A_573 = arith.constant 0 : index
    %get3A_574 = vector.load %arg26[%get3A_572, %get3A_573] : memref<64x64xf32, #tpu.memory_space<vmem>>, vector<64x64xf32>
    %dot_general3A_575 = arith.constant dense<0.000000e+00> : vector<1024x64xf32>
    %dot_general3A_576 = tpu.matmul %add3A_565, %get3A_574, %dot_general3A_575 {dimension_numbers = #tpu.dot_dimension_numbers<[1], [0], [0], [1], [0, 0, 1, 1], [], []>, transpose_lhs_hint = false} : vector<1024x64xf32>, vector<64x64xf32>, vector<1024x64xf32> -> vector<1024x64xf32>
    %get3A_577 = arith.constant 0 : index
    %get3A_578 = arith.constant 0 : index
    %get3A_579 = vector.load %arg27[%get3A_577, %get3A_578] : memref<64x64xf32, #tpu.memory_space<vmem>>, vector<64x64xf32>
    %dot_general3A_580 = arith.constant dense<0.000000e+00> : vector<1x64xf32>
    %dot_general3A_581 = tpu.matmul %div3A_571, %get3A_579, %dot_general3A_580 {dimension_numbers = #tpu.dot_dimension_numbers<[1], [0], [0], [1], [0, 0, 1, 1], [], []>, transpose_lhs_hint = false} : vector<1x64xf32>, vector<64x64xf32>, vector<1x64xf32> -> vector<1x64xf32>
    %add3A_582 = vector.broadcast %dot_general3A_581 : vector<1x64xf32> to vector<1024x64xf32>
    %add3A_583 = arith.addf %dot_general3A_576, %add3A_582 : vector<1024x64xf32>
    %get3A_584 = arith.constant 0 : index
    %get3A_585 = vector.load %arg28[%get3A_584] : memref<64xf32, #tpu.memory_space<vmem>>, vector<64xf32>
    %broadcast_in_dim3A_586 = vector.shape_cast %get3A_585 : vector<64xf32> to vector<1x64xf32>
    %add3A_587 = vector.broadcast %broadcast_in_dim3A_586 : vector<1x64xf32> to vector<1024x64xf32>
    %add3A_588 = arith.addf %add3A_583, %add3A_587 : vector<1024x64xf32>
    %max3A_589 = arith.constant 0.000000e+00 : f32
    %max3A_590 = vector.broadcast %max3A_589 : f32 to vector<1024x64xf32>
    %max3A_591 = arith.maximumf %add3A_588, %max3A_590 : vector<1024x64xf32>
    %get3A_592 = arith.constant 0 : index
    %get3A_593 = arith.constant 0 : index
    %get3A_594 = vector.load %arg29[%get3A_592, %get3A_593] : memref<64x5xf32, #tpu.memory_space<vmem>>, vector<64x5xf32>
    %dot_general3A_595 = arith.constant dense<0.000000e+00> : vector<1024x5xf32>
    %dot_general3A_596 = tpu.matmul %max3A_591, %get3A_594, %dot_general3A_595 {dimension_numbers = #tpu.dot_dimension_numbers<[1], [0], [0], [1], [0, 0, 1, 1], [], []>, transpose_lhs_hint = false} : vector<1024x64xf32>, vector<64x5xf32>, vector<1024x5xf32> -> vector<1024x5xf32>
    %get3A_597 = arith.constant 0 : index
    %get3A_598 = vector.load %arg30[%get3A_597] : memref<5xf32, #tpu.memory_space<vmem>>, vector<5xf32>
    %broadcast_in_dim3A_599 = vector.shape_cast %get3A_598 : vector<5xf32> to vector<1x5xf32>
    %add3A_600 = vector.broadcast %broadcast_in_dim3A_599 : vector<1x5xf32> to vector<1024x5xf32>
    %add3A_601 = arith.addf %dot_general3A_596, %add3A_600 : vector<1024x5xf32>
    %reduce_max3A_602 = arith.constant dense<0xFF800000> : vector<1024xf32>
    %reduce_max3A_603 = vector.multi_reduction <maximumf>, %add3A_601, %reduce_max3A_602 [1] : vector<1024x5xf32> to vector<1024xf32>
    %broadcast_in_dim3A_604 = vector.shape_cast %reduce_max3A_603 : vector<1024xf32> to vector<1024x1xf32>
    %sub3A_605 = vector.broadcast %broadcast_in_dim3A_604 : vector<1024x1xf32> to vector<1024x5xf32>
    %sub3A_606 = arith.subf %add3A_601, %sub3A_605 : vector<1024x5xf32>
    %exp3A_607 = math.exp %sub3A_606 : vector<1024x5xf32>
    %reduce_sum3A_608 = arith.constant dense<0.000000e+00> : vector<1024xf32>
    %reduce_sum3A_609 = vector.multi_reduction <add>, %exp3A_607, %reduce_sum3A_608 [1] : vector<1024x5xf32> to vector<1024xf32>
    %broadcast_in_dim3A_610 = vector.shape_cast %reduce_sum3A_609 : vector<1024xf32> to vector<1024x1xf32>
    %div3A_611 = vector.broadcast %broadcast_in_dim3A_610 : vector<1024x1xf32> to vector<1024x5xf32>
    %div3A_612 = arith.divf %exp3A_607, %div3A_611 : vector<1024x5xf32>
    %swap3A = arith.constant 0 : index
    %swap3A_613 = arith.constant 0 : index
    %swap3A_614 = vector.load %arg36[%swap3A, %swap3A_613] : memref<1024x5xf32, #tpu.memory_space<vmem>>, vector<1024x5xf32>
    tpu.vector_store %arg36[%swap3A, %swap3A_613], %div3A_612 {strides = array<i32>} : memref<1024x5xf32, #tpu.memory_space<vmem>>, vector<1024x5xf32>,
    %get3A_615 = arith.constant 0 : index
    %get3A_616 = arith.constant 0 : index
    %get3A_617 = vector.load %arg31[%get3A_615, %get3A_616] : memref<64x64xf32, #tpu.memory_space<vmem>>, vector<64x64xf32>
    %dot_general3A_618 = arith.constant dense<0.000000e+00> : vector<1024x64xf32>
    %dot_general3A_619 = tpu.matmul %add3A_565, %get3A_617, %dot_general3A_618 {dimension_numbers = #tpu.dot_dimension_numbers<[1], [0], [0], [1], [0, 0, 1, 1], [], []>, transpose_lhs_hint = false} : vector<1024x64xf32>, vector<64x64xf32>, vector<1024x64xf32> -> vector<1024x64xf32>
    %get3A_620 = arith.constant 0 : index
    %get3A_621 = arith.constant 0 : index
    %get3A_622 = vector.load %arg32[%get3A_620, %get3A_621] : memref<64x64xf32, #tpu.memory_space<vmem>>, vector<64x64xf32>
    %dot_general3A_623 = arith.constant dense<0.000000e+00> : vector<1x64xf32>
    %dot_general3A_624 = tpu.matmul %div3A_571, %get3A_622, %dot_general3A_623 {dimension_numbers = #tpu.dot_dimension_numbers<[1], [0], [0], [1], [0, 0, 1, 1], [], []>, transpose_lhs_hint = false} : vector<1x64xf32>, vector<64x64xf32>, vector<1x64xf32> -> vector<1x64xf32>
    %add3A_625 = vector.broadcast %dot_general3A_624 : vector<1x64xf32> to vector<1024x64xf32>
    %add3A_626 = arith.addf %dot_general3A_619, %add3A_625 : vector<1024x64xf32>
    %get3A_627 = arith.constant 0 : index
    %get3A_628 = vector.load %arg33[%get3A_627] : memref<64xf32, #tpu.memory_space<vmem>>, vector<64xf32>
    %broadcast_in_dim3A_629 = vector.shape_cast %get3A_628 : vector<64xf32> to vector<1x64xf32>
    %add3A_630 = vector.broadcast %broadcast_in_dim3A_629 : vector<1x64xf32> to vector<1024x64xf32>
    %add3A_631 = arith.addf %add3A_626, %add3A_630 : vector<1024x64xf32>
    %max3A_632 = arith.constant 0.000000e+00 : f32
    %max3A_633 = vector.broadcast %max3A_632 : f32 to vector<1024x64xf32>
    %max3A_634 = arith.maximumf %add3A_631, %max3A_633 : vector<1024x64xf32>
    %get3A_635 = arith.constant 0 : index
    %get3A_636 = arith.constant 0 : index
    %get3A_637 = vector.load %arg34[%get3A_635, %get3A_636] : memref<64x1xf32, #tpu.memory_space<vmem>>, vector<64x1xf32>
    %dot_general3A_638 = arith.constant dense<0.000000e+00> : vector<1024x1xf32>
    %dot_general3A_639 = tpu.matmul %max3A_634, %get3A_637, %dot_general3A_638 {dimension_numbers = #tpu.dot_dimension_numbers<[1], [0], [0], [1], [0, 0, 1, 1], [], []>, transpose_lhs_hint = false} : vector<1024x64xf32>, vector<64x1xf32>, vector<1024x1xf32> -> vector<1024x1xf32>
    %get3A_640 = arith.constant 0 : index
    %get3A_641 = vector.load %arg35[%get3A_640] : memref<1xf32, #tpu.memory_space<vmem>>, vector<1xf32>
    %broadcast_in_dim3A_642 = vector.shape_cast %get3A_641 : vector<1xf32> to vector<1x1xf32>
    %add3A_643 = vector.broadcast %broadcast_in_dim3A_642 : vector<1x1xf32> to vector<1024x1xf32>
    %add3A_644 = arith.addf %dot_general3A_639, %add3A_643 : vector<1024x1xf32>
    %swap3A_645 = arith.constant 0 : index
    %swap3A_646 = arith.constant 0 : index
    %swap3A_647 = vector.load %arg37[%swap3A_645, %swap3A_646] : memref<1024x1xf32, #tpu.memory_space<vmem>>, vector<1024x1xf32>
    tpu.vector_store %arg37[%swap3A_645, %swap3A_646], %add3A_644 {strides = array<i32>} : memref<1024x1xf32, #tpu.memory_space<vmem>>, vector<1024x1xf32>,
    return
  }
}

</mosaic_0001>

<sc_bundles>
// kernel: kernel.4.cloned.1.call-start
scs
__scs_entry_jumppad:
0x0: {  	(pc) =	sbr.rel $0x88, $3  }
0x1: {  	(tag) =	ssettag $0x0;
	lr =	simm.s32 $0x1  }
0x2: {  	[smem:$0x3F7F] =	sst lr;
	_ =	strace $0xD0000000  }
0x3: {  	_ = 	snop  }
0x4: {  	_ = 	snop  }
0x5: {  	_ = 	snop  }
0x6: {  	_ = 	snop  }
0x7: {  	_ = 	snop  }
__scs_overlays_trampoline_lowered:
0x8: {  	[smem:$0x3F8E] =	sst s0  }
0x9: {  	[smem:$0x3F8F] =	sst s1  }
0xa: {  	[smem:$0x3F90] =	sst s2  }
0xb: {  	[smem:$0x3F91] =	sst s3  }
0xc: {  	[smem:$0x3F92] =	sst s4  }
0xd: {  	[smem:$0x3F93] =	sst s5  }
0xe: {  	[smem:$0x3F94] =	sst s6  }
0xf: {  	[smem:$0x3F95] =	sst s7  }
0x10: {  	[smem:$0x3F96] =	sst s8  }
0x11: {  	[smem:$0x3F97] =	sst s9;
	s0 =	simm.s32 @!p0 $0x0  }
0x12: {  	s1 =	sld [smem:$0x3F7D];
	s0 =	simm.s32 @p0 $0x1  }
0x13: {  	[smem:$0x3F98] =	sst s0;
	s0 =	simm.s32 @!p1 $0x0  }
0x14: {  	s2 =	sld [smem:$0x3F7C];
	s0 =	simm.s32 @p1 $0x1  }
0x15: {  	[smem:$0x3F99] =	sst s0;
	s0 =	simm.s32 @!p2 $0x0  }
0x16: {  	s3 =	sld [smem:$0x3FDB];
	s0 =	simm.s32 @p2 $0x1  }
0x17: {  	s4 =	simm.s32 $0x1BF5;
	[smem:$0x3F9B] =	sst s0  }
0x18: {  	s0 =	sld [smem:$0x3F7E];
	_ =	swait.ge [sflag:s4], $0x0  }
0x19: {  	s7 =	sld [smem:$0x3F7F]  }
0x1a: {  	s8 =	sadd.s32 $0xFFFFE003, lr  }
0x1b: {  	s9 =	sadd.s32 $0xFFFFFEF7, lr;
	s5 =	simm.s32 $0xFFFFFFFF;
	p2 =	slt.u32 s8, $0xFFFFF086  }
0x1c: {  	p1 =	slt.u32 s9, $0xF7A;
	s5 =	simm.s32 @!p2 $0x0  }
0x1d: {  	s5 =	simm.s32 @p1 $0x1;
	p0 =	seq.s32 s7, s2  }
0x1e: {  	s7 =	smul.u32 @!p0 $0xF7A, s2;
	p2 =	seq.s32 @!p0 s5, $0x0  }
0x1f: {  	s9 =	smul.u32 $0xF7A, s1;
	s8 =	simm.s32 @!p0 $0x1BF5;
	p2 =	por !p2, p0  }
0x20: {  	[sflag:s8] =	ssyncset.s32 @!p0 $0xFFFFF086;
	s6 =	sadd.s32 @!p0 s3, s7;
	s7 =	simm.s32 @!p0 $0x108  }
0x21: {  	s3 =	sadd.s32 s3, s9;
	s6 =	sadd.s32 @!p0 $0x88, s6;
	s7 =	simm.s32 @p2 $0x1082  }
0x22: {  	[simem:s7], [sflag:s8] =	dma.local @!p0 [hbm:s6], $0xF7A  }
0x23: {  	s9 =	sor.u32 $0xD0000000, s2;
	s6 =	simm.s32 $0x108;
	_ =	swait.ge @!p0 [sflag:s8], $0x0  }
0x24: {  	s3 =	sadd.s32 $0x88, s3;
	s6 =	simm.s32 @!p1 $0x1082;
	[sflag:s4] =	ssyncset.s32 $0xFFFFF086  }
0x25: {  	[simem:s6], [sflag:s4] =	dma.local [hbm:s3], $0xF7A  }
0x26: {  	[smem:$0x3F7F] =	sst s1;
	(tag) =	ssettag s2;
	_ =	strace s9  }
0x27: {  	s1 =	sld [smem:$0x3F8F]  }
0x28: {  	s2 =	sld [smem:$0x3F90]  }
0x29: {  	s4 =	sld [smem:$0x3F92]  }
0x2a: {  	p0 =	seq.s32 s5, $0x0;
	s5 =	sld [smem:$0x3F93]  }
0x2b: {  	s6 =	sld [smem:$0x3F94]  }
0x2c: {  	s7 =	sld [smem:$0x3F95]  }
0x2d: {  	s3 =	simm.s32 $0x108;
	s8 =	sld [smem:$0x3F96]  }
0x2e: {  	s3 =	simm.s32 @!p0 $0x1082;
	s9 =	sld [smem:$0x3F97]  }
0x2f: {  	lr =	sadd.s32 s0, s3;
	s0 =	sld [smem:$0x3F8E]  }
0x30: {  	s3 =	sld [smem:$0x3F91]  }
0x31: {  	[smem:$0x3F9A] =	sst s10  }
0x32: {  	s10 =	sld [smem:$0x3F98];
	_ =	sdelay $0x3  }
0x33: {  	p0 =	seq.s32 s10, $0x1;
	s10 =	sld [smem:$0x3F9A];
	_ =	sdelay $0x3  }
0x34: {  	[smem:$0x3F9A] =	sst s10  }
0x35: {  	s10 =	sld [smem:$0x3F99];
	_ =	sdelay $0x3  }
0x36: {  	p1 =	seq.s32 s10, $0x1;
	s10 =	sld [smem:$0x3F9A];
	_ =	sdelay $0x3  }
0x37: {  	[smem:$0x3F9A] =	sst s10  }
0x38: {  	s10 =	sld [smem:$0x3F9B]  }
0x39: {  	_ = 	snop;
	(pc) =	sbr.ind lr, $3  }
0x3a: {  	_ = 	snop  }
0x3b: {  	_ = 	snop  }
0x3c: {  	p2 =	seq.s32 s10, $0x1;
	s10 =	sld [smem:$0x3F9A]  }
0x3d: {  	_ =	shalt  }
0x3e: {  	_ =	shalt  }
0x3f: {  	_ =	shalt  }
0x40: {  	_ =	shalt  }
0x41: {  	_ =	shalt  }
0x42: {  	_ =	shalt  }
0x43: {  	_ =	shalt  }
0x44: {  	_ =	shalt  }
0x45: {  	_ =	shalt  }
0x46: {  	_ =	shalt  }
0x47: {  	_ =	shalt  }
0x48: {  	_ =	shalt  }
0x49: {  	_ =	shalt  }
0x4a: {  	_ =	shalt  }
0x4b: {  	_ =	shalt  }
0x4c: {  	_ =	shalt  }
0x4d: {  	_ =	shalt  }
0x4e: {  	_ =	shalt  }
0x4f: {  	_ =	shalt  }
0x50: {  	_ =	shalt  }
0x51: {  	_ =	shalt  }
0x52: {  	_ =	shalt  }
0x53: {  	_ =	shalt  }
0x54: {  	_ =	shalt  }
0x55: {  	_ =	shalt  }
0x56: {  	_ =	shalt  }
0x57: {  	_ =	shalt  }
0x58: {  	_ =	shalt  }
0x59: {  	_ =	shalt  }
0x5a: {  	_ =	shalt  }
0x5b: {  	_ =	shalt  }
0x5c: {  	_ =	shalt  }
0x5d: {  	_ =	shalt  }
0x5e: {  	_ =	shalt  }
0x5f: {  	_ =	shalt  }
0x60: {  	_ =	shalt  }
0x61: {  	_ =	shalt  }
0x62: {  	_ =	shalt  }
0x63: {  	_ =	shalt  }
0x64: {  	_ =	shalt  }
0x65: {  	_ =	shalt  }
0x66: {  	_ =	shalt  }
0x67: {  	_ =	shalt  }
0x68: {  	_ =	shalt  }
0x69: {  	_ =	shalt  }
0x6a: {  	_ =	shalt  }
0x6b: {  	_ =	shalt  }
0x6c: {  	_ =	shalt  }
0x6d: {  	_ =	shalt  }
0x6e: {  	_ =	shalt  }
0x6f: {  	_ =	shalt  }
0x70: {  	_ =	shalt  }
0x71: {  	_ =	shalt  }
0x72: {  	_ =	shalt  }
0x73: {  	_ =	shalt  }
0x74: {  	_ =	shalt  }
0x75: {  	_ =	shalt  }
0x76: {  	_ =	shalt  }
0x77: {  	_ =	shalt  }
0x78: {  	_ =	shalt  }
0x79: {  	_ =	shalt  }
0x7a: {  	_ =	shalt  }
0x7b: {  	_ =	shalt  }
0x7c: {  	_ =	shalt  }
0x7d: {  	_ =	shalt  }
0x7e: {  	_ =	shalt  }
0x7f: {  	_ =	shalt  }
0x80: {  	_ =	shalt  }
0x81: {  	_ =	shalt  }
0x82: {  	_ =	shalt  }
0x83: {  	_ =	shalt  }
0x84: {  	_ =	shalt  }
0x85: {  	_ =	shalt  }
0x86: {  	_ =	shalt  }
0x87: {  	_ =	shalt  }
.Lfunc_end0:
.L_simem_size_0:
called_computation_lowered:
.L_overlay_start_0:
0x88: {  	s2 =	sld [smem:$0x3FD9]  }
0x89: {  	s3 =	sld [smem:$0x3FFE];
	_ =	sdelay $0x1  }
0x8a: {  	s1 =	srdreg.scid  }
0x8b: {  	s0 =	sand.u32 $0x1, s1  }
0x8c: {  	s16 =	sshll.u32 s0, $0xA;
	s2 =	sadd.s32 s3, s2  }
0x8d: {  	s2 =	sadd.s32 s2, s16  }
0x8e: {  	[smem:$0x3FA6] =	sst s2  }
0x8f: {  	_ = 	snop  }
0x90: {  	(tm) =	ssettm $0x1  }
0x91: {  	s17 =	sld [smem:$0x3FFB];
	_ =	sdelay $0x3  }
0x92: {  	_ =	strace s17  }
0x93: {  	s2 =	sld [smem:$0x3FFC];
	_ =	sdelay $0x3  }
0x94: {  	_ =	strace s2  }
0x95: {  	s2 =	sld [smem:$0x3FFD];
	_ =	sdelay $0x3  }
0x96: {  	_ =	strace s2  }
0x97: {  	_ =	strace $0x8FFFFFFF  }
0x98: {  	s18 =	sld [smem:$0x3FDB];
	_ =	sdelay $0x1  }
0x99: {  	s19 =	simm.s32 $_scs_section_size  }
0x9a: {  	s4 =	simm.s32 $_size__tile_overlayer_lowered;
	s5 =	simm.s32 $_tile_overlayer_lowered  }
0x9b: {  	s22 =	simm.s32 $0x1BFF;
	s21 =	sshll.u32 s5, $0x1;
	s2 =	sadd.s32 s19, s18  }
0x9c: {  	s6 =	simm.s32 $0x0;
	s20 =	sshll.u32 s4, $0x1;
	s4 =	sadd.s32 s21, s2  }
0x9d: {  	[timem:s6], [sflag:s22] =	dma.local [hbm:s4], s20  }
0x9e: {  	_ =	swait.ge [sflag:s22], s20  }
0x9f: {  	s3 =	ssub.s32 $0x0, s20;
	[sflag:s22] =	ssyncset.done $0x0  }
0xa0: {  	[sflag:s22] =	ssyncadd.s32 s3;
	_ =	sdelay $0x1  }
0xa1: {  	s23 =	simm.s32 $0x1B8B  }
0xa2: {  	_ =	swait.ge [sflag:s23], $0x1  }
0xa3: {  	[sflag:s23] =	ssyncset.done $0x0  }
0xa4: {  	s25 =	simm.s32 $0x1B8E;
	s24 =	sld [smem:$0x3FFE];
	[sflag:s23] =	ssyncadd.s32 $0xFFFFFFFF  }
0xa5: {  	s26 =	simm.s32 $execute0_lowered;
	[smem:$0x3FD2] =	sst s25  }
0xa6: {  	s4 =	sshll.u32 s26, $0x1;
	_ =	strace $0x80000046;
	[dreg:$0x1] =	wrdreg $0xFFFFFFFF  }
0xa7: {  	s28 =	simm.s32 $_size_execute0_lowered;
	s2 =	sadd.s32 s2, s4;
	[dreg:$0x0] =	wrdreg $0x0  }
0xa8: {  	s4 =	sshll.u32 s28, $0x1;
	[dreg:$0x2] =	wrdreg s2  }
0xa9: {  	[dreg:$0x3] =	wrdreg s4  }
0xaa: {  	[dreg:$0x4] =	wrdreg $0xC0  }
0xab: {  	_ =	task [dreg:s6], $0x5FFFF  }
0xac: {  	[dreg:$0x1] =	wrdreg $0xFFFFFFFF  }
0xad: {  	[dreg:$0x0] =	wrdreg $0x60  }
0xae: {  	[dreg:$0x2] =	wrdreg s24  }
0xaf: {  	[dreg:$0x3] =	wrdreg $0x1E800  }
0xb0: {  	[dreg:$0x4] =	wrdreg $0x9  }
0xb1: {  	_ =	task.clear_ibuf [dreg:s6], $0x5FFFF;
	_ =	strace $0x90000046  }
0xb2: {  	s29 =	simm.s32 $0x9;
	_ =	strace $0x80000048  }
0xb3: {  	_ =	swait.ge [sflag:s29], $0x1  }
0xb4: {  	[sflag:s29] =	ssyncadd.s32 $0xFFFFFFFF  }
0xb5: {  	_ =	strace $0x90000048  }
0xb6: {  	_ =	sfence  }
0xb7: {  	s30 =	sld [smem:$0x0];
	_ =	sdelay $0x2  }
0xb8: {  	s31 =	sshll.u32 s1, $0xD;
	s1 =	sshrl.u32 s1, $0x2  }
0xb9: {  	s3 =	sand.u32 $0x4000, s31;
	s1 =	sadd.s32 s1, s30  }
0xba: {  	s0 =	sor.u32 s3, s0;
	s1 =	sshll.u32 s1, $0x11  }
0xbb: {  	s0 =	sor.u32 s1, s0  }
0xbc: {  	s0 =	sadd.s32 $0x8F2B, s0  }
0xbd: {  	[sflag:s0] =	ssyncadd.remote.s32 $0x1  }
0xbe: {  	_ =	sfence.sel $0xFFFF  }
0xbf: {  	[dreg:$0x0] =	wrdreg $0xFFFFFFFF;
	(pc) =	sbr.abs _section_cstart, $3  }
0xc0: {  	[dreg:$0x1] =	wrdreg $0xFFFFFFFF  }
0xc1: {  	_ =	task.clear_ibuf [dreg:s6], $0x2FFFF;
	_ =	strace $0x9FFFFFFF  }
0xc2: {  	(tm) =	ssettm $0x7FFFFFFF  }
0xc3: {  	_ =	shalt  }
tec
execute0_lowered:
.L_overlay_start_1:
0x0: {  	(tag) =	ssettag $0x1  }
0x1: {  	s4 =	rddreg [dreg:$0x0]  }
0x2: {  	s2 =	rddreg [dreg:$0x1];
	s3 =	simm.s32 $0x0;
	s0 =	stileid.u32  }
0x3: {  	s6 =	srdreg.scid;
	s26 =	simm.s32 $0x900;
	s12 =	simm.s32 $0x1280  }
0x4: {  	s13 =	simm.s32 $0x1300;
	s14 =	simm.s32 $0x1380;
	s15 =	simm.s32 $0x1400  }
0x5: {  	s16 =	simm.s32 $0x1480;
	s17 =	simm.s32 $0x1500;
	s18 =	simm.s32 $0x1580  }
0x6: {  	s19 =	simm.s32 $0x1600;
	s20 =	simm.s32 $0x1680;
	s21 =	simm.s32 $0x1700  }
0x7: {  	s28 =	simm.s32 $0x1A00;
	s30 =	simm.s32 $0x3;
	s31 =	simm.s32 $0x4  }
0x8: {  	[smem:$0x7FF] =	sst s3;
	s5 =	smul.u32 $0x120, s0;
	s7 =	sadd.s32 $0x5C00, s4  }
0x9: {  	s6 =	sand.u32 $0x1, s6;
	s22 =	sshll.u32 s0, $0xC;
	s23 =	sshll.u32 s0, $0xF  }
0xa: {  	_ =	strace $0x80000047;
	[dreg:$0x3] =	wrdreg s7;
	s8 =	ssub.s32 $0x2, s6  }
0xb: {  	s7 =	sadd.s32 s22, s4;
	s11 =	sshll.u32 s6, $0x10;
	s29 =	sshll.u32 s6, $0x9  }
0xc: {  	[dreg:$0x8] =	wrdreg s26;
	s22 =	simm.s32 $0x1780;
	s26 =	simm.s32 $0x1980  }
0xd: {  	s5 =	sadd.s32 s5, s4;
	s9 =	sshrl.u32 s8, $0x1;
	s4 =	sshll.u32 s0, $0x6  }
0xe: {  	s7 =	sadd.s32 s11, s7;
	s11 =	simm.s32 $0x1E00;
	s10 =	sor.u32 $0x1C01, s4  }
0xf: {  	v0 =	vmov s29;
	s29 =	simm.s32 $0x1A80;
	s24 =	sadd.s32 $0x4A00, s5;
	[dreg:$0x4] =	wrdreg s10  }
0x10: {  	s8 =	ssub.s32 s8, s9;
	s5 =	sadd.s32 $0x3800, s5;
	[dreg:$0x5] =	wrdreg s24  }
0x11: {  	s9 =	sadd.s32 s23, s2;
	s25 =	sadd.s32 $0x6C00, s7;
	[dreg:$0x6] =	wrdreg s5  }
0x12: {  	s7 =	simm.s32 $0x2;
	s23 =	simm.s32 $0x1800;
	[dreg:$0x7] =	wrdreg s25  }
0x13: {  	s5 =	smax.u32 s8, $0x1;
	s6 =	sshrl.u32 s9, $0x3;
	s8 =	simm.s32 $0x1  }
0x14: {  	s9 =	simm.s32 $0x80;
	s24 =	simm.s32 $0x1880;
	s25 =	simm.s32 $0x1900  }
.LBB2_1:
0x15: {  	s0 =	rddreg [dreg:$0x3]  }
0x16: {  	s1 =	rddreg [dreg:$0x4]  }
0x17: {  	[spmem:s6], [sflag:s1] =	dma.local [hbm:s0], $0x1000  }
0x18: {  	s0 =	rddreg [dreg:$0x5]  }
0x19: {  	s1 =	rddreg [dreg:$0x6]  }
0x1a: {  	[tilespmem:s3], [sflag:$0x2] =	stream.linear.gather [hbm4b:s0+s3], $0x900, $0x38;
	[tilespmem:$0x9EC0] =	vst v63  }
0x1b: {  	s10 =	rddreg [dreg:$0x8]  }
0x1c: {  	v1 =	vimm.f32 $1.000000000e+00;
	[tilespmem:s10], [sflag:$0x2] =	stream.linear.gather [hbm4b:s1+s3], $0x900, $0x38;
	[tilespmem:$0x9EC0] =	vst v63  }
0x1d: {  	[tilespmem:$0x1E00] =	vst v1  }
0x1e: {  	[tilespmem:$0x1E10] =	vst v1  }
0x1f: {  	[tilespmem:$0x1E20] =	vst v1  }
0x20: {  	[tilespmem:$0x1E30] =	vst v1  }
0x21: {  	[tilespmem:$0x1E40] =	vst v1  }
0x22: {  	[tilespmem:$0x1E50] =	vst v1  }
0x23: {  	[tilespmem:$0x1E60] =	vst v1  }
0x24: {  	[tilespmem:$0x1E70] =	vst v1  }
0x25: {  	_ =	swait.ge [sflag:s7], $0x900  }
0x26: {  	[sflag:s7] =	ssyncset.done $0x0  }
0x27: {  	[sflag:s7] =	ssyncadd.s32 $0xFFFFF700  }
0x28: {  	_ =	swait.ge [sflag:s7], $0x900  }
0x29: {  	[sflag:s7] =	ssyncset.done $0x0  }
0x2a: {  	[sflag:s7] =	ssyncadd.s32 $0xFFFFF700  }
0x2b: {  	v2 =	vld [tilespmem:$0x0]  }
0x2c: {  	v3 =	vld [tilespmem:$0x900]  }
0x2d: {  	v4 =	vld [tilespmem:$0x10]  }
0x2e: {  	v5 =	vld [tilespmem:$0x910]  }
0x2f: {  	v6 =	vld [tilespmem:$0x20]  }
0x30: {  	v7 =	vld [tilespmem:$0x920]  }
0x31: {  	v8 =	vld [tilespmem:$0x30]  }
0x32: {  	v16 =	vld [tilespmem:$0x930]  }
0x33: {  	v18 =	vld [tilespmem:$0x40]  }
0x34: {  	v17 =	vld [tilespmem:$0x940]  }
0x35: {  	v19 =	vld [tilespmem:$0x50]  }
0x36: {  	v21 =	vld [tilespmem:$0x950]  }
0x37: {  	v22 =	vld [tilespmem:$0x60]  }
0x38: {  	v23 =	vld [tilespmem:$0x960]  }
0x39: {  	v28 =	vld [tilespmem:$0x70]  }
0x3a: {  	v29 =	vld [tilespmem:$0x970]  }
0x3b: {  	v30 =	vld [tilespmem:$0x80]  }
0x3c: {  	v33 =	vld [tilespmem:$0x980]  }
0x3d: {  	v34 =	vld [tilespmem:$0x90]  }
0x3e: {  	v37 =	vld [tilespmem:$0x990]  }
0x3f: {  	v42 =	vld [tilespmem:$0xA0]  }
0x40: {  	v41 =	vld [tilespmem:$0x9A0]  }
0x41: {  	v44 =	vld [tilespmem:$0xB0]  }
0x42: {  	v45 =	vld [tilespmem:$0x9B0]  }
0x43: {  	v46 =	vld [tilespmem:$0xC0]  }
0x44: {  	v49 =	vld [tilespmem:$0x9C0]  }
0x45: {  	v50 =	vld [tilespmem:$0xD0]  }
0x46: {  	v51 =	vld [tilespmem:$0x9D0]  }
0x47: {  	v52 =	vld [tilespmem:$0xE0]  }
0x48: {  	v53 =	vld [tilespmem:$0x9E0]  }
0x49: {  	v54 =	vld [tilespmem:$0xF0]  }
0x4a: {  	v55 =	vld [tilespmem:$0x9F0]  }
0x4b: {  	v56 =	vld [tilespmem:$0x100]  }
0x4c: {  	v57 =	vld [tilespmem:$0xA00]  }
0x4d: {  	v58 =	vld [tilespmem:$0x110]  }
0x4e: {  	v59 =	vld [tilespmem:$0xA10]  }
0x4f: {  	v60 =	vld [tilespmem:$0x120]  }
0x50: {  	v61 =	vld [tilespmem:$0xA20]  }
0x51: {  	v38 =	vld [tilespmem:$0x130]  }
0x52: {  	v62 =	vld [tilespmem:$0xA30]  }
0x53: {  	v43 =	vld [tilespmem:$0x140]  }
0x54: {  	v63 =	vld [tilespmem:$0xA40]  }
0x55: {  	v9 =	vld [tilespmem:$0x150]  }
0x56: {  	v48 =	vld [tilespmem:$0xA50]  }
0x57: {  	v35 =	vld [tilespmem:$0x160]  }
0x58: {  	v47 =	vld [tilespmem:$0xA60]  }
0x59: {  	v12 =	vld [tilespmem:$0x170]  }
0x5a: {  	v39 =	vld [tilespmem:$0xA70]  }
0x5b: {  	v13 =	vld [tilespmem:$0x180]  }
0x5c: {  	v1 =	vld [tilespmem:$0x1A0]  }
0x5d: {  	v36 =	vld [tilespmem:$0xA80]  }
0x5e: {  	v15 =	vld [tilespmem:$0x190]  }
0x5f: {  	v24 =	vld [tilespmem:$0xA90];
	v3 =	vsub.s32 v3, v0;
	v7 =	vsub.s32 v7, v0;
	v16 =	vsub.s32 v16, v0  }
0x60: {  	v20 =	vld [tilespmem:$0xAA0];
	v31 =	vsub.s32 v17, v0;
	v40 =	vsub.s32 v21, v0;
	v23 =	vsub.s32 v23, v0  }
0x61: {  	[tilespmem:$0x1FC30] =	vst v1;
	v1 =	vld [tilespmem:$0x1B0];
	v17 =	vsub.s32 v41, v0;
	v14 =	vshll.u32 v3, $0xA;
	vm0 =	vlt.u32 v3, $0x200  }
0x62: {  	v25 =	vld [tilespmem:$0xAB0];
	v3 =	vsub.s32 v5, v0;
	v11 =	vshll.u32 v7, $0xA;
	vm1 =	vlt.u32 v7, $0x200  }
0x63: {  	v26 =	vld [tilespmem:$0xAC0];
	v27 =	vshll.u32 v16, $0xA;
	vm11 =	vlt.u32 v16, $0x200;
	v32 =	vshll.u32 v31, $0xA  }
0x64: {  	v41 =	vld [tilespmem:$0xB20];
	vm12 =	vlt.u32 v31, $0x200;
	v21 =	vshll.u32 v40, $0xA;
	vm13 =	vlt.u32 v40, $0x200  }
0x65: {  	v16 =	vld [tilespmem:$0x1E0];
	v40 =	vshll.u32 v23, $0xA;
	v2 =	vadd.s32 v2, v14;
	v5 =	vshll.u32 v3, $0xA  }
0x66: {  	v31 =	vld [tilespmem:$0xAE0];
	vm10 =	vlt.u32 v3, $0x200;
	v3 =	vadd.s32 v4, v5;
	[tilespmem:$0x1FC40] =	vst v1;
	v1 =	vnsel vm0, $0x80000, v2  }
0x67: {  	vm14 =	vlt.u32 v23, $0x200;
	v23 =	vld [tilespmem:$0x230];
	v4 =	vadd.s32 v6, v11;
	[tilespmem:$0x1FCA0] =	vst v1;
	v1 =	vnsel vm10, $0x80000, v3  }
0x68: {  	v14 =	vld [tilespmem:$0x1C0];
	[tilespmem:$0x1FCB0] =	vst v1;
	v1 =	vnsel vm1, $0x80000, v4  }
0x69: {  	[tilespmem:$0x1FCC0] =	vst v1;
	v1 =	vld [tilespmem:$0x1D0]  }
0x6a: {  	v7 =	vadd.s32 v19, v21;
	v19 =	vld [tilespmem:$0x200]  }
0x6b: {  	v10 =	vsub.s32 v37, v0;
	v45 =	vsub.s32 v45, v0;
	v21 =	vld [tilespmem:$0x210]  }
0x6c: {  	v55 =	vsub.s32 v55, v0;
	vm8 =	vlt.u32 v10, $0x200;
	v11 =	vadd.s32 v18, v32;
	v18 =	vld [tilespmem:$0x1F0]  }
0x6d: {  	v37 =	vshll.u32 v17, $0xA;
	v32 =	vld [tilespmem:$0xAF0];
	v5 =	vsub.s32 v29, v0;
	v4 =	vadd.s32 v8, v27  }
0x6e: {  	v29 =	vld [tilespmem:$0x250];
	v6 =	vshll.u32 v5, $0xA;
	vm10 =	vlt.u32 v5, $0x200;
	[tilespmem:$0x1FC50] =	vst v1;
	v1 =	vnsel vm11, $0x80000, v4  }
0x6f: {  	v27 =	vld [tilespmem:$0xAD0];
	v4 =	vadd.s32 v42, v37;
	vm11 =	vlt.u32 v45, $0x200;
	[tilespmem:$0x1FCD0] =	vst v1;
	v1 =	vnsel vm12, $0x80000, v11  }
0x70: {  	v42 =	vld [tilespmem:$0xB30];
	v11 =	vshll.u32 v10, $0xA;
	v10 =	vsub.s32 v49, v0;
	v49 =	vsub.s32 v53, v0  }
0x71: {  	[tilespmem:$0x1FCE0] =	vst v1;
	v1 =	vnsel vm13, $0x80000, v7;
	v7 =	vadd.s32 v22, v40;
	v40 =	vld [tilespmem:$0xB10];
	v3 =	vadd.s32 v34, v11  }
0x72: {  	v22 =	vld [tilespmem:$0x220];
	vm12 =	vlt.u32 v10, $0x200;
	v11 =	vshll.u32 v10, $0xA;
	vm9 =	vlt.u32 v49, $0x200  }
0x73: {  	v10 =	vsub.s32 v57, v0;
	v34 =	vld [tilespmem:$0x270];
	[tilespmem:$0x1FCF0] =	vst v1;
	v1 =	vnsel vm14, $0x80000, v7;
	v7 =	vsub.s32 v33, v0  }
0x74: {  	v33 =	vld [tilespmem:$0xB00];
	vm14 =	vlt.u32 v17, $0x200;
	v17 =	vsub.s32 v51, v0;
	v51 =	vshll.u32 v49, $0xA  }
0x75: {  	vm15 =	vlt.u32 v10, $0x200;
	v49 =	vld [tilespmem:$0xB70];
	[tilespmem:$0x1FD00] =	vst v1;
	v1 =	vadd.s32 v28, v6;
	v8 =	vshll.u32 v7, $0xA  }
0x76: {  	vm7 =	vlt.u32 v7, $0x200;
	v28 =	vld [tilespmem:$0x240];
	v6 =	vadd.s32 v46, v11;
	v37 =	vshll.u32 v17, $0xA  }
0x77: {  	v7 =	vadd.s32 v52, v51;
	v11 =	vshll.u32 v10, $0xA;
	v46 =	vld [tilespmem:$0xB60];
	v51 =	vsub.s32 v20, v0  }
0x78: {  	v10 =	vld [tilespmem:$0xB80];
	v52 =	vsub.s32 v25, v0;
	v2 =	vadd.s32 v30, v8;
	v8 =	vshll.u32 v45, $0xA  }
0x79: {  	v20 =	vld [tilespmem:$0xBD0];
	v53 =	vadd.s32 v50, v37;
	v50 =	vsub.s32 v36, v0;
	v2 =	vnsel vm7, $0x80000, v2  }
0x7a: {  	v25 =	vld [tilespmem:$0xBE0];
	v5 =	vadd.s32 v44, v8;
	v8 =	vshll.u32 v55, $0xA;
	[tilespmem:$0x1FD20] =	vst v2;
	v2 =	vshll.u32 v50, $0xA  }
0x7b: {  	v45 =	vld [tilespmem:$0xB50];
	v54 =	vadd.s32 v54, v8;
	v8 =	vadd.s32 v13, v2;
	v2 =	vnsel vm8, $0x80000, v3  }
0x7c: {  	v63 =	vsub.s32 v63, v0;
	v30 =	vld [tilespmem:$0x260];
	[tilespmem:$0x1FD30] =	vst v2;
	v2 =	vnsel vm14, $0x80000, v4  }
0x7d: {  	v47 =	vsub.s32 v47, v0;
	v37 =	vld [tilespmem:$0x280];
	vm14 =	vlt.u32 v51, $0x200;
	[tilespmem:$0x1FD40] =	vst v2;
	v2 =	vimm.s32 $0x0  }
0x7e: {  	v39 =	vsub.s32 v39, v0;
	vm4 =	vlt.u32 v55, $0x200;
	v36 =	vld [tilespmem:$0x2C0];
	v2 =	vsel vm14, $0xFFFFFFFF, v2  }
0x7f: {  	vm6 =	vlt.u32 v47, $0x200;
	vm13 =	vlt.u32 v17, $0x200;
	v17 =	vsub.s32 v59, v0;
	[tilespmem:$0x1FC60] =	vst v2;
	v2 =	vld [tilespmem:$0x1FC30]  }
0x80: {  	v47 =	vshll.u32 v47, $0xA;
	vm1 =	vlt.u32 v63, $0x200;
	v57 =	vshll.u32 v17, $0xA;
	v44 =	vld [tilespmem:$0xB40]  }
0x81: {  	vm2 =	vlt.u32 v17, $0x200;
	v1 =	vnsel vm10, $0x80000, v1;
	v55 =	vadd.s32 v56, v11;
	v11 =	vld [tilespmem:$0xB90]  }
0x82: {  	vm10 =	vlt.u32 v39, $0x200;
	v39 =	vshll.u32 v39, $0xA;
	[tilespmem:$0x1FD10] =	vst v1;
	v1 =	vadd.s32 v35, v47;
	v35 =	vld [tilespmem:$0x2B0]  }
0x83: {  	v17 =	vshll.u32 v63, $0xA;
	v63 =	vadd.s32 v12, v39;
	v39 =	vld [tilespmem:$0x2D0];
	v4 =	vshll.u32 v51, $0xA  }
0x84: {  	v47 =	vld [tilespmem:$0x2E0];
	v4 =	vadd.s32 v2, v4;
	v2 =	vnsel vm11, $0x80000, v5  }
0x85: {  	v56 =	vadd.s32 v58, v57;
	v58 =	vsub.s32 v61, v0;
	v61 =	vsub.s32 v62, v0;
	[tilespmem:$0x1FD50] =	vst v2;
	v2 =	vld [tilespmem:$0x1FC40]  }
0x86: {  	vm0 =	vlt.u32 v58, $0x200;
	v59 =	vshll.u32 v58, $0xA;
	v58 =	vadd.s32 v43, v17;
	v43 =	vld [tilespmem:$0x2A0]  }
0x87: {  	v48 =	vsub.s32 v48, v0;
	v62 =	vshll.u32 v61, $0xA;
	vm3 =	vlt.u32 v61, $0x200;
	v61 =	vld [tilespmem:$0xBA0]  }
0x88: {  	vm5 =	vlt.u32 v48, $0x200;
	v48 =	vshll.u32 v48, $0xA;
	v17 =	vld [tilespmem:$0xBC0];
	v57 =	vadd.s32 v60, v59  }
0x89: {  	v59 =	vadd.s32 v38, v62;
	v38 =	vld [tilespmem:$0x290];
	v60 =	vadd.s32 v9, v48;
	v9 =	vshll.u32 v52, $0xA  }
0x8a: {  	v62 =	vld [tilespmem:$0xBB0];
	v9 =	vadd.s32 v2, v9;
	v2 =	vnsel vm12, $0x80000, v6  }
0x8b: {  	v24 =	vsub.s32 v24, v0;
	v48 =	vld [tilespmem:$0x2F0];
	[tilespmem:$0x1FD60] =	vst v2  }
0x8c: {  	vm7 =	vlt.u32 v50, $0x200;
	vm8 =	vlt.u32 v24, $0x200;
	v3 =	vshll.u32 v24, $0xA;
	v24 =	vld [tilespmem:$0xBF0]  }
0x8d: {  	v12 =	vsub.s32 v26, v0;
	v50 =	vsub.s32 v31, v0;
	vm11 =	vlt.u32 v52, $0x200;
	v52 =	vld [tilespmem:$0x300]  }
0x8e: {  	v13 =	vshll.u32 v12, $0xA;
	v3 =	vadd.s32 v15, v3;
	v15 =	vsub.s32 v27, v0;
	v31 =	vld [tilespmem:$0xC00]  }
0x8f: {  	v6 =	vadd.s32 v14, v13;
	v13 =	vsub.s32 v32, v0;
	v2 =	vnsel vm13, $0x80000, v53;
	v53 =	vld [tilespmem:$0x310]  }
0x90: {  	vm13 =	vlt.u32 v15, $0x200;
	v27 =	vshll.u32 v13, $0xA;
	[tilespmem:$0x1FD70] =	vst v2;
	v2 =	vimm.s32 $0x0;
	v32 =	vld [tilespmem:$0xC10]  }
0x91: {  	v27 =	vadd.s32 v18, v27;
	v18 =	vld [tilespmem:$0xC20];
	v2 =	vsel vm13, $0xFFFFFFFF, v2  }
0x92: {  	v40 =	vsub.s32 v40, v0;
	v1 =	vnsel vm6, $0x80000, v1;
	[tilespmem:$0x1FC70] =	vst v2;
	v2 =	vld [tilespmem:$0x1FC50]  }
0x93: {  	v33 =	vsub.s32 v33, v0;
	v26 =	vshll.u32 v15, $0xA;
	v15 =	vsub.s32 v41, v0;
	v41 =	vld [tilespmem:$0x340]  }
0x94: {  	v58 =	vnsel vm1, $0x80000, v58;
	v8 =	vnsel vm7, $0x80000, v8;
	v25 =	vsub.s32 v25, v0;
	v51 =	vld [tilespmem:$0x350]  }
0x95: {  	v3 =	vnsel vm8, $0x80000, v3;
	v44 =	vsub.s32 v44, v0;
	[tilespmem:$0x1FDF0] =	vst v1;
	v1 =	vsub.s32 v46, v0;
	v46 =	vld [tilespmem:$0xC70]  }
0x96: {  	vm1 =	vlt.u32 v44, $0x200;
	vm12 =	vlt.u32 v12, $0x200;
	[tilespmem:$0x1FE20] =	vst v3;
	v3 =	vsub.s32 v11, v0;
	v11 =	vld [tilespmem:$0xCA0]  }
0x97: {  	v12 =	vshll.u32 v50, $0xA;
	vm13 =	vlt.u32 v50, $0x200;
	v50 =	vld [tilespmem:$0x330];
	v26 =	vadd.s32 v2, v26  }
0x98: {  	v2 =	vnsel vm9, $0x80000, v7;
	v7 =	vadd.s32 v16, v12;
	v16 =	vnsel vm3, $0x80000, v59;
	v59 =	vld [tilespmem:$0xC50]  }
0x99: {  	v14 =	vshll.u32 v40, $0xA;
	vm9 =	vlt.u32 v1, $0x200;
	v1 =	vshll.u32 v1, $0xA;
	v12 =	vld [tilespmem:$0xC90];
	[tilespmem:$0x1FD80] =	vst v2  }
0x9a: {  	v2 =	vnsel vm4, $0x80000, v54;
	v54 =	vld [tilespmem:$0x320];
	[tilespmem:$0x1FDC0] =	vst v16;
	v16 =	vsub.s32 v45, v0;
	v1 =	vadd.s32 v30, v1  }
0x9b: {  	v45 =	vld [tilespmem:$0xC60];
	v30 =	vsub.s32 v20, v0;
	[tilespmem:$0x1FD90] =	vst v2;
	v2 =	vnsel vm15, $0x80000, v55;
	vm15 =	vlt.u32 v33, $0x200  }
0x9c: {  	v20 =	vld [tilespmem:$0x400];
	v33 =	vshll.u32 v33, $0xA;
	v55 =	vnsel vm0, $0x80000, v57;
	vm0 =	vlt.u32 v15, $0x200  }
0x9d: {  	v57 =	vld [tilespmem:$0xC40];
	[tilespmem:$0x1FDA0] =	vst v2;
	v2 =	vimm.s32 $0x0;
	v33 =	vadd.s32 v19, v33;
	v19 =	vsub.s32 v42, v0  }
0x9e: {  	v2 =	vsel vm15, $0xFFFFFFFF, v2;
	vm15 =	vlt.u32 v40, $0x200;
	v40 =	vadd.s32 v21, v14;
	v14 =	vld [tilespmem:$0xC80]  }
0x9f: {  	v42 =	vimm.s32 $0x0;
	vm4 =	vlt.u32 v19, $0x200;
	[tilespmem:$0x1FC80] =	vst v2;
	v2 =	vnsel vm2, $0x80000, v56;
	v56 =	vld [tilespmem:$0xC30]  }
0xa0: {  	v21 =	vshll.u32 v15, $0xA;
	v15 =	vshll.u32 v44, $0xA;
	v5 =	vsel vm4, $0xFFFFFFFF, v42;
	v42 =	vld [tilespmem:$0x360]  }
0xa1: {  	v44 =	vadd.s32 v28, v15;
	vm2 =	vlt.u32 v16, $0x200;
	v28 =	vshll.u32 v16, $0xA;
	v16 =	vld [tilespmem:$0x1FC60]  }
0xa2: {  	[tilespmem:$0x1FDB0] =	vst v2;
	v2 =	vadd.s32 v22, v21;
	v22 =	vshll.u32 v19, $0xA;
	v19 =	vnsel vm5, $0x80000, v60;
	v60 =	vld [tilespmem:$0x370]  }
0xa3: {  	vm14 =	vlt.u32 v13, $0x200;
	[tilespmem:$0x1FDD0] =	vst v58;
	v58 =	vsub.s32 v10, v0;
	v21 =	vsub.s32 v49, v0;
	v49 =	vld [tilespmem:$0x380]  }
0xa4: {  	vm7 =	vlt.u32 v30, $0x200;
	vm4 =	vlt.u32 v58, $0x200;
	v15 =	vsub.s32 v61, v0;
	v13 =	vld [tilespmem:$0x1FC80]  }
0xa5: {  	[tilespmem:$0x1FC90] =	vst v5;
	v5 =	vadd.s32 v23, v22;
	v22 =	vnsel vm10, $0x80000, v63;
	v63 =	vshll.u32 v58, $0xA;
	v58 =	vld [tilespmem:$0x1FC70]  }
0xa6: {  	v61 =	vshll.u32 v30, $0xA;
	v23 =	vshll.u32 v21, $0xA;
	v30 =	vsub.s32 v57, v0;
	v57 =	vld [tilespmem:$0xD50]  }
0xa7: {  	v9 =	vnsel vm11, $0x80000, v9;
	v28 =	vadd.s32 v29, v28;
	v29 =	vadd.s32 v34, v23;
	v34 =	vld [tilespmem:$0x390]  }
0xa8: {  	[tilespmem:$0x1FE10] =	vst v8;
	vm10 =	vlt.u32 v3, $0x200;
	v3 =	vshll.u32 v3, $0xA;
	v8 =	vadd.s32 v37, v63;
	v37 =	vld [tilespmem:$0x3A0]  }
0xa9: {  	v6 =	vnsel vm12, $0x80000, v6;
	v24 =	vsub.s32 v24, v0;
	v3 =	vadd.s32 v38, v3;
	v38 =	vld [tilespmem:$0x3B0]  }
0xaa: {  	vm3 =	vlt.u32 v21, $0x200;
	v21 =	vsub.s32 v62, v0;
	v23 =	vsub.s32 v17, v0;
	v17 =	vld [tilespmem:$0xCC0]  }
0xab: {  	v31 =	vsub.s32 v31, v0;
	[tilespmem:$0x1FE00] =	vst v22;
	vm6 =	vlt.u32 v21, $0x200;
	v22 =	vshll.u32 v21, $0xA;
	v21 =	vld [tilespmem:$0x3E0]  }
0xac: {  	v7 =	vnsel vm13, $0x80000, v7;
	v62 =	vshll.u32 v25, $0xA;
	v63 =	vnsel vm14, $0x80000, v27;
	v27 =	vld [tilespmem:$0x3F0]  }
0xad: {  	v32 =	vsub.s32 v32, v0;
	[tilespmem:$0x1FEA0] =	vst v7;
	v2 =	vnsel vm0, $0x80000, v2;
	v7 =	vadd.s32 v47, v62;
	v47 =	vld [tilespmem:$0xCF0]  }
0xae: {  	v1 =	vnsel vm9, $0x80000, v1;
	v12 =	vsub.s32 v12, v0;
	[tilespmem:$0x1FEF0] =	vst v2;
	v2 =	vsub.s32 v18, v0;
	v18 =	vld [tilespmem:$0xD10]  }
0xaf: {  	[tilespmem:$0x1FE70] =	vst v6;
	vm11 =	vlt.u32 v23, $0x200;
	v6 =	vshll.u32 v23, $0xA;
	v23 =	vnsel vm15, $0x80000, v40;
	v40 =	vld [tilespmem:$0x410]  }
0xb0: {  	[tilespmem:$0x1FE50] =	vst v9;
	vm5 =	vlt.u32 v15, $0x200;
	v45 =	vsub.s32 v45, v0;
	v9 =	vadd.s32 v35, v22;
	v22 =	vld [tilespmem:$0x430]  }
0xb1: {  	[tilespmem:$0x1FEB0] =	vst v63;
	v63 =	vnsel vm10, $0x80000, v3;
	v3 =	vshll.u32 v12, $0xA;
	vm10 =	vlt.u32 v12, $0x200;
	v12 =	vld [tilespmem:$0xD80]  }
0xb2: {  	[tilespmem:$0x1FDE0] =	vst v19;
	v19 =	vshll.u32 v15, $0xA;
	v15 =	vshll.u32 v31, $0xA;
	vm8 =	vnez.u8 v16;
	v16 =	vld [tilespmem:$0x3D0]  }
0xb3: {  	[tilespmem:$0x1FF20] =	vst v1;
	v1 =	vshll.u32 v45, $0xA;
	vm14 =	vlt.u32 v32, $0x200;
	v6 =	vadd.s32 v36, v6;
	v36 =	vld [tilespmem:$0xCD0]  }
0xb4: {  	vm0 =	vlt.u32 v2, $0x200;
	v42 =	vadd.s32 v42, v1;
	v1 =	vnsel vm3, $0x80000, v29;
	v29 =	vld [tilespmem:$0x470]  }
0xb5: {  	v2 =	vshll.u32 v2, $0xA;
	v4 =	vnsel vm8, $0x80000, v4;
	vm8 =	vlt.u32 v25, $0x200;
	v25 =	vld [tilespmem:$0xCE0]  }
0xb6: {  	v32 =	vshll.u32 v32, $0xA;
	[tilespmem:$0x1FEE0] =	vst v23;
	vm13 =	vnez.u8 v13;
	v13 =	vadd.s32 v54, v2;
	v2 =	vld [tilespmem:$0x1FC90]  }
0xb7: {  	v32 =	vadd.s32 v53, v32;
	v53 =	vsub.s32 v46, v0;
	[tilespmem:$0x1FE40] =	vst v4;
	v4 =	vadd.s32 v43, v19;
	v43 =	vld [tilespmem:$0xCB0]  }
0xb8: {  	v35 =	vshll.u32 v30, $0xA;
	v23 =	vshll.u32 v53, $0xA;
	[tilespmem:$0x1FF30] =	vst v1;
	v1 =	vnsel vm4, $0x80000, v8;
	v19 =	vld [tilespmem:$0x3C0]  }
0xb9: {  	vm12 =	vnez.u8 v58;
	v34 =	vadd.s32 v34, v3;
	v3 =	vsub.s32 v11, v0;
	v11 =	vld [tilespmem:$0x480]  }
0xba: {  	v58 =	vsub.s32 v14, v0;
	v10 =	vnsel vm12, $0x80000, v26;
	v62 =	vsub.s32 v17, v0;
	v17 =	vld [tilespmem:$0x4A0]  }
0xbb: {  	[tilespmem:$0x1FF50] =	vst v1;
	vm12 =	vlt.u32 v24, $0x200;
	v24 =	vshll.u32 v24, $0xA;
	v1 =	vnsel vm5, $0x80000, v4;
	v4 =	vld [tilespmem:$0xE10]  }
0xbc: {  	[tilespmem:$0x1FE80] =	vst v10;
	v10 =	vnsel vm13, $0x80000, v33;
	vm13 =	vlt.u32 v31, $0x200;
	v31 =	vadd.s32 v52, v15;
	v52 =	vld [tilespmem:$0xD00]  }
0xbd: {  	v8 =	vshll.u32 v58, $0xA;
	v48 =	vadd.s32 v48, v24;
	v24 =	vsub.s32 v56, v0;
	v56 =	vld [tilespmem:$0x420]  }
0xbe: {  	v33 =	vnsel vm1, $0x80000, v44;
	vm1 =	vlt.u32 v30, $0x200;
	v30 =	vadd.s32 v49, v8;
	v49 =	vld [tilespmem:$0xD70]  }
0xbf: {  	[tilespmem:$0x1320] =	vst v55;
	vm3 =	vlt.u32 v53, $0x200;
	v23 =	vadd.s32 v60, v23;
	v8 =	vld [tilespmem:$0x490]  }
0xc0: {  	vm4 =	vlt.u32 v58, $0x200;
	v58 =	vnsel vm3, $0x80000, v23;
	[tilespmem:$0x1FF60] =	vst v1;
	v55 =	vnsel vm10, $0x80000, v34;
	v34 =	vld [tilespmem:$0x550]  }
0xc1: {  	v44 =	vnsel vm2, $0x80000, v28;
	[tilespmem:$0x1570] =	vst v58;
	v58 =	vld [tilespmem:$0x670]  }
0xc2: {  	[tilespmem:$0x1FF10] =	vst v44;
	v44 =	vld [tilespmem:$0x440]  }
0xc3: {  	v1 =	vnsel vm6, $0x80000, v9;
	[tilespmem:$0x1FEC0] =	vst v10;
	v10 =	vld [tilespmem:$0xD40]  }
0xc4: {  	v41 =	vadd.s32 v41, v35;
	[tilespmem:$0x1FF70] =	vst v1;
	v1 =	vnsel vm11, $0x80000, v6;
	v6 =	vsub.s32 v36, v0;
	v36 =	vld [tilespmem:$0x4B0]  }
0xc5: {  	v39 =	vadd.s32 v39, v61;
	v61 =	vnsel vm1, $0x80000, v41;
	v41 =	vld [tilespmem:$0x1FDD0]  }
0xc6: {  	[tilespmem:$0x1590] =	vst v55;
	v55 =	vld [tilespmem:$0x680]  }
0xc7: {  	v26 =	vshll.u32 v24, $0xA;
	vm15 =	vnez.u8 v2;
	v2 =	vld [tilespmem:$0xD20]  }
0xc8: {  	v15 =	vadd.s32 v50, v26;
	v50 =	vsub.s32 v59, v0;
	v59 =	vld [tilespmem:$0xD60]  }
0xc9: {  	v26 =	vld [tilespmem:$0xD90];
	[tilespmem:$0x1FF80] =	vst v1  }
0xca: {  	v1 =	vnsel vm7, $0x80000, v39;
	vm7 =	vlt.u32 v6, $0x200;
	v9 =	vshll.u32 v6, $0xA;
	v6 =	vld [tilespmem:$0x510];
	[tilespmem:$0x1540] =	vst v61  }
0xcb: {  	v61 =	vld [tilespmem:$0xF50];
	[tilespmem:$0x1FF90] =	vst v1;
	v1 =	vimm.s32 $0x0  }
0xcc: {  	v54 =	vnsel vm15, $0x80000, v5;
	v5 =	vld [tilespmem:$0xD30];
	v1 =	vsel vm7, $0xFFFFFFFF, v1  }
0xcd: {  	[tilespmem:$0x1FE30] =	vst v1;
	v1 =	vld [tilespmem:$0x1FCA0]  }
0xce: {  	vm15 =	vlt.u32 v24, $0x200;
	v24 =	vld [tilespmem:$0x460]  }
0xcf: {  	v39 =	vadd.s32 v16, v9;
	v9 =	vsub.s32 v25, v0;
	v25 =	vld [tilespmem:$0xDB0]  }
0xd0: {  	v16 =	vsub.s32 v47, v0;
	v47 =	vld [tilespmem:$0x4C0]  }
0xd1: {  	vm2 =	vlt.u32 v50, $0x200;
	v28 =	vshll.u32 v50, $0xA;
	v50 =	vsub.s32 v18, v0;
	v18 =	vld [tilespmem:$0xDE0]  }
0xd2: {  	v28 =	vadd.s32 v51, v28;
	v51 =	vld [tilespmem:$0x450];
	[tilespmem:$0x1200] =	vst v1;
	v1 =	vnsel vm8, $0x80000, v7  }
0xd3: {  	v53 =	vsub.s32 v57, v0;
	vm5 =	vlt.u32 v3, $0x200;
	v3 =	vshll.u32 v3, $0xA;
	[tilespmem:$0x1FFA0] =	vst v1;
	v1 =	vld [tilespmem:$0x1FCB0]  }
0xd4: {  	v37 =	vadd.s32 v37, v3;
	vm11 =	vlt.u32 v62, $0x200;
	v3 =	vsub.s32 v43, v0;
	[tilespmem:$0x1430] =	vst v54;
	v54 =	vld [tilespmem:$0x1FF70]  }
0xd5: {  	vm6 =	vlt.u32 v3, $0x200;
	v3 =	vshll.u32 v3, $0xA;
	v60 =	vnsel vm2, $0x80000, v28;
	v28 =	vld [tilespmem:$0x520]  }
0xd6: {  	v43 =	vshll.u32 v16, $0xA;
	v38 =	vadd.s32 v38, v3;
	v3 =	vshll.u32 v62, $0xA;
	v62 =	vld [tilespmem:$0x1FDB0]  }
0xd7: {  	[tilespmem:$0x1FF00] =	vst v33;
	vm7 =	vlt.u32 v9, $0x200;
	v43 =	vadd.s32 v27, v43;
	v57 =	vsub.s32 v49, v0;
	v27 =	vld [tilespmem:$0x1FDC0]  }
0xd8: {  	v49 =	vld [tilespmem:$0x1FDE0];
	v33 =	vadd.s32 v19, v3;
	v3 =	vnsel vm0, $0x80000, v13;
	[tilespmem:$0x1210] =	vst v1;
	v1 =	vimm.s32 $0x0  }
0xd9: {  	[tilespmem:$0x1FFE0] =	vst v3;
	v3 =	vld [tilespmem:$0x1FD20];
	v1 =	vsel vm7, $0xFFFFFFFF, v1  }
0xda: {  	[tilespmem:$0x1FE60] =	vst v1;
	v1 =	vld [tilespmem:$0x1FCC0]  }
0xdb: {  	vm9 =	vlt.u32 v45, $0x200;
	v19 =	vld [tilespmem:$0xDA0]  }
0xdc: {  	v13 =	vld [tilespmem:$0xDF0];
	[tilespmem:$0x1340] =	vst v41;
	v14 =	vsub.s32 v59, v0;
	v59 =	vnsel vm9, $0x80000, v42  }
0xdd: {  	v41 =	vld [tilespmem:$0x1FE50];
	[tilespmem:$0x1560] =	vst v59  }
0xde: {  	[tilespmem:$0x1280] =	vst v3;
	v3 =	vld [tilespmem:$0x1FD30]  }
0xdf: {  	v2 =	vsub.s32 v2, v0;
	v59 =	vld [tilespmem:$0xF60];
	[tilespmem:$0x1220] =	vst v1;
	v1 =	vnsel vm12, $0x80000, v48  }
0xe0: {  	v45 =	vsub.s32 v52, v0;
	v52 =	vshll.u32 v2, $0xA;
	[tilespmem:$0x1FFB0] =	vst v1;
	v1 =	vld [tilespmem:$0x1FCD0]  }
0xe1: {  	v7 =	vshll.u32 v9, $0xA;
	[tilespmem:$0x1330] =	vst v27;
	v27 =	vld [tilespmem:$0x560];
	vm7 =	vlt.u32 v2, $0x200;
	v2 =	vsub.s32 v5, v0  }
0xe2: {  	v35 =	vadd.s32 v21, v7;
	v21 =	vld [tilespmem:$0x4D0];
	vm8 =	vlt.u32 v2, $0x200;
	v2 =	vshll.u32 v2, $0xA  }
0xe3: {  	v7 =	vld [tilespmem:$0xED0];
	[tilespmem:$0x1290] =	vst v3;
	v3 =	vnsel vm15, $0x80000, v15;
	v22 =	vadd.s32 v22, v2;
	v2 =	vsub.s32 v10, v0  }
0xe4: {  	[tilespmem:$0x1FFF0] =	vst v3;
	v3 =	vld [tilespmem:$0x1FD40];
	vm15 =	vlt.u32 v2, $0x200  }
0xe5: {  	v15 =	vld [tilespmem:$0x500];
	v2 =	vshll.u32 v2, $0xA;
	vm12 =	vlt.u32 v16, $0x200;
	[tilespmem:$0x1230] =	vst v1;
	v1 =	vimm.s32 $0x0  }
0xe6: {  	v44 =	vadd.s32 v44, v2;
	v2 =	vld [tilespmem:$0x1FD70];
	v1 =	vsel vm12, $0xFFFFFFFF, v1  }
0xe7: {  	[tilespmem:$0x1FE90] =	vst v1;
	v1 =	vld [tilespmem:$0x1FCE0]  }
0xe8: {  	v48 =	vld [tilespmem:$0xDC0]  }
0xe9: {  	[tilespmem:$0x12A0] =	vst v3;
	v3 =	vld [tilespmem:$0x1FD50]  }
0xea: {  	[tilespmem:$0x1310] =	vst v62;
	v10 =	vld [tilespmem:$0xE00]  }
0xeb: {  	v16 =	vsub.s32 v26, v0;
	v26 =	vld [tilespmem:$0xE40];
	[tilespmem:$0x12D0] =	vst v2  }
0xec: {  	v2 =	vld [tilespmem:$0x1FD80];
	[tilespmem:$0x1240] =	vst v1;
	v1 =	vnsel vm13, $0x80000, v31  }
0xed: {  	[tilespmem:$0x1FFC0] =	vst v1;
	v1 =	vld [tilespmem:$0x1FCF0]  }
0xee: {  	v23 =	vshll.u32 v57, $0xA;
	[tilespmem:$0x12B0] =	vst v3;
	v3 =	vimm.s32 $0x0;
	v62 =	vsub.s32 v48, v0;
	v48 =	vld [tilespmem:$0x1FE70]  }
0xef: {  	v3 =	vsel vm15, $0xFFFFFFFF, v3;
	vm15 =	vlt.u32 v57, $0x200;
	v57 =	vnsel vm4, $0x80000, v30;
	v30 =	vld [tilespmem:$0x540]  }
0xf0: {  	vm0 =	vlt.u32 v53, $0x200;
	v9 =	vshll.u32 v45, $0xA;
	vm12 =	vlt.u32 v45, $0x200;
	[tilespmem:$0x1FF40] =	vst v3;
	v3 =	vld [tilespmem:$0x1FD60]  }
0xf1: {  	v45 =	vadd.s32 v56, v52;
	v56 =	vshll.u32 v53, $0xA;
	v53 =	vnsel vm5, $0x80000, v37;
	v37 =	vld [tilespmem:$0xE50]  }
0xf2: {  	v52 =	vnsel vm6, $0x80000, v38;
	v38 =	vld [tilespmem:$0xE60];
	[tilespmem:$0x1250] =	vst v1;
	v1 =	vnsel vm14, $0x80000, v32  }
0xf3: {  	[tilespmem:$0x1FFD0] =	vst v1;
	v1 =	vld [tilespmem:$0x1FD00]  }
0xf4: {  	[tilespmem:$0x1580] =	vst v57;
	v57 =	vld [tilespmem:$0xF70]  }
0xf5: {  	v25 =	vsub.s32 v25, v0;
	[tilespmem:$0x12E0] =	vst v2;
	v2 =	vld [tilespmem:$0xE20]  }
0xf6: {  	v18 =	vsub.s32 v18, v0;
	vm2 =	vlt.u32 v25, $0x200;
	vm3 =	vlt.u32 v62, $0x200;
	v31 =	vld [tilespmem:$0xDD0]  }
0xf7: {  	vm5 =	vlt.u32 v18, $0x200;
	v46 =	vadd.s32 v51, v56;
	v51 =	vshll.u32 v25, $0xA;
	v56 =	vld [tilespmem:$0x1FE00]  }
0xf8: {  	v25 =	vshll.u32 v62, $0xA;
	v62 =	vld [tilespmem:$0x1FE90];
	vm14 =	vlt.u32 v50, $0x200;
	[tilespmem:$0x1260] =	vst v1;
	v1 =	vimm.s32 $0x0  }
0xf9: {  	v5 =	vadd.s32 v47, v25;
	v47 =	vshll.u32 v18, $0xA;
	v18 =	vld [tilespmem:$0x1FEC0];
	v1 =	vsel vm14, $0xFFFFFFFF, v1  }
0xfa: {  	[tilespmem:$0x1FED0] =	vst v1;
	v1 =	vld [tilespmem:$0x1FD10]  }
0xfb: {  	v42 =	vsub.s32 v19, v0;
	v45 =	vnsel vm7, $0x80000, v45;
	v19 =	vsub.s32 v31, v0;
	v31 =	vld [tilespmem:$0x1FE40]  }
0xfc: {  	v12 =	vsub.s32 v12, v0;
	v23 =	vadd.s32 v29, v23;
	vm9 =	vlt.u32 v14, $0x200;
	[tilespmem:$0x1620] =	vst v45;
	v45 =	vld [tilespmem:$0xFC0]  }
0xfd: {  	v14 =	vshll.u32 v14, $0xA;
	v20 =	vadd.s32 v20, v9;
	v9 =	vshll.u32 v50, $0xA;
	[tilespmem:$0x12C0] =	vst v3;
	v3 =	vld [tilespmem:$0x1FD90]  }
0xfe: {  	vm1 =	vlt.u32 v42, $0x200;
	vm13 =	vlt.u32 v16, $0x200;
	[tilespmem:$0x1370] =	vst v56;
	v56 =	vld [tilespmem:$0x1FE80];
	v25 =	vshll.u32 v19, $0xA  }
0xff: {  	v32 =	vld [tilespmem:$0x4E0];
	[tilespmem:$0x1270] =	vst v1;
	v1 =	vadd.s32 v40, v9;
	v40 =	vadd.s32 v24, v14;
	v14 =	vshll.u32 v12, $0xA  }
0x100: {  	[tilespmem:$0x13A0] =	vst v31;
	v31 =	vadd.s32 v21, v25;
	v21 =	vld [tilespmem:$0x1FED0];
	v29 =	vadd.s32 v11, v14;
	v11 =	vshll.u32 v16, $0xA  }
0x101: {  	v2 =	vsub.s32 v2, v0;
	v16 =	vadd.s32 v8, v11;
	v11 =	vshll.u32 v42, $0xA;
	v42 =	vld [tilespmem:$0x1FE60]  }
0x102: {  	[tilespmem:$0x1400] =	vst v18;
	vm7 =	vlt.u32 v2, $0x200;
	v2 =	vshll.u32 v2, $0xA;
	v18 =	vld [tilespmem:$0x5E0]  }
0x103: {  	v28 =	vadd.s32 v28, v2;
	v2 =	vld [tilespmem:$0x1FF20]  }
0x104: {  	[tilespmem:$0x14B0] =	vst v54;
	v54 =	vnsel vm7, $0x80000, v28;
	v28 =	vld [tilespmem:$0xF10]  }
0x105: {  	[tilespmem:$0x12F0] =	vst v3;
	v3 =	vld [tilespmem:$0x1FDA0];
	v32 =	vadd.s32 v32, v47;
	v47 =	vnsel vm12, $0x80000, v20;
	vm12 =	vnez.u8 v21  }
0x106: {  	vm10 =	vnez.u8 v42;
	v42 =	vnsel vm12, $0x80000, v1;
	v1 =	vld [tilespmem:$0x1FEE0]  }
0x107: {  	[tilespmem:$0x1720] =	vst v54;
	v54 =	vld [tilespmem:$0x1080]  }
0x108: {  	v50 =	vld [tilespmem:$0x1FDF0]  }
0x109: {  	vm4 =	vlt.u32 v19, $0x200;
	v19 =	vld [tilespmem:$0xE80]  }
0x10a: {  	[tilespmem:$0x1300] =	vst v3;
	v3 =	vld [tilespmem:$0xE30]  }
0x10b: {  	[tilespmem:$0x1410] =	vst v1;
	v1 =	vld [tilespmem:$0x1FEF0]  }
0x10c: {  	v25 =	vld [tilespmem:$0x5B0]  }
0x10d: {  	v20 =	vld [tilespmem:$0xEA0]  }
0x10e: {  	[tilespmem:$0x1600] =	vst v47;
	v47 =	vld [tilespmem:$0xFB0]  }
0x10f: {  	v9 =	vld [tilespmem:$0x4F0]  }
0x110: {  	[tilespmem:$0x1420] =	vst v1;
	v1 =	vld [tilespmem:$0x1FF00]  }
0x111: {  	v24 =	vld [tilespmem:$0x530]  }
0x112: {  	vm14 =	vlt.u32 v12, $0x200;
	v12 =	vld [tilespmem:$0x1FE20]  }
0x113: {  	v14 =	vld [tilespmem:$0x1FE30]  }
0x114: {  	[tilespmem:$0x1490] =	vst v63;
	v21 =	vld [tilespmem:$0xEB0]  }
0x115: {  	[tilespmem:$0x1440] =	vst v1;
	v1 =	vld [tilespmem:$0x1FF10]  }
0x116: {  	[tilespmem:$0x13B0] =	vst v41;
	v8 =	vld [tilespmem:$0x1FE10]  }
0x117: {  	[tilespmem:$0x13C0] =	vst v48;
	v63 =	vnsel vm14, $0x80000, v29;
	v29 =	vnsel vm3, $0x80000, v5;
	v5 =	vld [tilespmem:$0x610];
	v17 =	vadd.s32 v17, v11  }
0x118: {  	[tilespmem:$0x1360] =	vst v50;
	v11 =	vadd.s32 v36, v51;
	v36 =	vld [tilespmem:$0x570];
	v51 =	vnsel vm11, $0x80000, v33;
	vm11 =	vnez.u8 v14  }
0x119: {  	v33 =	vld [tilespmem:$0xE70];
	[tilespmem:$0x16C0] =	vst v29;
	v50 =	vnsel vm11, $0x80000, v39;
	vm11 =	vnez.u8 v62;
	v62 =	vsub.s32 v37, v0  }
0x11a: {  	v29 =	vld [tilespmem:$0x730];
	[tilespmem:$0x1450] =	vst v1;
	v1 =	vshll.u32 v62, $0xA  }
0x11b: {  	v4 =	vsub.s32 v4, v0;
	v13 =	vsub.s32 v13, v0;
	[tilespmem:$0x13D0] =	vst v56;
	v1 =	vadd.s32 v34, v1;
	v34 =	vld [tilespmem:$0x1FF40]  }
0x11c: {  	v41 =	vshll.u32 v4, $0xA;
	vm6 =	vlt.u32 v13, $0x200;
	[tilespmem:$0x1680] =	vst v63;
	v63 =	vld [tilespmem:$0x1040]  }
0x11d: {  	v13 =	vshll.u32 v13, $0xA;
	v56 =	vsub.s32 v26, v0;
	v3 =	vsub.s32 v3, v0;
	[tilespmem:$0x1390] =	vst v12;
	v12 =	vld [tilespmem:$0x1FEA0]  }
0x11e: {  	v9 =	vadd.s32 v9, v13;
	v13 =	vld [tilespmem:$0x1FEB0];
	[tilespmem:$0x1380] =	vst v8;
	v8 =	vshll.u32 v56, $0xA;
	v48 =	vnsel vm11, $0x80000, v43  }
0x11f: {  	v14 =	vld [tilespmem:$0xE90];
	vm11 =	vlt.u32 v4, $0x200;
	v4 =	vadd.s32 v6, v41;
	v41 =	vnsel vm8, $0x80000, v22  }
0x120: {  	v39 =	vld [tilespmem:$0x580];
	vm8 =	vlt.u32 v3, $0x200;
	v3 =	vshll.u32 v3, $0xA;
	vm12 =	vnez.u8 v34  }
0x121: {  	[tilespmem:$0x1460] =	vst v2;
	v2 =	vadd.s32 v24, v3;
	v24 =	vnsel vm12, $0x80000, v44;
	vm12 =	vlt.u32 v56, $0x200;
	v56 =	vld [tilespmem:$0x1FF80]  }
0x122: {  	v26 =	vnsel vm4, $0x80000, v31;
	v31 =	vnsel vm6, $0x80000, v9;
	v37 =	vld [tilespmem:$0x1FF50]  }
0x123: {  	[tilespmem:$0x16F0] =	vst v31;
	v31 =	vld [tilespmem:$0x740]  }
0x124: {  	[tilespmem:$0x1350] =	vst v49;
	v49 =	vnsel vm10, $0x80000, v35;
	v35 =	vld [tilespmem:$0x590]  }
0x125: {  	[tilespmem:$0x1550] =	vst v60;
	v43 =	vld [tilespmem:$0x5A0]  }
0x126: {  	v10 =	vsub.s32 v10, v0;
	[tilespmem:$0x14C0] =	vst v56;
	v56 =	vld [tilespmem:$0x1FFA0]  }
0x127: {  	[tilespmem:$0x15A0] =	vst v53;
	vm10 =	vlt.u32 v10, $0x200;
	v10 =	vshll.u32 v10, $0xA;
	v22 =	vnsel vm9, $0x80000, v40;
	v40 =	vld [tilespmem:$0x1FF60]  }
0x128: {  	v53 =	vsub.s32 v28, v0;
	v60 =	vsub.s32 v21, v0;
	v6 =	vld [tilespmem:$0xEF0];
	[tilespmem:$0x1610] =	vst v42;
	v10 =	vadd.s32 v15, v10  }
0x129: {  	[tilespmem:$0x13E0] =	vst v12;
	v34 =	vnsel vm0, $0x80000, v46;
	vm0 =	vlt.u32 v62, $0x200;
	v62 =	vsub.s32 v38, v0;
	v38 =	vld [tilespmem:$0x1FF90]  }
0x12a: {  	v3 =	vadd.s32 v30, v8;
	v12 =	vld [tilespmem:$0xEC0];
	v9 =	vsub.s32 v14, v0;
	[tilespmem:$0x1480] =	vst v37;
	v37 =	vnsel vm15, $0x80000, v23  }
0x12b: {  	v23 =	vnsel vm5, $0x80000, v32;
	v32 =	vnsel vm10, $0x80000, v10;
	vm9 =	vlt.u32 v9, $0x200;
	[tilespmem:$0x14E0] =	vst v56;
	v56 =	vld [tilespmem:$0x1FFB0]  }
0x12c: {  	v42 =	vld [tilespmem:$0x6C0];
	vm5 =	vlt.u32 v53, $0x200;
	[tilespmem:$0x14A0] =	vst v40;
	v40 =	vnsel vm11, $0x80000, v4;
	vm11 =	vlt.u32 v60, $0x200  }
0x12d: {  	v6 =	vsub.s32 v6, v0;
	v46 =	vnsel vm1, $0x80000, v17;
	v17 =	vnsel vm2, $0x80000, v11;
	v11 =	vld [tilespmem:$0xF00];
	[tilespmem:$0x1640] =	vst v24  }
0x12e: {  	vm15 =	vlt.u32 v6, $0x200;
	v24 =	vld [tilespmem:$0xFD0];
	[tilespmem:$0x14D0] =	vst v38;
	v38 =	vnsel vm8, $0x80000, v2;
	v2 =	vshll.u32 v62, $0xA  }
0x12f: {  	v12 =	vsub.s32 v12, v0;
	vm6 =	vlt.u32 v62, $0x200;
	v2 =	vadd.s32 v27, v2;
	v27 =	vld [tilespmem:$0xF20]  }
0x130: {  	v21 =	vshll.u32 v12, $0xA;
	v44 =	vnsel vm13, $0x80000, v16;
	[tilespmem:$0x14F0] =	vst v56;
	v56 =	vnsel vm6, $0x80000, v2;
	v2 =	vld [tilespmem:$0x1FFC0]  }
0x131: {  	v15 =	vld [tilespmem:$0x5C0];
	v3 =	vnsel vm12, $0x80000, v3;
	v62 =	vsub.s32 v33, v0;
	v33 =	vnsel vm0, $0x80000, v1  }
0x132: {  	[tilespmem:$0x15B0] =	vst v52;
	v52 =	vsub.s32 v11, v0;
	v1 =	vshll.u32 v62, $0xA;
	vm7 =	vlt.u32 v62, $0x200;
	v62 =	vld [tilespmem:$0x1FFD0]  }
0x133: {  	v8 =	vld [tilespmem:$0xEE0];
	vm12 =	vlt.u32 v12, $0x200;
	[tilespmem:$0x1690] =	vst v44;
	v44 =	vsub.s32 v57, v0;
	vm4 =	vlt.u32 v52, $0x200  }
0x134: {  	[tilespmem:$0x15E0] =	vst v49;
	v4 =	vld [tilespmem:$0x620];
	v1 =	vadd.s32 v36, v1;
	v24 =	vsub.s32 v24, v0;
	v28 =	vsub.s32 v27, v0  }
0x135: {  	v30 =	vld [tilespmem:$0x1FF30];
	v36 =	vnsel vm7, $0x80000, v1;
	v49 =	vshll.u32 v28, $0xA;
	[tilespmem:$0x1500] =	vst v2;
	v2 =	vsub.s32 v19, v0  }
0x136: {  	v19 =	vld [tilespmem:$0xF30];
	v1 =	vshll.u32 v2, $0xA;
	vm8 =	vlt.u32 v2, $0x200;
	v2 =	vshll.u32 v9, $0xA  }
0x137: {  	[tilespmem:$0x1510] =	vst v62;
	v62 =	vld [tilespmem:$0x1FFE0];
	v1 =	vadd.s32 v39, v1;
	v2 =	vadd.s32 v35, v2;
	v35 =	vsub.s32 v20, v0  }
0x138: {  	[tilespmem:$0x15F0] =	vst v48;
	v48 =	vld [tilespmem:$0x6B0];
	v20 =	vnsel vm8, $0x80000, v1;
	v1 =	vnsel vm9, $0x80000, v2;
	v2 =	vshll.u32 v35, $0xA  }
0x139: {  	[tilespmem:$0x13F0] =	vst v13;
	v13 =	vld [tilespmem:$0x5D0];
	v4 =	vadd.s32 v4, v49;
	vm10 =	vlt.u32 v35, $0x200;
	v2 =	vadd.s32 v43, v2  }
0x13a: {  	[tilespmem:$0x15D0] =	vst v50;
	v14 =	vld [tilespmem:$0x640];
	v49 =	vshll.u32 v44, $0xA;
	vm6 =	vlt.u32 v28, $0x200;
	v35 =	vnsel vm10, $0x80000, v2  }
0x13b: {  	[tilespmem:$0x1470] =	vst v30;
	v30 =	vld [tilespmem:$0x5F0];
	v2 =	vshll.u32 v60, $0xA;
	v60 =	vsub.s32 v7, v0;
	v50 =	vsub.s32 v19, v0  }
0x13c: {  	[tilespmem:$0x1520] =	vst v62;
	v62 =	vld [tilespmem:$0x1FFF0];
	v2 =	vadd.s32 v25, v2;
	v25 =	vadd.s32 v15, v21;
	vm13 =	vlt.u32 v60, $0x200  }
0x13d: {  	v10 =	vld [tilespmem:$0x630];
	v21 =	vsub.s32 v8, v0;
	vm7 =	vlt.u32 v50, $0x200;
	v9 =	vnsel vm11, $0x80000, v2  }
0x13e: {  	[tilespmem:$0x1670] =	vst v37;
	v37 =	vld [tilespmem:$0x6F0];
	v7 =	vnsel vm12, $0x80000, v25;
	v2 =	vshll.u32 v60, $0xA;
	vm14 =	vlt.u32 v21, $0x200  }
0x13f: {  	v16 =	vld [tilespmem:$0x600];
	v25 =	vshll.u32 v6, $0xA;
	v60 =	vshll.u32 v53, $0xA;
	vm11 =	vlt.u32 v44, $0x200  }
0x140: {  	[tilespmem:$0x15C0] =	vst v51;
	v39 =	vld [tilespmem:$0xF40];
	v2 =	vadd.s32 v13, v2;
	v51 =	vadd.s32 v30, v25;
	v5 =	vadd.s32 v5, v60  }
0x141: {  	[tilespmem:$0x1530] =	vst v62;
	v62 =	vld [tilespmem:$0x650];
	v60 =	vsub.s32 v61, v0;
	v8 =	vnsel vm13, $0x80000, v2;
	v2 =	vshll.u32 v21, $0xA  }
0x142: {  	v6 =	vld [tilespmem:$0xFA0];
	v11 =	vnsel vm15, $0x80000, v51;
	v19 =	vnsel vm5, $0x80000, v5;
	v51 =	vshll.u32 v50, $0xA  }
0x143: {  	[tilespmem:$0x1700] =	vst v32;
	v32 =	vld [tilespmem:$0x750];
	v61 =	vshll.u32 v60, $0xA;
	vm9 =	vlt.u32 v60, $0x200;
	v2 =	vadd.s32 v18, v2  }
0x144: {  	[tilespmem:$0x1710] =	vst v40;
	v40 =	vld [tilespmem:$0x7C0];
	vm5 =	vlt.u32 v24, $0x200;
	v12 =	vnsel vm14, $0x80000, v2;
	v2 =	vshll.u32 v52, $0xA  }
0x145: {  	[tilespmem:$0x1630] =	vst v41;
	v13 =	vld [tilespmem:$0xF80];
	v52 =	vsub.s32 v39, v0;
	v2 =	vadd.s32 v16, v2;
	v16 =	vnsel vm6, $0x80000, v4  }
0x146: {  	[tilespmem:$0x1650] =	vst v34;
	v34 =	vld [tilespmem:$0x6E0];
	v4 =	vadd.s32 v10, v51;
	v53 =	vshll.u32 v52, $0xA;
	vm8 =	vlt.u32 v52, $0x200  }
0x147: {  	[tilespmem:$0x1660] =	vst v22;
	v43 =	vld [tilespmem:$0x660];
	v10 =	vadd.s32 v62, v61;
	v62 =	vsub.s32 v59, v0;
	v6 =	vsub.s32 v6, v0  }
0x148: {  	[tilespmem:$0x1750] =	vst v33;
	v33 =	vld [tilespmem:$0x810];
	v61 =	vsub.s32 v45, v0;
	v2 =	vnsel vm4, $0x80000, v2;
	v21 =	vnsel vm7, $0x80000, v4  }
0x149: {  	[tilespmem:$0x1770] =	vst v36;
	v36 =	vld [tilespmem:$0x780];
	v4 =	vadd.s32 v14, v53;
	v22 =	vnsel vm9, $0x80000, v10;
	v41 =	vshll.u32 v62, $0xA  }
0x14a: {  	v18 =	vld [tilespmem:$0xF90];
	vm10 =	vlt.u32 v62, $0x200;
	v13 =	vsub.s32 v13, v0;
	v57 =	vshll.u32 v6, $0xA  }
0x14b: {  	v5 =	vld [tilespmem:$0x6D0];
	vm14 =	vlt.u32 v6, $0x200;
	v62 =	vshll.u32 v61, $0xA;
	vm4 =	vlt.u32 v61, $0x200  }
0x14c: {  	v15 =	vld [tilespmem:$0x690];
	v61 =	vsub.s32 v63, v0;
	v25 =	vnsel vm8, $0x80000, v4;
	v4 =	vadd.s32 v43, v41  }
0x14d: {  	[tilespmem:$0x1730] =	vst v38;
	v30 =	vld [tilespmem:$0x6A0];
	v50 =	vshll.u32 v13, $0xA;
	vm12 =	vlt.u32 v13, $0x200;
	v38 =	vadd.s32 v42, v62  }
0x14e: {  	v60 =	vld [tilespmem:$0x1030];
	v42 =	vshll.u32 v24, $0xA;
	v27 =	vnsel vm10, $0x80000, v4;
	v4 =	vadd.s32 v58, v49  }
0x14f: {  	v14 =	vld [tilespmem:$0xFE0];
	v51 =	vadd.s32 v55, v50;
	v52 =	vsub.s32 v18, v0;
	v58 =	vsub.s32 v47, v0  }
0x150: {  	[tilespmem:$0x1740] =	vst v3;
	v10 =	vld [tilespmem:$0xFF0];
	v3 =	vnsel vm4, $0x80000, v38;
	v5 =	vadd.s32 v5, v42;
	v28 =	vnsel vm11, $0x80000, v4  }
0x151: {  	[tilespmem:$0x16D0] =	vst v26;
	v53 =	vld [tilespmem:$0x1010];
	v26 =	vnsel vm12, $0x80000, v51;
	v55 =	vshll.u32 v52, $0xA;
	vm13 =	vlt.u32 v52, $0x200  }
0x152: {  	[tilespmem:$0x17A0] =	vst v35;
	v35 =	vld [tilespmem:$0x1110];
	v59 =	vshll.u32 v58, $0xA;
	vm15 =	vlt.u32 v58, $0x200;
	v5 =	vnsel vm5, $0x80000, v5  }
0x153: {  	v41 =	vld [tilespmem:$0x1000];
	vm12 =	vlt.u32 v61, $0x200;
	v4 =	vadd.s32 v15, v55;
	v6 =	vadd.s32 v48, v59  }
0x154: {  	[tilespmem:$0x16E0] =	vst v23;
	v44 =	vld [tilespmem:$0x1050];
	v59 =	vsub.s32 v60, v0;
	v23 =	vnsel vm13, $0x80000, v4;
	v4 =	vadd.s32 v30, v57  }
0x155: {  	[tilespmem:$0x16A0] =	vst v46;
	v39 =	vld [tilespmem:$0x700];
	v6 =	vnsel vm15, $0x80000, v6;
	v14 =	vsub.s32 v14, v0;
	v10 =	vsub.s32 v10, v0  }
0x156: {  	[tilespmem:$0x16B0] =	vst v17;
	v43 =	vld [tilespmem:$0x710];
	v18 =	vsub.s32 v53, v0;
	v60 =	vshll.u32 v59, $0xA;
	vm11 =	vlt.u32 v59, $0x200  }
0x157: {  	[tilespmem:$0x1760] =	vst v56;
	v47 =	vld [tilespmem:$0x1060];
	v4 =	vnsel vm14, $0x80000, v4;
	v45 =	vshll.u32 v14, $0xA;
	vm6 =	vlt.u32 v14, $0x200  }
0x158: {  	[tilespmem:$0x17E0] =	vst v12;
	v12 =	vld [tilespmem:$0x7B0];
	v48 =	vshll.u32 v10, $0xA;
	vm7 =	vlt.u32 v10, $0x200;
	v50 =	vsub.s32 v41, v0  }
0x159: {  	[tilespmem:$0x1780] =	vst v20;
	v13 =	vld [tilespmem:$0x720];
	v53 =	vshll.u32 v18, $0xA;
	vm9 =	vlt.u32 v18, $0x200;
	v63 =	vadd.s32 v29, v60  }
0x15a: {  	[tilespmem:$0x1790] =	vst v1;
	v24 =	vld [tilespmem:$0x760];
	v29 =	vshll.u32 v61, $0xA;
	v46 =	vadd.s32 v34, v45;
	v49 =	vadd.s32 v37, v48  }
0x15b: {  	[tilespmem:$0x17B0] =	vst v9;
	v51 =	vld [tilespmem:$0x1070];
	v52 =	vshll.u32 v50, $0xA;
	vm8 =	vlt.u32 v50, $0x200;
	v55 =	vadd.s32 v43, v53  }
0x15c: {  	[tilespmem:$0x1800] =	vst v2;
	v15 =	vld [tilespmem:$0x1020];
	v2 =	vadd.s32 v31, v29;
	v37 =	vsub.s32 v44, v0;
	v42 =	vsub.s32 v47, v0  }
0x15d: {  	[tilespmem:$0x17C0] =	vst v7;
	v62 =	vld [tilespmem:$0x10A0];
	v50 =	vsub.s32 v54, v0;
	v14 =	vnsel vm6, $0x80000, v46;
	v1 =	vnsel vm7, $0x80000, v49  }
0x15e: {  	[tilespmem:$0x17D0] =	vst v8;
	v38 =	vld [tilespmem:$0x10B0];
	v10 =	vadd.s32 v39, v52;
	v9 =	vnsel vm9, $0x80000, v55;
	v2 =	vnsel vm12, $0x80000, v2  }
0x15f: {  	[tilespmem:$0x1860] =	vst v27;
	v27 =	vld [tilespmem:$0x1180];
	v39 =	vshll.u32 v37, $0xA;
	vm13 =	vlt.u32 v37, $0x200;
	v44 =	vshll.u32 v42, $0xA  }
0x160: {  	[tilespmem:$0x17F0] =	vst v11;
	v57 =	vld [tilespmem:$0x1090];
	v45 =	vsub.s32 v51, v0;
	vm14 =	vlt.u32 v42, $0x200;
	v52 =	vshll.u32 v50, $0xA  }
0x161: {  	[tilespmem:$0x1810] =	vst v19;
	v18 =	vld [tilespmem:$0x790];
	vm4 =	vlt.u32 v50, $0x200;
	v15 =	vsub.s32 v15, v0;
	v7 =	vnsel vm8, $0x80000, v10  }
0x162: {  	[tilespmem:$0x1820] =	vst v16;
	v60 =	vld [tilespmem:$0x800];
	v10 =	vnsel vm11, $0x80000, v63;
	v41 =	vadd.s32 v32, v39;
	v47 =	vadd.s32 v24, v44  }
0x163: {  	[tilespmem:$0x1830] =	vst v21;
	v34 =	vld [tilespmem:$0x770];
	v48 =	vshll.u32 v45, $0xA;
	vm15 =	vlt.u32 v45, $0x200;
	v54 =	vadd.s32 v36, v52  }
0x164: {  	[tilespmem:$0x1850] =	vst v22;
	v43 =	vld [tilespmem:$0x10C0];
	v56 =	vshll.u32 v15, $0xA;
	vm10 =	vlt.u32 v15, $0x200;
	v11 =	vnsel vm13, $0x80000, v41  }
0x165: {  	[tilespmem:$0x1840] =	vst v25;
	v53 =	vld [tilespmem:$0x10E0];
	v16 =	vnsel vm14, $0x80000, v47;
	v20 =	vsub.s32 v57, v0;
	v21 =	vnsel vm4, $0x80000, v54  }
0x166: {  	[tilespmem:$0x18C0] =	vst v3;
	v29 =	vld [tilespmem:$0x890];
	v57 =	vsub.s32 v62, v0;
	v62 =	vsub.s32 v38, v0;
	v58 =	vadd.s32 v13, v56  }
0x167: {  	[tilespmem:$0x1870] =	vst v28;
	v49 =	vld [tilespmem:$0x10D0];
	v56 =	vshll.u32 v20, $0xA;
	vm5 =	vlt.u32 v20, $0x200;
	v59 =	vshll.u32 v57, $0xA  }
0x168: {  	[tilespmem:$0x1880] =	vst v26;
	v51 =	vld [tilespmem:$0x7E0];
	vm6 =	vlt.u32 v57, $0x200;
	v32 =	vshll.u32 v62, $0xA;
	vm7 =	vlt.u32 v62, $0x200  }
0x169: {  	[tilespmem:$0x18D0] =	vst v5;
	v63 =	vld [tilespmem:$0x1100];
	v8 =	vnsel vm10, $0x80000, v58;
	v19 =	vadd.s32 v34, v48;
	v18 =	vadd.s32 v18, v56  }
0x16a: {  	[tilespmem:$0x1890] =	vst v23;
	v52 =	vld [tilespmem:$0x1150];
	v3 =	vadd.s32 v12, v32;
	v34 =	vsub.s32 v43, v0;
	v41 =	vsub.s32 v53, v0  }
0x16b: {  	[tilespmem:$0x18B0] =	vst v6;
	v46 =	vld [tilespmem:$0x7D0];
	v19 =	vnsel vm15, $0x80000, v19;
	v28 =	vnsel vm5, $0x80000, v18;
	v3 =	vnsel vm7, $0x80000, v3  }
0x16c: {  	[tilespmem:$0x18A0] =	vst v4;
	v50 =	vld [tilespmem:$0x850];
	v36 =	vshll.u32 v34, $0xA;
	v37 =	vsub.s32 v49, v0;
	vm8 =	vlt.u32 v34, $0x200  }
0x16d: {  	[tilespmem:$0x18E0] =	vst v14;
	v44 =	vld [tilespmem:$0x1130];
	v43 =	vshll.u32 v41, $0xA;
	vm10 =	vlt.u32 v41, $0x200;
	v5 =	vadd.s32 v40, v36  }
0x16e: {  	[tilespmem:$0x1900] =	vst v7;
	v13 =	vld [tilespmem:$0x7A0];
	v39 =	vshll.u32 v37, $0xA;
	vm9 =	vlt.u32 v37, $0x200;
	v7 =	vadd.s32 v51, v43  }
0x16f: {  	v57 =	vld [tilespmem:$0x1160];
	v15 =	vsub.s32 v63, v0;
	v51 =	vsub.s32 v35, v0;
	[tilespmem:$0x1990] =	vst v28;
	v28 =	vsub.s32 v52, v0  }
0x170: {  	[tilespmem:$0x18F0] =	vst v1;
	v24 =	vld [tilespmem:$0x880];
	v1 =	vadd.s32 v46, v39;
	v5 =	vnsel vm8, $0x80000, v5;
	v7 =	vnsel vm10, $0x80000, v7  }
0x171: {  	[tilespmem:$0x1910] =	vst v9;
	v58 =	vld [tilespmem:$0x10F0];
	v49 =	vshll.u32 v15, $0xA;
	vm12 =	vlt.u32 v15, $0x200;
	v53 =	vshll.u32 v51, $0xA  }
0x172: {  	[tilespmem:$0x1940] =	vst v2;
	v48 =	vld [tilespmem:$0x1140];
	vm13 =	vlt.u32 v51, $0x200;
	v30 =	vshll.u32 v28, $0xA;
	vm5 =	vlt.u32 v28, $0x200  }
0x173: {  	[tilespmem:$0x1930] =	vst v10;
	v32 =	vld [tilespmem:$0x1190];
	v39 =	vsub.s32 v27, v0;
	v61 =	vadd.s32 v13, v59;
	v1 =	vnsel vm9, $0x80000, v1  }
0x174: {  	v42 =	vld [tilespmem:$0x830];
	[tilespmem:$0x1950] =	vst v11;
	v2 =	vadd.s32 v60, v49;
	v59 =	vsub.s32 v44, v0;
	v31 =	vsub.s32 v57, v0  }
0x175: {  	v55 =	vld [tilespmem:$0x7F0];
	[tilespmem:$0x1960] =	vst v16;
	v41 =	vshll.u32 v39, $0xA;
	vm8 =	vlt.u32 v39, $0x200;
	v4 =	vnsel vm6, $0x80000, v61  }
0x176: {  	[tilespmem:$0x1980] =	vst v21;
	v40 =	vld [tilespmem:$0x1120];
	v45 =	vsub.s32 v58, v0;
	v2 =	vnsel vm12, $0x80000, v2;
	v62 =	vshll.u32 v59, $0xA  }
0x177: {  	v63 =	vld [tilespmem:$0x1170];
	vm15 =	vlt.u32 v59, $0x200;
	v23 =	vsub.s32 v48, v0;
	[tilespmem:$0x19D0] =	vst v1;
	v1 =	vadd.s32 v50, v30  }
0x178: {  	[tilespmem:$0x1920] =	vst v8;
	v36 =	vld [tilespmem:$0x11A0];
	vm6 =	vlt.u32 v31, $0x200;
	v14 =	vsub.s32 v32, v0;
	v43 =	vadd.s32 v24, v41  }
0x179: {  	v54 =	vld [tilespmem:$0x860];
	[tilespmem:$0x1970] =	vst v19;
	v47 =	vshll.u32 v45, $0xA;
	vm11 =	vlt.u32 v45, $0x200;
	v21 =	vadd.s32 v42, v62  }
0x17a: {  	[tilespmem:$0x19B0] =	vst v3;
	v46 =	vld [tilespmem:$0x840];
	v26 =	vshll.u32 v23, $0xA;
	vm4 =	vlt.u32 v23, $0x200;
	v1 =	vnsel vm5, $0x80000, v1  }
0x17b: {  	v38 =	vld [tilespmem:$0x820];
	[tilespmem:$0x19C0] =	vst v5;
	v44 =	vshll.u32 v14, $0xA;
	vm9 =	vlt.u32 v14, $0x200;
	v8 =	vadd.s32 v55, v47  }
0x17c: {  	v34 =	vld [tilespmem:$0x8A0];
	[tilespmem:$0x19E0] =	vst v7;
	v55 =	vadd.s32 v33, v53;
	v56 =	vsub.s32 v40, v0;
	v6 =	vnsel vm15, $0x80000, v21  }
0x17d: {  	v60 =	vld [tilespmem:$0x870];
	[tilespmem:$0x19A0] =	vst v4;
	v33 =	vshll.u32 v31, $0xA;
	v35 =	vsub.s32 v63, v0;
	v47 =	vsub.s32 v36, v0  }
0x17e: {  	v51 =	vld [tilespmem:$0x8D0];
	[tilespmem:$0x1A00] =	vst v2;
	v8 =	vnsel vm11, $0x80000, v8;
	v9 =	vnsel vm13, $0x80000, v55;
	v58 =	vshll.u32 v56, $0xA  }
0x17f: {  	v48 =	vld [tilespmem:$0x11D0];
	[tilespmem:$0x1A50] =	vst v1;
	vm14 =	vlt.u32 v56, $0x200;
	v3 =	vadd.s32 v46, v26;
	v5 =	vadd.s32 v54, v33  }
0x180: {  	v42 =	vld [tilespmem:$0x11C0];
	v37 =	vshll.u32 v35, $0xA;
	vm7 =	vlt.u32 v35, $0x200;
	[tilespmem:$0x1A30] =	vst v6;
	v46 =	vadd.s32 v29, v44  }
0x181: {  	v40 =	vld [tilespmem:$0x11B0];
	v50 =	vshll.u32 v47, $0xA;
	vm10 =	vlt.u32 v47, $0x200;
	v61 =	vadd.s32 v38, v58;
	[tilespmem:$0x19F0] =	vst v8  }
0x182: {  	v53 =	vld [tilespmem:$0x11E0];
	v3 =	vnsel vm4, $0x80000, v3;
	v5 =	vnsel vm6, $0x80000, v5;
	v2 =	vadd.s32 v60, v37;
	[tilespmem:$0x1A10] =	vst v9  }
0x183: {  	v38 =	vld [tilespmem:$0x8B0];
	v49 =	vnsel vm9, $0x80000, v46;
	v1 =	vadd.s32 v34, v50;
	v25 =	vnsel vm14, $0x80000, v61;
	[tilespmem:$0x1A40] =	vst v3  }
0x184: {  	v45 =	vld [tilespmem:$0x8C0];
	v2 =	vnsel vm7, $0x80000, v2;
	v3 =	vnsel vm8, $0x80000, v43;
	[tilespmem:$0x1A60] =	vst v5;
	v59 =	vsub.s32 v48, v0  }
0x185: {  	v56 =	vld [tilespmem:$0x11F0];
	v1 =	vnsel vm10, $0x80000, v1;
	[tilespmem:$0x1A90] =	vst v49;
	v55 =	vsub.s32 v42, v0;
	v61 =	vshll.u32 v59, $0xA  }
0x186: {  	v58 =	vld [tilespmem:$0x8E0];
	[tilespmem:$0x1A20] =	vst v25;
	vm13 =	vlt.u32 v59, $0x200;
	v52 =	vsub.s32 v40, v0;
	v57 =	vshll.u32 v55, $0xA  }
0x187: {  	v60 =	vld [tilespmem:$0x8F0];
	[tilespmem:$0x1AA0] =	vst v1;
	vm12 =	vlt.u32 v55, $0x200;
	v1 =	vadd.s32 v51, v61;
	v54 =	vshll.u32 v52, $0xA  }
0x188: {  	[tilespmem:$0x1A70] =	vst v2;
	v62 =	vsub.s32 v53, v0;
	vm11 =	vlt.u32 v52, $0x200;
	v2 =	vadd.s32 v38, v54  }
0x189: {  	[tilespmem:$0x1A80] =	vst v3;
	v3 =	vadd.s32 v45, v57;
	v1 =	vnsel vm13, $0x80000, v1;
	v2 =	vnsel vm11, $0x80000, v2  }
0x18a: {  	v63 =	vsub.s32 v56, v0;
	v3 =	vnsel vm12, $0x80000, v3;
	[tilespmem:$0x1AB0] =	vst v2;
	v2 =	vshll.u32 v62, $0xA  }
0x18b: {  	vm14 =	vlt.u32 v62, $0x200;
	[tilespmem:$0x1AC0] =	vst v3;
	v3 =	vshll.u32 v63, $0xA;
	v2 =	vadd.s32 v58, v2  }
0x18c: {  	[tilespmem:$0x1AD0] =	vst v1;
	vm15 =	vlt.u32 v63, $0x200;
	v1 =	vnsel vm14, $0x80000, v2;
	v2 =	vadd.s32 v60, v3  }
0x18d: {  	[tilespmem:$0x1AE0] =	vst v1;
	v1 =	vnsel vm15, $0x80000, v2  }
0x18e: {  	[tilespmem:$0x1AF0] =	vst v1  }
0x18f: {  	_ =	swait.ge [sflag:s8], $0x1000  }
0x190: {  	[sflag:s8] =	ssyncset.done $0x0  }
0x191: {  	[sflag:s8] =	ssyncadd.s32 $0xFFFFF000  }
0x192: {  	s10 =	simm.s32 $0x1200;
	[bflag:$0x0] =	sbarrier.arrive $0xFFFF  }
0x193: {  	[spmem:s2] =	stream.indirect.scatter.add.f32 [tilespmem:s11], [sflag:$0x3], $0x1, s10, s9, $0xb8;
	[tilespmem:$0x9EC0] =	vst v63  }
0x194: {  	_ = 	snop  }
0x195: {  	[spmem:s2] =	stream.indirect.scatter.add.f32 [tilespmem:s11], [sflag:$0x3], $0x1, s12, s9, $0xb8;
	[tilespmem:$0x9EC0] =	vst v63  }
0x196: {  	_ = 	snop  }
0x197: {  	[spmem:s2] =	stream.indirect.scatter.add.f32 [tilespmem:s11], [sflag:$0x3], $0x1, s13, s9, $0xb8;
	[tilespmem:$0x9EC0] =	vst v63  }
0x198: {  	_ = 	snop  }
0x199: {  	[spmem:s2] =	stream.indirect.scatter.add.f32 [tilespmem:s11], [sflag:$0x3], $0x1, s14, s9, $0xb8;
	[tilespmem:$0x9EC0] =	vst v63  }
0x19a: {  	_ = 	snop  }
0x19b: {  	[spmem:s2] =	stream.indirect.scatter.add.f32 [tilespmem:s11], [sflag:$0x3], $0x1, s15, s9, $0xb8;
	[tilespmem:$0x9EC0] =	vst v63  }
0x19c: {  	_ = 	snop  }
0x19d: {  	[spmem:s2] =	stream.indirect.scatter.add.f32 [tilespmem:s11], [sflag:$0x3], $0x1, s16, s9, $0xb8;
	[tilespmem:$0x9EC0] =	vst v63  }
0x19e: {  	_ = 	snop  }
0x19f: {  	[spmem:s2] =	stream.indirect.scatter.add.f32 [tilespmem:s11], [sflag:$0x3], $0x1, s17, s9, $0xb8;
	[tilespmem:$0x9EC0] =	vst v63  }
0x1a0: {  	_ = 	snop  }
0x1a1: {  	[spmem:s2] =	stream.indirect.scatter.add.f32 [tilespmem:s11], [sflag:$0x3], $0x1, s18, s9, $0xb8;
	[tilespmem:$0x9EC0] =	vst v63  }
0x1a2: {  	_ = 	snop  }
0x1a3: {  	[spmem:s2] =	stream.indirect.scatter.add.f32 [tilespmem:s11], [sflag:$0x3], $0x1, s19, s9, $0xb8;
	[tilespmem:$0x9EC0] =	vst v63  }
0x1a4: {  	_ = 	snop  }
0x1a5: {  	[spmem:s2] =	stream.indirect.scatter.add.f32 [tilespmem:s11], [sflag:$0x3], $0x1, s20, s9, $0xb8;
	[tilespmem:$0x9EC0] =	vst v63  }
0x1a6: {  	_ = 	snop  }
0x1a7: {  	[spmem:s2] =	stream.indirect.scatter.add.f32 [tilespmem:s11], [sflag:$0x3], $0x1, s21, s9, $0xb8;
	[tilespmem:$0x9EC0] =	vst v63  }
0x1a8: {  	_ = 	snop  }
0x1a9: {  	[spmem:s2] =	stream.indirect.scatter.add.f32 [tilespmem:s11], [sflag:$0x3], $0x1, s22, s9, $0xb8;
	[tilespmem:$0x9EC0] =	vst v63  }
0x1aa: {  	_ = 	snop  }
0x1ab: {  	[spmem:s2] =	stream.indirect.scatter.add.f32 [tilespmem:s11], [sflag:$0x3], $0x1, s23, s9, $0xb8;
	[tilespmem:$0x9EC0] =	vst v63  }
0x1ac: {  	_ = 	snop  }
0x1ad: {  	[spmem:s2] =	stream.indirect.scatter.add.f32 [tilespmem:s11], [sflag:$0x3], $0x1, s24, s9, $0xb8;
	[tilespmem:$0x9EC0] =	vst v63  }
0x1ae: {  	_ = 	snop  }
0x1af: {  	[spmem:s2] =	stream.indirect.scatter.add.f32 [tilespmem:s11], [sflag:$0x3], $0x1, s25, s9, $0xb8;
	[tilespmem:$0x9EC0] =	vst v63  }
0x1b0: {  	_ = 	snop  }
0x1b1: {  	[spmem:s2] =	stream.indirect.scatter.add.f32 [tilespmem:s11], [sflag:$0x3], $0x1, s26, s9, $0xb8;
	[tilespmem:$0x9EC0] =	vst v63  }
0x1b2: {  	_ = 	snop  }
0x1b3: {  	[spmem:s2] =	stream.indirect.scatter.add.f32 [tilespmem:s11], [sflag:$0x3], $0x1, s28, s9, $0xb8;
	[tilespmem:$0x9EC0] =	vst v63  }
0x1b4: {  	_ = 	snop  }
0x1b5: {  	[spmem:s2] =	stream.indirect.scatter.add.f32 [tilespmem:s11], [sflag:$0x3], $0x1, s29, s9, $0xb8;
	[tilespmem:$0x9EC0] =	vst v63  }
0x1b6: {  	_ =	swait.ge [sflag:s30], $0x80  }
0x1b7: {  	[sflag:s30] =	ssyncset.done $0x0  }
0x1b8: {  	[sflag:s30] =	ssyncadd.s32 $0xFFFFFF80  }
0x1b9: {  	_ =	swait.ge [sflag:s30], $0x80  }
0x1ba: {  	[sflag:s30] =	ssyncset.done $0x0  }
0x1bb: {  	[sflag:s30] =	ssyncadd.s32 $0xFFFFFF80  }
0x1bc: {  	_ =	swait.ge [sflag:s30], $0x80  }
0x1bd: {  	[sflag:s30] =	ssyncset.done $0x0  }
0x1be: {  	[sflag:s30] =	ssyncadd.s32 $0xFFFFFF80  }
0x1bf: {  	_ =	swait.ge [sflag:s30], $0x80  }
0x1c0: {  	[sflag:s30] =	ssyncset.done $0x0  }
0x1c1: {  	[sflag:s30] =	ssyncadd.s32 $0xFFFFFF80  }
0x1c2: {  	_ =	swait.ge [sflag:s30], $0x80  }
0x1c3: {  	[sflag:s30] =	ssyncset.done $0x0  }
0x1c4: {  	[sflag:s30] =	ssyncadd.s32 $0xFFFFFF80  }
0x1c5: {  	_ =	swait.ge [sflag:s30], $0x80  }
0x1c6: {  	[sflag:s30] =	ssyncset.done $0x0  }
0x1c7: {  	[sflag:s30] =	ssyncadd.s32 $0xFFFFFF80  }
0x1c8: {  	_ =	swait.ge [sflag:s30], $0x80  }
0x1c9: {  	[sflag:s30] =	ssyncset.done $0x0  }
0x1ca: {  	[sflag:s30] =	ssyncadd.s32 $0xFFFFFF80  }
0x1cb: {  	_ =	swait.ge [sflag:s30], $0x80  }
0x1cc: {  	[sflag:s30] =	ssyncset.done $0x0  }
0x1cd: {  	[sflag:s30] =	ssyncadd.s32 $0xFFFFFF80  }
0x1ce: {  	_ =	swait.ge [sflag:s30], $0x80  }
0x1cf: {  	[sflag:s30] =	ssyncset.done $0x0  }
0x1d0: {  	[sflag:s30] =	ssyncadd.s32 $0xFFFFFF80  }
0x1d1: {  	_ =	swait.ge [sflag:s30], $0x80  }
0x1d2: {  	[sflag:s30] =	ssyncset.done $0x0  }
0x1d3: {  	[sflag:s30] =	ssyncadd.s32 $0xFFFFFF80  }
0x1d4: {  	_ =	swait.ge [sflag:s30], $0x80  }
0x1d5: {  	[sflag:s30] =	ssyncset.done $0x0  }
0x1d6: {  	[sflag:s30] =	ssyncadd.s32 $0xFFFFFF80  }
0x1d7: {  	_ =	swait.ge [sflag:s30], $0x80  }
0x1d8: {  	[sflag:s30] =	ssyncset.done $0x0  }
0x1d9: {  	[sflag:s30] =	ssyncadd.s32 $0xFFFFFF80  }
0x1da: {  	_ =	swait.ge [sflag:s30], $0x80  }
0x1db: {  	[sflag:s30] =	ssyncset.done $0x0  }
0x1dc: {  	[sflag:s30] =	ssyncadd.s32 $0xFFFFFF80  }
0x1dd: {  	_ =	swait.ge [sflag:s30], $0x80  }
0x1de: {  	[sflag:s30] =	ssyncset.done $0x0  }
0x1df: {  	[sflag:s30] =	ssyncadd.s32 $0xFFFFFF80  }
0x1e0: {  	_ =	swait.ge [sflag:s30], $0x80  }
0x1e1: {  	[sflag:s30] =	ssyncset.done $0x0  }
0x1e2: {  	[sflag:s30] =	ssyncadd.s32 $0xFFFFFF80  }
0x1e3: {  	_ =	swait.ge [sflag:s30], $0x80  }
0x1e4: {  	[sflag:s30] =	ssyncset.done $0x0  }
0x1e5: {  	[sflag:s30] =	ssyncadd.s32 $0xFFFFFF80  }
0x1e6: {  	_ =	swait.ge [sflag:s30], $0x80  }
0x1e7: {  	[sflag:s30] =	ssyncset.done $0x0  }
0x1e8: {  	[sflag:s30] =	ssyncadd.s32 $0xFFFFFF80  }
0x1e9: {  	_ =	swait.ge [sflag:s30], $0x80  }
0x1ea: {  	[sflag:s30] =	ssyncset.done $0x0  }
0x1eb: {  	[sflag:s30] =	ssyncadd.s32 $0xFFFFFF80  }
0x1ec: {  	p0 =	sne.s32 s5, $0x1;
	[bflag:$0x0] =	sbarrier.arrive $0xFFFF  }
.Ltmp0:
0x1ed: {  	s10 =	sor.u32 $0x1C04, s4;
	s1 =	rddreg [dreg:$0x7];
	(pc) =	sbr.rel @p0 .LBB2_1-.Ltmp0, $4  }
0x1ee: {  	[hbm:s1], [sflag:s10] =	dma.local [spmem:s6], $0x1000  }
0x1ef: {  	_ =	swait.ge [sflag:s31], $0x1000  }
0x1f0: {  	[sflag:s31] =	ssyncset.done $0x0  }
0x1f1: {  	s5 =	sadd.s32 $0xFFFFFFFF, s5;
	[sflag:s31] =	ssyncadd.s32 $0xFFFFF000  }
0x1f2: {  	_ =	sfence.sel $0x180000  }
0x1f3: {  	[bflag:$0x0] =	sbarrier.arrive $0xFFFF  }
0x1f4: {  	_ =	strace $0x90000047  }
0x1f5: {  	s0 =	stileid.u32;
	[bflag:$0x2] =	sbarrier.arrive $0xFFFF  }
0x1f6: {  	p0 =	sne.s32 s0, $0x0;
	s0 =	rddreg [dreg:$0x2]  }
0x1f7: {  	s0 =	sadd.s32 @!p0 $0x100000, s0  }
0x1f8: {  	[sflag:s0] =	ssyncadd.tile.s32 @!p0 $0x1;
	_ =	shalt  }
.Lfunc_end2:
_tile_overlayer_lowered:
.L_overlay_start_2:
0x1f9: {  	(tag) =	ssettag $0x2  }
0x1fa: {  	s0 =	rddreg [dreg:$0x0];
	s2 =	stileid.u32  }
0x1fb: {  	s1 =	rddreg [dreg:$0x1];
	p0 =	sne.s32 s2, $0x0  }
0x1fc: {  	s3 =	rddreg [dreg:$0x2];
	[bflag:$0x3] =	sbarrier.arrive $0xFFFF;
	s2 =	simm.s32 @!p0 $0x1C04  }
0x1fd: {  	[timem:s3], [sflag:s2] =	dma.local @!p0 [hbm:s0], s1  }
0x1fe: {  	s0 =	simm.s32 @!p0 $0x4  }
0x1ff: {  	_ =	swait.ge @!p0 [sflag:s0], s1  }
0x200: {  	s1 =	ssub.s32 @!p0 $0x0, s1;
	[sflag:s0] =	ssyncset.done @!p0 $0x0  }
0x201: {  	[sflag:s0] =	ssyncadd.s32 @!p0 s1  }
0x202: {  	[bflag:$0x3] =	sbarrier.arrive $0xFFFF  }
0x203: {  	_ =	shalt  }

</sc_bundles>
